<compile_context>
chip_gen: v7x
topology: tpu7x:2x2x1
jax: 0.10.2.dev20260603
libtpu: 0.0.44.dev20260713+nightly
codegen_flags: <defaults>
</compile_context>

<pallas_src>
import functools

import jax
import jax.numpy as jnp
from jax import lax
from jax.experimental import pallas as pl
from jax.experimental.pallas import tpu as pltpu
from jax.experimental.pallas import tpu_sc as plsc

N = 10000
E = 320000
D = 128
NC = 2
NS = 16
NW = NC * NS
KB = 80
NCH = 128
SEG = 32
NSEG = NCH // SEG
CHUNKS = NW * NCH
E_PAD = CHUNKS * KB
N_PAD = N + 16
STEP = 624
STRIPE = 640
NSLOT = 4

_mesh = plsc.VectorSubcoreMesh(
    core_axis_name="c", subcore_axis_name="s", num_cores=NC, num_subcores=NS
)


@functools.partial(
    pl.kernel,
    out_type=jax.ShapeDtypeStruct((NC * N, D), jnp.float32),
    mesh=_mesh,
    scratch_types=[
        pltpu.VMEM((NCH, KB), jnp.int32),
        pltpu.VMEM((KB, D), jnp.float32),
        [pltpu.SemaphoreType.DMA] * NSLOT,
        pltpu.VMEM_SHARED((N_PAD, D), jnp.float32),
    ],
)
def _sc_cnt(dst_hbm, z128_hbm, ones_hbm, cnt_out, dst_v, ones_v, sems, cnt_s):
    cid = lax.axis_index("c")
    sid = lax.axis_index("s")
    wid = cid * NS + sid
    r0 = sid * STEP
    pltpu.sync_copy(z128_hbm.at[pl.ds(r0, STRIPE)],
                    cnt_s.at[pl.ds(r0, STRIPE)])
    pltpu.sync_copy(ones_hbm, ones_v)
    pltpu.sync_copy(dst_hbm.at[pl.ds(wid * NCH, NCH)], dst_v)
    plsc.subcore_barrier()

    def step(i, carry):
        dss = [
            pltpu.async_copy(ones_v, cnt_s.at[dst_v.at[NSLOT * i + b]],
                             sems[b], add=True)
            for b in range(NSLOT)
        ]
        for d in dss:
            d.wait()
        return carry

    lax.fori_loop(0, NCH // NSLOT, step, 0)
    plsc.subcore_barrier()
    o0 = cid * N + r0
    pltpu.sync_copy(cnt_s.at[pl.ds(r0, STRIPE)], cnt_out.at[pl.ds(o0, STRIPE)])


@functools.partial(
    pl.kernel,
    out_type=jax.ShapeDtypeStruct((NC * N, D), jnp.float32),
    mesh=_mesh,
    scratch_types=[
        pltpu.VMEM((SEG, KB), jnp.int32),
        pltpu.VMEM((SEG, KB), jnp.int32),
        [pltpu.VMEM((KB, D), jnp.float32)] * NSLOT,
        [pltpu.SemaphoreType.DMA] * NSLOT,
        [pltpu.SemaphoreType.DMA] * NSLOT,
        pltpu.VMEM_SHARED((N_PAD, D), jnp.float32),
    ],
)
def _sc_agg(x_hbm, src_hbm, dst_hbm, z128_hbm, agg_out, src_seg, dst_seg,
            rows, gsems, ssems, agg_s):
    cid = lax.axis_index("c")
    sid = lax.axis_index("s")
    wid = cid * NS + sid
    r0 = sid * STEP
    pltpu.sync_copy(z128_hbm.at[pl.ds(r0, STRIPE)],
                    agg_s.at[pl.ds(r0, STRIPE)])
    plsc.subcore_barrier()

    def gather(b):
        return pltpu.async_copy(x_hbm.at[src_seg.at[b]], rows[b % NSLOT],
                                gsems[b % NSLOT])

    def scatter(b):
        return pltpu.async_copy(rows[b % NSLOT], agg_s.at[dst_seg.at[b]],
                                ssems[b % NSLOT], add=True)

    def seg_body(s, carry):
        base = wid * NCH + s * SEG
        pltpu.sync_copy(src_hbm.at[pl.ds(base, SEG)], src_seg)
        pltpu.sync_copy(dst_hbm.at[pl.ds(base, SEG)], dst_seg)
        dg = {0: gather(0), 1: gather(1)}
        ds = {}
        for b in range(SEG):
            if b >= 2:
                ds[b - 2].wait()
            if b + 2 < SEG:
                dg[b + 2] = gather(b + 2)
            dg[b].wait()
            ds[b] = scatter(b)
        ds[SEG - 2].wait()
        ds[SEG - 1].wait()
        return carry

    lax.fori_loop(0, NSEG, seg_body, 0)
    plsc.subcore_barrier()
    o0 = cid * N + r0
    pltpu.sync_copy(agg_s.at[pl.ds(r0, STRIPE)], agg_out.at[pl.ds(o0, STRIPE)])


BR = 2000


def _dense_body(aggA, aggB, cntA, cntB, xin, wlT, b, wrT, o):
    c = cntA[:, 0:1] + cntB[:, 0:1]
    mean = (aggA[...] + aggB[...]) / jnp.maximum(c, 1.0)
    acc = jnp.dot(mean, wlT[...], preferred_element_type=jnp.float32,
                  precision=lax.Precision.HIGHEST)
    acc = acc + jnp.dot(xin[...], wrT[...], preferred_element_type=jnp.float32,
                        precision=lax.Precision.HIGHEST)
    o[...] = jnp.maximum(acc + b[...], 0.0)


def _dense(agg, cnt, xin, wlT, b2d, wrT):
    nb = N // BR
    return pl.pallas_call(
        _dense_body,
        grid=(nb,),
        in_specs=[
            pl.BlockSpec((BR, D), lambda i: (i, 0)),
            pl.BlockSpec((BR, D), lambda i: (i + nb, 0)),
            pl.BlockSpec((BR, D), lambda i: (i, 0)),
            pl.BlockSpec((BR, D), lambda i: (i + nb, 0)),
            pl.BlockSpec((BR, D), lambda i: (i, 0)),
            pl.BlockSpec((D, D), lambda i: (0, 0)),
            pl.BlockSpec((1, D), lambda i: (0, 0)),
            pl.BlockSpec((D, D), lambda i: (0, 0)),
        ],
        out_specs=pl.BlockSpec((BR, D), lambda i: (i, 0)),
        out_shape=jax.ShapeDtypeStruct((N, D), jnp.float32),
    )(agg, agg, cnt, cnt, xin, wlT, b2d, wrT)


def kernel(x, edge_index, W1l, b1, W1r, W2l, b2, W2r):
    pad = E_PAD - E
    pad_ix = jnp.arange(pad, dtype=jnp.int32)
    src = jnp.concatenate([edge_index[0], pad_ix % N])
    dst = jnp.concatenate([edge_index[1], N + pad_ix % (N_PAD - N)])
    src2 = src.reshape(CHUNKS, KB)
    dst2 = dst.reshape(CHUNKS, KB)
    z128 = jnp.zeros((N, D), jnp.float32)
    ones = jnp.ones((KB, D), jnp.float32)

    cnt = _sc_cnt(dst2, z128, ones)
    agg1 = _sc_agg(x, src2, dst2, z128)
    h = _dense(agg1, cnt, x, W1l.T, b1.reshape(1, D), W1r.T)
    agg2 = _sc_agg(h, src2, dst2, z128)
    return _dense(agg2, cnt, h, W2l.T, b2.reshape(1, D), W2r.T)

# --- scband reference (transcript-rebuilt; emitter-appended) ---
"""Pipeline reference for scband-gnnencoder-21887153340886 (READ-ONLY COPY).

The authoritative reference and input builder live on the scoring server;
editing this copy changes nothing except your own understanding.
"""

import jax, jax.numpy as jnp
import numpy as np

N_NODES = 10000
N_EDGES = 320000
D_IN = 128
D_HID = 128


def _glorot(key, shape):
    fan_in, fan_out = shape[1], shape[0]
    limit = (6.0 / (fan_in + fan_out)) ** 0.5
    return jax.random.uniform(key, shape, dtype=jnp.float32, minval=-limit, maxval=limit)


def setup_inputs(seed: int = 0) -> dict:
    key = jax.random.key(seed)
    ks = jax.random.split(key, 8)
    x = jax.random.normal(ks[0], (N_NODES, D_IN), dtype=jnp.float32)
    edge_index = jax.random.randint(ks[1], (2, N_EDGES), 0, N_NODES, dtype=jnp.int64 if jax.config.jax_enable_x64 else jnp.int32).astype(jnp.int32)
    # SAGEConv layer 1: lin_l (applied to aggregated neighbors, has bias), lin_r (root, no bias)
    W1l = _glorot(ks[2], (D_HID, D_IN))
    b1 = jnp.zeros((D_HID,), dtype=jnp.float32)
    W1r = _glorot(ks[3], (D_HID, D_IN))
    # SAGEConv layer 2
    W2l = _glorot(ks[4], (D_HID, D_HID))
    b2 = jnp.zeros((D_HID,), dtype=jnp.float32)
    W2r = _glorot(ks[5], (D_HID, D_HID))
    return {"x": x, "edge_index": edge_index, "W1l": W1l, "b1": b1, "W1r": W1r,
            "W2l": W2l, "b2": b2, "W2r": W2r}


def _sage_conv(x, edge_index, Wl, b, Wr):
    src = edge_index[0]
    dst = edge_index[1]
    msg = jnp.take(x, src, axis=0)                                  # gather [E, d]
    agg = jax.ops.segment_sum(msg, dst, num_segments=N_NODES)       # scatter-add
    cnt = jax.ops.segment_sum(jnp.ones((msg.shape[0],), jnp.float32), dst, num_segments=N_NODES)
    mean = agg / jnp.maximum(cnt, 1.0)[:, None]                     # mean aggregation
    return mean @ Wl.T + b + x @ Wr.T


def reference(x, edge_index, W1l, b1, W1r, W2l, b2, W2r):
    h = _sage_conv(x, edge_index, W1l, b1, W1r)
    h = jax.nn.relu(h)
    h = _sage_conv(h, edge_index, W2l, b2, W2r)
    h = jax.nn.relu(h)
    return h

if __name__ == "__main__":
    import jax
    _d = setup_inputs()
    print(jax.jit(kernel)(*tuple(_d.values())))

</pallas_src>

<mosaic_0001>
#map = affine_map<(d0, d1) -> (0, 0)>
module attributes {stable_mosaic.version = 14 : i64} {
  func.func @_sc_cnt(%arg0: i32, %arg1: i32, %arg2: memref<4096x80xi32, #tpu.memory_space<hbm>>, %arg3: memref<10000x128xf32, #tpu.memory_space<hbm>>, %arg4: memref<80x128xf32, #tpu.memory_space<hbm>>, %arg5: memref<20000x128xf32, #tpu.memory_space<hbm>>, %arg6: memref<128x80xi32, #tpu.memory_space<vmem>>, %arg7: memref<80x128xf32, #tpu.memory_space<vmem>>, %arg8: memref<!tpu.dma_semaphore, #tpu.memory_space<semaphore_mem>>, %arg9: memref<!tpu.dma_semaphore, #tpu.memory_space<semaphore_mem>>, %arg10: memref<!tpu.dma_semaphore, #tpu.memory_space<semaphore_mem>>, %arg11: memref<!tpu.dma_semaphore, #tpu.memory_space<semaphore_mem>>, %arg12: memref<10016x128xf32, #tpu.memory_space<vmem_shared>>) attributes {dimension_semantics = [#tpu.dimension_semantics<core_parallel>, #tpu.dimension_semantics<subcore_parallel>], iteration_bounds = array<i64: 2, 16>, scalar_prefetch = 0 : i64, scratch_operands = 7 : i64, tpu.core_type = #tpu.core_type<sc_vector_subcore>, window_params = [{transform_indices = #map}, {transform_indices = #map}, {transform_indices = #map}, {transform_indices = #map}]} {
    %mul3A = arith.constant 16 : i32
    %mul3A_0 = arith.muli %arg0, %mul3A : i32
    %add3A = arith.addi %mul3A_0, %arg1 : i32
    %mul3A_1 = arith.constant 624 : i32
    %mul3A_2 = arith.muli %arg1, %mul3A_1 : i32
    "tpu.region"() ({
      %run_scoped3A = tpu.sem_alloc : memref<!tpu.dma_semaphore, #tpu.memory_space<semaphore_mem>>
      %dma_start3A = arith.constant 0 : i32
      %dma_start3A_14 = tpu.memref_slice %arg12[%mul3A_2, %dma_start3A] : memref<10016x128xf32, #tpu.memory_space<vmem_shared>> -> memref<640x128xf32, #tpu.memory_space<vmem_shared>>
      %dma_start3A_15 = arith.constant 0 : i32
      %dma_start3A_16 = tpu.memref_slice %arg3[%mul3A_2, %dma_start3A_15] : memref<10000x128xf32, #tpu.memory_space<hbm>> -> memref<640x128xf32, #tpu.memory_space<hbm>>
      tpu.enqueue_dma source(%dma_start3A_16 : memref<640x128xf32, #tpu.memory_space<hbm>>) target(%dma_start3A_14 : memref<640x128xf32, #tpu.memory_space<vmem_shared>>) target_semaphore(%run_scoped3A : memref<!tpu.dma_semaphore, #tpu.memory_space<semaphore_mem>>)
      %dma_wait3A = arith.constant 0 : i32
      %dma_wait3A_17 = tpu.memref_slice %arg12[%mul3A_2, %dma_wait3A] : memref<10016x128xf32, #tpu.memory_space<vmem_shared>> -> memref<640x128xf32, #tpu.memory_space<vmem_shared>>
      %dma_wait3A_18 = arith.constant 0 : i32
      %dma_wait3A_19 = tpu.memref_slice %arg3[%mul3A_2, %dma_wait3A_18] : memref<10000x128xf32, #tpu.memory_space<hbm>> -> memref<640x128xf32, #tpu.memory_space<hbm>>
      tpu.wait_dma2 semaphore(%run_scoped3A : memref<!tpu.dma_semaphore, #tpu.memory_space<semaphore_mem>>) src(%dma_wait3A_19 : memref<640x128xf32, #tpu.memory_space<hbm>>) dst(%dma_wait3A_17 : memref<640x128xf32, #tpu.memory_space<vmem_shared>>)
      tpu.yield
    }) : () -> ()
    "tpu.region"() ({
      %run_scoped3A = tpu.sem_alloc : memref<!tpu.dma_semaphore, #tpu.memory_space<semaphore_mem>>
      tpu.enqueue_dma source(%arg4 : memref<80x128xf32, #tpu.memory_space<hbm>>) target(%arg7 : memref<80x128xf32, #tpu.memory_space<vmem>>) target_semaphore(%run_scoped3A : memref<!tpu.dma_semaphore, #tpu.memory_space<semaphore_mem>>)
      tpu.wait_dma2 semaphore(%run_scoped3A : memref<!tpu.dma_semaphore, #tpu.memory_space<semaphore_mem>>) src(%arg4 : memref<80x128xf32, #tpu.memory_space<hbm>>) dst(%arg7 : memref<80x128xf32, #tpu.memory_space<vmem>>)
      tpu.yield
    }) : () -> ()
    %mul3A_3 = arith.constant 128 : i32
    %mul3A_4 = arith.muli %add3A, %mul3A_3 : i32
    "tpu.region"() ({
      %run_scoped3A = tpu.sem_alloc : memref<!tpu.dma_semaphore, #tpu.memory_space<semaphore_mem>>
      %dma_start3A = arith.constant 0 : i32
      %dma_start3A_14 = tpu.memref_slice %arg2[%mul3A_4, %dma_start3A] : memref<4096x80xi32, #tpu.memory_space<hbm>> -> memref<128x80xi32, #tpu.memory_space<hbm>>
      %dma_start3A_15 = arith.constant 0 : i32
      %dma_start3A_16 = tpu.memref_slice %arg2[%mul3A_4, %dma_start3A_15] : memref<4096x80xi32, #tpu.memory_space<hbm>> -> memref<128x80xi32, #tpu.memory_space<hbm>>
      tpu.enqueue_dma source(%dma_start3A_16 : memref<128x80xi32, #tpu.memory_space<hbm>>) target(%arg6 : memref<128x80xi32, #tpu.memory_space<vmem>>) target_semaphore(%run_scoped3A : memref<!tpu.dma_semaphore, #tpu.memory_space<semaphore_mem>>)
      %dma_wait3A = arith.constant 0 : i32
      %dma_wait3A_17 = tpu.memref_slice %arg2[%mul3A_4, %dma_wait3A] : memref<4096x80xi32, #tpu.memory_space<hbm>> -> memref<128x80xi32, #tpu.memory_space<hbm>>
      %dma_wait3A_18 = arith.constant 0 : i32
      %dma_wait3A_19 = tpu.memref_slice %arg2[%mul3A_4, %dma_wait3A_18] : memref<4096x80xi32, #tpu.memory_space<hbm>> -> memref<128x80xi32, #tpu.memory_space<hbm>>
      tpu.wait_dma2 semaphore(%run_scoped3A : memref<!tpu.dma_semaphore, #tpu.memory_space<semaphore_mem>>) src(%dma_wait3A_19 : memref<128x80xi32, #tpu.memory_space<hbm>>) dst(%arg6 : memref<128x80xi32, #tpu.memory_space<vmem>>)
      tpu.yield
    }) : () -> ()
    %barrier3A = arith.constant 0 : index
    tpu.barrier barrier_id(%barrier3A)
    %scan3A = arith.constant 0 : i32
    %scan3A_5 = arith.constant 0 : i32
    %scan3A_6 = arith.constant 32 : i32
    %scan3A_7 = arith.addi %scan3A_5, %scan3A_6 : i32
    %scan3A_8 = arith.constant 1 : i32
    scf.for %scan3A_14 = %scan3A_5 to %scan3A_7 step %scan3A_8  : i32 {
      %mul3A_15 = arith.constant 4 : i32
      %mul3A_16 = arith.muli %mul3A_15, %scan3A_14 : i32
      %add3A_17 = arith.constant 0 : i32
      %add3A_18 = arith.addi %mul3A_16, %add3A_17 : i32
      %dma_start3A = arith.constant 0 : i32
      %dma_start3A_19 = tpu.memref_slice %arg6[%add3A_18, %dma_start3A] : memref<128x80xi32, #tpu.memory_space<vmem>> -> memref<1x80xi32, #tpu.memory_space<vmem>>
      %dma_start3A_20 = tpu.memref_squeeze %dma_start3A_19 : memref<1x80xi32, #tpu.memory_space<vmem>> -> memref<80xi32, #tpu.memory_space<vmem>>
      %dma_start3A_21 = arith.constant 0 : i32
      %dma_start3A_22 = arith.constant 0 : i32
      %dma_start3A_23 = tpu.memref_slice %arg12[%dma_start3A_21, %dma_start3A_22] : memref<10016x128xf32, #tpu.memory_space<vmem_shared>> -> memref<10016x128xf32, #tpu.memory_space<vmem_shared>>
      tpu.enqueue_indirect_dma source(%arg7 : memref<80x128xf32, #tpu.memory_space<vmem>>) target(%dma_start3A_23 : memref<10016x128xf32, #tpu.memory_space<vmem_shared>>) offsets(%dma_start3A_20 : memref<80xi32, #tpu.memory_space<vmem>>) semaphore(%arg8 : memref<!tpu.dma_semaphore, #tpu.memory_space<semaphore_mem>>) {add = true}
      %mul3A_24 = arith.constant 4 : i32
      %mul3A_25 = arith.muli %mul3A_24, %scan3A_14 : i32
      %add3A_26 = arith.constant 1 : i32
      %add3A_27 = arith.addi %mul3A_25, %add3A_26 : i32
      %dma_start3A_28 = arith.constant 0 : i32
      %dma_start3A_29 = tpu.memref_slice %arg6[%add3A_27, %dma_start3A_28] : memref<128x80xi32, #tpu.memory_space<vmem>> -> memref<1x80xi32, #tpu.memory_space<vmem>>
      %dma_start3A_30 = tpu.memref_squeeze %dma_start3A_29 : memref<1x80xi32, #tpu.memory_space<vmem>> -> memref<80xi32, #tpu.memory_space<vmem>>
      %dma_start3A_31 = arith.constant 0 : i32
      %dma_start3A_32 = arith.constant 0 : i32
      %dma_start3A_33 = tpu.memref_slice %arg12[%dma_start3A_31, %dma_start3A_32] : memref<10016x128xf32, #tpu.memory_space<vmem_shared>> -> memref<10016x128xf32, #tpu.memory_space<vmem_shared>>
      tpu.enqueue_indirect_dma source(%arg7 : memref<80x128xf32, #tpu.memory_space<vmem>>) target(%dma_start3A_33 : memref<10016x128xf32, #tpu.memory_space<vmem_shared>>) offsets(%dma_start3A_30 : memref<80xi32, #tpu.memory_space<vmem>>) semaphore(%arg9 : memref<!tpu.dma_semaphore, #tpu.memory_space<semaphore_mem>>) {add = true}
      %mul3A_34 = arith.constant 4 : i32
      %mul3A_35 = arith.muli %mul3A_34, %scan3A_14 : i32
      %add3A_36 = arith.constant 2 : i32
      %add3A_37 = arith.addi %mul3A_35, %add3A_36 : i32
      %dma_start3A_38 = arith.constant 0 : i32
      %dma_start3A_39 = tpu.memref_slice %arg6[%add3A_37, %dma_start3A_38] : memref<128x80xi32, #tpu.memory_space<vmem>> -> memref<1x80xi32, #tpu.memory_space<vmem>>
      %dma_start3A_40 = tpu.memref_squeeze %dma_start3A_39 : memref<1x80xi32, #tpu.memory_space<vmem>> -> memref<80xi32, #tpu.memory_space<vmem>>
      %dma_start3A_41 = arith.constant 0 : i32
      %dma_start3A_42 = arith.constant 0 : i32
      %dma_start3A_43 = tpu.memref_slice %arg12[%dma_start3A_41, %dma_start3A_42] : memref<10016x128xf32, #tpu.memory_space<vmem_shared>> -> memref<10016x128xf32, #tpu.memory_space<vmem_shared>>
      tpu.enqueue_indirect_dma source(%arg7 : memref<80x128xf32, #tpu.memory_space<vmem>>) target(%dma_start3A_43 : memref<10016x128xf32, #tpu.memory_space<vmem_shared>>) offsets(%dma_start3A_40 : memref<80xi32, #tpu.memory_space<vmem>>) semaphore(%arg10 : memref<!tpu.dma_semaphore, #tpu.memory_space<semaphore_mem>>) {add = true}
      %mul3A_44 = arith.constant 4 : i32
      %mul3A_45 = arith.muli %mul3A_44, %scan3A_14 : i32
      %add3A_46 = arith.constant 3 : i32
      %add3A_47 = arith.addi %mul3A_45, %add3A_46 : i32
      %dma_start3A_48 = arith.constant 0 : i32
      %dma_start3A_49 = tpu.memref_slice %arg6[%add3A_47, %dma_start3A_48] : memref<128x80xi32, #tpu.memory_space<vmem>> -> memref<1x80xi32, #tpu.memory_space<vmem>>
      %dma_start3A_50 = tpu.memref_squeeze %dma_start3A_49 : memref<1x80xi32, #tpu.memory_space<vmem>> -> memref<80xi32, #tpu.memory_space<vmem>>
      %dma_start3A_51 = arith.constant 0 : i32
      %dma_start3A_52 = arith.constant 0 : i32
      %dma_start3A_53 = tpu.memref_slice %arg12[%dma_start3A_51, %dma_start3A_52] : memref<10016x128xf32, #tpu.memory_space<vmem_shared>> -> memref<10016x128xf32, #tpu.memory_space<vmem_shared>>
      tpu.enqueue_indirect_dma source(%arg7 : memref<80x128xf32, #tpu.memory_space<vmem>>) target(%dma_start3A_53 : memref<10016x128xf32, #tpu.memory_space<vmem_shared>>) offsets(%dma_start3A_50 : memref<80xi32, #tpu.memory_space<vmem>>) semaphore(%arg11 : memref<!tpu.dma_semaphore, #tpu.memory_space<semaphore_mem>>) {add = true}
      %dma_wait3A = arith.constant 0 : i32
      %dma_wait3A_54 = tpu.memref_slice %arg6[%add3A_18, %dma_wait3A] : memref<128x80xi32, #tpu.memory_space<vmem>> -> memref<1x80xi32, #tpu.memory_space<vmem>>
      %dma_wait3A_55 = tpu.memref_squeeze %dma_wait3A_54 : memref<1x80xi32, #tpu.memory_space<vmem>> -> memref<80xi32, #tpu.memory_space<vmem>>
      %dma_wait3A_56 = arith.constant 0 : i32
      %dma_wait3A_57 = arith.constant 0 : i32
      %dma_wait3A_58 = tpu.memref_slice %arg12[%dma_wait3A_56, %dma_wait3A_57] : memref<10016x128xf32, #tpu.memory_space<vmem_shared>> -> memref<10016x128xf32, #tpu.memory_space<vmem_shared>>
      tpu.wait_indirect_dma semaphore(%arg8 : memref<!tpu.dma_semaphore, #tpu.memory_space<semaphore_mem>>) src(%arg7 : memref<80x128xf32, #tpu.memory_space<vmem>>) dst(%dma_wait3A_58 : memref<10016x128xf32, #tpu.memory_space<vmem_shared>>)
      %dma_wait3A_59 = arith.constant 0 : i32
      %dma_wait3A_60 = tpu.memref_slice %arg6[%add3A_27, %dma_wait3A_59] : memref<128x80xi32, #tpu.memory_space<vmem>> -> memref<1x80xi32, #tpu.memory_space<vmem>>
      %dma_wait3A_61 = tpu.memref_squeeze %dma_wait3A_60 : memref<1x80xi32, #tpu.memory_space<vmem>> -> memref<80xi32, #tpu.memory_space<vmem>>
      %dma_wait3A_62 = arith.constant 0 : i32
      %dma_wait3A_63 = arith.constant 0 : i32
      %dma_wait3A_64 = tpu.memref_slice %arg12[%dma_wait3A_62, %dma_wait3A_63] : memref<10016x128xf32, #tpu.memory_space<vmem_shared>> -> memref<10016x128xf32, #tpu.memory_space<vmem_shared>>
      tpu.wait_indirect_dma semaphore(%arg9 : memref<!tpu.dma_semaphore, #tpu.memory_space<semaphore_mem>>) src(%arg7 : memref<80x128xf32, #tpu.memory_space<vmem>>) dst(%dma_wait3A_64 : memref<10016x128xf32, #tpu.memory_space<vmem_shared>>)
      %dma_wait3A_65 = arith.constant 0 : i32
      %dma_wait3A_66 = tpu.memref_slice %arg6[%add3A_37, %dma_wait3A_65] : memref<128x80xi32, #tpu.memory_space<vmem>> -> memref<1x80xi32, #tpu.memory_space<vmem>>
      %dma_wait3A_67 = tpu.memref_squeeze %dma_wait3A_66 : memref<1x80xi32, #tpu.memory_space<vmem>> -> memref<80xi32, #tpu.memory_space<vmem>>
      %dma_wait3A_68 = arith.constant 0 : i32
      %dma_wait3A_69 = arith.constant 0 : i32
      %dma_wait3A_70 = tpu.memref_slice %arg12[%dma_wait3A_68, %dma_wait3A_69] : memref<10016x128xf32, #tpu.memory_space<vmem_shared>> -> memref<10016x128xf32, #tpu.memory_space<vmem_shared>>
      tpu.wait_indirect_dma semaphore(%arg10 : memref<!tpu.dma_semaphore, #tpu.memory_space<semaphore_mem>>) src(%arg7 : memref<80x128xf32, #tpu.memory_space<vmem>>) dst(%dma_wait3A_70 : memref<10016x128xf32, #tpu.memory_space<vmem_shared>>)
      %dma_wait3A_71 = arith.constant 0 : i32
      %dma_wait3A_72 = tpu.memref_slice %arg6[%add3A_47, %dma_wait3A_71] : memref<128x80xi32, #tpu.memory_space<vmem>> -> memref<1x80xi32, #tpu.memory_space<vmem>>
      %dma_wait3A_73 = tpu.memref_squeeze %dma_wait3A_72 : memref<1x80xi32, #tpu.memory_space<vmem>> -> memref<80xi32, #tpu.memory_space<vmem>>
      %dma_wait3A_74 = arith.constant 0 : i32
      %dma_wait3A_75 = arith.constant 0 : i32
      %dma_wait3A_76 = tpu.memref_slice %arg12[%dma_wait3A_74, %dma_wait3A_75] : memref<10016x128xf32, #tpu.memory_space<vmem_shared>> -> memref<10016x128xf32, #tpu.memory_space<vmem_shared>>
      tpu.wait_indirect_dma semaphore(%arg11 : memref<!tpu.dma_semaphore, #tpu.memory_space<semaphore_mem>>) src(%arg7 : memref<80x128xf32, #tpu.memory_space<vmem>>) dst(%dma_wait3A_76 : memref<10016x128xf32, #tpu.memory_space<vmem_shared>>)
    }
    %scan3A_9 = arith.constant 32 : i32
    %barrier3A_10 = arith.constant 0 : index
    tpu.barrier barrier_id(%barrier3A_10)
    %mul3A_11 = arith.constant 10000 : i32
    %mul3A_12 = arith.muli %arg0, %mul3A_11 : i32
    %add3A_13 = arith.addi %mul3A_12, %mul3A_2 : i32
    "tpu.region"() ({
      %run_scoped3A = tpu.sem_alloc : memref<!tpu.dma_semaphore, #tpu.memory_space<semaphore_mem>>
      %dma_start3A = arith.constant 0 : i32
      %dma_start3A_14 = tpu.memref_slice %arg5[%add3A_13, %dma_start3A] : memref<20000x128xf32, #tpu.memory_space<hbm>> -> memref<640x128xf32, #tpu.memory_space<hbm>>
      %dma_start3A_15 = arith.constant 0 : i32
      %dma_start3A_16 = tpu.memref_slice %arg12[%mul3A_2, %dma_start3A_15] : memref<10016x128xf32, #tpu.memory_space<vmem_shared>> -> memref<640x128xf32, #tpu.memory_space<vmem_shared>>
      tpu.enqueue_dma source(%dma_start3A_16 : memref<640x128xf32, #tpu.memory_space<vmem_shared>>) target(%dma_start3A_14 : memref<640x128xf32, #tpu.memory_space<hbm>>) target_semaphore(%run_scoped3A : memref<!tpu.dma_semaphore, #tpu.memory_space<semaphore_mem>>)
      %dma_wait3A = arith.constant 0 : i32
      %dma_wait3A_17 = tpu.memref_slice %arg5[%add3A_13, %dma_wait3A] : memref<20000x128xf32, #tpu.memory_space<hbm>> -> memref<640x128xf32, #tpu.memory_space<hbm>>
      %dma_wait3A_18 = arith.constant 0 : i32
      %dma_wait3A_19 = tpu.memref_slice %arg12[%mul3A_2, %dma_wait3A_18] : memref<10016x128xf32, #tpu.memory_space<vmem_shared>> -> memref<640x128xf32, #tpu.memory_space<vmem_shared>>
      tpu.wait_dma2 semaphore(%run_scoped3A : memref<!tpu.dma_semaphore, #tpu.memory_space<semaphore_mem>>) src(%dma_wait3A_19 : memref<640x128xf32, #tpu.memory_space<vmem_shared>>) dst(%dma_wait3A_17 : memref<640x128xf32, #tpu.memory_space<hbm>>)
      tpu.yield
    }) : () -> ()
    return
  }
}

#map = affine_map<(d0, d1) -> (0, 0)>
module attributes {stable_mosaic.version = 14 : i64} {
  func.func @_sc_agg(%arg0: i32, %arg1: i32, %arg2: memref<10000x128xf32, #tpu.memory_space<hbm>>, %arg3: memref<4096x80xi32, #tpu.memory_space<hbm>>, %arg4: memref<4096x80xi32, #tpu.memory_space<hbm>>, %arg5: memref<10000x128xf32, #tpu.memory_space<hbm>>, %arg6: memref<20000x128xf32, #tpu.memory_space<hbm>>, %arg7: memref<32x80xi32, #tpu.memory_space<vmem>>, %arg8: memref<32x80xi32, #tpu.memory_space<vmem>>, %arg9: memref<80x128xf32, #tpu.memory_space<vmem>>, %arg10: memref<80x128xf32, #tpu.memory_space<vmem>>, %arg11: memref<80x128xf32, #tpu.memory_space<vmem>>, %arg12: memref<80x128xf32, #tpu.memory_space<vmem>>, %arg13: memref<!tpu.dma_semaphore, #tpu.memory_space<semaphore_mem>>, %arg14: memref<!tpu.dma_semaphore, #tpu.memory_space<semaphore_mem>>, %arg15: memref<!tpu.dma_semaphore, #tpu.memory_space<semaphore_mem>>, %arg16: memref<!tpu.dma_semaphore, #tpu.memory_space<semaphore_mem>>, %arg17: memref<!tpu.dma_semaphore, #tpu.memory_space<semaphore_mem>>, %arg18: memref<!tpu.dma_semaphore, #tpu.memory_space<semaphore_mem>>, %arg19: memref<!tpu.dma_semaphore, #tpu.memory_space<semaphore_mem>>, %arg20: memref<!tpu.dma_semaphore, #tpu.memory_space<semaphore_mem>>, %arg21: memref<10016x128xf32, #tpu.memory_space<vmem_shared>>) attributes {dimension_semantics = [#tpu.dimension_semantics<core_parallel>, #tpu.dimension_semantics<subcore_parallel>], iteration_bounds = array<i64: 2, 16>, scalar_prefetch = 0 : i64, scratch_operands = 15 : i64, tpu.core_type = #tpu.core_type<sc_vector_subcore>, window_params = [{transform_indices = #map}, {transform_indices = #map}, {transform_indices = #map}, {transform_indices = #map}, {transform_indices = #map}]} {
    %mul3A = arith.constant 16 : i32
    %mul3A_0 = arith.muli %arg0, %mul3A : i32
    %add3A = arith.addi %mul3A_0, %arg1 : i32
    %mul3A_1 = arith.constant 624 : i32
    %mul3A_2 = arith.muli %arg1, %mul3A_1 : i32
    "tpu.region"() ({
      %run_scoped3A = tpu.sem_alloc : memref<!tpu.dma_semaphore, #tpu.memory_space<semaphore_mem>>
      %dma_start3A = arith.constant 0 : i32
      %dma_start3A_12 = tpu.memref_slice %arg21[%mul3A_2, %dma_start3A] : memref<10016x128xf32, #tpu.memory_space<vmem_shared>> -> memref<640x128xf32, #tpu.memory_space<vmem_shared>>
      %dma_start3A_13 = arith.constant 0 : i32
      %dma_start3A_14 = tpu.memref_slice %arg5[%mul3A_2, %dma_start3A_13] : memref<10000x128xf32, #tpu.memory_space<hbm>> -> memref<640x128xf32, #tpu.memory_space<hbm>>
      tpu.enqueue_dma source(%dma_start3A_14 : memref<640x128xf32, #tpu.memory_space<hbm>>) target(%dma_start3A_12 : memref<640x128xf32, #tpu.memory_space<vmem_shared>>) target_semaphore(%run_scoped3A : memref<!tpu.dma_semaphore, #tpu.memory_space<semaphore_mem>>)
      %dma_wait3A = arith.constant 0 : i32
      %dma_wait3A_15 = tpu.memref_slice %arg21[%mul3A_2, %dma_wait3A] : memref<10016x128xf32, #tpu.memory_space<vmem_shared>> -> memref<640x128xf32, #tpu.memory_space<vmem_shared>>
      %dma_wait3A_16 = arith.constant 0 : i32
      %dma_wait3A_17 = tpu.memref_slice %arg5[%mul3A_2, %dma_wait3A_16] : memref<10000x128xf32, #tpu.memory_space<hbm>> -> memref<640x128xf32, #tpu.memory_space<hbm>>
      tpu.wait_dma2 semaphore(%run_scoped3A : memref<!tpu.dma_semaphore, #tpu.memory_space<semaphore_mem>>) src(%dma_wait3A_17 : memref<640x128xf32, #tpu.memory_space<hbm>>) dst(%dma_wait3A_15 : memref<640x128xf32, #tpu.memory_space<vmem_shared>>)
      tpu.yield
    }) : () -> ()
    %barrier3A = arith.constant 0 : index
    tpu.barrier barrier_id(%barrier3A)
    %scan3A = arith.constant 0 : i32
    %scan3A_3 = arith.constant 0 : i32
    %scan3A_4 = arith.constant 4 : i32
    %scan3A_5 = arith.addi %scan3A_3, %scan3A_4 : i32
    %scan3A_6 = arith.constant 1 : i32
    scf.for %scan3A_12 = %scan3A_3 to %scan3A_5 step %scan3A_6  : i32 {
      %mul3A_13 = arith.constant 128 : i32
      %mul3A_14 = arith.muli %add3A, %mul3A_13 : i32
      %mul3A_15 = arith.constant 32 : i32
      %mul3A_16 = arith.muli %scan3A_12, %mul3A_15 : i32
      %add3A_17 = arith.addi %mul3A_14, %mul3A_16 : i32
      "tpu.region"() ({
        %run_scoped3A = tpu.sem_alloc : memref<!tpu.dma_semaphore, #tpu.memory_space<semaphore_mem>>
        %dma_start3A_912 = arith.constant 0 : i32
        %dma_start3A_913 = tpu.memref_slice %arg3[%add3A_17, %dma_start3A_912] : memref<4096x80xi32, #tpu.memory_space<hbm>> -> memref<32x80xi32, #tpu.memory_space<hbm>>
        %dma_start3A_914 = arith.constant 0 : i32
        %dma_start3A_915 = tpu.memref_slice %arg3[%add3A_17, %dma_start3A_914] : memref<4096x80xi32, #tpu.memory_space<hbm>> -> memref<32x80xi32, #tpu.memory_space<hbm>>
        tpu.enqueue_dma source(%dma_start3A_915 : memref<32x80xi32, #tpu.memory_space<hbm>>) target(%arg7 : memref<32x80xi32, #tpu.memory_space<vmem>>) target_semaphore(%run_scoped3A : memref<!tpu.dma_semaphore, #tpu.memory_space<semaphore_mem>>)
        %dma_wait3A_916 = arith.constant 0 : i32
        %dma_wait3A_917 = tpu.memref_slice %arg3[%add3A_17, %dma_wait3A_916] : memref<4096x80xi32, #tpu.memory_space<hbm>> -> memref<32x80xi32, #tpu.memory_space<hbm>>
        %dma_wait3A_918 = arith.constant 0 : i32
        %dma_wait3A_919 = tpu.memref_slice %arg3[%add3A_17, %dma_wait3A_918] : memref<4096x80xi32, #tpu.memory_space<hbm>> -> memref<32x80xi32, #tpu.memory_space<hbm>>
        tpu.wait_dma2 semaphore(%run_scoped3A : memref<!tpu.dma_semaphore, #tpu.memory_space<semaphore_mem>>) src(%dma_wait3A_919 : memref<32x80xi32, #tpu.memory_space<hbm>>) dst(%arg7 : memref<32x80xi32, #tpu.memory_space<vmem>>)
        tpu.yield
      }) : () -> ()
      "tpu.region"() ({
        %run_scoped3A = tpu.sem_alloc : memref<!tpu.dma_semaphore, #tpu.memory_space<semaphore_mem>>
        %dma_start3A_912 = arith.constant 0 : i32
        %dma_start3A_913 = tpu.memref_slice %arg4[%add3A_17, %dma_start3A_912] : memref<4096x80xi32, #tpu.memory_space<hbm>> -> memref<32x80xi32, #tpu.memory_space<hbm>>
        %dma_start3A_914 = arith.constant 0 : i32
        %dma_start3A_915 = tpu.memref_slice %arg4[%add3A_17, %dma_start3A_914] : memref<4096x80xi32, #tpu.memory_space<hbm>> -> memref<32x80xi32, #tpu.memory_space<hbm>>
        tpu.enqueue_dma source(%dma_start3A_915 : memref<32x80xi32, #tpu.memory_space<hbm>>) target(%arg8 : memref<32x80xi32, #tpu.memory_space<vmem>>) target_semaphore(%run_scoped3A : memref<!tpu.dma_semaphore, #tpu.memory_space<semaphore_mem>>)
        %dma_wait3A_916 = arith.constant 0 : i32
        %dma_wait3A_917 = tpu.memref_slice %arg4[%add3A_17, %dma_wait3A_916] : memref<4096x80xi32, #tpu.memory_space<hbm>> -> memref<32x80xi32, #tpu.memory_space<hbm>>
        %dma_wait3A_918 = arith.constant 0 : i32
        %dma_wait3A_919 = tpu.memref_slice %arg4[%add3A_17, %dma_wait3A_918] : memref<4096x80xi32, #tpu.memory_space<hbm>> -> memref<32x80xi32, #tpu.memory_space<hbm>>
        tpu.wait_dma2 semaphore(%run_scoped3A : memref<!tpu.dma_semaphore, #tpu.memory_space<semaphore_mem>>) src(%dma_wait3A_919 : memref<32x80xi32, #tpu.memory_space<hbm>>) dst(%arg8 : memref<32x80xi32, #tpu.memory_space<vmem>>)
        tpu.yield
      }) : () -> ()
      %dma_start3A = arith.constant 0 : i32
      %dma_start3A_18 = arith.constant 0 : i32
      %dma_start3A_19 = tpu.memref_slice %arg7[%dma_start3A, %dma_start3A_18] : memref<32x80xi32, #tpu.memory_space<vmem>> -> memref<1x80xi32, #tpu.memory_space<vmem>>
      %dma_start3A_20 = tpu.memref_squeeze %dma_start3A_19 : memref<1x80xi32, #tpu.memory_space<vmem>> -> memref<80xi32, #tpu.memory_space<vmem>>
      %dma_start3A_21 = arith.constant 0 : i32
      %dma_start3A_22 = arith.constant 0 : i32
      %dma_start3A_23 = tpu.memref_slice %arg2[%dma_start3A_21, %dma_start3A_22] : memref<10000x128xf32, #tpu.memory_space<hbm>> -> memref<10000x128xf32, #tpu.memory_space<hbm>>
      tpu.enqueue_indirect_dma source(%dma_start3A_23 : memref<10000x128xf32, #tpu.memory_space<hbm>>) target(%arg9 : memref<80x128xf32, #tpu.memory_space<vmem>>) offsets(%dma_start3A_20 : memref<80xi32, #tpu.memory_space<vmem>>) semaphore(%arg13 : memref<!tpu.dma_semaphore, #tpu.memory_space<semaphore_mem>>)
      %dma_start3A_24 = arith.constant 1 : i32
      %dma_start3A_25 = arith.constant 0 : i32
      %dma_start3A_26 = tpu.memref_slice %arg7[%dma_start3A_24, %dma_start3A_25] : memref<32x80xi32, #tpu.memory_space<vmem>> -> memref<1x80xi32, #tpu.memory_space<vmem>>
      %dma_start3A_27 = tpu.memref_squeeze %dma_start3A_26 : memref<1x80xi32, #tpu.memory_space<vmem>> -> memref<80xi32, #tpu.memory_space<vmem>>
      %dma_start3A_28 = arith.constant 0 : i32
      %dma_start3A_29 = arith.constant 0 : i32
      %dma_start3A_30 = tpu.memref_slice %arg2[%dma_start3A_28, %dma_start3A_29] : memref<10000x128xf32, #tpu.memory_space<hbm>> -> memref<10000x128xf32, #tpu.memory_space<hbm>>
      tpu.enqueue_indirect_dma source(%dma_start3A_30 : memref<10000x128xf32, #tpu.memory_space<hbm>>) target(%arg10 : memref<80x128xf32, #tpu.memory_space<vmem>>) offsets(%dma_start3A_27 : memref<80xi32, #tpu.memory_space<vmem>>) semaphore(%arg14 : memref<!tpu.dma_semaphore, #tpu.memory_space<semaphore_mem>>)
      %dma_start3A_31 = arith.constant 2 : i32
      %dma_start3A_32 = arith.constant 0 : i32
      %dma_start3A_33 = tpu.memref_slice %arg7[%dma_start3A_31, %dma_start3A_32] : memref<32x80xi32, #tpu.memory_space<vmem>> -> memref<1x80xi32, #tpu.memory_space<vmem>>
      %dma_start3A_34 = tpu.memref_squeeze %dma_start3A_33 : memref<1x80xi32, #tpu.memory_space<vmem>> -> memref<80xi32, #tpu.memory_space<vmem>>
      %dma_start3A_35 = arith.constant 0 : i32
      %dma_start3A_36 = arith.constant 0 : i32
      %dma_start3A_37 = tpu.memref_slice %arg2[%dma_start3A_35, %dma_start3A_36] : memref<10000x128xf32, #tpu.memory_space<hbm>> -> memref<10000x128xf32, #tpu.memory_space<hbm>>
      tpu.enqueue_indirect_dma source(%dma_start3A_37 : memref<10000x128xf32, #tpu.memory_space<hbm>>) target(%arg11 : memref<80x128xf32, #tpu.memory_space<vmem>>) offsets(%dma_start3A_34 : memref<80xi32, #tpu.memory_space<vmem>>) semaphore(%arg15 : memref<!tpu.dma_semaphore, #tpu.memory_space<semaphore_mem>>)
      %dma_wait3A = arith.constant 0 : i32
      %dma_wait3A_38 = arith.constant 0 : i32
      %dma_wait3A_39 = tpu.memref_slice %arg7[%dma_wait3A, %dma_wait3A_38] : memref<32x80xi32, #tpu.memory_space<vmem>> -> memref<1x80xi32, #tpu.memory_space<vmem>>
      %dma_wait3A_40 = tpu.memref_squeeze %dma_wait3A_39 : memref<1x80xi32, #tpu.memory_space<vmem>> -> memref<80xi32, #tpu.memory_space<vmem>>
      %dma_wait3A_41 = arith.constant 0 : i32
      %dma_wait3A_42 = arith.constant 0 : i32
      %dma_wait3A_43 = tpu.memref_slice %arg2[%dma_wait3A_41, %dma_wait3A_42] : memref<10000x128xf32, #tpu.memory_space<hbm>> -> memref<10000x128xf32, #tpu.memory_space<hbm>>
      tpu.wait_indirect_dma semaphore(%arg13 : memref<!tpu.dma_semaphore, #tpu.memory_space<semaphore_mem>>) src(%dma_wait3A_43 : memref<10000x128xf32, #tpu.memory_space<hbm>>) dst(%arg9 : memref<80x128xf32, #tpu.memory_space<vmem>>)
      %dma_start3A_44 = arith.constant 0 : i32
      %dma_start3A_45 = arith.constant 0 : i32
      %dma_start3A_46 = tpu.memref_slice %arg8[%dma_start3A_44, %dma_start3A_45] : memref<32x80xi32, #tpu.memory_space<vmem>> -> memref<1x80xi32, #tpu.memory_space<vmem>>
      %dma_start3A_47 = tpu.memref_squeeze %dma_start3A_46 : memref<1x80xi32, #tpu.memory_space<vmem>> -> memref<80xi32, #tpu.memory_space<vmem>>
      %dma_start3A_48 = arith.constant 0 : i32
      %dma_start3A_49 = arith.constant 0 : i32
      %dma_start3A_50 = tpu.memref_slice %arg21[%dma_start3A_48, %dma_start3A_49] : memref<10016x128xf32, #tpu.memory_space<vmem_shared>> -> memref<10016x128xf32, #tpu.memory_space<vmem_shared>>
      tpu.enqueue_indirect_dma source(%arg9 : memref<80x128xf32, #tpu.memory_space<vmem>>) target(%dma_start3A_50 : memref<10016x128xf32, #tpu.memory_space<vmem_shared>>) offsets(%dma_start3A_47 : memref<80xi32, #tpu.memory_space<vmem>>) semaphore(%arg17 : memref<!tpu.dma_semaphore, #tpu.memory_space<semaphore_mem>>) {add = true}
      %dma_start3A_51 = arith.constant 3 : i32
      %dma_start3A_52 = arith.constant 0 : i32
      %dma_start3A_53 = tpu.memref_slice %arg7[%dma_start3A_51, %dma_start3A_52] : memref<32x80xi32, #tpu.memory_space<vmem>> -> memref<1x80xi32, #tpu.memory_space<vmem>>
      %dma_start3A_54 = tpu.memref_squeeze %dma_start3A_53 : memref<1x80xi32, #tpu.memory_space<vmem>> -> memref<80xi32, #tpu.memory_space<vmem>>
      %dma_start3A_55 = arith.constant 0 : i32
      %dma_start3A_56 = arith.constant 0 : i32
      %dma_start3A_57 = tpu.memref_slice %arg2[%dma_start3A_55, %dma_start3A_56] : memref<10000x128xf32, #tpu.memory_space<hbm>> -> memref<10000x128xf32, #tpu.memory_space<hbm>>
      tpu.enqueue_indirect_dma source(%dma_start3A_57 : memref<10000x128xf32, #tpu.memory_space<hbm>>) target(%arg12 : memref<80x128xf32, #tpu.memory_space<vmem>>) offsets(%dma_start3A_54 : memref<80xi32, #tpu.memory_space<vmem>>) semaphore(%arg16 : memref<!tpu.dma_semaphore, #tpu.memory_space<semaphore_mem>>)
      %dma_wait3A_58 = arith.constant 1 : i32
      %dma_wait3A_59 = arith.constant 0 : i32
      %dma_wait3A_60 = tpu.memref_slice %arg7[%dma_wait3A_58, %dma_wait3A_59] : memref<32x80xi32, #tpu.memory_space<vmem>> -> memref<1x80xi32, #tpu.memory_space<vmem>>
      %dma_wait3A_61 = tpu.memref_squeeze %dma_wait3A_60 : memref<1x80xi32, #tpu.memory_space<vmem>> -> memref<80xi32, #tpu.memory_space<vmem>>
      %dma_wait3A_62 = arith.constant 0 : i32
      %dma_wait3A_63 = arith.constant 0 : i32
      %dma_wait3A_64 = tpu.memref_slice %arg2[%dma_wait3A_62, %dma_wait3A_63] : memref<10000x128xf32, #tpu.memory_space<hbm>> -> memref<10000x128xf32, #tpu.memory_space<hbm>>
      tpu.wait_indirect_dma semaphore(%arg14 : memref<!tpu.dma_semaphore, #tpu.memory_space<semaphore_mem>>) src(%dma_wait3A_64 : memref<10000x128xf32, #tpu.memory_space<hbm>>) dst(%arg10 : memref<80x128xf32, #tpu.memory_space<vmem>>)
      %dma_start3A_65 = arith.constant 1 : i32
      %dma_start3A_66 = arith.constant 0 : i32
      %dma_start3A_67 = tpu.memref_slice %arg8[%dma_start3A_65, %dma_start3A_66] : memref<32x80xi32, #tpu.memory_space<vmem>> -> memref<1x80xi32, #tpu.memory_space<vmem>>
      %dma_start3A_68 = tpu.memref_squeeze %dma_start3A_67 : memref<1x80xi32, #tpu.memory_space<vmem>> -> memref<80xi32, #tpu.memory_space<vmem>>
      %dma_start3A_69 = arith.constant 0 : i32
      %dma_start3A_70 = arith.constant 0 : i32
      %dma_start3A_71 = tpu.memref_slice %arg21[%dma_start3A_69, %dma_start3A_70] : memref<10016x128xf32, #tpu.memory_space<vmem_shared>> -> memref<10016x128xf32, #tpu.memory_space<vmem_shared>>
      tpu.enqueue_indirect_dma source(%arg10 : memref<80x128xf32, #tpu.memory_space<vmem>>) target(%dma_start3A_71 : memref<10016x128xf32, #tpu.memory_space<vmem_shared>>) offsets(%dma_start3A_68 : memref<80xi32, #tpu.memory_space<vmem>>) semaphore(%arg18 : memref<!tpu.dma_semaphore, #tpu.memory_space<semaphore_mem>>) {add = true}
      %dma_wait3A_72 = arith.constant 0 : i32
      %dma_wait3A_73 = arith.constant 0 : i32
      %dma_wait3A_74 = tpu.memref_slice %arg8[%dma_wait3A_72, %dma_wait3A_73] : memref<32x80xi32, #tpu.memory_space<vmem>> -> memref<1x80xi32, #tpu.memory_space<vmem>>
      %dma_wait3A_75 = tpu.memref_squeeze %dma_wait3A_74 : memref<1x80xi32, #tpu.memory_space<vmem>> -> memref<80xi32, #tpu.memory_space<vmem>>
      %dma_wait3A_76 = arith.constant 0 : i32
      %dma_wait3A_77 = arith.constant 0 : i32
      %dma_wait3A_78 = tpu.memref_slice %arg21[%dma_wait3A_76, %dma_wait3A_77] : memref<10016x128xf32, #tpu.memory_space<vmem_shared>> -> memref<10016x128xf32, #tpu.memory_space<vmem_shared>>
      tpu.wait_indirect_dma semaphore(%arg17 : memref<!tpu.dma_semaphore, #tpu.memory_space<semaphore_mem>>) src(%arg9 : memref<80x128xf32, #tpu.memory_space<vmem>>) dst(%dma_wait3A_78 : memref<10016x128xf32, #tpu.memory_space<vmem_shared>>)
      %dma_start3A_79 = arith.constant 4 : i32
      %dma_start3A_80 = arith.constant 0 : i32
      %dma_start3A_81 = tpu.memref_slice %arg7[%dma_start3A_79, %dma_start3A_80] : memref<32x80xi32, #tpu.memory_space<vmem>> -> memref<1x80xi32, #tpu.memory_space<vmem>>
      %dma_start3A_82 = tpu.memref_squeeze %dma_start3A_81 : memref<1x80xi32, #tpu.memory_space<vmem>> -> memref<80xi32, #tpu.memory_space<vmem>>
      %dma_start3A_83 = arith.constant 0 : i32
      %dma_start3A_84 = arith.constant 0 : i32
      %dma_start3A_85 = tpu.memref_slice %arg2[%dma_start3A_83, %dma_start3A_84] : memref<10000x128xf32, #tpu.memory_space<hbm>> -> memref<10000x128xf32, #tpu.memory_space<hbm>>
      tpu.enqueue_indirect_dma source(%dma_start3A_85 : memref<10000x128xf32, #tpu.memory_space<hbm>>) target(%arg9 : memref<80x128xf32, #tpu.memory_space<vmem>>) offsets(%dma_start3A_82 : memref<80xi32, #tpu.memory_space<vmem>>) semaphore(%arg13 : memref<!tpu.dma_semaphore, #tpu.memory_space<semaphore_mem>>)
      %dma_wait3A_86 = arith.constant 2 : i32
      %dma_wait3A_87 = arith.constant 0 : i32
      %dma_wait3A_88 = tpu.memref_slice %arg7[%dma_wait3A_86, %dma_wait3A_87] : memref<32x80xi32, #tpu.memory_space<vmem>> -> memref<1x80xi32, #tpu.memory_space<vmem>>
      %dma_wait3A_89 = tpu.memref_squeeze %dma_wait3A_88 : memref<1x80xi32, #tpu.memory_space<vmem>> -> memref<80xi32, #tpu.memory_space<vmem>>
      %dma_wait3A_90 = arith.constant 0 : i32
      %dma_wait3A_91 = arith.constant 0 : i32
      %dma_wait3A_92 = tpu.memref_slice %arg2[%dma_wait3A_90, %dma_wait3A_91] : memref<10000x128xf32, #tpu.memory_space<hbm>> -> memref<10000x128xf32, #tpu.memory_space<hbm>>
      tpu.wait_indirect_dma semaphore(%arg15 : memref<!tpu.dma_semaphore, #tpu.memory_space<semaphore_mem>>) src(%dma_wait3A_92 : memref<10000x128xf32, #tpu.memory_space<hbm>>) dst(%arg11 : memref<80x128xf32, #tpu.memory_space<vmem>>)
      %dma_start3A_93 = arith.constant 2 : i32
      %dma_start3A_94 = arith.constant 0 : i32
      %dma_start3A_95 = tpu.memref_slice %arg8[%dma_start3A_93, %dma_start3A_94] : memref<32x80xi32, #tpu.memory_space<vmem>> -> memref<1x80xi32, #tpu.memory_space<vmem>>
      %dma_start3A_96 = tpu.memref_squeeze %dma_start3A_95 : memref<1x80xi32, #tpu.memory_space<vmem>> -> memref<80xi32, #tpu.memory_space<vmem>>
      %dma_start3A_97 = arith.constant 0 : i32
      %dma_start3A_98 = arith.constant 0 : i32
      %dma_start3A_99 = tpu.memref_slice %arg21[%dma_start3A_97, %dma_start3A_98] : memref<10016x128xf32, #tpu.memory_space<vmem_shared>> -> memref<10016x128xf32, #tpu.memory_space<vmem_shared>>
      tpu.enqueue_indirect_dma source(%arg11 : memref<80x128xf32, #tpu.memory_space<vmem>>) target(%dma_start3A_99 : memref<10016x128xf32, #tpu.memory_space<vmem_shared>>) offsets(%dma_start3A_96 : memref<80xi32, #tpu.memory_space<vmem>>) semaphore(%arg19 : memref<!tpu.dma_semaphore, #tpu.memory_space<semaphore_mem>>) {add = true}
      %dma_wait3A_100 = arith.constant 1 : i32
      %dma_wait3A_101 = arith.constant 0 : i32
      %dma_wait3A_102 = tpu.memref_slice %arg8[%dma_wait3A_100, %dma_wait3A_101] : memref<32x80xi32, #tpu.memory_space<vmem>> -> memref<1x80xi32, #tpu.memory_space<vmem>>
      %dma_wait3A_103 = tpu.memref_squeeze %dma_wait3A_102 : memref<1x80xi32, #tpu.memory_space<vmem>> -> memref<80xi32, #tpu.memory_space<vmem>>
      %dma_wait3A_104 = arith.constant 0 : i32
      %dma_wait3A_105 = arith.constant 0 : i32
      %dma_wait3A_106 = tpu.memref_slice %arg21[%dma_wait3A_104, %dma_wait3A_105] : memref<10016x128xf32, #tpu.memory_space<vmem_shared>> -> memref<10016x128xf32, #tpu.memory_space<vmem_shared>>
      tpu.wait_indirect_dma semaphore(%arg18 : memref<!tpu.dma_semaphore, #tpu.memory_space<semaphore_mem>>) src(%arg10 : memref<80x128xf32, #tpu.memory_space<vmem>>) dst(%dma_wait3A_106 : memref<10016x128xf32, #tpu.memory_space<vmem_shared>>)
      %dma_start3A_107 = arith.constant 5 : i32
      %dma_start3A_108 = arith.constant 0 : i32
      %dma_start3A_109 = tpu.memref_slice %arg7[%dma_start3A_107, %dma_start3A_108] : memref<32x80xi32, #tpu.memory_space<vmem>> -> memref<1x80xi32, #tpu.memory_space<vmem>>
      %dma_start3A_110 = tpu.memref_squeeze %dma_start3A_109 : memref<1x80xi32, #tpu.memory_space<vmem>> -> memref<80xi32, #tpu.memory_space<vmem>>
      %dma_start3A_111 = arith.constant 0 : i32
      %dma_start3A_112 = arith.constant 0 : i32
      %dma_start3A_113 = tpu.memref_slice %arg2[%dma_start3A_111, %dma_start3A_112] : memref<10000x128xf32, #tpu.memory_space<hbm>> -> memref<10000x128xf32, #tpu.memory_space<hbm>>
      tpu.enqueue_indirect_dma source(%dma_start3A_113 : memref<10000x128xf32, #tpu.memory_space<hbm>>) target(%arg10 : memref<80x128xf32, #tpu.memory_space<vmem>>) offsets(%dma_start3A_110 : memref<80xi32, #tpu.memory_space<vmem>>) semaphore(%arg14 : memref<!tpu.dma_semaphore, #tpu.memory_space<semaphore_mem>>)
      %dma_wait3A_114 = arith.constant 3 : i32
      %dma_wait3A_115 = arith.constant 0 : i32
      %dma_wait3A_116 = tpu.memref_slice %arg7[%dma_wait3A_114, %dma_wait3A_115] : memref<32x80xi32, #tpu.memory_space<vmem>> -> memref<1x80xi32, #tpu.memory_space<vmem>>
      %dma_wait3A_117 = tpu.memref_squeeze %dma_wait3A_116 : memref<1x80xi32, #tpu.memory_space<vmem>> -> memref<80xi32, #tpu.memory_space<vmem>>
      %dma_wait3A_118 = arith.constant 0 : i32
      %dma_wait3A_119 = arith.constant 0 : i32
      %dma_wait3A_120 = tpu.memref_slice %arg2[%dma_wait3A_118, %dma_wait3A_119] : memref<10000x128xf32, #tpu.memory_space<hbm>> -> memref<10000x128xf32, #tpu.memory_space<hbm>>
      tpu.wait_indirect_dma semaphore(%arg16 : memref<!tpu.dma_semaphore, #tpu.memory_space<semaphore_mem>>) src(%dma_wait3A_120 : memref<10000x128xf32, #tpu.memory_space<hbm>>) dst(%arg12 : memref<80x128xf32, #tpu.memory_space<vmem>>)
      %dma_start3A_121 = arith.constant 3 : i32
      %dma_start3A_122 = arith.constant 0 : i32
      %dma_start3A_123 = tpu.memref_slice %arg8[%dma_start3A_121, %dma_start3A_122] : memref<32x80xi32, #tpu.memory_space<vmem>> -> memref<1x80xi32, #tpu.memory_space<vmem>>
      %dma_start3A_124 = tpu.memref_squeeze %dma_start3A_123 : memref<1x80xi32, #tpu.memory_space<vmem>> -> memref<80xi32, #tpu.memory_space<vmem>>
      %dma_start3A_125 = arith.constant 0 : i32
      %dma_start3A_126 = arith.constant 0 : i32
      %dma_start3A_127 = tpu.memref_slice %arg21[%dma_start3A_125, %dma_start3A_126] : memref<10016x128xf32, #tpu.memory_space<vmem_shared>> -> memref<10016x128xf32, #tpu.memory_space<vmem_shared>>
      tpu.enqueue_indirect_dma source(%arg12 : memref<80x128xf32, #tpu.memory_space<vmem>>) target(%dma_start3A_127 : memref<10016x128xf32, #tpu.memory_space<vmem_shared>>) offsets(%dma_start3A_124 : memref<80xi32, #tpu.memory_space<vmem>>) semaphore(%arg20 : memref<!tpu.dma_semaphore, #tpu.memory_space<semaphore_mem>>) {add = true}
      %dma_wait3A_128 = arith.constant 2 : i32
      %dma_wait3A_129 = arith.constant 0 : i32
      %dma_wait3A_130 = tpu.memref_slice %arg8[%dma_wait3A_128, %dma_wait3A_129] : memref<32x80xi32, #tpu.memory_space<vmem>> -> memref<1x80xi32, #tpu.memory_space<vmem>>
      %dma_wait3A_131 = tpu.memref_squeeze %dma_wait3A_130 : memref<1x80xi32, #tpu.memory_space<vmem>> -> memref<80xi32, #tpu.memory_space<vmem>>
      %dma_wait3A_132 = arith.constant 0 : i32
      %dma_wait3A_133 = arith.constant 0 : i32
      %dma_wait3A_134 = tpu.memref_slice %arg21[%dma_wait3A_132, %dma_wait3A_133] : memref<10016x128xf32, #tpu.memory_space<vmem_shared>> -> memref<10016x128xf32, #tpu.memory_space<vmem_shared>>
      tpu.wait_indirect_dma semaphore(%arg19 : memref<!tpu.dma_semaphore, #tpu.memory_space<semaphore_mem>>) src(%arg11 : memref<80x128xf32, #tpu.memory_space<vmem>>) dst(%dma_wait3A_134 : memref<10016x128xf32, #tpu.memory_space<vmem_shared>>)
      %dma_start3A_135 = arith.constant 6 : i32
      %dma_start3A_136 = arith.constant 0 : i32
      %dma_start3A_137 = tpu.memref_slice %arg7[%dma_start3A_135, %dma_start3A_136] : memref<32x80xi32, #tpu.memory_space<vmem>> -> memref<1x80xi32, #tpu.memory_space<vmem>>
      %dma_start3A_138 = tpu.memref_squeeze %dma_start3A_137 : memref<1x80xi32, #tpu.memory_space<vmem>> -> memref<80xi32, #tpu.memory_space<vmem>>
      %dma_start3A_139 = arith.constant 0 : i32
      %dma_start3A_140 = arith.constant 0 : i32
      %dma_start3A_141 = tpu.memref_slice %arg2[%dma_start3A_139, %dma_start3A_140] : memref<10000x128xf32, #tpu.memory_space<hbm>> -> memref<10000x128xf32, #tpu.memory_space<hbm>>
      tpu.enqueue_indirect_dma source(%dma_start3A_141 : memref<10000x128xf32, #tpu.memory_space<hbm>>) target(%arg11 : memref<80x128xf32, #tpu.memory_space<vmem>>) offsets(%dma_start3A_138 : memref<80xi32, #tpu.memory_space<vmem>>) semaphore(%arg15 : memref<!tpu.dma_semaphore, #tpu.memory_space<semaphore_mem>>)
      %dma_wait3A_142 = arith.constant 4 : i32
      %dma_wait3A_143 = arith.constant 0 : i32
      %dma_wait3A_144 = tpu.memref_slice %arg7[%dma_wait3A_142, %dma_wait3A_143] : memref<32x80xi32, #tpu.memory_space<vmem>> -> memref<1x80xi32, #tpu.memory_space<vmem>>
      %dma_wait3A_145 = tpu.memref_squeeze %dma_wait3A_144 : memref<1x80xi32, #tpu.memory_space<vmem>> -> memref<80xi32, #tpu.memory_space<vmem>>
      %dma_wait3A_146 = arith.constant 0 : i32
      %dma_wait3A_147 = arith.constant 0 : i32
      %dma_wait3A_148 = tpu.memref_slice %arg2[%dma_wait3A_146, %dma_wait3A_147] : memref<10000x128xf32, #tpu.memory_space<hbm>> -> memref<10000x128xf32, #tpu.memory_space<hbm>>
      tpu.wait_indirect_dma semaphore(%arg13 : memref<!tpu.dma_semaphore, #tpu.memory_space<semaphore_mem>>) src(%dma_wait3A_148 : memref<10000x128xf32, #tpu.memory_space<hbm>>) dst(%arg9 : memref<80x128xf32, #tpu.memory_space<vmem>>)
      %dma_start3A_149 = arith.constant 4 : i32
      %dma_start3A_150 = arith.constant 0 : i32
      %dma_start3A_151 = tpu.memref_slice %arg8[%dma_start3A_149, %dma_start3A_150] : memref<32x80xi32, #tpu.memory_space<vmem>> -> memref<1x80xi32, #tpu.memory_space<vmem>>
      %dma_start3A_152 = tpu.memref_squeeze %dma_start3A_151 : memref<1x80xi32, #tpu.memory_space<vmem>> -> memref<80xi32, #tpu.memory_space<vmem>>
      %dma_start3A_153 = arith.constant 0 : i32
      %dma_start3A_154 = arith.constant 0 : i32
      %dma_start3A_155 = tpu.memref_slice %arg21[%dma_start3A_153, %dma_start3A_154] : memref<10016x128xf32, #tpu.memory_space<vmem_shared>> -> memref<10016x128xf32, #tpu.memory_space<vmem_shared>>
      tpu.enqueue_indirect_dma source(%arg9 : memref<80x128xf32, #tpu.memory_space<vmem>>) target(%dma_start3A_155 : memref<10016x128xf32, #tpu.memory_space<vmem_shared>>) offsets(%dma_start3A_152 : memref<80xi32, #tpu.memory_space<vmem>>) semaphore(%arg17 : memref<!tpu.dma_semaphore, #tpu.memory_space<semaphore_mem>>) {add = true}
      %dma_wait3A_156 = arith.constant 3 : i32
      %dma_wait3A_157 = arith.constant 0 : i32
      %dma_wait3A_158 = tpu.memref_slice %arg8[%dma_wait3A_156, %dma_wait3A_157] : memref<32x80xi32, #tpu.memory_space<vmem>> -> memref<1x80xi32, #tpu.memory_space<vmem>>
      %dma_wait3A_159 = tpu.memref_squeeze %dma_wait3A_158 : memref<1x80xi32, #tpu.memory_space<vmem>> -> memref<80xi32, #tpu.memory_space<vmem>>
      %dma_wait3A_160 = arith.constant 0 : i32
      %dma_wait3A_161 = arith.constant 0 : i32
      %dma_wait3A_162 = tpu.memref_slice %arg21[%dma_wait3A_160, %dma_wait3A_161] : memref<10016x128xf32, #tpu.memory_space<vmem_shared>> -> memref<10016x128xf32, #tpu.memory_space<vmem_shared>>
      tpu.wait_indirect_dma semaphore(%arg20 : memref<!tpu.dma_semaphore, #tpu.memory_space<semaphore_mem>>) src(%arg12 : memref<80x128xf32, #tpu.memory_space<vmem>>) dst(%dma_wait3A_162 : memref<10016x128xf32, #tpu.memory_space<vmem_shared>>)
      %dma_start3A_163 = arith.constant 7 : i32
      %dma_start3A_164 = arith.constant 0 : i32
      %dma_start3A_165 = tpu.memref_slice %arg7[%dma_start3A_163, %dma_start3A_164] : memref<32x80xi32, #tpu.memory_space<vmem>> -> memref<1x80xi32, #tpu.memory_space<vmem>>
      %dma_start3A_166 = tpu.memref_squeeze %dma_start3A_165 : memref<1x80xi32, #tpu.memory_space<vmem>> -> memref<80xi32, #tpu.memory_space<vmem>>
      %dma_start3A_167 = arith.constant 0 : i32
      %dma_start3A_168 = arith.constant 0 : i32
      %dma_start3A_169 = tpu.memref_slice %arg2[%dma_start3A_167, %dma_start3A_168] : memref<10000x128xf32, #tpu.memory_space<hbm>> -> memref<10000x128xf32, #tpu.memory_space<hbm>>
      tpu.enqueue_indirect_dma source(%dma_start3A_169 : memref<10000x128xf32, #tpu.memory_space<hbm>>) target(%arg12 : memref<80x128xf32, #tpu.memory_space<vmem>>) offsets(%dma_start3A_166 : memref<80xi32, #tpu.memory_space<vmem>>) semaphore(%arg16 : memref<!tpu.dma_semaphore, #tpu.memory_space<semaphore_mem>>)
      %dma_wait3A_170 = arith.constant 5 : i32
      %dma_wait3A_171 = arith.constant 0 : i32
      %dma_wait3A_172 = tpu.memref_slice %arg7[%dma_wait3A_170, %dma_wait3A_171] : memref<32x80xi32, #tpu.memory_space<vmem>> -> memref<1x80xi32, #tpu.memory_space<vmem>>
      %dma_wait3A_173 = tpu.memref_squeeze %dma_wait3A_172 : memref<1x80xi32, #tpu.memory_space<vmem>> -> memref<80xi32, #tpu.memory_space<vmem>>
      %dma_wait3A_174 = arith.constant 0 : i32
      %dma_wait3A_175 = arith.constant 0 : i32
      %dma_wait3A_176 = tpu.memref_slice %arg2[%dma_wait3A_174, %dma_wait3A_175] : memref<10000x128xf32, #tpu.memory_space<hbm>> -> memref<10000x128xf32, #tpu.memory_space<hbm>>
      tpu.wait_indirect_dma semaphore(%arg14 : memref<!tpu.dma_semaphore, #tpu.memory_space<semaphore_mem>>) src(%dma_wait3A_176 : memref<10000x128xf32, #tpu.memory_space<hbm>>) dst(%arg10 : memref<80x128xf32, #tpu.memory_space<vmem>>)
      %dma_start3A_177 = arith.constant 5 : i32
      %dma_start3A_178 = arith.constant 0 : i32
      %dma_start3A_179 = tpu.memref_slice %arg8[%dma_start3A_177, %dma_start3A_178] : memref<32x80xi32, #tpu.memory_space<vmem>> -> memref<1x80xi32, #tpu.memory_space<vmem>>
      %dma_start3A_180 = tpu.memref_squeeze %dma_start3A_179 : memref<1x80xi32, #tpu.memory_space<vmem>> -> memref<80xi32, #tpu.memory_space<vmem>>
      %dma_start3A_181 = arith.constant 0 : i32
      %dma_start3A_182 = arith.constant 0 : i32
      %dma_start3A_183 = tpu.memref_slice %arg21[%dma_start3A_181, %dma_start3A_182] : memref<10016x128xf32, #tpu.memory_space<vmem_shared>> -> memref<10016x128xf32, #tpu.memory_space<vmem_shared>>
      tpu.enqueue_indirect_dma source(%arg10 : memref<80x128xf32, #tpu.memory_space<vmem>>) target(%dma_start3A_183 : memref<10016x128xf32, #tpu.memory_space<vmem_shared>>) offsets(%dma_start3A_180 : memref<80xi32, #tpu.memory_space<vmem>>) semaphore(%arg18 : memref<!tpu.dma_semaphore, #tpu.memory_space<semaphore_mem>>) {add = true}
      %dma_wait3A_184 = arith.constant 4 : i32
      %dma_wait3A_185 = arith.constant 0 : i32
      %dma_wait3A_186 = tpu.memref_slice %arg8[%dma_wait3A_184, %dma_wait3A_185] : memref<32x80xi32, #tpu.memory_space<vmem>> -> memref<1x80xi32, #tpu.memory_space<vmem>>
      %dma_wait3A_187 = tpu.memref_squeeze %dma_wait3A_186 : memref<1x80xi32, #tpu.memory_space<vmem>> -> memref<80xi32, #tpu.memory_space<vmem>>
      %dma_wait3A_188 = arith.constant 0 : i32
      %dma_wait3A_189 = arith.constant 0 : i32
      %dma_wait3A_190 = tpu.memref_slice %arg21[%dma_wait3A_188, %dma_wait3A_189] : memref<10016x128xf32, #tpu.memory_space<vmem_shared>> -> memref<10016x128xf32, #tpu.memory_space<vmem_shared>>
      tpu.wait_indirect_dma semaphore(%arg17 : memref<!tpu.dma_semaphore, #tpu.memory_space<semaphore_mem>>) src(%arg9 : memref<80x128xf32, #tpu.memory_space<vmem>>) dst(%dma_wait3A_190 : memref<10016x128xf32, #tpu.memory_space<vmem_shared>>)
      %dma_start3A_191 = arith.constant 8 : i32
      %dma_start3A_192 = arith.constant 0 : i32
      %dma_start3A_193 = tpu.memref_slice %arg7[%dma_start3A_191, %dma_start3A_192] : memref<32x80xi32, #tpu.memory_space<vmem>> -> memref<1x80xi32, #tpu.memory_space<vmem>>
      %dma_start3A_194 = tpu.memref_squeeze %dma_start3A_193 : memref<1x80xi32, #tpu.memory_space<vmem>> -> memref<80xi32, #tpu.memory_space<vmem>>
      %dma_start3A_195 = arith.constant 0 : i32
      %dma_start3A_196 = arith.constant 0 : i32
      %dma_start3A_197 = tpu.memref_slice %arg2[%dma_start3A_195, %dma_start3A_196] : memref<10000x128xf32, #tpu.memory_space<hbm>> -> memref<10000x128xf32, #tpu.memory_space<hbm>>
      tpu.enqueue_indirect_dma source(%dma_start3A_197 : memref<10000x128xf32, #tpu.memory_space<hbm>>) target(%arg9 : memref<80x128xf32, #tpu.memory_space<vmem>>) offsets(%dma_start3A_194 : memref<80xi32, #tpu.memory_space<vmem>>) semaphore(%arg13 : memref<!tpu.dma_semaphore, #tpu.memory_space<semaphore_mem>>)
      %dma_wait3A_198 = arith.constant 6 : i32
      %dma_wait3A_199 = arith.constant 0 : i32
      %dma_wait3A_200 = tpu.memref_slice %arg7[%dma_wait3A_198, %dma_wait3A_199] : memref<32x80xi32, #tpu.memory_space<vmem>> -> memref<1x80xi32, #tpu.memory_space<vmem>>
      %dma_wait3A_201 = tpu.memref_squeeze %dma_wait3A_200 : memref<1x80xi32, #tpu.memory_space<vmem>> -> memref<80xi32, #tpu.memory_space<vmem>>
      %dma_wait3A_202 = arith.constant 0 : i32
      %dma_wait3A_203 = arith.constant 0 : i32
      %dma_wait3A_204 = tpu.memref_slice %arg2[%dma_wait3A_202, %dma_wait3A_203] : memref<10000x128xf32, #tpu.memory_space<hbm>> -> memref<10000x128xf32, #tpu.memory_space<hbm>>
      tpu.wait_indirect_dma semaphore(%arg15 : memref<!tpu.dma_semaphore, #tpu.memory_space<semaphore_mem>>) src(%dma_wait3A_204 : memref<10000x128xf32, #tpu.memory_space<hbm>>) dst(%arg11 : memref<80x128xf32, #tpu.memory_space<vmem>>)
      %dma_start3A_205 = arith.constant 6 : i32
      %dma_start3A_206 = arith.constant 0 : i32
      %dma_start3A_207 = tpu.memref_slice %arg8[%dma_start3A_205, %dma_start3A_206] : memref<32x80xi32, #tpu.memory_space<vmem>> -> memref<1x80xi32, #tpu.memory_space<vmem>>
      %dma_start3A_208 = tpu.memref_squeeze %dma_start3A_207 : memref<1x80xi32, #tpu.memory_space<vmem>> -> memref<80xi32, #tpu.memory_space<vmem>>
      %dma_start3A_209 = arith.constant 0 : i32
      %dma_start3A_210 = arith.constant 0 : i32
      %dma_start3A_211 = tpu.memref_slice %arg21[%dma_start3A_209, %dma_start3A_210] : memref<10016x128xf32, #tpu.memory_space<vmem_shared>> -> memref<10016x128xf32, #tpu.memory_space<vmem_shared>>
      tpu.enqueue_indirect_dma source(%arg11 : memref<80x128xf32, #tpu.memory_space<vmem>>) target(%dma_start3A_211 : memref<10016x128xf32, #tpu.memory_space<vmem_shared>>) offsets(%dma_start3A_208 : memref<80xi32, #tpu.memory_space<vmem>>) semaphore(%arg19 : memref<!tpu.dma_semaphore, #tpu.memory_space<semaphore_mem>>) {add = true}
      %dma_wait3A_212 = arith.constant 5 : i32
      %dma_wait3A_213 = arith.constant 0 : i32
      %dma_wait3A_214 = tpu.memref_slice %arg8[%dma_wait3A_212, %dma_wait3A_213] : memref<32x80xi32, #tpu.memory_space<vmem>> -> memref<1x80xi32, #tpu.memory_space<vmem>>
      %dma_wait3A_215 = tpu.memref_squeeze %dma_wait3A_214 : memref<1x80xi32, #tpu.memory_space<vmem>> -> memref<80xi32, #tpu.memory_space<vmem>>
      %dma_wait3A_216 = arith.constant 0 : i32
      %dma_wait3A_217 = arith.constant 0 : i32
      %dma_wait3A_218 = tpu.memref_slice %arg21[%dma_wait3A_216, %dma_wait3A_217] : memref<10016x128xf32, #tpu.memory_space<vmem_shared>> -> memref<10016x128xf32, #tpu.memory_space<vmem_shared>>
      tpu.wait_indirect_dma semaphore(%arg18 : memref<!tpu.dma_semaphore, #tpu.memory_space<semaphore_mem>>) src(%arg10 : memref<80x128xf32, #tpu.memory_space<vmem>>) dst(%dma_wait3A_218 : memref<10016x128xf32, #tpu.memory_space<vmem_shared>>)
      %dma_start3A_219 = arith.constant 9 : i32
      %dma_start3A_220 = arith.constant 0 : i32
      %dma_start3A_221 = tpu.memref_slice %arg7[%dma_start3A_219, %dma_start3A_220] : memref<32x80xi32, #tpu.memory_space<vmem>> -> memref<1x80xi32, #tpu.memory_space<vmem>>
      %dma_start3A_222 = tpu.memref_squeeze %dma_start3A_221 : memref<1x80xi32, #tpu.memory_space<vmem>> -> memref<80xi32, #tpu.memory_space<vmem>>
      %dma_start3A_223 = arith.constant 0 : i32
      %dma_start3A_224 = arith.constant 0 : i32
      %dma_start3A_225 = tpu.memref_slice %arg2[%dma_start3A_223, %dma_start3A_224] : memref<10000x128xf32, #tpu.memory_space<hbm>> -> memref<10000x128xf32, #tpu.memory_space<hbm>>
      tpu.enqueue_indirect_dma source(%dma_start3A_225 : memref<10000x128xf32, #tpu.memory_space<hbm>>) target(%arg10 : memref<80x128xf32, #tpu.memory_space<vmem>>) offsets(%dma_start3A_222 : memref<80xi32, #tpu.memory_space<vmem>>) semaphore(%arg14 : memref<!tpu.dma_semaphore, #tpu.memory_space<semaphore_mem>>)
      %dma_wait3A_226 = arith.constant 7 : i32
      %dma_wait3A_227 = arith.constant 0 : i32
      %dma_wait3A_228 = tpu.memref_slice %arg7[%dma_wait3A_226, %dma_wait3A_227] : memref<32x80xi32, #tpu.memory_space<vmem>> -> memref<1x80xi32, #tpu.memory_space<vmem>>
      %dma_wait3A_229 = tpu.memref_squeeze %dma_wait3A_228 : memref<1x80xi32, #tpu.memory_space<vmem>> -> memref<80xi32, #tpu.memory_space<vmem>>
      %dma_wait3A_230 = arith.constant 0 : i32
      %dma_wait3A_231 = arith.constant 0 : i32
      %dma_wait3A_232 = tpu.memref_slice %arg2[%dma_wait3A_230, %dma_wait3A_231] : memref<10000x128xf32, #tpu.memory_space<hbm>> -> memref<10000x128xf32, #tpu.memory_space<hbm>>
      tpu.wait_indirect_dma semaphore(%arg16 : memref<!tpu.dma_semaphore, #tpu.memory_space<semaphore_mem>>) src(%dma_wait3A_232 : memref<10000x128xf32, #tpu.memory_space<hbm>>) dst(%arg12 : memref<80x128xf32, #tpu.memory_space<vmem>>)
      %dma_start3A_233 = arith.constant 7 : i32
      %dma_start3A_234 = arith.constant 0 : i32
      %dma_start3A_235 = tpu.memref_slice %arg8[%dma_start3A_233, %dma_start3A_234] : memref<32x80xi32, #tpu.memory_space<vmem>> -> memref<1x80xi32, #tpu.memory_space<vmem>>
      %dma_start3A_236 = tpu.memref_squeeze %dma_start3A_235 : memref<1x80xi32, #tpu.memory_space<vmem>> -> memref<80xi32, #tpu.memory_space<vmem>>
      %dma_start3A_237 = arith.constant 0 : i32
      %dma_start3A_238 = arith.constant 0 : i32
      %dma_start3A_239 = tpu.memref_slice %arg21[%dma_start3A_237, %dma_start3A_238] : memref<10016x128xf32, #tpu.memory_space<vmem_shared>> -> memref<10016x128xf32, #tpu.memory_space<vmem_shared>>
      tpu.enqueue_indirect_dma source(%arg12 : memref<80x128xf32, #tpu.memory_space<vmem>>) target(%dma_start3A_239 : memref<10016x128xf32, #tpu.memory_space<vmem_shared>>) offsets(%dma_start3A_236 : memref<80xi32, #tpu.memory_space<vmem>>) semaphore(%arg20 : memref<!tpu.dma_semaphore, #tpu.memory_space<semaphore_mem>>) {add = true}
      %dma_wait3A_240 = arith.constant 6 : i32
      %dma_wait3A_241 = arith.constant 0 : i32
      %dma_wait3A_242 = tpu.memref_slice %arg8[%dma_wait3A_240, %dma_wait3A_241] : memref<32x80xi32, #tpu.memory_space<vmem>> -> memref<1x80xi32, #tpu.memory_space<vmem>>
      %dma_wait3A_243 = tpu.memref_squeeze %dma_wait3A_242 : memref<1x80xi32, #tpu.memory_space<vmem>> -> memref<80xi32, #tpu.memory_space<vmem>>
      %dma_wait3A_244 = arith.constant 0 : i32
      %dma_wait3A_245 = arith.constant 0 : i32
      %dma_wait3A_246 = tpu.memref_slice %arg21[%dma_wait3A_244, %dma_wait3A_245] : memref<10016x128xf32, #tpu.memory_space<vmem_shared>> -> memref<10016x128xf32, #tpu.memory_space<vmem_shared>>
      tpu.wait_indirect_dma semaphore(%arg19 : memref<!tpu.dma_semaphore, #tpu.memory_space<semaphore_mem>>) src(%arg11 : memref<80x128xf32, #tpu.memory_space<vmem>>) dst(%dma_wait3A_246 : memref<10016x128xf32, #tpu.memory_space<vmem_shared>>)
      %dma_start3A_247 = arith.constant 10 : i32
      %dma_start3A_248 = arith.constant 0 : i32
      %dma_start3A_249 = tpu.memref_slice %arg7[%dma_start3A_247, %dma_start3A_248] : memref<32x80xi32, #tpu.memory_space<vmem>> -> memref<1x80xi32, #tpu.memory_space<vmem>>
      %dma_start3A_250 = tpu.memref_squeeze %dma_start3A_249 : memref<1x80xi32, #tpu.memory_space<vmem>> -> memref<80xi32, #tpu.memory_space<vmem>>
      %dma_start3A_251 = arith.constant 0 : i32
      %dma_start3A_252 = arith.constant 0 : i32
      %dma_start3A_253 = tpu.memref_slice %arg2[%dma_start3A_251, %dma_start3A_252] : memref<10000x128xf32, #tpu.memory_space<hbm>> -> memref<10000x128xf32, #tpu.memory_space<hbm>>
      tpu.enqueue_indirect_dma source(%dma_start3A_253 : memref<10000x128xf32, #tpu.memory_space<hbm>>) target(%arg11 : memref<80x128xf32, #tpu.memory_space<vmem>>) offsets(%dma_start3A_250 : memref<80xi32, #tpu.memory_space<vmem>>) semaphore(%arg15 : memref<!tpu.dma_semaphore, #tpu.memory_space<semaphore_mem>>)
      %dma_wait3A_254 = arith.constant 8 : i32
      %dma_wait3A_255 = arith.constant 0 : i32
      %dma_wait3A_256 = tpu.memref_slice %arg7[%dma_wait3A_254, %dma_wait3A_255] : memref<32x80xi32, #tpu.memory_space<vmem>> -> memref<1x80xi32, #tpu.memory_space<vmem>>
      %dma_wait3A_257 = tpu.memref_squeeze %dma_wait3A_256 : memref<1x80xi32, #tpu.memory_space<vmem>> -> memref<80xi32, #tpu.memory_space<vmem>>
      %dma_wait3A_258 = arith.constant 0 : i32
      %dma_wait3A_259 = arith.constant 0 : i32
      %dma_wait3A_260 = tpu.memref_slice %arg2[%dma_wait3A_258, %dma_wait3A_259] : memref<10000x128xf32, #tpu.memory_space<hbm>> -> memref<10000x128xf32, #tpu.memory_space<hbm>>
      tpu.wait_indirect_dma semaphore(%arg13 : memref<!tpu.dma_semaphore, #tpu.memory_space<semaphore_mem>>) src(%dma_wait3A_260 : memref<10000x128xf32, #tpu.memory_space<hbm>>) dst(%arg9 : memref<80x128xf32, #tpu.memory_space<vmem>>)
      %dma_start3A_261 = arith.constant 8 : i32
      %dma_start3A_262 = arith.constant 0 : i32
      %dma_start3A_263 = tpu.memref_slice %arg8[%dma_start3A_261, %dma_start3A_262] : memref<32x80xi32, #tpu.memory_space<vmem>> -> memref<1x80xi32, #tpu.memory_space<vmem>>
      %dma_start3A_264 = tpu.memref_squeeze %dma_start3A_263 : memref<1x80xi32, #tpu.memory_space<vmem>> -> memref<80xi32, #tpu.memory_space<vmem>>
      %dma_start3A_265 = arith.constant 0 : i32
      %dma_start3A_266 = arith.constant 0 : i32
      %dma_start3A_267 = tpu.memref_slice %arg21[%dma_start3A_265, %dma_start3A_266] : memref<10016x128xf32, #tpu.memory_space<vmem_shared>> -> memref<10016x128xf32, #tpu.memory_space<vmem_shared>>
      tpu.enqueue_indirect_dma source(%arg9 : memref<80x128xf32, #tpu.memory_space<vmem>>) target(%dma_start3A_267 : memref<10016x128xf32, #tpu.memory_space<vmem_shared>>) offsets(%dma_start3A_264 : memref<80xi32, #tpu.memory_space<vmem>>) semaphore(%arg17 : memref<!tpu.dma_semaphore, #tpu.memory_space<semaphore_mem>>) {add = true}
      %dma_wait3A_268 = arith.constant 7 : i32
      %dma_wait3A_269 = arith.constant 0 : i32
      %dma_wait3A_270 = tpu.memref_slice %arg8[%dma_wait3A_268, %dma_wait3A_269] : memref<32x80xi32, #tpu.memory_space<vmem>> -> memref<1x80xi32, #tpu.memory_space<vmem>>
      %dma_wait3A_271 = tpu.memref_squeeze %dma_wait3A_270 : memref<1x80xi32, #tpu.memory_space<vmem>> -> memref<80xi32, #tpu.memory_space<vmem>>
      %dma_wait3A_272 = arith.constant 0 : i32
      %dma_wait3A_273 = arith.constant 0 : i32
      %dma_wait3A_274 = tpu.memref_slice %arg21[%dma_wait3A_272, %dma_wait3A_273] : memref<10016x128xf32, #tpu.memory_space<vmem_shared>> -> memref<10016x128xf32, #tpu.memory_space<vmem_shared>>
      tpu.wait_indirect_dma semaphore(%arg20 : memref<!tpu.dma_semaphore, #tpu.memory_space<semaphore_mem>>) src(%arg12 : memref<80x128xf32, #tpu.memory_space<vmem>>) dst(%dma_wait3A_274 : memref<10016x128xf32, #tpu.memory_space<vmem_shared>>)
      %dma_start3A_275 = arith.constant 11 : i32
      %dma_start3A_276 = arith.constant 0 : i32
      %dma_start3A_277 = tpu.memref_slice %arg7[%dma_start3A_275, %dma_start3A_276] : memref<32x80xi32, #tpu.memory_space<vmem>> -> memref<1x80xi32, #tpu.memory_space<vmem>>
      %dma_start3A_278 = tpu.memref_squeeze %dma_start3A_277 : memref<1x80xi32, #tpu.memory_space<vmem>> -> memref<80xi32, #tpu.memory_space<vmem>>
      %dma_start3A_279 = arith.constant 0 : i32
      %dma_start3A_280 = arith.constant 0 : i32
      %dma_start3A_281 = tpu.memref_slice %arg2[%dma_start3A_279, %dma_start3A_280] : memref<10000x128xf32, #tpu.memory_space<hbm>> -> memref<10000x128xf32, #tpu.memory_space<hbm>>
      tpu.enqueue_indirect_dma source(%dma_start3A_281 : memref<10000x128xf32, #tpu.memory_space<hbm>>) target(%arg12 : memref<80x128xf32, #tpu.memory_space<vmem>>) offsets(%dma_start3A_278 : memref<80xi32, #tpu.memory_space<vmem>>) semaphore(%arg16 : memref<!tpu.dma_semaphore, #tpu.memory_space<semaphore_mem>>)
      %dma_wait3A_282 = arith.constant 9 : i32
      %dma_wait3A_283 = arith.constant 0 : i32
      %dma_wait3A_284 = tpu.memref_slice %arg7[%dma_wait3A_282, %dma_wait3A_283] : memref<32x80xi32, #tpu.memory_space<vmem>> -> memref<1x80xi32, #tpu.memory_space<vmem>>
      %dma_wait3A_285 = tpu.memref_squeeze %dma_wait3A_284 : memref<1x80xi32, #tpu.memory_space<vmem>> -> memref<80xi32, #tpu.memory_space<vmem>>
      %dma_wait3A_286 = arith.constant 0 : i32
      %dma_wait3A_287 = arith.constant 0 : i32
      %dma_wait3A_288 = tpu.memref_slice %arg2[%dma_wait3A_286, %dma_wait3A_287] : memref<10000x128xf32, #tpu.memory_space<hbm>> -> memref<10000x128xf32, #tpu.memory_space<hbm>>
      tpu.wait_indirect_dma semaphore(%arg14 : memref<!tpu.dma_semaphore, #tpu.memory_space<semaphore_mem>>) src(%dma_wait3A_288 : memref<10000x128xf32, #tpu.memory_space<hbm>>) dst(%arg10 : memref<80x128xf32, #tpu.memory_space<vmem>>)
      %dma_start3A_289 = arith.constant 9 : i32
      %dma_start3A_290 = arith.constant 0 : i32
      %dma_start3A_291 = tpu.memref_slice %arg8[%dma_start3A_289, %dma_start3A_290] : memref<32x80xi32, #tpu.memory_space<vmem>> -> memref<1x80xi32, #tpu.memory_space<vmem>>
      %dma_start3A_292 = tpu.memref_squeeze %dma_start3A_291 : memref<1x80xi32, #tpu.memory_space<vmem>> -> memref<80xi32, #tpu.memory_space<vmem>>
      %dma_start3A_293 = arith.constant 0 : i32
      %dma_start3A_294 = arith.constant 0 : i32
      %dma_start3A_295 = tpu.memref_slice %arg21[%dma_start3A_293, %dma_start3A_294] : memref<10016x128xf32, #tpu.memory_space<vmem_shared>> -> memref<10016x128xf32, #tpu.memory_space<vmem_shared>>
      tpu.enqueue_indirect_dma source(%arg10 : memref<80x128xf32, #tpu.memory_space<vmem>>) target(%dma_start3A_295 : memref<10016x128xf32, #tpu.memory_space<vmem_shared>>) offsets(%dma_start3A_292 : memref<80xi32, #tpu.memory_space<vmem>>) semaphore(%arg18 : memref<!tpu.dma_semaphore, #tpu.memory_space<semaphore_mem>>) {add = true}
      %dma_wait3A_296 = arith.constant 8 : i32
      %dma_wait3A_297 = arith.constant 0 : i32
      %dma_wait3A_298 = tpu.memref_slice %arg8[%dma_wait3A_296, %dma_wait3A_297] : memref<32x80xi32, #tpu.memory_space<vmem>> -> memref<1x80xi32, #tpu.memory_space<vmem>>
      %dma_wait3A_299 = tpu.memref_squeeze %dma_wait3A_298 : memref<1x80xi32, #tpu.memory_space<vmem>> -> memref<80xi32, #tpu.memory_space<vmem>>
      %dma_wait3A_300 = arith.constant 0 : i32
      %dma_wait3A_301 = arith.constant 0 : i32
      %dma_wait3A_302 = tpu.memref_slice %arg21[%dma_wait3A_300, %dma_wait3A_301] : memref<10016x128xf32, #tpu.memory_space<vmem_shared>> -> memref<10016x128xf32, #tpu.memory_space<vmem_shared>>
      tpu.wait_indirect_dma semaphore(%arg17 : memref<!tpu.dma_semaphore, #tpu.memory_space<semaphore_mem>>) src(%arg9 : memref<80x128xf32, #tpu.memory_space<vmem>>) dst(%dma_wait3A_302 : memref<10016x128xf32, #tpu.memory_space<vmem_shared>>)
      %dma_start3A_303 = arith.constant 12 : i32
      %dma_start3A_304 = arith.constant 0 : i32
      %dma_start3A_305 = tpu.memref_slice %arg7[%dma_start3A_303, %dma_start3A_304] : memref<32x80xi32, #tpu.memory_space<vmem>> -> memref<1x80xi32, #tpu.memory_space<vmem>>
      %dma_start3A_306 = tpu.memref_squeeze %dma_start3A_305 : memref<1x80xi32, #tpu.memory_space<vmem>> -> memref<80xi32, #tpu.memory_space<vmem>>
      %dma_start3A_307 = arith.constant 0 : i32
      %dma_start3A_308 = arith.constant 0 : i32
      %dma_start3A_309 = tpu.memref_slice %arg2[%dma_start3A_307, %dma_start3A_308] : memref<10000x128xf32, #tpu.memory_space<hbm>> -> memref<10000x128xf32, #tpu.memory_space<hbm>>
      tpu.enqueue_indirect_dma source(%dma_start3A_309 : memref<10000x128xf32, #tpu.memory_space<hbm>>) target(%arg9 : memref<80x128xf32, #tpu.memory_space<vmem>>) offsets(%dma_start3A_306 : memref<80xi32, #tpu.memory_space<vmem>>) semaphore(%arg13 : memref<!tpu.dma_semaphore, #tpu.memory_space<semaphore_mem>>)
      %dma_wait3A_310 = arith.constant 10 : i32
      %dma_wait3A_311 = arith.constant 0 : i32
      %dma_wait3A_312 = tpu.memref_slice %arg7[%dma_wait3A_310, %dma_wait3A_311] : memref<32x80xi32, #tpu.memory_space<vmem>> -> memref<1x80xi32, #tpu.memory_space<vmem>>
      %dma_wait3A_313 = tpu.memref_squeeze %dma_wait3A_312 : memref<1x80xi32, #tpu.memory_space<vmem>> -> memref<80xi32, #tpu.memory_space<vmem>>
      %dma_wait3A_314 = arith.constant 0 : i32
      %dma_wait3A_315 = arith.constant 0 : i32
      %dma_wait3A_316 = tpu.memref_slice %arg2[%dma_wait3A_314, %dma_wait3A_315] : memref<10000x128xf32, #tpu.memory_space<hbm>> -> memref<10000x128xf32, #tpu.memory_space<hbm>>
      tpu.wait_indirect_dma semaphore(%arg15 : memref<!tpu.dma_semaphore, #tpu.memory_space<semaphore_mem>>) src(%dma_wait3A_316 : memref<10000x128xf32, #tpu.memory_space<hbm>>) dst(%arg11 : memref<80x128xf32, #tpu.memory_space<vmem>>)
      %dma_start3A_317 = arith.constant 10 : i32
      %dma_start3A_318 = arith.constant 0 : i32
      %dma_start3A_319 = tpu.memref_slice %arg8[%dma_start3A_317, %dma_start3A_318] : memref<32x80xi32, #tpu.memory_space<vmem>> -> memref<1x80xi32, #tpu.memory_space<vmem>>
      %dma_start3A_320 = tpu.memref_squeeze %dma_start3A_319 : memref<1x80xi32, #tpu.memory_space<vmem>> -> memref<80xi32, #tpu.memory_space<vmem>>
      %dma_start3A_321 = arith.constant 0 : i32
      %dma_start3A_322 = arith.constant 0 : i32
      %dma_start3A_323 = tpu.memref_slice %arg21[%dma_start3A_321, %dma_start3A_322] : memref<10016x128xf32, #tpu.memory_space<vmem_shared>> -> memref<10016x128xf32, #tpu.memory_space<vmem_shared>>
      tpu.enqueue_indirect_dma source(%arg11 : memref<80x128xf32, #tpu.memory_space<vmem>>) target(%dma_start3A_323 : memref<10016x128xf32, #tpu.memory_space<vmem_shared>>) offsets(%dma_start3A_320 : memref<80xi32, #tpu.memory_space<vmem>>) semaphore(%arg19 : memref<!tpu.dma_semaphore, #tpu.memory_space<semaphore_mem>>) {add = true}
      %dma_wait3A_324 = arith.constant 9 : i32
      %dma_wait3A_325 = arith.constant 0 : i32
      %dma_wait3A_326 = tpu.memref_slice %arg8[%dma_wait3A_324, %dma_wait3A_325] : memref<32x80xi32, #tpu.memory_space<vmem>> -> memref<1x80xi32, #tpu.memory_space<vmem>>
      %dma_wait3A_327 = tpu.memref_squeeze %dma_wait3A_326 : memref<1x80xi32, #tpu.memory_space<vmem>> -> memref<80xi32, #tpu.memory_space<vmem>>
      %dma_wait3A_328 = arith.constant 0 : i32
      %dma_wait3A_329 = arith.constant 0 : i32
      %dma_wait3A_330 = tpu.memref_slice %arg21[%dma_wait3A_328, %dma_wait3A_329] : memref<10016x128xf32, #tpu.memory_space<vmem_shared>> -> memref<10016x128xf32, #tpu.memory_space<vmem_shared>>
      tpu.wait_indirect_dma semaphore(%arg18 : memref<!tpu.dma_semaphore, #tpu.memory_space<semaphore_mem>>) src(%arg10 : memref<80x128xf32, #tpu.memory_space<vmem>>) dst(%dma_wait3A_330 : memref<10016x128xf32, #tpu.memory_space<vmem_shared>>)
      %dma_start3A_331 = arith.constant 13 : i32
      %dma_start3A_332 = arith.constant 0 : i32
      %dma_start3A_333 = tpu.memref_slice %arg7[%dma_start3A_331, %dma_start3A_332] : memref<32x80xi32, #tpu.memory_space<vmem>> -> memref<1x80xi32, #tpu.memory_space<vmem>>
      %dma_start3A_334 = tpu.memref_squeeze %dma_start3A_333 : memref<1x80xi32, #tpu.memory_space<vmem>> -> memref<80xi32, #tpu.memory_space<vmem>>
      %dma_start3A_335 = arith.constant 0 : i32
      %dma_start3A_336 = arith.constant 0 : i32
      %dma_start3A_337 = tpu.memref_slice %arg2[%dma_start3A_335, %dma_start3A_336] : memref<10000x128xf32, #tpu.memory_space<hbm>> -> memref<10000x128xf32, #tpu.memory_space<hbm>>
      tpu.enqueue_indirect_dma source(%dma_start3A_337 : memref<10000x128xf32, #tpu.memory_space<hbm>>) target(%arg10 : memref<80x128xf32, #tpu.memory_space<vmem>>) offsets(%dma_start3A_334 : memref<80xi32, #tpu.memory_space<vmem>>) semaphore(%arg14 : memref<!tpu.dma_semaphore, #tpu.memory_space<semaphore_mem>>)
      %dma_wait3A_338 = arith.constant 11 : i32
      %dma_wait3A_339 = arith.constant 0 : i32
      %dma_wait3A_340 = tpu.memref_slice %arg7[%dma_wait3A_338, %dma_wait3A_339] : memref<32x80xi32, #tpu.memory_space<vmem>> -> memref<1x80xi32, #tpu.memory_space<vmem>>
      %dma_wait3A_341 = tpu.memref_squeeze %dma_wait3A_340 : memref<1x80xi32, #tpu.memory_space<vmem>> -> memref<80xi32, #tpu.memory_space<vmem>>
      %dma_wait3A_342 = arith.constant 0 : i32
      %dma_wait3A_343 = arith.constant 0 : i32
      %dma_wait3A_344 = tpu.memref_slice %arg2[%dma_wait3A_342, %dma_wait3A_343] : memref<10000x128xf32, #tpu.memory_space<hbm>> -> memref<10000x128xf32, #tpu.memory_space<hbm>>
      tpu.wait_indirect_dma semaphore(%arg16 : memref<!tpu.dma_semaphore, #tpu.memory_space<semaphore_mem>>) src(%dma_wait3A_344 : memref<10000x128xf32, #tpu.memory_space<hbm>>) dst(%arg12 : memref<80x128xf32, #tpu.memory_space<vmem>>)
      %dma_start3A_345 = arith.constant 11 : i32
      %dma_start3A_346 = arith.constant 0 : i32
      %dma_start3A_347 = tpu.memref_slice %arg8[%dma_start3A_345, %dma_start3A_346] : memref<32x80xi32, #tpu.memory_space<vmem>> -> memref<1x80xi32, #tpu.memory_space<vmem>>
      %dma_start3A_348 = tpu.memref_squeeze %dma_start3A_347 : memref<1x80xi32, #tpu.memory_space<vmem>> -> memref<80xi32, #tpu.memory_space<vmem>>
      %dma_start3A_349 = arith.constant 0 : i32
      %dma_start3A_350 = arith.constant 0 : i32
      %dma_start3A_351 = tpu.memref_slice %arg21[%dma_start3A_349, %dma_start3A_350] : memref<10016x128xf32, #tpu.memory_space<vmem_shared>> -> memref<10016x128xf32, #tpu.memory_space<vmem_shared>>
      tpu.enqueue_indirect_dma source(%arg12 : memref<80x128xf32, #tpu.memory_space<vmem>>) target(%dma_start3A_351 : memref<10016x128xf32, #tpu.memory_space<vmem_shared>>) offsets(%dma_start3A_348 : memref<80xi32, #tpu.memory_space<vmem>>) semaphore(%arg20 : memref<!tpu.dma_semaphore, #tpu.memory_space<semaphore_mem>>) {add = true}
      %dma_wait3A_352 = arith.constant 10 : i32
      %dma_wait3A_353 = arith.constant 0 : i32
      %dma_wait3A_354 = tpu.memref_slice %arg8[%dma_wait3A_352, %dma_wait3A_353] : memref<32x80xi32, #tpu.memory_space<vmem>> -> memref<1x80xi32, #tpu.memory_space<vmem>>
      %dma_wait3A_355 = tpu.memref_squeeze %dma_wait3A_354 : memref<1x80xi32, #tpu.memory_space<vmem>> -> memref<80xi32, #tpu.memory_space<vmem>>
      %dma_wait3A_356 = arith.constant 0 : i32
      %dma_wait3A_357 = arith.constant 0 : i32
      %dma_wait3A_358 = tpu.memref_slice %arg21[%dma_wait3A_356, %dma_wait3A_357] : memref<10016x128xf32, #tpu.memory_space<vmem_shared>> -> memref<10016x128xf32, #tpu.memory_space<vmem_shared>>
      tpu.wait_indirect_dma semaphore(%arg19 : memref<!tpu.dma_semaphore, #tpu.memory_space<semaphore_mem>>) src(%arg11 : memref<80x128xf32, #tpu.memory_space<vmem>>) dst(%dma_wait3A_358 : memref<10016x128xf32, #tpu.memory_space<vmem_shared>>)
      %dma_start3A_359 = arith.constant 14 : i32
      %dma_start3A_360 = arith.constant 0 : i32
      %dma_start3A_361 = tpu.memref_slice %arg7[%dma_start3A_359, %dma_start3A_360] : memref<32x80xi32, #tpu.memory_space<vmem>> -> memref<1x80xi32, #tpu.memory_space<vmem>>
      %dma_start3A_362 = tpu.memref_squeeze %dma_start3A_361 : memref<1x80xi32, #tpu.memory_space<vmem>> -> memref<80xi32, #tpu.memory_space<vmem>>
      %dma_start3A_363 = arith.constant 0 : i32
      %dma_start3A_364 = arith.constant 0 : i32
      %dma_start3A_365 = tpu.memref_slice %arg2[%dma_start3A_363, %dma_start3A_364] : memref<10000x128xf32, #tpu.memory_space<hbm>> -> memref<10000x128xf32, #tpu.memory_space<hbm>>
      tpu.enqueue_indirect_dma source(%dma_start3A_365 : memref<10000x128xf32, #tpu.memory_space<hbm>>) target(%arg11 : memref<80x128xf32, #tpu.memory_space<vmem>>) offsets(%dma_start3A_362 : memref<80xi32, #tpu.memory_space<vmem>>) semaphore(%arg15 : memref<!tpu.dma_semaphore, #tpu.memory_space<semaphore_mem>>)
      %dma_wait3A_366 = arith.constant 12 : i32
      %dma_wait3A_367 = arith.constant 0 : i32
      %dma_wait3A_368 = tpu.memref_slice %arg7[%dma_wait3A_366, %dma_wait3A_367] : memref<32x80xi32, #tpu.memory_space<vmem>> -> memref<1x80xi32, #tpu.memory_space<vmem>>
      %dma_wait3A_369 = tpu.memref_squeeze %dma_wait3A_368 : memref<1x80xi32, #tpu.memory_space<vmem>> -> memref<80xi32, #tpu.memory_space<vmem>>
      %dma_wait3A_370 = arith.constant 0 : i32
      %dma_wait3A_371 = arith.constant 0 : i32
      %dma_wait3A_372 = tpu.memref_slice %arg2[%dma_wait3A_370, %dma_wait3A_371] : memref<10000x128xf32, #tpu.memory_space<hbm>> -> memref<10000x128xf32, #tpu.memory_space<hbm>>
      tpu.wait_indirect_dma semaphore(%arg13 : memref<!tpu.dma_semaphore, #tpu.memory_space<semaphore_mem>>) src(%dma_wait3A_372 : memref<10000x128xf32, #tpu.memory_space<hbm>>) dst(%arg9 : memref<80x128xf32, #tpu.memory_space<vmem>>)
      %dma_start3A_373 = arith.constant 12 : i32
      %dma_start3A_374 = arith.constant 0 : i32
      %dma_start3A_375 = tpu.memref_slice %arg8[%dma_start3A_373, %dma_start3A_374] : memref<32x80xi32, #tpu.memory_space<vmem>> -> memref<1x80xi32, #tpu.memory_space<vmem>>
      %dma_start3A_376 = tpu.memref_squeeze %dma_start3A_375 : memref<1x80xi32, #tpu.memory_space<vmem>> -> memref<80xi32, #tpu.memory_space<vmem>>
      %dma_start3A_377 = arith.constant 0 : i32
      %dma_start3A_378 = arith.constant 0 : i32
      %dma_start3A_379 = tpu.memref_slice %arg21[%dma_start3A_377, %dma_start3A_378] : memref<10016x128xf32, #tpu.memory_space<vmem_shared>> -> memref<10016x128xf32, #tpu.memory_space<vmem_shared>>
      tpu.enqueue_indirect_dma source(%arg9 : memref<80x128xf32, #tpu.memory_space<vmem>>) target(%dma_start3A_379 : memref<10016x128xf32, #tpu.memory_space<vmem_shared>>) offsets(%dma_start3A_376 : memref<80xi32, #tpu.memory_space<vmem>>) semaphore(%arg17 : memref<!tpu.dma_semaphore, #tpu.memory_space<semaphore_mem>>) {add = true}
      %dma_wait3A_380 = arith.constant 11 : i32
      %dma_wait3A_381 = arith.constant 0 : i32
      %dma_wait3A_382 = tpu.memref_slice %arg8[%dma_wait3A_380, %dma_wait3A_381] : memref<32x80xi32, #tpu.memory_space<vmem>> -> memref<1x80xi32, #tpu.memory_space<vmem>>
      %dma_wait3A_383 = tpu.memref_squeeze %dma_wait3A_382 : memref<1x80xi32, #tpu.memory_space<vmem>> -> memref<80xi32, #tpu.memory_space<vmem>>
      %dma_wait3A_384 = arith.constant 0 : i32
      %dma_wait3A_385 = arith.constant 0 : i32
      %dma_wait3A_386 = tpu.memref_slice %arg21[%dma_wait3A_384, %dma_wait3A_385] : memref<10016x128xf32, #tpu.memory_space<vmem_shared>> -> memref<10016x128xf32, #tpu.memory_space<vmem_shared>>
      tpu.wait_indirect_dma semaphore(%arg20 : memref<!tpu.dma_semaphore, #tpu.memory_space<semaphore_mem>>) src(%arg12 : memref<80x128xf32, #tpu.memory_space<vmem>>) dst(%dma_wait3A_386 : memref<10016x128xf32, #tpu.memory_space<vmem_shared>>)
      %dma_start3A_387 = arith.constant 15 : i32
      %dma_start3A_388 = arith.constant 0 : i32
      %dma_start3A_389 = tpu.memref_slice %arg7[%dma_start3A_387, %dma_start3A_388] : memref<32x80xi32, #tpu.memory_space<vmem>> -> memref<1x80xi32, #tpu.memory_space<vmem>>
      %dma_start3A_390 = tpu.memref_squeeze %dma_start3A_389 : memref<1x80xi32, #tpu.memory_space<vmem>> -> memref<80xi32, #tpu.memory_space<vmem>>
      %dma_start3A_391 = arith.constant 0 : i32
      %dma_start3A_392 = arith.constant 0 : i32
      %dma_start3A_393 = tpu.memref_slice %arg2[%dma_start3A_391, %dma_start3A_392] : memref<10000x128xf32, #tpu.memory_space<hbm>> -> memref<10000x128xf32, #tpu.memory_space<hbm>>
      tpu.enqueue_indirect_dma source(%dma_start3A_393 : memref<10000x128xf32, #tpu.memory_space<hbm>>) target(%arg12 : memref<80x128xf32, #tpu.memory_space<vmem>>) offsets(%dma_start3A_390 : memref<80xi32, #tpu.memory_space<vmem>>) semaphore(%arg16 : memref<!tpu.dma_semaphore, #tpu.memory_space<semaphore_mem>>)
      %dma_wait3A_394 = arith.constant 13 : i32
      %dma_wait3A_395 = arith.constant 0 : i32
      %dma_wait3A_396 = tpu.memref_slice %arg7[%dma_wait3A_394, %dma_wait3A_395] : memref<32x80xi32, #tpu.memory_space<vmem>> -> memref<1x80xi32, #tpu.memory_space<vmem>>
      %dma_wait3A_397 = tpu.memref_squeeze %dma_wait3A_396 : memref<1x80xi32, #tpu.memory_space<vmem>> -> memref<80xi32, #tpu.memory_space<vmem>>
      %dma_wait3A_398 = arith.constant 0 : i32
      %dma_wait3A_399 = arith.constant 0 : i32
      %dma_wait3A_400 = tpu.memref_slice %arg2[%dma_wait3A_398, %dma_wait3A_399] : memref<10000x128xf32, #tpu.memory_space<hbm>> -> memref<10000x128xf32, #tpu.memory_space<hbm>>
      tpu.wait_indirect_dma semaphore(%arg14 : memref<!tpu.dma_semaphore, #tpu.memory_space<semaphore_mem>>) src(%dma_wait3A_400 : memref<10000x128xf32, #tpu.memory_space<hbm>>) dst(%arg10 : memref<80x128xf32, #tpu.memory_space<vmem>>)
      %dma_start3A_401 = arith.constant 13 : i32
      %dma_start3A_402 = arith.constant 0 : i32
      %dma_start3A_403 = tpu.memref_slice %arg8[%dma_start3A_401, %dma_start3A_402] : memref<32x80xi32, #tpu.memory_space<vmem>> -> memref<1x80xi32, #tpu.memory_space<vmem>>
      %dma_start3A_404 = tpu.memref_squeeze %dma_start3A_403 : memref<1x80xi32, #tpu.memory_space<vmem>> -> memref<80xi32, #tpu.memory_space<vmem>>
      %dma_start3A_405 = arith.constant 0 : i32
      %dma_start3A_406 = arith.constant 0 : i32
      %dma_start3A_407 = tpu.memref_slice %arg21[%dma_start3A_405, %dma_start3A_406] : memref<10016x128xf32, #tpu.memory_space<vmem_shared>> -> memref<10016x128xf32, #tpu.memory_space<vmem_shared>>
      tpu.enqueue_indirect_dma source(%arg10 : memref<80x128xf32, #tpu.memory_space<vmem>>) target(%dma_start3A_407 : memref<10016x128xf32, #tpu.memory_space<vmem_shared>>) offsets(%dma_start3A_404 : memref<80xi32, #tpu.memory_space<vmem>>) semaphore(%arg18 : memref<!tpu.dma_semaphore, #tpu.memory_space<semaphore_mem>>) {add = true}
      %dma_wait3A_408 = arith.constant 12 : i32
      %dma_wait3A_409 = arith.constant 0 : i32
      %dma_wait3A_410 = tpu.memref_slice %arg8[%dma_wait3A_408, %dma_wait3A_409] : memref<32x80xi32, #tpu.memory_space<vmem>> -> memref<1x80xi32, #tpu.memory_space<vmem>>
      %dma_wait3A_411 = tpu.memref_squeeze %dma_wait3A_410 : memref<1x80xi32, #tpu.memory_space<vmem>> -> memref<80xi32, #tpu.memory_space<vmem>>
      %dma_wait3A_412 = arith.constant 0 : i32
      %dma_wait3A_413 = arith.constant 0 : i32
      %dma_wait3A_414 = tpu.memref_slice %arg21[%dma_wait3A_412, %dma_wait3A_413] : memref<10016x128xf32, #tpu.memory_space<vmem_shared>> -> memref<10016x128xf32, #tpu.memory_space<vmem_shared>>
      tpu.wait_indirect_dma semaphore(%arg17 : memref<!tpu.dma_semaphore, #tpu.memory_space<semaphore_mem>>) src(%arg9 : memref<80x128xf32, #tpu.memory_space<vmem>>) dst(%dma_wait3A_414 : memref<10016x128xf32, #tpu.memory_space<vmem_shared>>)
      %dma_start3A_415 = arith.constant 16 : i32
      %dma_start3A_416 = arith.constant 0 : i32
      %dma_start3A_417 = tpu.memref_slice %arg7[%dma_start3A_415, %dma_start3A_416] : memref<32x80xi32, #tpu.memory_space<vmem>> -> memref<1x80xi32, #tpu.memory_space<vmem>>
      %dma_start3A_418 = tpu.memref_squeeze %dma_start3A_417 : memref<1x80xi32, #tpu.memory_space<vmem>> -> memref<80xi32, #tpu.memory_space<vmem>>
      %dma_start3A_419 = arith.constant 0 : i32
      %dma_start3A_420 = arith.constant 0 : i32
      %dma_start3A_421 = tpu.memref_slice %arg2[%dma_start3A_419, %dma_start3A_420] : memref<10000x128xf32, #tpu.memory_space<hbm>> -> memref<10000x128xf32, #tpu.memory_space<hbm>>
      tpu.enqueue_indirect_dma source(%dma_start3A_421 : memref<10000x128xf32, #tpu.memory_space<hbm>>) target(%arg9 : memref<80x128xf32, #tpu.memory_space<vmem>>) offsets(%dma_start3A_418 : memref<80xi32, #tpu.memory_space<vmem>>) semaphore(%arg13 : memref<!tpu.dma_semaphore, #tpu.memory_space<semaphore_mem>>)
      %dma_wait3A_422 = arith.constant 14 : i32
      %dma_wait3A_423 = arith.constant 0 : i32
      %dma_wait3A_424 = tpu.memref_slice %arg7[%dma_wait3A_422, %dma_wait3A_423] : memref<32x80xi32, #tpu.memory_space<vmem>> -> memref<1x80xi32, #tpu.memory_space<vmem>>
      %dma_wait3A_425 = tpu.memref_squeeze %dma_wait3A_424 : memref<1x80xi32, #tpu.memory_space<vmem>> -> memref<80xi32, #tpu.memory_space<vmem>>
      %dma_wait3A_426 = arith.constant 0 : i32
      %dma_wait3A_427 = arith.constant 0 : i32
      %dma_wait3A_428 = tpu.memref_slice %arg2[%dma_wait3A_426, %dma_wait3A_427] : memref<10000x128xf32, #tpu.memory_space<hbm>> -> memref<10000x128xf32, #tpu.memory_space<hbm>>
      tpu.wait_indirect_dma semaphore(%arg15 : memref<!tpu.dma_semaphore, #tpu.memory_space<semaphore_mem>>) src(%dma_wait3A_428 : memref<10000x128xf32, #tpu.memory_space<hbm>>) dst(%arg11 : memref<80x128xf32, #tpu.memory_space<vmem>>)
      %dma_start3A_429 = arith.constant 14 : i32
      %dma_start3A_430 = arith.constant 0 : i32
      %dma_start3A_431 = tpu.memref_slice %arg8[%dma_start3A_429, %dma_start3A_430] : memref<32x80xi32, #tpu.memory_space<vmem>> -> memref<1x80xi32, #tpu.memory_space<vmem>>
      %dma_start3A_432 = tpu.memref_squeeze %dma_start3A_431 : memref<1x80xi32, #tpu.memory_space<vmem>> -> memref<80xi32, #tpu.memory_space<vmem>>
      %dma_start3A_433 = arith.constant 0 : i32
      %dma_start3A_434 = arith.constant 0 : i32
      %dma_start3A_435 = tpu.memref_slice %arg21[%dma_start3A_433, %dma_start3A_434] : memref<10016x128xf32, #tpu.memory_space<vmem_shared>> -> memref<10016x128xf32, #tpu.memory_space<vmem_shared>>
      tpu.enqueue_indirect_dma source(%arg11 : memref<80x128xf32, #tpu.memory_space<vmem>>) target(%dma_start3A_435 : memref<10016x128xf32, #tpu.memory_space<vmem_shared>>) offsets(%dma_start3A_432 : memref<80xi32, #tpu.memory_space<vmem>>) semaphore(%arg19 : memref<!tpu.dma_semaphore, #tpu.memory_space<semaphore_mem>>) {add = true}
      %dma_wait3A_436 = arith.constant 13 : i32
      %dma_wait3A_437 = arith.constant 0 : i32
      %dma_wait3A_438 = tpu.memref_slice %arg8[%dma_wait3A_436, %dma_wait3A_437] : memref<32x80xi32, #tpu.memory_space<vmem>> -> memref<1x80xi32, #tpu.memory_space<vmem>>
      %dma_wait3A_439 = tpu.memref_squeeze %dma_wait3A_438 : memref<1x80xi32, #tpu.memory_space<vmem>> -> memref<80xi32, #tpu.memory_space<vmem>>
      %dma_wait3A_440 = arith.constant 0 : i32
      %dma_wait3A_441 = arith.constant 0 : i32
      %dma_wait3A_442 = tpu.memref_slice %arg21[%dma_wait3A_440, %dma_wait3A_441] : memref<10016x128xf32, #tpu.memory_space<vmem_shared>> -> memref<10016x128xf32, #tpu.memory_space<vmem_shared>>
      tpu.wait_indirect_dma semaphore(%arg18 : memref<!tpu.dma_semaphore, #tpu.memory_space<semaphore_mem>>) src(%arg10 : memref<80x128xf32, #tpu.memory_space<vmem>>) dst(%dma_wait3A_442 : memref<10016x128xf32, #tpu.memory_space<vmem_shared>>)
      %dma_start3A_443 = arith.constant 17 : i32
      %dma_start3A_444 = arith.constant 0 : i32
      %dma_start3A_445 = tpu.memref_slice %arg7[%dma_start3A_443, %dma_start3A_444] : memref<32x80xi32, #tpu.memory_space<vmem>> -> memref<1x80xi32, #tpu.memory_space<vmem>>
      %dma_start3A_446 = tpu.memref_squeeze %dma_start3A_445 : memref<1x80xi32, #tpu.memory_space<vmem>> -> memref<80xi32, #tpu.memory_space<vmem>>
      %dma_start3A_447 = arith.constant 0 : i32
      %dma_start3A_448 = arith.constant 0 : i32
      %dma_start3A_449 = tpu.memref_slice %arg2[%dma_start3A_447, %dma_start3A_448] : memref<10000x128xf32, #tpu.memory_space<hbm>> -> memref<10000x128xf32, #tpu.memory_space<hbm>>
      tpu.enqueue_indirect_dma source(%dma_start3A_449 : memref<10000x128xf32, #tpu.memory_space<hbm>>) target(%arg10 : memref<80x128xf32, #tpu.memory_space<vmem>>) offsets(%dma_start3A_446 : memref<80xi32, #tpu.memory_space<vmem>>) semaphore(%arg14 : memref<!tpu.dma_semaphore, #tpu.memory_space<semaphore_mem>>)
      %dma_wait3A_450 = arith.constant 15 : i32
      %dma_wait3A_451 = arith.constant 0 : i32
      %dma_wait3A_452 = tpu.memref_slice %arg7[%dma_wait3A_450, %dma_wait3A_451] : memref<32x80xi32, #tpu.memory_space<vmem>> -> memref<1x80xi32, #tpu.memory_space<vmem>>
      %dma_wait3A_453 = tpu.memref_squeeze %dma_wait3A_452 : memref<1x80xi32, #tpu.memory_space<vmem>> -> memref<80xi32, #tpu.memory_space<vmem>>
      %dma_wait3A_454 = arith.constant 0 : i32
      %dma_wait3A_455 = arith.constant 0 : i32
      %dma_wait3A_456 = tpu.memref_slice %arg2[%dma_wait3A_454, %dma_wait3A_455] : memref<10000x128xf32, #tpu.memory_space<hbm>> -> memref<10000x128xf32, #tpu.memory_space<hbm>>
      tpu.wait_indirect_dma semaphore(%arg16 : memref<!tpu.dma_semaphore, #tpu.memory_space<semaphore_mem>>) src(%dma_wait3A_456 : memref<10000x128xf32, #tpu.memory_space<hbm>>) dst(%arg12 : memref<80x128xf32, #tpu.memory_space<vmem>>)
      %dma_start3A_457 = arith.constant 15 : i32
      %dma_start3A_458 = arith.constant 0 : i32
      %dma_start3A_459 = tpu.memref_slice %arg8[%dma_start3A_457, %dma_start3A_458] : memref<32x80xi32, #tpu.memory_space<vmem>> -> memref<1x80xi32, #tpu.memory_space<vmem>>
      %dma_start3A_460 = tpu.memref_squeeze %dma_start3A_459 : memref<1x80xi32, #tpu.memory_space<vmem>> -> memref<80xi32, #tpu.memory_space<vmem>>
      %dma_start3A_461 = arith.constant 0 : i32
      %dma_start3A_462 = arith.constant 0 : i32
      %dma_start3A_463 = tpu.memref_slice %arg21[%dma_start3A_461, %dma_start3A_462] : memref<10016x128xf32, #tpu.memory_space<vmem_shared>> -> memref<10016x128xf32, #tpu.memory_space<vmem_shared>>
      tpu.enqueue_indirect_dma source(%arg12 : memref<80x128xf32, #tpu.memory_space<vmem>>) target(%dma_start3A_463 : memref<10016x128xf32, #tpu.memory_space<vmem_shared>>) offsets(%dma_start3A_460 : memref<80xi32, #tpu.memory_space<vmem>>) semaphore(%arg20 : memref<!tpu.dma_semaphore, #tpu.memory_space<semaphore_mem>>) {add = true}
      %dma_wait3A_464 = arith.constant 14 : i32
      %dma_wait3A_465 = arith.constant 0 : i32
      %dma_wait3A_466 = tpu.memref_slice %arg8[%dma_wait3A_464, %dma_wait3A_465] : memref<32x80xi32, #tpu.memory_space<vmem>> -> memref<1x80xi32, #tpu.memory_space<vmem>>
      %dma_wait3A_467 = tpu.memref_squeeze %dma_wait3A_466 : memref<1x80xi32, #tpu.memory_space<vmem>> -> memref<80xi32, #tpu.memory_space<vmem>>
      %dma_wait3A_468 = arith.constant 0 : i32
      %dma_wait3A_469 = arith.constant 0 : i32
      %dma_wait3A_470 = tpu.memref_slice %arg21[%dma_wait3A_468, %dma_wait3A_469] : memref<10016x128xf32, #tpu.memory_space<vmem_shared>> -> memref<10016x128xf32, #tpu.memory_space<vmem_shared>>
      tpu.wait_indirect_dma semaphore(%arg19 : memref<!tpu.dma_semaphore, #tpu.memory_space<semaphore_mem>>) src(%arg11 : memref<80x128xf32, #tpu.memory_space<vmem>>) dst(%dma_wait3A_470 : memref<10016x128xf32, #tpu.memory_space<vmem_shared>>)
      %dma_start3A_471 = arith.constant 18 : i32
      %dma_start3A_472 = arith.constant 0 : i32
      %dma_start3A_473 = tpu.memref_slice %arg7[%dma_start3A_471, %dma_start3A_472] : memref<32x80xi32, #tpu.memory_space<vmem>> -> memref<1x80xi32, #tpu.memory_space<vmem>>
      %dma_start3A_474 = tpu.memref_squeeze %dma_start3A_473 : memref<1x80xi32, #tpu.memory_space<vmem>> -> memref<80xi32, #tpu.memory_space<vmem>>
      %dma_start3A_475 = arith.constant 0 : i32
      %dma_start3A_476 = arith.constant 0 : i32
      %dma_start3A_477 = tpu.memref_slice %arg2[%dma_start3A_475, %dma_start3A_476] : memref<10000x128xf32, #tpu.memory_space<hbm>> -> memref<10000x128xf32, #tpu.memory_space<hbm>>
      tpu.enqueue_indirect_dma source(%dma_start3A_477 : memref<10000x128xf32, #tpu.memory_space<hbm>>) target(%arg11 : memref<80x128xf32, #tpu.memory_space<vmem>>) offsets(%dma_start3A_474 : memref<80xi32, #tpu.memory_space<vmem>>) semaphore(%arg15 : memref<!tpu.dma_semaphore, #tpu.memory_space<semaphore_mem>>)
      %dma_wait3A_478 = arith.constant 16 : i32
      %dma_wait3A_479 = arith.constant 0 : i32
      %dma_wait3A_480 = tpu.memref_slice %arg7[%dma_wait3A_478, %dma_wait3A_479] : memref<32x80xi32, #tpu.memory_space<vmem>> -> memref<1x80xi32, #tpu.memory_space<vmem>>
      %dma_wait3A_481 = tpu.memref_squeeze %dma_wait3A_480 : memref<1x80xi32, #tpu.memory_space<vmem>> -> memref<80xi32, #tpu.memory_space<vmem>>
      %dma_wait3A_482 = arith.constant 0 : i32
      %dma_wait3A_483 = arith.constant 0 : i32
      %dma_wait3A_484 = tpu.memref_slice %arg2[%dma_wait3A_482, %dma_wait3A_483] : memref<10000x128xf32, #tpu.memory_space<hbm>> -> memref<10000x128xf32, #tpu.memory_space<hbm>>
      tpu.wait_indirect_dma semaphore(%arg13 : memref<!tpu.dma_semaphore, #tpu.memory_space<semaphore_mem>>) src(%dma_wait3A_484 : memref<10000x128xf32, #tpu.memory_space<hbm>>) dst(%arg9 : memref<80x128xf32, #tpu.memory_space<vmem>>)
      %dma_start3A_485 = arith.constant 16 : i32
      %dma_start3A_486 = arith.constant 0 : i32
      %dma_start3A_487 = tpu.memref_slice %arg8[%dma_start3A_485, %dma_start3A_486] : memref<32x80xi32, #tpu.memory_space<vmem>> -> memref<1x80xi32, #tpu.memory_space<vmem>>
      %dma_start3A_488 = tpu.memref_squeeze %dma_start3A_487 : memref<1x80xi32, #tpu.memory_space<vmem>> -> memref<80xi32, #tpu.memory_space<vmem>>
      %dma_start3A_489 = arith.constant 0 : i32
      %dma_start3A_490 = arith.constant 0 : i32
      %dma_start3A_491 = tpu.memref_slice %arg21[%dma_start3A_489, %dma_start3A_490] : memref<10016x128xf32, #tpu.memory_space<vmem_shared>> -> memref<10016x128xf32, #tpu.memory_space<vmem_shared>>
      tpu.enqueue_indirect_dma source(%arg9 : memref<80x128xf32, #tpu.memory_space<vmem>>) target(%dma_start3A_491 : memref<10016x128xf32, #tpu.memory_space<vmem_shared>>) offsets(%dma_start3A_488 : memref<80xi32, #tpu.memory_space<vmem>>) semaphore(%arg17 : memref<!tpu.dma_semaphore, #tpu.memory_space<semaphore_mem>>) {add = true}
      %dma_wait3A_492 = arith.constant 15 : i32
      %dma_wait3A_493 = arith.constant 0 : i32
      %dma_wait3A_494 = tpu.memref_slice %arg8[%dma_wait3A_492, %dma_wait3A_493] : memref<32x80xi32, #tpu.memory_space<vmem>> -> memref<1x80xi32, #tpu.memory_space<vmem>>
      %dma_wait3A_495 = tpu.memref_squeeze %dma_wait3A_494 : memref<1x80xi32, #tpu.memory_space<vmem>> -> memref<80xi32, #tpu.memory_space<vmem>>
      %dma_wait3A_496 = arith.constant 0 : i32
      %dma_wait3A_497 = arith.constant 0 : i32
      %dma_wait3A_498 = tpu.memref_slice %arg21[%dma_wait3A_496, %dma_wait3A_497] : memref<10016x128xf32, #tpu.memory_space<vmem_shared>> -> memref<10016x128xf32, #tpu.memory_space<vmem_shared>>
      tpu.wait_indirect_dma semaphore(%arg20 : memref<!tpu.dma_semaphore, #tpu.memory_space<semaphore_mem>>) src(%arg12 : memref<80x128xf32, #tpu.memory_space<vmem>>) dst(%dma_wait3A_498 : memref<10016x128xf32, #tpu.memory_space<vmem_shared>>)
      %dma_start3A_499 = arith.constant 19 : i32
      %dma_start3A_500 = arith.constant 0 : i32
      %dma_start3A_501 = tpu.memref_slice %arg7[%dma_start3A_499, %dma_start3A_500] : memref<32x80xi32, #tpu.memory_space<vmem>> -> memref<1x80xi32, #tpu.memory_space<vmem>>
      %dma_start3A_502 = tpu.memref_squeeze %dma_start3A_501 : memref<1x80xi32, #tpu.memory_space<vmem>> -> memref<80xi32, #tpu.memory_space<vmem>>
      %dma_start3A_503 = arith.constant 0 : i32
      %dma_start3A_504 = arith.constant 0 : i32
      %dma_start3A_505 = tpu.memref_slice %arg2[%dma_start3A_503, %dma_start3A_504] : memref<10000x128xf32, #tpu.memory_space<hbm>> -> memref<10000x128xf32, #tpu.memory_space<hbm>>
      tpu.enqueue_indirect_dma source(%dma_start3A_505 : memref<10000x128xf32, #tpu.memory_space<hbm>>) target(%arg12 : memref<80x128xf32, #tpu.memory_space<vmem>>) offsets(%dma_start3A_502 : memref<80xi32, #tpu.memory_space<vmem>>) semaphore(%arg16 : memref<!tpu.dma_semaphore, #tpu.memory_space<semaphore_mem>>)
      %dma_wait3A_506 = arith.constant 17 : i32
      %dma_wait3A_507 = arith.constant 0 : i32
      %dma_wait3A_508 = tpu.memref_slice %arg7[%dma_wait3A_506, %dma_wait3A_507] : memref<32x80xi32, #tpu.memory_space<vmem>> -> memref<1x80xi32, #tpu.memory_space<vmem>>
      %dma_wait3A_509 = tpu.memref_squeeze %dma_wait3A_508 : memref<1x80xi32, #tpu.memory_space<vmem>> -> memref<80xi32, #tpu.memory_space<vmem>>
      %dma_wait3A_510 = arith.constant 0 : i32
      %dma_wait3A_511 = arith.constant 0 : i32
      %dma_wait3A_512 = tpu.memref_slice %arg2[%dma_wait3A_510, %dma_wait3A_511] : memref<10000x128xf32, #tpu.memory_space<hbm>> -> memref<10000x128xf32, #tpu.memory_space<hbm>>
      tpu.wait_indirect_dma semaphore(%arg14 : memref<!tpu.dma_semaphore, #tpu.memory_space<semaphore_mem>>) src(%dma_wait3A_512 : memref<10000x128xf32, #tpu.memory_space<hbm>>) dst(%arg10 : memref<80x128xf32, #tpu.memory_space<vmem>>)
      %dma_start3A_513 = arith.constant 17 : i32
      %dma_start3A_514 = arith.constant 0 : i32
      %dma_start3A_515 = tpu.memref_slice %arg8[%dma_start3A_513, %dma_start3A_514] : memref<32x80xi32, #tpu.memory_space<vmem>> -> memref<1x80xi32, #tpu.memory_space<vmem>>
      %dma_start3A_516 = tpu.memref_squeeze %dma_start3A_515 : memref<1x80xi32, #tpu.memory_space<vmem>> -> memref<80xi32, #tpu.memory_space<vmem>>
      %dma_start3A_517 = arith.constant 0 : i32
      %dma_start3A_518 = arith.constant 0 : i32
      %dma_start3A_519 = tpu.memref_slice %arg21[%dma_start3A_517, %dma_start3A_518] : memref<10016x128xf32, #tpu.memory_space<vmem_shared>> -> memref<10016x128xf32, #tpu.memory_space<vmem_shared>>
      tpu.enqueue_indirect_dma source(%arg10 : memref<80x128xf32, #tpu.memory_space<vmem>>) target(%dma_start3A_519 : memref<10016x128xf32, #tpu.memory_space<vmem_shared>>) offsets(%dma_start3A_516 : memref<80xi32, #tpu.memory_space<vmem>>) semaphore(%arg18 : memref<!tpu.dma_semaphore, #tpu.memory_space<semaphore_mem>>) {add = true}
      %dma_wait3A_520 = arith.constant 16 : i32
      %dma_wait3A_521 = arith.constant 0 : i32
      %dma_wait3A_522 = tpu.memref_slice %arg8[%dma_wait3A_520, %dma_wait3A_521] : memref<32x80xi32, #tpu.memory_space<vmem>> -> memref<1x80xi32, #tpu.memory_space<vmem>>
      %dma_wait3A_523 = tpu.memref_squeeze %dma_wait3A_522 : memref<1x80xi32, #tpu.memory_space<vmem>> -> memref<80xi32, #tpu.memory_space<vmem>>
      %dma_wait3A_524 = arith.constant 0 : i32
      %dma_wait3A_525 = arith.constant 0 : i32
      %dma_wait3A_526 = tpu.memref_slice %arg21[%dma_wait3A_524, %dma_wait3A_525] : memref<10016x128xf32, #tpu.memory_space<vmem_shared>> -> memref<10016x128xf32, #tpu.memory_space<vmem_shared>>
      tpu.wait_indirect_dma semaphore(%arg17 : memref<!tpu.dma_semaphore, #tpu.memory_space<semaphore_mem>>) src(%arg9 : memref<80x128xf32, #tpu.memory_space<vmem>>) dst(%dma_wait3A_526 : memref<10016x128xf32, #tpu.memory_space<vmem_shared>>)
      %dma_start3A_527 = arith.constant 20 : i32
      %dma_start3A_528 = arith.constant 0 : i32
      %dma_start3A_529 = tpu.memref_slice %arg7[%dma_start3A_527, %dma_start3A_528] : memref<32x80xi32, #tpu.memory_space<vmem>> -> memref<1x80xi32, #tpu.memory_space<vmem>>
      %dma_start3A_530 = tpu.memref_squeeze %dma_start3A_529 : memref<1x80xi32, #tpu.memory_space<vmem>> -> memref<80xi32, #tpu.memory_space<vmem>>
      %dma_start3A_531 = arith.constant 0 : i32
      %dma_start3A_532 = arith.constant 0 : i32
      %dma_start3A_533 = tpu.memref_slice %arg2[%dma_start3A_531, %dma_start3A_532] : memref<10000x128xf32, #tpu.memory_space<hbm>> -> memref<10000x128xf32, #tpu.memory_space<hbm>>
      tpu.enqueue_indirect_dma source(%dma_start3A_533 : memref<10000x128xf32, #tpu.memory_space<hbm>>) target(%arg9 : memref<80x128xf32, #tpu.memory_space<vmem>>) offsets(%dma_start3A_530 : memref<80xi32, #tpu.memory_space<vmem>>) semaphore(%arg13 : memref<!tpu.dma_semaphore, #tpu.memory_space<semaphore_mem>>)
      %dma_wait3A_534 = arith.constant 18 : i32
      %dma_wait3A_535 = arith.constant 0 : i32
      %dma_wait3A_536 = tpu.memref_slice %arg7[%dma_wait3A_534, %dma_wait3A_535] : memref<32x80xi32, #tpu.memory_space<vmem>> -> memref<1x80xi32, #tpu.memory_space<vmem>>
      %dma_wait3A_537 = tpu.memref_squeeze %dma_wait3A_536 : memref<1x80xi32, #tpu.memory_space<vmem>> -> memref<80xi32, #tpu.memory_space<vmem>>
      %dma_wait3A_538 = arith.constant 0 : i32
      %dma_wait3A_539 = arith.constant 0 : i32
      %dma_wait3A_540 = tpu.memref_slice %arg2[%dma_wait3A_538, %dma_wait3A_539] : memref<10000x128xf32, #tpu.memory_space<hbm>> -> memref<10000x128xf32, #tpu.memory_space<hbm>>
      tpu.wait_indirect_dma semaphore(%arg15 : memref<!tpu.dma_semaphore, #tpu.memory_space<semaphore_mem>>) src(%dma_wait3A_540 : memref<10000x128xf32, #tpu.memory_space<hbm>>) dst(%arg11 : memref<80x128xf32, #tpu.memory_space<vmem>>)
      %dma_start3A_541 = arith.constant 18 : i32
      %dma_start3A_542 = arith.constant 0 : i32
      %dma_start3A_543 = tpu.memref_slice %arg8[%dma_start3A_541, %dma_start3A_542] : memref<32x80xi32, #tpu.memory_space<vmem>> -> memref<1x80xi32, #tpu.memory_space<vmem>>
      %dma_start3A_544 = tpu.memref_squeeze %dma_start3A_543 : memref<1x80xi32, #tpu.memory_space<vmem>> -> memref<80xi32, #tpu.memory_space<vmem>>
      %dma_start3A_545 = arith.constant 0 : i32
      %dma_start3A_546 = arith.constant 0 : i32
      %dma_start3A_547 = tpu.memref_slice %arg21[%dma_start3A_545, %dma_start3A_546] : memref<10016x128xf32, #tpu.memory_space<vmem_shared>> -> memref<10016x128xf32, #tpu.memory_space<vmem_shared>>
      tpu.enqueue_indirect_dma source(%arg11 : memref<80x128xf32, #tpu.memory_space<vmem>>) target(%dma_start3A_547 : memref<10016x128xf32, #tpu.memory_space<vmem_shared>>) offsets(%dma_start3A_544 : memref<80xi32, #tpu.memory_space<vmem>>) semaphore(%arg19 : memref<!tpu.dma_semaphore, #tpu.memory_space<semaphore_mem>>) {add = true}
      %dma_wait3A_548 = arith.constant 17 : i32
      %dma_wait3A_549 = arith.constant 0 : i32
      %dma_wait3A_550 = tpu.memref_slice %arg8[%dma_wait3A_548, %dma_wait3A_549] : memref<32x80xi32, #tpu.memory_space<vmem>> -> memref<1x80xi32, #tpu.memory_space<vmem>>
      %dma_wait3A_551 = tpu.memref_squeeze %dma_wait3A_550 : memref<1x80xi32, #tpu.memory_space<vmem>> -> memref<80xi32, #tpu.memory_space<vmem>>
      %dma_wait3A_552 = arith.constant 0 : i32
      %dma_wait3A_553 = arith.constant 0 : i32
      %dma_wait3A_554 = tpu.memref_slice %arg21[%dma_wait3A_552, %dma_wait3A_553] : memref<10016x128xf32, #tpu.memory_space<vmem_shared>> -> memref<10016x128xf32, #tpu.memory_space<vmem_shared>>
      tpu.wait_indirect_dma semaphore(%arg18 : memref<!tpu.dma_semaphore, #tpu.memory_space<semaphore_mem>>) src(%arg10 : memref<80x128xf32, #tpu.memory_space<vmem>>) dst(%dma_wait3A_554 : memref<10016x128xf32, #tpu.memory_space<vmem_shared>>)
      %dma_start3A_555 = arith.constant 21 : i32
      %dma_start3A_556 = arith.constant 0 : i32
      %dma_start3A_557 = tpu.memref_slice %arg7[%dma_start3A_555, %dma_start3A_556] : memref<32x80xi32, #tpu.memory_space<vmem>> -> memref<1x80xi32, #tpu.memory_space<vmem>>
      %dma_start3A_558 = tpu.memref_squeeze %dma_start3A_557 : memref<1x80xi32, #tpu.memory_space<vmem>> -> memref<80xi32, #tpu.memory_space<vmem>>
      %dma_start3A_559 = arith.constant 0 : i32
      %dma_start3A_560 = arith.constant 0 : i32
      %dma_start3A_561 = tpu.memref_slice %arg2[%dma_start3A_559, %dma_start3A_560] : memref<10000x128xf32, #tpu.memory_space<hbm>> -> memref<10000x128xf32, #tpu.memory_space<hbm>>
      tpu.enqueue_indirect_dma source(%dma_start3A_561 : memref<10000x128xf32, #tpu.memory_space<hbm>>) target(%arg10 : memref<80x128xf32, #tpu.memory_space<vmem>>) offsets(%dma_start3A_558 : memref<80xi32, #tpu.memory_space<vmem>>) semaphore(%arg14 : memref<!tpu.dma_semaphore, #tpu.memory_space<semaphore_mem>>)
      %dma_wait3A_562 = arith.constant 19 : i32
      %dma_wait3A_563 = arith.constant 0 : i32
      %dma_wait3A_564 = tpu.memref_slice %arg7[%dma_wait3A_562, %dma_wait3A_563] : memref<32x80xi32, #tpu.memory_space<vmem>> -> memref<1x80xi32, #tpu.memory_space<vmem>>
      %dma_wait3A_565 = tpu.memref_squeeze %dma_wait3A_564 : memref<1x80xi32, #tpu.memory_space<vmem>> -> memref<80xi32, #tpu.memory_space<vmem>>
      %dma_wait3A_566 = arith.constant 0 : i32
      %dma_wait3A_567 = arith.constant 0 : i32
      %dma_wait3A_568 = tpu.memref_slice %arg2[%dma_wait3A_566, %dma_wait3A_567] : memref<10000x128xf32, #tpu.memory_space<hbm>> -> memref<10000x128xf32, #tpu.memory_space<hbm>>
      tpu.wait_indirect_dma semaphore(%arg16 : memref<!tpu.dma_semaphore, #tpu.memory_space<semaphore_mem>>) src(%dma_wait3A_568 : memref<10000x128xf32, #tpu.memory_space<hbm>>) dst(%arg12 : memref<80x128xf32, #tpu.memory_space<vmem>>)
      %dma_start3A_569 = arith.constant 19 : i32
      %dma_start3A_570 = arith.constant 0 : i32
      %dma_start3A_571 = tpu.memref_slice %arg8[%dma_start3A_569, %dma_start3A_570] : memref<32x80xi32, #tpu.memory_space<vmem>> -> memref<1x80xi32, #tpu.memory_space<vmem>>
      %dma_start3A_572 = tpu.memref_squeeze %dma_start3A_571 : memref<1x80xi32, #tpu.memory_space<vmem>> -> memref<80xi32, #tpu.memory_space<vmem>>
      %dma_start3A_573 = arith.constant 0 : i32
      %dma_start3A_574 = arith.constant 0 : i32
      %dma_start3A_575 = tpu.memref_slice %arg21[%dma_start3A_573, %dma_start3A_574] : memref<10016x128xf32, #tpu.memory_space<vmem_shared>> -> memref<10016x128xf32, #tpu.memory_space<vmem_shared>>
      tpu.enqueue_indirect_dma source(%arg12 : memref<80x128xf32, #tpu.memory_space<vmem>>) target(%dma_start3A_575 : memref<10016x128xf32, #tpu.memory_space<vmem_shared>>) offsets(%dma_start3A_572 : memref<80xi32, #tpu.memory_space<vmem>>) semaphore(%arg20 : memref<!tpu.dma_semaphore, #tpu.memory_space<semaphore_mem>>) {add = true}
      %dma_wait3A_576 = arith.constant 18 : i32
      %dma_wait3A_577 = arith.constant 0 : i32
      %dma_wait3A_578 = tpu.memref_slice %arg8[%dma_wait3A_576, %dma_wait3A_577] : memref<32x80xi32, #tpu.memory_space<vmem>> -> memref<1x80xi32, #tpu.memory_space<vmem>>
      %dma_wait3A_579 = tpu.memref_squeeze %dma_wait3A_578 : memref<1x80xi32, #tpu.memory_space<vmem>> -> memref<80xi32, #tpu.memory_space<vmem>>
      %dma_wait3A_580 = arith.constant 0 : i32
      %dma_wait3A_581 = arith.constant 0 : i32
      %dma_wait3A_582 = tpu.memref_slice %arg21[%dma_wait3A_580, %dma_wait3A_581] : memref<10016x128xf32, #tpu.memory_space<vmem_shared>> -> memref<10016x128xf32, #tpu.memory_space<vmem_shared>>
      tpu.wait_indirect_dma semaphore(%arg19 : memref<!tpu.dma_semaphore, #tpu.memory_space<semaphore_mem>>) src(%arg11 : memref<80x128xf32, #tpu.memory_space<vmem>>) dst(%dma_wait3A_582 : memref<10016x128xf32, #tpu.memory_space<vmem_shared>>)
      %dma_start3A_583 = arith.constant 22 : i32
      %dma_start3A_584 = arith.constant 0 : i32
      %dma_start3A_585 = tpu.memref_slice %arg7[%dma_start3A_583, %dma_start3A_584] : memref<32x80xi32, #tpu.memory_space<vmem>> -> memref<1x80xi32, #tpu.memory_space<vmem>>
      %dma_start3A_586 = tpu.memref_squeeze %dma_start3A_585 : memref<1x80xi32, #tpu.memory_space<vmem>> -> memref<80xi32, #tpu.memory_space<vmem>>
      %dma_start3A_587 = arith.constant 0 : i32
      %dma_start3A_588 = arith.constant 0 : i32
      %dma_start3A_589 = tpu.memref_slice %arg2[%dma_start3A_587, %dma_start3A_588] : memref<10000x128xf32, #tpu.memory_space<hbm>> -> memref<10000x128xf32, #tpu.memory_space<hbm>>
      tpu.enqueue_indirect_dma source(%dma_start3A_589 : memref<10000x128xf32, #tpu.memory_space<hbm>>) target(%arg11 : memref<80x128xf32, #tpu.memory_space<vmem>>) offsets(%dma_start3A_586 : memref<80xi32, #tpu.memory_space<vmem>>) semaphore(%arg15 : memref<!tpu.dma_semaphore, #tpu.memory_space<semaphore_mem>>)
      %dma_wait3A_590 = arith.constant 20 : i32
      %dma_wait3A_591 = arith.constant 0 : i32
      %dma_wait3A_592 = tpu.memref_slice %arg7[%dma_wait3A_590, %dma_wait3A_591] : memref<32x80xi32, #tpu.memory_space<vmem>> -> memref<1x80xi32, #tpu.memory_space<vmem>>
      %dma_wait3A_593 = tpu.memref_squeeze %dma_wait3A_592 : memref<1x80xi32, #tpu.memory_space<vmem>> -> memref<80xi32, #tpu.memory_space<vmem>>
      %dma_wait3A_594 = arith.constant 0 : i32
      %dma_wait3A_595 = arith.constant 0 : i32
      %dma_wait3A_596 = tpu.memref_slice %arg2[%dma_wait3A_594, %dma_wait3A_595] : memref<10000x128xf32, #tpu.memory_space<hbm>> -> memref<10000x128xf32, #tpu.memory_space<hbm>>
      tpu.wait_indirect_dma semaphore(%arg13 : memref<!tpu.dma_semaphore, #tpu.memory_space<semaphore_mem>>) src(%dma_wait3A_596 : memref<10000x128xf32, #tpu.memory_space<hbm>>) dst(%arg9 : memref<80x128xf32, #tpu.memory_space<vmem>>)
      %dma_start3A_597 = arith.constant 20 : i32
      %dma_start3A_598 = arith.constant 0 : i32
      %dma_start3A_599 = tpu.memref_slice %arg8[%dma_start3A_597, %dma_start3A_598] : memref<32x80xi32, #tpu.memory_space<vmem>> -> memref<1x80xi32, #tpu.memory_space<vmem>>
      %dma_start3A_600 = tpu.memref_squeeze %dma_start3A_599 : memref<1x80xi32, #tpu.memory_space<vmem>> -> memref<80xi32, #tpu.memory_space<vmem>>
      %dma_start3A_601 = arith.constant 0 : i32
      %dma_start3A_602 = arith.constant 0 : i32
      %dma_start3A_603 = tpu.memref_slice %arg21[%dma_start3A_601, %dma_start3A_602] : memref<10016x128xf32, #tpu.memory_space<vmem_shared>> -> memref<10016x128xf32, #tpu.memory_space<vmem_shared>>
      tpu.enqueue_indirect_dma source(%arg9 : memref<80x128xf32, #tpu.memory_space<vmem>>) target(%dma_start3A_603 : memref<10016x128xf32, #tpu.memory_space<vmem_shared>>) offsets(%dma_start3A_600 : memref<80xi32, #tpu.memory_space<vmem>>) semaphore(%arg17 : memref<!tpu.dma_semaphore, #tpu.memory_space<semaphore_mem>>) {add = true}
      %dma_wait3A_604 = arith.constant 19 : i32
      %dma_wait3A_605 = arith.constant 0 : i32
      %dma_wait3A_606 = tpu.memref_slice %arg8[%dma_wait3A_604, %dma_wait3A_605] : memref<32x80xi32, #tpu.memory_space<vmem>> -> memref<1x80xi32, #tpu.memory_space<vmem>>
      %dma_wait3A_607 = tpu.memref_squeeze %dma_wait3A_606 : memref<1x80xi32, #tpu.memory_space<vmem>> -> memref<80xi32, #tpu.memory_space<vmem>>
      %dma_wait3A_608 = arith.constant 0 : i32
      %dma_wait3A_609 = arith.constant 0 : i32
      %dma_wait3A_610 = tpu.memref_slice %arg21[%dma_wait3A_608, %dma_wait3A_609] : memref<10016x128xf32, #tpu.memory_space<vmem_shared>> -> memref<10016x128xf32, #tpu.memory_space<vmem_shared>>
      tpu.wait_indirect_dma semaphore(%arg20 : memref<!tpu.dma_semaphore, #tpu.memory_space<semaphore_mem>>) src(%arg12 : memref<80x128xf32, #tpu.memory_space<vmem>>) dst(%dma_wait3A_610 : memref<10016x128xf32, #tpu.memory_space<vmem_shared>>)
      %dma_start3A_611 = arith.constant 23 : i32
      %dma_start3A_612 = arith.constant 0 : i32
      %dma_start3A_613 = tpu.memref_slice %arg7[%dma_start3A_611, %dma_start3A_612] : memref<32x80xi32, #tpu.memory_space<vmem>> -> memref<1x80xi32, #tpu.memory_space<vmem>>
      %dma_start3A_614 = tpu.memref_squeeze %dma_start3A_613 : memref<1x80xi32, #tpu.memory_space<vmem>> -> memref<80xi32, #tpu.memory_space<vmem>>
      %dma_start3A_615 = arith.constant 0 : i32
      %dma_start3A_616 = arith.constant 0 : i32
      %dma_start3A_617 = tpu.memref_slice %arg2[%dma_start3A_615, %dma_start3A_616] : memref<10000x128xf32, #tpu.memory_space<hbm>> -> memref<10000x128xf32, #tpu.memory_space<hbm>>
      tpu.enqueue_indirect_dma source(%dma_start3A_617 : memref<10000x128xf32, #tpu.memory_space<hbm>>) target(%arg12 : memref<80x128xf32, #tpu.memory_space<vmem>>) offsets(%dma_start3A_614 : memref<80xi32, #tpu.memory_space<vmem>>) semaphore(%arg16 : memref<!tpu.dma_semaphore, #tpu.memory_space<semaphore_mem>>)
      %dma_wait3A_618 = arith.constant 21 : i32
      %dma_wait3A_619 = arith.constant 0 : i32
      %dma_wait3A_620 = tpu.memref_slice %arg7[%dma_wait3A_618, %dma_wait3A_619] : memref<32x80xi32, #tpu.memory_space<vmem>> -> memref<1x80xi32, #tpu.memory_space<vmem>>
      %dma_wait3A_621 = tpu.memref_squeeze %dma_wait3A_620 : memref<1x80xi32, #tpu.memory_space<vmem>> -> memref<80xi32, #tpu.memory_space<vmem>>
      %dma_wait3A_622 = arith.constant 0 : i32
      %dma_wait3A_623 = arith.constant 0 : i32
      %dma_wait3A_624 = tpu.memref_slice %arg2[%dma_wait3A_622, %dma_wait3A_623] : memref<10000x128xf32, #tpu.memory_space<hbm>> -> memref<10000x128xf32, #tpu.memory_space<hbm>>
      tpu.wait_indirect_dma semaphore(%arg14 : memref<!tpu.dma_semaphore, #tpu.memory_space<semaphore_mem>>) src(%dma_wait3A_624 : memref<10000x128xf32, #tpu.memory_space<hbm>>) dst(%arg10 : memref<80x128xf32, #tpu.memory_space<vmem>>)
      %dma_start3A_625 = arith.constant 21 : i32
      %dma_start3A_626 = arith.constant 0 : i32
      %dma_start3A_627 = tpu.memref_slice %arg8[%dma_start3A_625, %dma_start3A_626] : memref<32x80xi32, #tpu.memory_space<vmem>> -> memref<1x80xi32, #tpu.memory_space<vmem>>
      %dma_start3A_628 = tpu.memref_squeeze %dma_start3A_627 : memref<1x80xi32, #tpu.memory_space<vmem>> -> memref<80xi32, #tpu.memory_space<vmem>>
      %dma_start3A_629 = arith.constant 0 : i32
      %dma_start3A_630 = arith.constant 0 : i32
      %dma_start3A_631 = tpu.memref_slice %arg21[%dma_start3A_629, %dma_start3A_630] : memref<10016x128xf32, #tpu.memory_space<vmem_shared>> -> memref<10016x128xf32, #tpu.memory_space<vmem_shared>>
      tpu.enqueue_indirect_dma source(%arg10 : memref<80x128xf32, #tpu.memory_space<vmem>>) target(%dma_start3A_631 : memref<10016x128xf32, #tpu.memory_space<vmem_shared>>) offsets(%dma_start3A_628 : memref<80xi32, #tpu.memory_space<vmem>>) semaphore(%arg18 : memref<!tpu.dma_semaphore, #tpu.memory_space<semaphore_mem>>) {add = true}
      %dma_wait3A_632 = arith.constant 20 : i32
      %dma_wait3A_633 = arith.constant 0 : i32
      %dma_wait3A_634 = tpu.memref_slice %arg8[%dma_wait3A_632, %dma_wait3A_633] : memref<32x80xi32, #tpu.memory_space<vmem>> -> memref<1x80xi32, #tpu.memory_space<vmem>>
      %dma_wait3A_635 = tpu.memref_squeeze %dma_wait3A_634 : memref<1x80xi32, #tpu.memory_space<vmem>> -> memref<80xi32, #tpu.memory_space<vmem>>
      %dma_wait3A_636 = arith.constant 0 : i32
      %dma_wait3A_637 = arith.constant 0 : i32
      %dma_wait3A_638 = tpu.memref_slice %arg21[%dma_wait3A_636, %dma_wait3A_637] : memref<10016x128xf32, #tpu.memory_space<vmem_shared>> -> memref<10016x128xf32, #tpu.memory_space<vmem_shared>>
      tpu.wait_indirect_dma semaphore(%arg17 : memref<!tpu.dma_semaphore, #tpu.memory_space<semaphore_mem>>) src(%arg9 : memref<80x128xf32, #tpu.memory_space<vmem>>) dst(%dma_wait3A_638 : memref<10016x128xf32, #tpu.memory_space<vmem_shared>>)
      %dma_start3A_639 = arith.constant 24 : i32
      %dma_start3A_640 = arith.constant 0 : i32
      %dma_start3A_641 = tpu.memref_slice %arg7[%dma_start3A_639, %dma_start3A_640] : memref<32x80xi32, #tpu.memory_space<vmem>> -> memref<1x80xi32, #tpu.memory_space<vmem>>
      %dma_start3A_642 = tpu.memref_squeeze %dma_start3A_641 : memref<1x80xi32, #tpu.memory_space<vmem>> -> memref<80xi32, #tpu.memory_space<vmem>>
      %dma_start3A_643 = arith.constant 0 : i32
      %dma_start3A_644 = arith.constant 0 : i32
      %dma_start3A_645 = tpu.memref_slice %arg2[%dma_start3A_643, %dma_start3A_644] : memref<10000x128xf32, #tpu.memory_space<hbm>> -> memref<10000x128xf32, #tpu.memory_space<hbm>>
      tpu.enqueue_indirect_dma source(%dma_start3A_645 : memref<10000x128xf32, #tpu.memory_space<hbm>>) target(%arg9 : memref<80x128xf32, #tpu.memory_space<vmem>>) offsets(%dma_start3A_642 : memref<80xi32, #tpu.memory_space<vmem>>) semaphore(%arg13 : memref<!tpu.dma_semaphore, #tpu.memory_space<semaphore_mem>>)
      %dma_wait3A_646 = arith.constant 22 : i32
      %dma_wait3A_647 = arith.constant 0 : i32
      %dma_wait3A_648 = tpu.memref_slice %arg7[%dma_wait3A_646, %dma_wait3A_647] : memref<32x80xi32, #tpu.memory_space<vmem>> -> memref<1x80xi32, #tpu.memory_space<vmem>>
      %dma_wait3A_649 = tpu.memref_squeeze %dma_wait3A_648 : memref<1x80xi32, #tpu.memory_space<vmem>> -> memref<80xi32, #tpu.memory_space<vmem>>
      %dma_wait3A_650 = arith.constant 0 : i32
      %dma_wait3A_651 = arith.constant 0 : i32
      %dma_wait3A_652 = tpu.memref_slice %arg2[%dma_wait3A_650, %dma_wait3A_651] : memref<10000x128xf32, #tpu.memory_space<hbm>> -> memref<10000x128xf32, #tpu.memory_space<hbm>>
      tpu.wait_indirect_dma semaphore(%arg15 : memref<!tpu.dma_semaphore, #tpu.memory_space<semaphore_mem>>) src(%dma_wait3A_652 : memref<10000x128xf32, #tpu.memory_space<hbm>>) dst(%arg11 : memref<80x128xf32, #tpu.memory_space<vmem>>)
      %dma_start3A_653 = arith.constant 22 : i32
      %dma_start3A_654 = arith.constant 0 : i32
      %dma_start3A_655 = tpu.memref_slice %arg8[%dma_start3A_653, %dma_start3A_654] : memref<32x80xi32, #tpu.memory_space<vmem>> -> memref<1x80xi32, #tpu.memory_space<vmem>>
      %dma_start3A_656 = tpu.memref_squeeze %dma_start3A_655 : memref<1x80xi32, #tpu.memory_space<vmem>> -> memref<80xi32, #tpu.memory_space<vmem>>
      %dma_start3A_657 = arith.constant 0 : i32
      %dma_start3A_658 = arith.constant 0 : i32
      %dma_start3A_659 = tpu.memref_slice %arg21[%dma_start3A_657, %dma_start3A_658] : memref<10016x128xf32, #tpu.memory_space<vmem_shared>> -> memref<10016x128xf32, #tpu.memory_space<vmem_shared>>
      tpu.enqueue_indirect_dma source(%arg11 : memref<80x128xf32, #tpu.memory_space<vmem>>) target(%dma_start3A_659 : memref<10016x128xf32, #tpu.memory_space<vmem_shared>>) offsets(%dma_start3A_656 : memref<80xi32, #tpu.memory_space<vmem>>) semaphore(%arg19 : memref<!tpu.dma_semaphore, #tpu.memory_space<semaphore_mem>>) {add = true}
      %dma_wait3A_660 = arith.constant 21 : i32
      %dma_wait3A_661 = arith.constant 0 : i32
      %dma_wait3A_662 = tpu.memref_slice %arg8[%dma_wait3A_660, %dma_wait3A_661] : memref<32x80xi32, #tpu.memory_space<vmem>> -> memref<1x80xi32, #tpu.memory_space<vmem>>
      %dma_wait3A_663 = tpu.memref_squeeze %dma_wait3A_662 : memref<1x80xi32, #tpu.memory_space<vmem>> -> memref<80xi32, #tpu.memory_space<vmem>>
      %dma_wait3A_664 = arith.constant 0 : i32
      %dma_wait3A_665 = arith.constant 0 : i32
      %dma_wait3A_666 = tpu.memref_slice %arg21[%dma_wait3A_664, %dma_wait3A_665] : memref<10016x128xf32, #tpu.memory_space<vmem_shared>> -> memref<10016x128xf32, #tpu.memory_space<vmem_shared>>
      tpu.wait_indirect_dma semaphore(%arg18 : memref<!tpu.dma_semaphore, #tpu.memory_space<semaphore_mem>>) src(%arg10 : memref<80x128xf32, #tpu.memory_space<vmem>>) dst(%dma_wait3A_666 : memref<10016x128xf32, #tpu.memory_space<vmem_shared>>)
      %dma_start3A_667 = arith.constant 25 : i32
      %dma_start3A_668 = arith.constant 0 : i32
      %dma_start3A_669 = tpu.memref_slice %arg7[%dma_start3A_667, %dma_start3A_668] : memref<32x80xi32, #tpu.memory_space<vmem>> -> memref<1x80xi32, #tpu.memory_space<vmem>>
      %dma_start3A_670 = tpu.memref_squeeze %dma_start3A_669 : memref<1x80xi32, #tpu.memory_space<vmem>> -> memref<80xi32, #tpu.memory_space<vmem>>
      %dma_start3A_671 = arith.constant 0 : i32
      %dma_start3A_672 = arith.constant 0 : i32
      %dma_start3A_673 = tpu.memref_slice %arg2[%dma_start3A_671, %dma_start3A_672] : memref<10000x128xf32, #tpu.memory_space<hbm>> -> memref<10000x128xf32, #tpu.memory_space<hbm>>
      tpu.enqueue_indirect_dma source(%dma_start3A_673 : memref<10000x128xf32, #tpu.memory_space<hbm>>) target(%arg10 : memref<80x128xf32, #tpu.memory_space<vmem>>) offsets(%dma_start3A_670 : memref<80xi32, #tpu.memory_space<vmem>>) semaphore(%arg14 : memref<!tpu.dma_semaphore, #tpu.memory_space<semaphore_mem>>)
      %dma_wait3A_674 = arith.constant 23 : i32
      %dma_wait3A_675 = arith.constant 0 : i32
      %dma_wait3A_676 = tpu.memref_slice %arg7[%dma_wait3A_674, %dma_wait3A_675] : memref<32x80xi32, #tpu.memory_space<vmem>> -> memref<1x80xi32, #tpu.memory_space<vmem>>
      %dma_wait3A_677 = tpu.memref_squeeze %dma_wait3A_676 : memref<1x80xi32, #tpu.memory_space<vmem>> -> memref<80xi32, #tpu.memory_space<vmem>>
      %dma_wait3A_678 = arith.constant 0 : i32
      %dma_wait3A_679 = arith.constant 0 : i32
      %dma_wait3A_680 = tpu.memref_slice %arg2[%dma_wait3A_678, %dma_wait3A_679] : memref<10000x128xf32, #tpu.memory_space<hbm>> -> memref<10000x128xf32, #tpu.memory_space<hbm>>
      tpu.wait_indirect_dma semaphore(%arg16 : memref<!tpu.dma_semaphore, #tpu.memory_space<semaphore_mem>>) src(%dma_wait3A_680 : memref<10000x128xf32, #tpu.memory_space<hbm>>) dst(%arg12 : memref<80x128xf32, #tpu.memory_space<vmem>>)
      %dma_start3A_681 = arith.constant 23 : i32
      %dma_start3A_682 = arith.constant 0 : i32
      %dma_start3A_683 = tpu.memref_slice %arg8[%dma_start3A_681, %dma_start3A_682] : memref<32x80xi32, #tpu.memory_space<vmem>> -> memref<1x80xi32, #tpu.memory_space<vmem>>
      %dma_start3A_684 = tpu.memref_squeeze %dma_start3A_683 : memref<1x80xi32, #tpu.memory_space<vmem>> -> memref<80xi32, #tpu.memory_space<vmem>>
      %dma_start3A_685 = arith.constant 0 : i32
      %dma_start3A_686 = arith.constant 0 : i32
      %dma_start3A_687 = tpu.memref_slice %arg21[%dma_start3A_685, %dma_start3A_686] : memref<10016x128xf32, #tpu.memory_space<vmem_shared>> -> memref<10016x128xf32, #tpu.memory_space<vmem_shared>>
      tpu.enqueue_indirect_dma source(%arg12 : memref<80x128xf32, #tpu.memory_space<vmem>>) target(%dma_start3A_687 : memref<10016x128xf32, #tpu.memory_space<vmem_shared>>) offsets(%dma_start3A_684 : memref<80xi32, #tpu.memory_space<vmem>>) semaphore(%arg20 : memref<!tpu.dma_semaphore, #tpu.memory_space<semaphore_mem>>) {add = true}
      %dma_wait3A_688 = arith.constant 22 : i32
      %dma_wait3A_689 = arith.constant 0 : i32
      %dma_wait3A_690 = tpu.memref_slice %arg8[%dma_wait3A_688, %dma_wait3A_689] : memref<32x80xi32, #tpu.memory_space<vmem>> -> memref<1x80xi32, #tpu.memory_space<vmem>>
      %dma_wait3A_691 = tpu.memref_squeeze %dma_wait3A_690 : memref<1x80xi32, #tpu.memory_space<vmem>> -> memref<80xi32, #tpu.memory_space<vmem>>
      %dma_wait3A_692 = arith.constant 0 : i32
      %dma_wait3A_693 = arith.constant 0 : i32
      %dma_wait3A_694 = tpu.memref_slice %arg21[%dma_wait3A_692, %dma_wait3A_693] : memref<10016x128xf32, #tpu.memory_space<vmem_shared>> -> memref<10016x128xf32, #tpu.memory_space<vmem_shared>>
      tpu.wait_indirect_dma semaphore(%arg19 : memref<!tpu.dma_semaphore, #tpu.memory_space<semaphore_mem>>) src(%arg11 : memref<80x128xf32, #tpu.memory_space<vmem>>) dst(%dma_wait3A_694 : memref<10016x128xf32, #tpu.memory_space<vmem_shared>>)
      %dma_start3A_695 = arith.constant 26 : i32
      %dma_start3A_696 = arith.constant 0 : i32
      %dma_start3A_697 = tpu.memref_slice %arg7[%dma_start3A_695, %dma_start3A_696] : memref<32x80xi32, #tpu.memory_space<vmem>> -> memref<1x80xi32, #tpu.memory_space<vmem>>
      %dma_start3A_698 = tpu.memref_squeeze %dma_start3A_697 : memref<1x80xi32, #tpu.memory_space<vmem>> -> memref<80xi32, #tpu.memory_space<vmem>>
      %dma_start3A_699 = arith.constant 0 : i32
      %dma_start3A_700 = arith.constant 0 : i32
      %dma_start3A_701 = tpu.memref_slice %arg2[%dma_start3A_699, %dma_start3A_700] : memref<10000x128xf32, #tpu.memory_space<hbm>> -> memref<10000x128xf32, #tpu.memory_space<hbm>>
      tpu.enqueue_indirect_dma source(%dma_start3A_701 : memref<10000x128xf32, #tpu.memory_space<hbm>>) target(%arg11 : memref<80x128xf32, #tpu.memory_space<vmem>>) offsets(%dma_start3A_698 : memref<80xi32, #tpu.memory_space<vmem>>) semaphore(%arg15 : memref<!tpu.dma_semaphore, #tpu.memory_space<semaphore_mem>>)
      %dma_wait3A_702 = arith.constant 24 : i32
      %dma_wait3A_703 = arith.constant 0 : i32
      %dma_wait3A_704 = tpu.memref_slice %arg7[%dma_wait3A_702, %dma_wait3A_703] : memref<32x80xi32, #tpu.memory_space<vmem>> -> memref<1x80xi32, #tpu.memory_space<vmem>>
      %dma_wait3A_705 = tpu.memref_squeeze %dma_wait3A_704 : memref<1x80xi32, #tpu.memory_space<vmem>> -> memref<80xi32, #tpu.memory_space<vmem>>
      %dma_wait3A_706 = arith.constant 0 : i32
      %dma_wait3A_707 = arith.constant 0 : i32
      %dma_wait3A_708 = tpu.memref_slice %arg2[%dma_wait3A_706, %dma_wait3A_707] : memref<10000x128xf32, #tpu.memory_space<hbm>> -> memref<10000x128xf32, #tpu.memory_space<hbm>>
      tpu.wait_indirect_dma semaphore(%arg13 : memref<!tpu.dma_semaphore, #tpu.memory_space<semaphore_mem>>) src(%dma_wait3A_708 : memref<10000x128xf32, #tpu.memory_space<hbm>>) dst(%arg9 : memref<80x128xf32, #tpu.memory_space<vmem>>)
      %dma_start3A_709 = arith.constant 24 : i32
      %dma_start3A_710 = arith.constant 0 : i32
      %dma_start3A_711 = tpu.memref_slice %arg8[%dma_start3A_709, %dma_start3A_710] : memref<32x80xi32, #tpu.memory_space<vmem>> -> memref<1x80xi32, #tpu.memory_space<vmem>>
      %dma_start3A_712 = tpu.memref_squeeze %dma_start3A_711 : memref<1x80xi32, #tpu.memory_space<vmem>> -> memref<80xi32, #tpu.memory_space<vmem>>
      %dma_start3A_713 = arith.constant 0 : i32
      %dma_start3A_714 = arith.constant 0 : i32
      %dma_start3A_715 = tpu.memref_slice %arg21[%dma_start3A_713, %dma_start3A_714] : memref<10016x128xf32, #tpu.memory_space<vmem_shared>> -> memref<10016x128xf32, #tpu.memory_space<vmem_shared>>
      tpu.enqueue_indirect_dma source(%arg9 : memref<80x128xf32, #tpu.memory_space<vmem>>) target(%dma_start3A_715 : memref<10016x128xf32, #tpu.memory_space<vmem_shared>>) offsets(%dma_start3A_712 : memref<80xi32, #tpu.memory_space<vmem>>) semaphore(%arg17 : memref<!tpu.dma_semaphore, #tpu.memory_space<semaphore_mem>>) {add = true}
      %dma_wait3A_716 = arith.constant 23 : i32
      %dma_wait3A_717 = arith.constant 0 : i32
      %dma_wait3A_718 = tpu.memref_slice %arg8[%dma_wait3A_716, %dma_wait3A_717] : memref<32x80xi32, #tpu.memory_space<vmem>> -> memref<1x80xi32, #tpu.memory_space<vmem>>
      %dma_wait3A_719 = tpu.memref_squeeze %dma_wait3A_718 : memref<1x80xi32, #tpu.memory_space<vmem>> -> memref<80xi32, #tpu.memory_space<vmem>>
      %dma_wait3A_720 = arith.constant 0 : i32
      %dma_wait3A_721 = arith.constant 0 : i32
      %dma_wait3A_722 = tpu.memref_slice %arg21[%dma_wait3A_720, %dma_wait3A_721] : memref<10016x128xf32, #tpu.memory_space<vmem_shared>> -> memref<10016x128xf32, #tpu.memory_space<vmem_shared>>
      tpu.wait_indirect_dma semaphore(%arg20 : memref<!tpu.dma_semaphore, #tpu.memory_space<semaphore_mem>>) src(%arg12 : memref<80x128xf32, #tpu.memory_space<vmem>>) dst(%dma_wait3A_722 : memref<10016x128xf32, #tpu.memory_space<vmem_shared>>)
      %dma_start3A_723 = arith.constant 27 : i32
      %dma_start3A_724 = arith.constant 0 : i32
      %dma_start3A_725 = tpu.memref_slice %arg7[%dma_start3A_723, %dma_start3A_724] : memref<32x80xi32, #tpu.memory_space<vmem>> -> memref<1x80xi32, #tpu.memory_space<vmem>>
      %dma_start3A_726 = tpu.memref_squeeze %dma_start3A_725 : memref<1x80xi32, #tpu.memory_space<vmem>> -> memref<80xi32, #tpu.memory_space<vmem>>
      %dma_start3A_727 = arith.constant 0 : i32
      %dma_start3A_728 = arith.constant 0 : i32
      %dma_start3A_729 = tpu.memref_slice %arg2[%dma_start3A_727, %dma_start3A_728] : memref<10000x128xf32, #tpu.memory_space<hbm>> -> memref<10000x128xf32, #tpu.memory_space<hbm>>
      tpu.enqueue_indirect_dma source(%dma_start3A_729 : memref<10000x128xf32, #tpu.memory_space<hbm>>) target(%arg12 : memref<80x128xf32, #tpu.memory_space<vmem>>) offsets(%dma_start3A_726 : memref<80xi32, #tpu.memory_space<vmem>>) semaphore(%arg16 : memref<!tpu.dma_semaphore, #tpu.memory_space<semaphore_mem>>)
      %dma_wait3A_730 = arith.constant 25 : i32
      %dma_wait3A_731 = arith.constant 0 : i32
      %dma_wait3A_732 = tpu.memref_slice %arg7[%dma_wait3A_730, %dma_wait3A_731] : memref<32x80xi32, #tpu.memory_space<vmem>> -> memref<1x80xi32, #tpu.memory_space<vmem>>
      %dma_wait3A_733 = tpu.memref_squeeze %dma_wait3A_732 : memref<1x80xi32, #tpu.memory_space<vmem>> -> memref<80xi32, #tpu.memory_space<vmem>>
      %dma_wait3A_734 = arith.constant 0 : i32
      %dma_wait3A_735 = arith.constant 0 : i32
      %dma_wait3A_736 = tpu.memref_slice %arg2[%dma_wait3A_734, %dma_wait3A_735] : memref<10000x128xf32, #tpu.memory_space<hbm>> -> memref<10000x128xf32, #tpu.memory_space<hbm>>
      tpu.wait_indirect_dma semaphore(%arg14 : memref<!tpu.dma_semaphore, #tpu.memory_space<semaphore_mem>>) src(%dma_wait3A_736 : memref<10000x128xf32, #tpu.memory_space<hbm>>) dst(%arg10 : memref<80x128xf32, #tpu.memory_space<vmem>>)
      %dma_start3A_737 = arith.constant 25 : i32
      %dma_start3A_738 = arith.constant 0 : i32
      %dma_start3A_739 = tpu.memref_slice %arg8[%dma_start3A_737, %dma_start3A_738] : memref<32x80xi32, #tpu.memory_space<vmem>> -> memref<1x80xi32, #tpu.memory_space<vmem>>
      %dma_start3A_740 = tpu.memref_squeeze %dma_start3A_739 : memref<1x80xi32, #tpu.memory_space<vmem>> -> memref<80xi32, #tpu.memory_space<vmem>>
      %dma_start3A_741 = arith.constant 0 : i32
      %dma_start3A_742 = arith.constant 0 : i32
      %dma_start3A_743 = tpu.memref_slice %arg21[%dma_start3A_741, %dma_start3A_742] : memref<10016x128xf32, #tpu.memory_space<vmem_shared>> -> memref<10016x128xf32, #tpu.memory_space<vmem_shared>>
      tpu.enqueue_indirect_dma source(%arg10 : memref<80x128xf32, #tpu.memory_space<vmem>>) target(%dma_start3A_743 : memref<10016x128xf32, #tpu.memory_space<vmem_shared>>) offsets(%dma_start3A_740 : memref<80xi32, #tpu.memory_space<vmem>>) semaphore(%arg18 : memref<!tpu.dma_semaphore, #tpu.memory_space<semaphore_mem>>) {add = true}
      %dma_wait3A_744 = arith.constant 24 : i32
      %dma_wait3A_745 = arith.constant 0 : i32
      %dma_wait3A_746 = tpu.memref_slice %arg8[%dma_wait3A_744, %dma_wait3A_745] : memref<32x80xi32, #tpu.memory_space<vmem>> -> memref<1x80xi32, #tpu.memory_space<vmem>>
      %dma_wait3A_747 = tpu.memref_squeeze %dma_wait3A_746 : memref<1x80xi32, #tpu.memory_space<vmem>> -> memref<80xi32, #tpu.memory_space<vmem>>
      %dma_wait3A_748 = arith.constant 0 : i32
      %dma_wait3A_749 = arith.constant 0 : i32
      %dma_wait3A_750 = tpu.memref_slice %arg21[%dma_wait3A_748, %dma_wait3A_749] : memref<10016x128xf32, #tpu.memory_space<vmem_shared>> -> memref<10016x128xf32, #tpu.memory_space<vmem_shared>>
      tpu.wait_indirect_dma semaphore(%arg17 : memref<!tpu.dma_semaphore, #tpu.memory_space<semaphore_mem>>) src(%arg9 : memref<80x128xf32, #tpu.memory_space<vmem>>) dst(%dma_wait3A_750 : memref<10016x128xf32, #tpu.memory_space<vmem_shared>>)
      %dma_start3A_751 = arith.constant 28 : i32
      %dma_start3A_752 = arith.constant 0 : i32
      %dma_start3A_753 = tpu.memref_slice %arg7[%dma_start3A_751, %dma_start3A_752] : memref<32x80xi32, #tpu.memory_space<vmem>> -> memref<1x80xi32, #tpu.memory_space<vmem>>
      %dma_start3A_754 = tpu.memref_squeeze %dma_start3A_753 : memref<1x80xi32, #tpu.memory_space<vmem>> -> memref<80xi32, #tpu.memory_space<vmem>>
      %dma_start3A_755 = arith.constant 0 : i32
      %dma_start3A_756 = arith.constant 0 : i32
      %dma_start3A_757 = tpu.memref_slice %arg2[%dma_start3A_755, %dma_start3A_756] : memref<10000x128xf32, #tpu.memory_space<hbm>> -> memref<10000x128xf32, #tpu.memory_space<hbm>>
      tpu.enqueue_indirect_dma source(%dma_start3A_757 : memref<10000x128xf32, #tpu.memory_space<hbm>>) target(%arg9 : memref<80x128xf32, #tpu.memory_space<vmem>>) offsets(%dma_start3A_754 : memref<80xi32, #tpu.memory_space<vmem>>) semaphore(%arg13 : memref<!tpu.dma_semaphore, #tpu.memory_space<semaphore_mem>>)
      %dma_wait3A_758 = arith.constant 26 : i32
      %dma_wait3A_759 = arith.constant 0 : i32
      %dma_wait3A_760 = tpu.memref_slice %arg7[%dma_wait3A_758, %dma_wait3A_759] : memref<32x80xi32, #tpu.memory_space<vmem>> -> memref<1x80xi32, #tpu.memory_space<vmem>>
      %dma_wait3A_761 = tpu.memref_squeeze %dma_wait3A_760 : memref<1x80xi32, #tpu.memory_space<vmem>> -> memref<80xi32, #tpu.memory_space<vmem>>
      %dma_wait3A_762 = arith.constant 0 : i32
      %dma_wait3A_763 = arith.constant 0 : i32
      %dma_wait3A_764 = tpu.memref_slice %arg2[%dma_wait3A_762, %dma_wait3A_763] : memref<10000x128xf32, #tpu.memory_space<hbm>> -> memref<10000x128xf32, #tpu.memory_space<hbm>>
      tpu.wait_indirect_dma semaphore(%arg15 : memref<!tpu.dma_semaphore, #tpu.memory_space<semaphore_mem>>) src(%dma_wait3A_764 : memref<10000x128xf32, #tpu.memory_space<hbm>>) dst(%arg11 : memref<80x128xf32, #tpu.memory_space<vmem>>)
      %dma_start3A_765 = arith.constant 26 : i32
      %dma_start3A_766 = arith.constant 0 : i32
      %dma_start3A_767 = tpu.memref_slice %arg8[%dma_start3A_765, %dma_start3A_766] : memref<32x80xi32, #tpu.memory_space<vmem>> -> memref<1x80xi32, #tpu.memory_space<vmem>>
      %dma_start3A_768 = tpu.memref_squeeze %dma_start3A_767 : memref<1x80xi32, #tpu.memory_space<vmem>> -> memref<80xi32, #tpu.memory_space<vmem>>
      %dma_start3A_769 = arith.constant 0 : i32
      %dma_start3A_770 = arith.constant 0 : i32
      %dma_start3A_771 = tpu.memref_slice %arg21[%dma_start3A_769, %dma_start3A_770] : memref<10016x128xf32, #tpu.memory_space<vmem_shared>> -> memref<10016x128xf32, #tpu.memory_space<vmem_shared>>
      tpu.enqueue_indirect_dma source(%arg11 : memref<80x128xf32, #tpu.memory_space<vmem>>) target(%dma_start3A_771 : memref<10016x128xf32, #tpu.memory_space<vmem_shared>>) offsets(%dma_start3A_768 : memref<80xi32, #tpu.memory_space<vmem>>) semaphore(%arg19 : memref<!tpu.dma_semaphore, #tpu.memory_space<semaphore_mem>>) {add = true}
      %dma_wait3A_772 = arith.constant 25 : i32
      %dma_wait3A_773 = arith.constant 0 : i32
      %dma_wait3A_774 = tpu.memref_slice %arg8[%dma_wait3A_772, %dma_wait3A_773] : memref<32x80xi32, #tpu.memory_space<vmem>> -> memref<1x80xi32, #tpu.memory_space<vmem>>
      %dma_wait3A_775 = tpu.memref_squeeze %dma_wait3A_774 : memref<1x80xi32, #tpu.memory_space<vmem>> -> memref<80xi32, #tpu.memory_space<vmem>>
      %dma_wait3A_776 = arith.constant 0 : i32
      %dma_wait3A_777 = arith.constant 0 : i32
      %dma_wait3A_778 = tpu.memref_slice %arg21[%dma_wait3A_776, %dma_wait3A_777] : memref<10016x128xf32, #tpu.memory_space<vmem_shared>> -> memref<10016x128xf32, #tpu.memory_space<vmem_shared>>
      tpu.wait_indirect_dma semaphore(%arg18 : memref<!tpu.dma_semaphore, #tpu.memory_space<semaphore_mem>>) src(%arg10 : memref<80x128xf32, #tpu.memory_space<vmem>>) dst(%dma_wait3A_778 : memref<10016x128xf32, #tpu.memory_space<vmem_shared>>)
      %dma_start3A_779 = arith.constant 29 : i32
      %dma_start3A_780 = arith.constant 0 : i32
      %dma_start3A_781 = tpu.memref_slice %arg7[%dma_start3A_779, %dma_start3A_780] : memref<32x80xi32, #tpu.memory_space<vmem>> -> memref<1x80xi32, #tpu.memory_space<vmem>>
      %dma_start3A_782 = tpu.memref_squeeze %dma_start3A_781 : memref<1x80xi32, #tpu.memory_space<vmem>> -> memref<80xi32, #tpu.memory_space<vmem>>
      %dma_start3A_783 = arith.constant 0 : i32
      %dma_start3A_784 = arith.constant 0 : i32
      %dma_start3A_785 = tpu.memref_slice %arg2[%dma_start3A_783, %dma_start3A_784] : memref<10000x128xf32, #tpu.memory_space<hbm>> -> memref<10000x128xf32, #tpu.memory_space<hbm>>
      tpu.enqueue_indirect_dma source(%dma_start3A_785 : memref<10000x128xf32, #tpu.memory_space<hbm>>) target(%arg10 : memref<80x128xf32, #tpu.memory_space<vmem>>) offsets(%dma_start3A_782 : memref<80xi32, #tpu.memory_space<vmem>>) semaphore(%arg14 : memref<!tpu.dma_semaphore, #tpu.memory_space<semaphore_mem>>)
      %dma_wait3A_786 = arith.constant 27 : i32
      %dma_wait3A_787 = arith.constant 0 : i32
      %dma_wait3A_788 = tpu.memref_slice %arg7[%dma_wait3A_786, %dma_wait3A_787] : memref<32x80xi32, #tpu.memory_space<vmem>> -> memref<1x80xi32, #tpu.memory_space<vmem>>
      %dma_wait3A_789 = tpu.memref_squeeze %dma_wait3A_788 : memref<1x80xi32, #tpu.memory_space<vmem>> -> memref<80xi32, #tpu.memory_space<vmem>>
      %dma_wait3A_790 = arith.constant 0 : i32
      %dma_wait3A_791 = arith.constant 0 : i32
      %dma_wait3A_792 = tpu.memref_slice %arg2[%dma_wait3A_790, %dma_wait3A_791] : memref<10000x128xf32, #tpu.memory_space<hbm>> -> memref<10000x128xf32, #tpu.memory_space<hbm>>
      tpu.wait_indirect_dma semaphore(%arg16 : memref<!tpu.dma_semaphore, #tpu.memory_space<semaphore_mem>>) src(%dma_wait3A_792 : memref<10000x128xf32, #tpu.memory_space<hbm>>) dst(%arg12 : memref<80x128xf32, #tpu.memory_space<vmem>>)
      %dma_start3A_793 = arith.constant 27 : i32
      %dma_start3A_794 = arith.constant 0 : i32
      %dma_start3A_795 = tpu.memref_slice %arg8[%dma_start3A_793, %dma_start3A_794] : memref<32x80xi32, #tpu.memory_space<vmem>> -> memref<1x80xi32, #tpu.memory_space<vmem>>
      %dma_start3A_796 = tpu.memref_squeeze %dma_start3A_795 : memref<1x80xi32, #tpu.memory_space<vmem>> -> memref<80xi32, #tpu.memory_space<vmem>>
      %dma_start3A_797 = arith.constant 0 : i32
      %dma_start3A_798 = arith.constant 0 : i32
      %dma_start3A_799 = tpu.memref_slice %arg21[%dma_start3A_797, %dma_start3A_798] : memref<10016x128xf32, #tpu.memory_space<vmem_shared>> -> memref<10016x128xf32, #tpu.memory_space<vmem_shared>>
      tpu.enqueue_indirect_dma source(%arg12 : memref<80x128xf32, #tpu.memory_space<vmem>>) target(%dma_start3A_799 : memref<10016x128xf32, #tpu.memory_space<vmem_shared>>) offsets(%dma_start3A_796 : memref<80xi32, #tpu.memory_space<vmem>>) semaphore(%arg20 : memref<!tpu.dma_semaphore, #tpu.memory_space<semaphore_mem>>) {add = true}
      %dma_wait3A_800 = arith.constant 26 : i32
      %dma_wait3A_801 = arith.constant 0 : i32
      %dma_wait3A_802 = tpu.memref_slice %arg8[%dma_wait3A_800, %dma_wait3A_801] : memref<32x80xi32, #tpu.memory_space<vmem>> -> memref<1x80xi32, #tpu.memory_space<vmem>>
      %dma_wait3A_803 = tpu.memref_squeeze %dma_wait3A_802 : memref<1x80xi32, #tpu.memory_space<vmem>> -> memref<80xi32, #tpu.memory_space<vmem>>
      %dma_wait3A_804 = arith.constant 0 : i32
      %dma_wait3A_805 = arith.constant 0 : i32
      %dma_wait3A_806 = tpu.memref_slice %arg21[%dma_wait3A_804, %dma_wait3A_805] : memref<10016x128xf32, #tpu.memory_space<vmem_shared>> -> memref<10016x128xf32, #tpu.memory_space<vmem_shared>>
      tpu.wait_indirect_dma semaphore(%arg19 : memref<!tpu.dma_semaphore, #tpu.memory_space<semaphore_mem>>) src(%arg11 : memref<80x128xf32, #tpu.memory_space<vmem>>) dst(%dma_wait3A_806 : memref<10016x128xf32, #tpu.memory_space<vmem_shared>>)
      %dma_start3A_807 = arith.constant 30 : i32
      %dma_start3A_808 = arith.constant 0 : i32
      %dma_start3A_809 = tpu.memref_slice %arg7[%dma_start3A_807, %dma_start3A_808] : memref<32x80xi32, #tpu.memory_space<vmem>> -> memref<1x80xi32, #tpu.memory_space<vmem>>
      %dma_start3A_810 = tpu.memref_squeeze %dma_start3A_809 : memref<1x80xi32, #tpu.memory_space<vmem>> -> memref<80xi32, #tpu.memory_space<vmem>>
      %dma_start3A_811 = arith.constant 0 : i32
      %dma_start3A_812 = arith.constant 0 : i32
      %dma_start3A_813 = tpu.memref_slice %arg2[%dma_start3A_811, %dma_start3A_812] : memref<10000x128xf32, #tpu.memory_space<hbm>> -> memref<10000x128xf32, #tpu.memory_space<hbm>>
      tpu.enqueue_indirect_dma source(%dma_start3A_813 : memref<10000x128xf32, #tpu.memory_space<hbm>>) target(%arg11 : memref<80x128xf32, #tpu.memory_space<vmem>>) offsets(%dma_start3A_810 : memref<80xi32, #tpu.memory_space<vmem>>) semaphore(%arg15 : memref<!tpu.dma_semaphore, #tpu.memory_space<semaphore_mem>>)
      %dma_wait3A_814 = arith.constant 28 : i32
      %dma_wait3A_815 = arith.constant 0 : i32
      %dma_wait3A_816 = tpu.memref_slice %arg7[%dma_wait3A_814, %dma_wait3A_815] : memref<32x80xi32, #tpu.memory_space<vmem>> -> memref<1x80xi32, #tpu.memory_space<vmem>>
      %dma_wait3A_817 = tpu.memref_squeeze %dma_wait3A_816 : memref<1x80xi32, #tpu.memory_space<vmem>> -> memref<80xi32, #tpu.memory_space<vmem>>
      %dma_wait3A_818 = arith.constant 0 : i32
      %dma_wait3A_819 = arith.constant 0 : i32
      %dma_wait3A_820 = tpu.memref_slice %arg2[%dma_wait3A_818, %dma_wait3A_819] : memref<10000x128xf32, #tpu.memory_space<hbm>> -> memref<10000x128xf32, #tpu.memory_space<hbm>>
      tpu.wait_indirect_dma semaphore(%arg13 : memref<!tpu.dma_semaphore, #tpu.memory_space<semaphore_mem>>) src(%dma_wait3A_820 : memref<10000x128xf32, #tpu.memory_space<hbm>>) dst(%arg9 : memref<80x128xf32, #tpu.memory_space<vmem>>)
      %dma_start3A_821 = arith.constant 28 : i32
      %dma_start3A_822 = arith.constant 0 : i32
      %dma_start3A_823 = tpu.memref_slice %arg8[%dma_start3A_821, %dma_start3A_822] : memref<32x80xi32, #tpu.memory_space<vmem>> -> memref<1x80xi32, #tpu.memory_space<vmem>>
      %dma_start3A_824 = tpu.memref_squeeze %dma_start3A_823 : memref<1x80xi32, #tpu.memory_space<vmem>> -> memref<80xi32, #tpu.memory_space<vmem>>
      %dma_start3A_825 = arith.constant 0 : i32
      %dma_start3A_826 = arith.constant 0 : i32
      %dma_start3A_827 = tpu.memref_slice %arg21[%dma_start3A_825, %dma_start3A_826] : memref<10016x128xf32, #tpu.memory_space<vmem_shared>> -> memref<10016x128xf32, #tpu.memory_space<vmem_shared>>
      tpu.enqueue_indirect_dma source(%arg9 : memref<80x128xf32, #tpu.memory_space<vmem>>) target(%dma_start3A_827 : memref<10016x128xf32, #tpu.memory_space<vmem_shared>>) offsets(%dma_start3A_824 : memref<80xi32, #tpu.memory_space<vmem>>) semaphore(%arg17 : memref<!tpu.dma_semaphore, #tpu.memory_space<semaphore_mem>>) {add = true}
      %dma_wait3A_828 = arith.constant 27 : i32
      %dma_wait3A_829 = arith.constant 0 : i32
      %dma_wait3A_830 = tpu.memref_slice %arg8[%dma_wait3A_828, %dma_wait3A_829] : memref<32x80xi32, #tpu.memory_space<vmem>> -> memref<1x80xi32, #tpu.memory_space<vmem>>
      %dma_wait3A_831 = tpu.memref_squeeze %dma_wait3A_830 : memref<1x80xi32, #tpu.memory_space<vmem>> -> memref<80xi32, #tpu.memory_space<vmem>>
      %dma_wait3A_832 = arith.constant 0 : i32
      %dma_wait3A_833 = arith.constant 0 : i32
      %dma_wait3A_834 = tpu.memref_slice %arg21[%dma_wait3A_832, %dma_wait3A_833] : memref<10016x128xf32, #tpu.memory_space<vmem_shared>> -> memref<10016x128xf32, #tpu.memory_space<vmem_shared>>
      tpu.wait_indirect_dma semaphore(%arg20 : memref<!tpu.dma_semaphore, #tpu.memory_space<semaphore_mem>>) src(%arg12 : memref<80x128xf32, #tpu.memory_space<vmem>>) dst(%dma_wait3A_834 : memref<10016x128xf32, #tpu.memory_space<vmem_shared>>)
      %dma_start3A_835 = arith.constant 31 : i32
      %dma_start3A_836 = arith.constant 0 : i32
      %dma_start3A_837 = tpu.memref_slice %arg7[%dma_start3A_835, %dma_start3A_836] : memref<32x80xi32, #tpu.memory_space<vmem>> -> memref<1x80xi32, #tpu.memory_space<vmem>>
      %dma_start3A_838 = tpu.memref_squeeze %dma_start3A_837 : memref<1x80xi32, #tpu.memory_space<vmem>> -> memref<80xi32, #tpu.memory_space<vmem>>
      %dma_start3A_839 = arith.constant 0 : i32
      %dma_start3A_840 = arith.constant 0 : i32
      %dma_start3A_841 = tpu.memref_slice %arg2[%dma_start3A_839, %dma_start3A_840] : memref<10000x128xf32, #tpu.memory_space<hbm>> -> memref<10000x128xf32, #tpu.memory_space<hbm>>
      tpu.enqueue_indirect_dma source(%dma_start3A_841 : memref<10000x128xf32, #tpu.memory_space<hbm>>) target(%arg12 : memref<80x128xf32, #tpu.memory_space<vmem>>) offsets(%dma_start3A_838 : memref<80xi32, #tpu.memory_space<vmem>>) semaphore(%arg16 : memref<!tpu.dma_semaphore, #tpu.memory_space<semaphore_mem>>)
      %dma_wait3A_842 = arith.constant 29 : i32
      %dma_wait3A_843 = arith.constant 0 : i32
      %dma_wait3A_844 = tpu.memref_slice %arg7[%dma_wait3A_842, %dma_wait3A_843] : memref<32x80xi32, #tpu.memory_space<vmem>> -> memref<1x80xi32, #tpu.memory_space<vmem>>
      %dma_wait3A_845 = tpu.memref_squeeze %dma_wait3A_844 : memref<1x80xi32, #tpu.memory_space<vmem>> -> memref<80xi32, #tpu.memory_space<vmem>>
      %dma_wait3A_846 = arith.constant 0 : i32
      %dma_wait3A_847 = arith.constant 0 : i32
      %dma_wait3A_848 = tpu.memref_slice %arg2[%dma_wait3A_846, %dma_wait3A_847] : memref<10000x128xf32, #tpu.memory_space<hbm>> -> memref<10000x128xf32, #tpu.memory_space<hbm>>
      tpu.wait_indirect_dma semaphore(%arg14 : memref<!tpu.dma_semaphore, #tpu.memory_space<semaphore_mem>>) src(%dma_wait3A_848 : memref<10000x128xf32, #tpu.memory_space<hbm>>) dst(%arg10 : memref<80x128xf32, #tpu.memory_space<vmem>>)
      %dma_start3A_849 = arith.constant 29 : i32
      %dma_start3A_850 = arith.constant 0 : i32
      %dma_start3A_851 = tpu.memref_slice %arg8[%dma_start3A_849, %dma_start3A_850] : memref<32x80xi32, #tpu.memory_space<vmem>> -> memref<1x80xi32, #tpu.memory_space<vmem>>
      %dma_start3A_852 = tpu.memref_squeeze %dma_start3A_851 : memref<1x80xi32, #tpu.memory_space<vmem>> -> memref<80xi32, #tpu.memory_space<vmem>>
      %dma_start3A_853 = arith.constant 0 : i32
      %dma_start3A_854 = arith.constant 0 : i32
      %dma_start3A_855 = tpu.memref_slice %arg21[%dma_start3A_853, %dma_start3A_854] : memref<10016x128xf32, #tpu.memory_space<vmem_shared>> -> memref<10016x128xf32, #tpu.memory_space<vmem_shared>>
      tpu.enqueue_indirect_dma source(%arg10 : memref<80x128xf32, #tpu.memory_space<vmem>>) target(%dma_start3A_855 : memref<10016x128xf32, #tpu.memory_space<vmem_shared>>) offsets(%dma_start3A_852 : memref<80xi32, #tpu.memory_space<vmem>>) semaphore(%arg18 : memref<!tpu.dma_semaphore, #tpu.memory_space<semaphore_mem>>) {add = true}
      %dma_wait3A_856 = arith.constant 28 : i32
      %dma_wait3A_857 = arith.constant 0 : i32
      %dma_wait3A_858 = tpu.memref_slice %arg8[%dma_wait3A_856, %dma_wait3A_857] : memref<32x80xi32, #tpu.memory_space<vmem>> -> memref<1x80xi32, #tpu.memory_space<vmem>>
      %dma_wait3A_859 = tpu.memref_squeeze %dma_wait3A_858 : memref<1x80xi32, #tpu.memory_space<vmem>> -> memref<80xi32, #tpu.memory_space<vmem>>
      %dma_wait3A_860 = arith.constant 0 : i32
      %dma_wait3A_861 = arith.constant 0 : i32
      %dma_wait3A_862 = tpu.memref_slice %arg21[%dma_wait3A_860, %dma_wait3A_861] : memref<10016x128xf32, #tpu.memory_space<vmem_shared>> -> memref<10016x128xf32, #tpu.memory_space<vmem_shared>>
      tpu.wait_indirect_dma semaphore(%arg17 : memref<!tpu.dma_semaphore, #tpu.memory_space<semaphore_mem>>) src(%arg9 : memref<80x128xf32, #tpu.memory_space<vmem>>) dst(%dma_wait3A_862 : memref<10016x128xf32, #tpu.memory_space<vmem_shared>>)
      %dma_wait3A_863 = arith.constant 30 : i32
      %dma_wait3A_864 = arith.constant 0 : i32
      %dma_wait3A_865 = tpu.memref_slice %arg7[%dma_wait3A_863, %dma_wait3A_864] : memref<32x80xi32, #tpu.memory_space<vmem>> -> memref<1x80xi32, #tpu.memory_space<vmem>>
      %dma_wait3A_866 = tpu.memref_squeeze %dma_wait3A_865 : memref<1x80xi32, #tpu.memory_space<vmem>> -> memref<80xi32, #tpu.memory_space<vmem>>
      %dma_wait3A_867 = arith.constant 0 : i32
      %dma_wait3A_868 = arith.constant 0 : i32
      %dma_wait3A_869 = tpu.memref_slice %arg2[%dma_wait3A_867, %dma_wait3A_868] : memref<10000x128xf32, #tpu.memory_space<hbm>> -> memref<10000x128xf32, #tpu.memory_space<hbm>>
      tpu.wait_indirect_dma semaphore(%arg15 : memref<!tpu.dma_semaphore, #tpu.memory_space<semaphore_mem>>) src(%dma_wait3A_869 : memref<10000x128xf32, #tpu.memory_space<hbm>>) dst(%arg11 : memref<80x128xf32, #tpu.memory_space<vmem>>)
      %dma_start3A_870 = arith.constant 30 : i32
      %dma_start3A_871 = arith.constant 0 : i32
      %dma_start3A_872 = tpu.memref_slice %arg8[%dma_start3A_870, %dma_start3A_871] : memref<32x80xi32, #tpu.memory_space<vmem>> -> memref<1x80xi32, #tpu.memory_space<vmem>>
      %dma_start3A_873 = tpu.memref_squeeze %dma_start3A_872 : memref<1x80xi32, #tpu.memory_space<vmem>> -> memref<80xi32, #tpu.memory_space<vmem>>
      %dma_start3A_874 = arith.constant 0 : i32
      %dma_start3A_875 = arith.constant 0 : i32
      %dma_start3A_876 = tpu.memref_slice %arg21[%dma_start3A_874, %dma_start3A_875] : memref<10016x128xf32, #tpu.memory_space<vmem_shared>> -> memref<10016x128xf32, #tpu.memory_space<vmem_shared>>
      tpu.enqueue_indirect_dma source(%arg11 : memref<80x128xf32, #tpu.memory_space<vmem>>) target(%dma_start3A_876 : memref<10016x128xf32, #tpu.memory_space<vmem_shared>>) offsets(%dma_start3A_873 : memref<80xi32, #tpu.memory_space<vmem>>) semaphore(%arg19 : memref<!tpu.dma_semaphore, #tpu.memory_space<semaphore_mem>>) {add = true}
      %dma_wait3A_877 = arith.constant 29 : i32
      %dma_wait3A_878 = arith.constant 0 : i32
      %dma_wait3A_879 = tpu.memref_slice %arg8[%dma_wait3A_877, %dma_wait3A_878] : memref<32x80xi32, #tpu.memory_space<vmem>> -> memref<1x80xi32, #tpu.memory_space<vmem>>
      %dma_wait3A_880 = tpu.memref_squeeze %dma_wait3A_879 : memref<1x80xi32, #tpu.memory_space<vmem>> -> memref<80xi32, #tpu.memory_space<vmem>>
      %dma_wait3A_881 = arith.constant 0 : i32
      %dma_wait3A_882 = arith.constant 0 : i32
      %dma_wait3A_883 = tpu.memref_slice %arg21[%dma_wait3A_881, %dma_wait3A_882] : memref<10016x128xf32, #tpu.memory_space<vmem_shared>> -> memref<10016x128xf32, #tpu.memory_space<vmem_shared>>
      tpu.wait_indirect_dma semaphore(%arg18 : memref<!tpu.dma_semaphore, #tpu.memory_space<semaphore_mem>>) src(%arg10 : memref<80x128xf32, #tpu.memory_space<vmem>>) dst(%dma_wait3A_883 : memref<10016x128xf32, #tpu.memory_space<vmem_shared>>)
      %dma_wait3A_884 = arith.constant 31 : i32
      %dma_wait3A_885 = arith.constant 0 : i32
      %dma_wait3A_886 = tpu.memref_slice %arg7[%dma_wait3A_884, %dma_wait3A_885] : memref<32x80xi32, #tpu.memory_space<vmem>> -> memref<1x80xi32, #tpu.memory_space<vmem>>
      %dma_wait3A_887 = tpu.memref_squeeze %dma_wait3A_886 : memref<1x80xi32, #tpu.memory_space<vmem>> -> memref<80xi32, #tpu.memory_space<vmem>>
      %dma_wait3A_888 = arith.constant 0 : i32
      %dma_wait3A_889 = arith.constant 0 : i32
      %dma_wait3A_890 = tpu.memref_slice %arg2[%dma_wait3A_888, %dma_wait3A_889] : memref<10000x128xf32, #tpu.memory_space<hbm>> -> memref<10000x128xf32, #tpu.memory_space<hbm>>
      tpu.wait_indirect_dma semaphore(%arg16 : memref<!tpu.dma_semaphore, #tpu.memory_space<semaphore_mem>>) src(%dma_wait3A_890 : memref<10000x128xf32, #tpu.memory_space<hbm>>) dst(%arg12 : memref<80x128xf32, #tpu.memory_space<vmem>>)
      %dma_start3A_891 = arith.constant 31 : i32
      %dma_start3A_892 = arith.constant 0 : i32
      %dma_start3A_893 = tpu.memref_slice %arg8[%dma_start3A_891, %dma_start3A_892] : memref<32x80xi32, #tpu.memory_space<vmem>> -> memref<1x80xi32, #tpu.memory_space<vmem>>
      %dma_start3A_894 = tpu.memref_squeeze %dma_start3A_893 : memref<1x80xi32, #tpu.memory_space<vmem>> -> memref<80xi32, #tpu.memory_space<vmem>>
      %dma_start3A_895 = arith.constant 0 : i32
      %dma_start3A_896 = arith.constant 0 : i32
      %dma_start3A_897 = tpu.memref_slice %arg21[%dma_start3A_895, %dma_start3A_896] : memref<10016x128xf32, #tpu.memory_space<vmem_shared>> -> memref<10016x128xf32, #tpu.memory_space<vmem_shared>>
      tpu.enqueue_indirect_dma source(%arg12 : memref<80x128xf32, #tpu.memory_space<vmem>>) target(%dma_start3A_897 : memref<10016x128xf32, #tpu.memory_space<vmem_shared>>) offsets(%dma_start3A_894 : memref<80xi32, #tpu.memory_space<vmem>>) semaphore(%arg20 : memref<!tpu.dma_semaphore, #tpu.memory_space<semaphore_mem>>) {add = true}
      %dma_wait3A_898 = arith.constant 30 : i32
      %dma_wait3A_899 = arith.constant 0 : i32
      %dma_wait3A_900 = tpu.memref_slice %arg8[%dma_wait3A_898, %dma_wait3A_899] : memref<32x80xi32, #tpu.memory_space<vmem>> -> memref<1x80xi32, #tpu.memory_space<vmem>>
      %dma_wait3A_901 = tpu.memref_squeeze %dma_wait3A_900 : memref<1x80xi32, #tpu.memory_space<vmem>> -> memref<80xi32, #tpu.memory_space<vmem>>
      %dma_wait3A_902 = arith.constant 0 : i32
      %dma_wait3A_903 = arith.constant 0 : i32
      %dma_wait3A_904 = tpu.memref_slice %arg21[%dma_wait3A_902, %dma_wait3A_903] : memref<10016x128xf32, #tpu.memory_space<vmem_shared>> -> memref<10016x128xf32, #tpu.memory_space<vmem_shared>>
      tpu.wait_indirect_dma semaphore(%arg19 : memref<!tpu.dma_semaphore, #tpu.memory_space<semaphore_mem>>) src(%arg11 : memref<80x128xf32, #tpu.memory_space<vmem>>) dst(%dma_wait3A_904 : memref<10016x128xf32, #tpu.memory_space<vmem_shared>>)
      %dma_wait3A_905 = arith.constant 31 : i32
      %dma_wait3A_906 = arith.constant 0 : i32
      %dma_wait3A_907 = tpu.memref_slice %arg8[%dma_wait3A_905, %dma_wait3A_906] : memref<32x80xi32, #tpu.memory_space<vmem>> -> memref<1x80xi32, #tpu.memory_space<vmem>>
      %dma_wait3A_908 = tpu.memref_squeeze %dma_wait3A_907 : memref<1x80xi32, #tpu.memory_space<vmem>> -> memref<80xi32, #tpu.memory_space<vmem>>
      %dma_wait3A_909 = arith.constant 0 : i32
      %dma_wait3A_910 = arith.constant 0 : i32
      %dma_wait3A_911 = tpu.memref_slice %arg21[%dma_wait3A_909, %dma_wait3A_910] : memref<10016x128xf32, #tpu.memory_space<vmem_shared>> -> memref<10016x128xf32, #tpu.memory_space<vmem_shared>>
      tpu.wait_indirect_dma semaphore(%arg20 : memref<!tpu.dma_semaphore, #tpu.memory_space<semaphore_mem>>) src(%arg12 : memref<80x128xf32, #tpu.memory_space<vmem>>) dst(%dma_wait3A_911 : memref<10016x128xf32, #tpu.memory_space<vmem_shared>>)
    }
    %scan3A_7 = arith.constant 4 : i32
    %barrier3A_8 = arith.constant 0 : index
    tpu.barrier barrier_id(%barrier3A_8)
    %mul3A_9 = arith.constant 10000 : i32
    %mul3A_10 = arith.muli %arg0, %mul3A_9 : i32
    %add3A_11 = arith.addi %mul3A_10, %mul3A_2 : i32
    "tpu.region"() ({
      %run_scoped3A = tpu.sem_alloc : memref<!tpu.dma_semaphore, #tpu.memory_space<semaphore_mem>>
      %dma_start3A = arith.constant 0 : i32
      %dma_start3A_12 = tpu.memref_slice %arg6[%add3A_11, %dma_start3A] : memref<20000x128xf32, #tpu.memory_space<hbm>> -> memref<640x128xf32, #tpu.memory_space<hbm>>
      %dma_start3A_13 = arith.constant 0 : i32
      %dma_start3A_14 = tpu.memref_slice %arg21[%mul3A_2, %dma_start3A_13] : memref<10016x128xf32, #tpu.memory_space<vmem_shared>> -> memref<640x128xf32, #tpu.memory_space<vmem_shared>>
      tpu.enqueue_dma source(%dma_start3A_14 : memref<640x128xf32, #tpu.memory_space<vmem_shared>>) target(%dma_start3A_12 : memref<640x128xf32, #tpu.memory_space<hbm>>) target_semaphore(%run_scoped3A : memref<!tpu.dma_semaphore, #tpu.memory_space<semaphore_mem>>)
      %dma_wait3A = arith.constant 0 : i32
      %dma_wait3A_15 = tpu.memref_slice %arg6[%add3A_11, %dma_wait3A] : memref<20000x128xf32, #tpu.memory_space<hbm>> -> memref<640x128xf32, #tpu.memory_space<hbm>>
      %dma_wait3A_16 = arith.constant 0 : i32
      %dma_wait3A_17 = tpu.memref_slice %arg21[%mul3A_2, %dma_wait3A_16] : memref<10016x128xf32, #tpu.memory_space<vmem_shared>> -> memref<640x128xf32, #tpu.memory_space<vmem_shared>>
      tpu.wait_dma2 semaphore(%run_scoped3A : memref<!tpu.dma_semaphore, #tpu.memory_space<semaphore_mem>>) src(%dma_wait3A_17 : memref<640x128xf32, #tpu.memory_space<vmem_shared>>) dst(%dma_wait3A_15 : memref<640x128xf32, #tpu.memory_space<hbm>>)
      tpu.yield
    }) : () -> ()
    return
  }
}

#map = affine_map<(d0, d1) -> (0, 0)>
module attributes {stable_mosaic.version = 14 : i64} {
  func.func @_sc_agg(%arg0: i32, %arg1: i32, %arg2: memref<10000x128xf32, #tpu.memory_space<hbm>>, %arg3: memref<4096x80xi32, #tpu.memory_space<hbm>>, %arg4: memref<4096x80xi32, #tpu.memory_space<hbm>>, %arg5: memref<10000x128xf32, #tpu.memory_space<hbm>>, %arg6: memref<20000x128xf32, #tpu.memory_space<hbm>>, %arg7: memref<32x80xi32, #tpu.memory_space<vmem>>, %arg8: memref<32x80xi32, #tpu.memory_space<vmem>>, %arg9: memref<80x128xf32, #tpu.memory_space<vmem>>, %arg10: memref<80x128xf32, #tpu.memory_space<vmem>>, %arg11: memref<80x128xf32, #tpu.memory_space<vmem>>, %arg12: memref<80x128xf32, #tpu.memory_space<vmem>>, %arg13: memref<!tpu.dma_semaphore, #tpu.memory_space<semaphore_mem>>, %arg14: memref<!tpu.dma_semaphore, #tpu.memory_space<semaphore_mem>>, %arg15: memref<!tpu.dma_semaphore, #tpu.memory_space<semaphore_mem>>, %arg16: memref<!tpu.dma_semaphore, #tpu.memory_space<semaphore_mem>>, %arg17: memref<!tpu.dma_semaphore, #tpu.memory_space<semaphore_mem>>, %arg18: memref<!tpu.dma_semaphore, #tpu.memory_space<semaphore_mem>>, %arg19: memref<!tpu.dma_semaphore, #tpu.memory_space<semaphore_mem>>, %arg20: memref<!tpu.dma_semaphore, #tpu.memory_space<semaphore_mem>>, %arg21: memref<10016x128xf32, #tpu.memory_space<vmem_shared>>) attributes {dimension_semantics = [#tpu.dimension_semantics<core_parallel>, #tpu.dimension_semantics<subcore_parallel>], iteration_bounds = array<i64: 2, 16>, scalar_prefetch = 0 : i64, scratch_operands = 15 : i64, tpu.core_type = #tpu.core_type<sc_vector_subcore>, window_params = [{transform_indices = #map}, {transform_indices = #map}, {transform_indices = #map}, {transform_indices = #map}, {transform_indices = #map}]} {
    %mul3A = arith.constant 16 : i32
    %mul3A_0 = arith.muli %arg0, %mul3A : i32
    %add3A = arith.addi %mul3A_0, %arg1 : i32
    %mul3A_1 = arith.constant 624 : i32
    %mul3A_2 = arith.muli %arg1, %mul3A_1 : i32
    "tpu.region"() ({
      %run_scoped3A = tpu.sem_alloc : memref<!tpu.dma_semaphore, #tpu.memory_space<semaphore_mem>>
      %dma_start3A = arith.constant 0 : i32
      %dma_start3A_12 = tpu.memref_slice %arg21[%mul3A_2, %dma_start3A] : memref<10016x128xf32, #tpu.memory_space<vmem_shared>> -> memref<640x128xf32, #tpu.memory_space<vmem_shared>>
      %dma_start3A_13 = arith.constant 0 : i32
      %dma_start3A_14 = tpu.memref_slice %arg5[%mul3A_2, %dma_start3A_13] : memref<10000x128xf32, #tpu.memory_space<hbm>> -> memref<640x128xf32, #tpu.memory_space<hbm>>
      tpu.enqueue_dma source(%dma_start3A_14 : memref<640x128xf32, #tpu.memory_space<hbm>>) target(%dma_start3A_12 : memref<640x128xf32, #tpu.memory_space<vmem_shared>>) target_semaphore(%run_scoped3A : memref<!tpu.dma_semaphore, #tpu.memory_space<semaphore_mem>>)
      %dma_wait3A = arith.constant 0 : i32
      %dma_wait3A_15 = tpu.memref_slice %arg21[%mul3A_2, %dma_wait3A] : memref<10016x128xf32, #tpu.memory_space<vmem_shared>> -> memref<640x128xf32, #tpu.memory_space<vmem_shared>>
      %dma_wait3A_16 = arith.constant 0 : i32
      %dma_wait3A_17 = tpu.memref_slice %arg5[%mul3A_2, %dma_wait3A_16] : memref<10000x128xf32, #tpu.memory_space<hbm>> -> memref<640x128xf32, #tpu.memory_space<hbm>>
      tpu.wait_dma2 semaphore(%run_scoped3A : memref<!tpu.dma_semaphore, #tpu.memory_space<semaphore_mem>>) src(%dma_wait3A_17 : memref<640x128xf32, #tpu.memory_space<hbm>>) dst(%dma_wait3A_15 : memref<640x128xf32, #tpu.memory_space<vmem_shared>>)
      tpu.yield
    }) : () -> ()
    %barrier3A = arith.constant 0 : index
    tpu.barrier barrier_id(%barrier3A)
    %scan3A = arith.constant 0 : i32
    %scan3A_3 = arith.constant 0 : i32
    %scan3A_4 = arith.constant 4 : i32
    %scan3A_5 = arith.addi %scan3A_3, %scan3A_4 : i32
    %scan3A_6 = arith.constant 1 : i32
    scf.for %scan3A_12 = %scan3A_3 to %scan3A_5 step %scan3A_6  : i32 {
      %mul3A_13 = arith.constant 128 : i32
      %mul3A_14 = arith.muli %add3A, %mul3A_13 : i32
      %mul3A_15 = arith.constant 32 : i32
      %mul3A_16 = arith.muli %scan3A_12, %mul3A_15 : i32
      %add3A_17 = arith.addi %mul3A_14, %mul3A_16 : i32
      "tpu.region"() ({
        %run_scoped3A = tpu.sem_alloc : memref<!tpu.dma_semaphore, #tpu.memory_space<semaphore_mem>>
        %dma_start3A_912 = arith.constant 0 : i32
        %dma_start3A_913 = tpu.memref_slice %arg3[%add3A_17, %dma_start3A_912] : memref<4096x80xi32, #tpu.memory_space<hbm>> -> memref<32x80xi32, #tpu.memory_space<hbm>>
        %dma_start3A_914 = arith.constant 0 : i32
        %dma_start3A_915 = tpu.memref_slice %arg3[%add3A_17, %dma_start3A_914] : memref<4096x80xi32, #tpu.memory_space<hbm>> -> memref<32x80xi32, #tpu.memory_space<hbm>>
        tpu.enqueue_dma source(%dma_start3A_915 : memref<32x80xi32, #tpu.memory_space<hbm>>) target(%arg7 : memref<32x80xi32, #tpu.memory_space<vmem>>) target_semaphore(%run_scoped3A : memref<!tpu.dma_semaphore, #tpu.memory_space<semaphore_mem>>)
        %dma_wait3A_916 = arith.constant 0 : i32
        %dma_wait3A_917 = tpu.memref_slice %arg3[%add3A_17, %dma_wait3A_916] : memref<4096x80xi32, #tpu.memory_space<hbm>> -> memref<32x80xi32, #tpu.memory_space<hbm>>
        %dma_wait3A_918 = arith.constant 0 : i32
        %dma_wait3A_919 = tpu.memref_slice %arg3[%add3A_17, %dma_wait3A_918] : memref<4096x80xi32, #tpu.memory_space<hbm>> -> memref<32x80xi32, #tpu.memory_space<hbm>>
        tpu.wait_dma2 semaphore(%run_scoped3A : memref<!tpu.dma_semaphore, #tpu.memory_space<semaphore_mem>>) src(%dma_wait3A_919 : memref<32x80xi32, #tpu.memory_space<hbm>>) dst(%arg7 : memref<32x80xi32, #tpu.memory_space<vmem>>)
        tpu.yield
      }) : () -> ()
      "tpu.region"() ({
        %run_scoped3A = tpu.sem_alloc : memref<!tpu.dma_semaphore, #tpu.memory_space<semaphore_mem>>
        %dma_start3A_912 = arith.constant 0 : i32
        %dma_start3A_913 = tpu.memref_slice %arg4[%add3A_17, %dma_start3A_912] : memref<4096x80xi32, #tpu.memory_space<hbm>> -> memref<32x80xi32, #tpu.memory_space<hbm>>
        %dma_start3A_914 = arith.constant 0 : i32
        %dma_start3A_915 = tpu.memref_slice %arg4[%add3A_17, %dma_start3A_914] : memref<4096x80xi32, #tpu.memory_space<hbm>> -> memref<32x80xi32, #tpu.memory_space<hbm>>
        tpu.enqueue_dma source(%dma_start3A_915 : memref<32x80xi32, #tpu.memory_space<hbm>>) target(%arg8 : memref<32x80xi32, #tpu.memory_space<vmem>>) target_semaphore(%run_scoped3A : memref<!tpu.dma_semaphore, #tpu.memory_space<semaphore_mem>>)
        %dma_wait3A_916 = arith.constant 0 : i32
        %dma_wait3A_917 = tpu.memref_slice %arg4[%add3A_17, %dma_wait3A_916] : memref<4096x80xi32, #tpu.memory_space<hbm>> -> memref<32x80xi32, #tpu.memory_space<hbm>>
        %dma_wait3A_918 = arith.constant 0 : i32
        %dma_wait3A_919 = tpu.memref_slice %arg4[%add3A_17, %dma_wait3A_918] : memref<4096x80xi32, #tpu.memory_space<hbm>> -> memref<32x80xi32, #tpu.memory_space<hbm>>
        tpu.wait_dma2 semaphore(%run_scoped3A : memref<!tpu.dma_semaphore, #tpu.memory_space<semaphore_mem>>) src(%dma_wait3A_919 : memref<32x80xi32, #tpu.memory_space<hbm>>) dst(%arg8 : memref<32x80xi32, #tpu.memory_space<vmem>>)
        tpu.yield
      }) : () -> ()
      %dma_start3A = arith.constant 0 : i32
      %dma_start3A_18 = arith.constant 0 : i32
      %dma_start3A_19 = tpu.memref_slice %arg7[%dma_start3A, %dma_start3A_18] : memref<32x80xi32, #tpu.memory_space<vmem>> -> memref<1x80xi32, #tpu.memory_space<vmem>>
      %dma_start3A_20 = tpu.memref_squeeze %dma_start3A_19 : memref<1x80xi32, #tpu.memory_space<vmem>> -> memref<80xi32, #tpu.memory_space<vmem>>
      %dma_start3A_21 = arith.constant 0 : i32
      %dma_start3A_22 = arith.constant 0 : i32
      %dma_start3A_23 = tpu.memref_slice %arg2[%dma_start3A_21, %dma_start3A_22] : memref<10000x128xf32, #tpu.memory_space<hbm>> -> memref<10000x128xf32, #tpu.memory_space<hbm>>
      tpu.enqueue_indirect_dma source(%dma_start3A_23 : memref<10000x128xf32, #tpu.memory_space<hbm>>) target(%arg9 : memref<80x128xf32, #tpu.memory_space<vmem>>) offsets(%dma_start3A_20 : memref<80xi32, #tpu.memory_space<vmem>>) semaphore(%arg13 : memref<!tpu.dma_semaphore, #tpu.memory_space<semaphore_mem>>)
      %dma_start3A_24 = arith.constant 1 : i32
      %dma_start3A_25 = arith.constant 0 : i32
      %dma_start3A_26 = tpu.memref_slice %arg7[%dma_start3A_24, %dma_start3A_25] : memref<32x80xi32, #tpu.memory_space<vmem>> -> memref<1x80xi32, #tpu.memory_space<vmem>>
      %dma_start3A_27 = tpu.memref_squeeze %dma_start3A_26 : memref<1x80xi32, #tpu.memory_space<vmem>> -> memref<80xi32, #tpu.memory_space<vmem>>
      %dma_start3A_28 = arith.constant 0 : i32
      %dma_start3A_29 = arith.constant 0 : i32
      %dma_start3A_30 = tpu.memref_slice %arg2[%dma_start3A_28, %dma_start3A_29] : memref<10000x128xf32, #tpu.memory_space<hbm>> -> memref<10000x128xf32, #tpu.memory_space<hbm>>
      tpu.enqueue_indirect_dma source(%dma_start3A_30 : memref<10000x128xf32, #tpu.memory_space<hbm>>) target(%arg10 : memref<80x128xf32, #tpu.memory_space<vmem>>) offsets(%dma_start3A_27 : memref<80xi32, #tpu.memory_space<vmem>>) semaphore(%arg14 : memref<!tpu.dma_semaphore, #tpu.memory_space<semaphore_mem>>)
      %dma_start3A_31 = arith.constant 2 : i32
      %dma_start3A_32 = arith.constant 0 : i32
      %dma_start3A_33 = tpu.memref_slice %arg7[%dma_start3A_31, %dma_start3A_32] : memref<32x80xi32, #tpu.memory_space<vmem>> -> memref<1x80xi32, #tpu.memory_space<vmem>>
      %dma_start3A_34 = tpu.memref_squeeze %dma_start3A_33 : memref<1x80xi32, #tpu.memory_space<vmem>> -> memref<80xi32, #tpu.memory_space<vmem>>
      %dma_start3A_35 = arith.constant 0 : i32
      %dma_start3A_36 = arith.constant 0 : i32
      %dma_start3A_37 = tpu.memref_slice %arg2[%dma_start3A_35, %dma_start3A_36] : memref<10000x128xf32, #tpu.memory_space<hbm>> -> memref<10000x128xf32, #tpu.memory_space<hbm>>
      tpu.enqueue_indirect_dma source(%dma_start3A_37 : memref<10000x128xf32, #tpu.memory_space<hbm>>) target(%arg11 : memref<80x128xf32, #tpu.memory_space<vmem>>) offsets(%dma_start3A_34 : memref<80xi32, #tpu.memory_space<vmem>>) semaphore(%arg15 : memref<!tpu.dma_semaphore, #tpu.memory_space<semaphore_mem>>)
      %dma_wait3A = arith.constant 0 : i32
      %dma_wait3A_38 = arith.constant 0 : i32
      %dma_wait3A_39 = tpu.memref_slice %arg7[%dma_wait3A, %dma_wait3A_38] : memref<32x80xi32, #tpu.memory_space<vmem>> -> memref<1x80xi32, #tpu.memory_space<vmem>>
      %dma_wait3A_40 = tpu.memref_squeeze %dma_wait3A_39 : memref<1x80xi32, #tpu.memory_space<vmem>> -> memref<80xi32, #tpu.memory_space<vmem>>
      %dma_wait3A_41 = arith.constant 0 : i32
      %dma_wait3A_42 = arith.constant 0 : i32
      %dma_wait3A_43 = tpu.memref_slice %arg2[%dma_wait3A_41, %dma_wait3A_42] : memref<10000x128xf32, #tpu.memory_space<hbm>> -> memref<10000x128xf32, #tpu.memory_space<hbm>>
      tpu.wait_indirect_dma semaphore(%arg13 : memref<!tpu.dma_semaphore, #tpu.memory_space<semaphore_mem>>) src(%dma_wait3A_43 : memref<10000x128xf32, #tpu.memory_space<hbm>>) dst(%arg9 : memref<80x128xf32, #tpu.memory_space<vmem>>)
      %dma_start3A_44 = arith.constant 0 : i32
      %dma_start3A_45 = arith.constant 0 : i32
      %dma_start3A_46 = tpu.memref_slice %arg8[%dma_start3A_44, %dma_start3A_45] : memref<32x80xi32, #tpu.memory_space<vmem>> -> memref<1x80xi32, #tpu.memory_space<vmem>>
      %dma_start3A_47 = tpu.memref_squeeze %dma_start3A_46 : memref<1x80xi32, #tpu.memory_space<vmem>> -> memref<80xi32, #tpu.memory_space<vmem>>
      %dma_start3A_48 = arith.constant 0 : i32
      %dma_start3A_49 = arith.constant 0 : i32
      %dma_start3A_50 = tpu.memref_slice %arg21[%dma_start3A_48, %dma_start3A_49] : memref<10016x128xf32, #tpu.memory_space<vmem_shared>> -> memref<10016x128xf32, #tpu.memory_space<vmem_shared>>
      tpu.enqueue_indirect_dma source(%arg9 : memref<80x128xf32, #tpu.memory_space<vmem>>) target(%dma_start3A_50 : memref<10016x128xf32, #tpu.memory_space<vmem_shared>>) offsets(%dma_start3A_47 : memref<80xi32, #tpu.memory_space<vmem>>) semaphore(%arg17 : memref<!tpu.dma_semaphore, #tpu.memory_space<semaphore_mem>>) {add = true}
      %dma_start3A_51 = arith.constant 3 : i32
      %dma_start3A_52 = arith.constant 0 : i32
      %dma_start3A_53 = tpu.memref_slice %arg7[%dma_start3A_51, %dma_start3A_52] : memref<32x80xi32, #tpu.memory_space<vmem>> -> memref<1x80xi32, #tpu.memory_space<vmem>>
      %dma_start3A_54 = tpu.memref_squeeze %dma_start3A_53 : memref<1x80xi32, #tpu.memory_space<vmem>> -> memref<80xi32, #tpu.memory_space<vmem>>
      %dma_start3A_55 = arith.constant 0 : i32
      %dma_start3A_56 = arith.constant 0 : i32
      %dma_start3A_57 = tpu.memref_slice %arg2[%dma_start3A_55, %dma_start3A_56] : memref<10000x128xf32, #tpu.memory_space<hbm>> -> memref<10000x128xf32, #tpu.memory_space<hbm>>
      tpu.enqueue_indirect_dma source(%dma_start3A_57 : memref<10000x128xf32, #tpu.memory_space<hbm>>) target(%arg12 : memref<80x128xf32, #tpu.memory_space<vmem>>) offsets(%dma_start3A_54 : memref<80xi32, #tpu.memory_space<vmem>>) semaphore(%arg16 : memref<!tpu.dma_semaphore, #tpu.memory_space<semaphore_mem>>)
      %dma_wait3A_58 = arith.constant 1 : i32
      %dma_wait3A_59 = arith.constant 0 : i32
      %dma_wait3A_60 = tpu.memref_slice %arg7[%dma_wait3A_58, %dma_wait3A_59] : memref<32x80xi32, #tpu.memory_space<vmem>> -> memref<1x80xi32, #tpu.memory_space<vmem>>
      %dma_wait3A_61 = tpu.memref_squeeze %dma_wait3A_60 : memref<1x80xi32, #tpu.memory_space<vmem>> -> memref<80xi32, #tpu.memory_space<vmem>>
      %dma_wait3A_62 = arith.constant 0 : i32
      %dma_wait3A_63 = arith.constant 0 : i32
      %dma_wait3A_64 = tpu.memref_slice %arg2[%dma_wait3A_62, %dma_wait3A_63] : memref<10000x128xf32, #tpu.memory_space<hbm>> -> memref<10000x128xf32, #tpu.memory_space<hbm>>
      tpu.wait_indirect_dma semaphore(%arg14 : memref<!tpu.dma_semaphore, #tpu.memory_space<semaphore_mem>>) src(%dma_wait3A_64 : memref<10000x128xf32, #tpu.memory_space<hbm>>) dst(%arg10 : memref<80x128xf32, #tpu.memory_space<vmem>>)
      %dma_start3A_65 = arith.constant 1 : i32
      %dma_start3A_66 = arith.constant 0 : i32
      %dma_start3A_67 = tpu.memref_slice %arg8[%dma_start3A_65, %dma_start3A_66] : memref<32x80xi32, #tpu.memory_space<vmem>> -> memref<1x80xi32, #tpu.memory_space<vmem>>
      %dma_start3A_68 = tpu.memref_squeeze %dma_start3A_67 : memref<1x80xi32, #tpu.memory_space<vmem>> -> memref<80xi32, #tpu.memory_space<vmem>>
      %dma_start3A_69 = arith.constant 0 : i32
      %dma_start3A_70 = arith.constant 0 : i32
      %dma_start3A_71 = tpu.memref_slice %arg21[%dma_start3A_69, %dma_start3A_70] : memref<10016x128xf32, #tpu.memory_space<vmem_shared>> -> memref<10016x128xf32, #tpu.memory_space<vmem_shared>>
      tpu.enqueue_indirect_dma source(%arg10 : memref<80x128xf32, #tpu.memory_space<vmem>>) target(%dma_start3A_71 : memref<10016x128xf32, #tpu.memory_space<vmem_shared>>) offsets(%dma_start3A_68 : memref<80xi32, #tpu.memory_space<vmem>>) semaphore(%arg18 : memref<!tpu.dma_semaphore, #tpu.memory_space<semaphore_mem>>) {add = true}
      %dma_wait3A_72 = arith.constant 0 : i32
      %dma_wait3A_73 = arith.constant 0 : i32
      %dma_wait3A_74 = tpu.memref_slice %arg8[%dma_wait3A_72, %dma_wait3A_73] : memref<32x80xi32, #tpu.memory_space<vmem>> -> memref<1x80xi32, #tpu.memory_space<vmem>>
      %dma_wait3A_75 = tpu.memref_squeeze %dma_wait3A_74 : memref<1x80xi32, #tpu.memory_space<vmem>> -> memref<80xi32, #tpu.memory_space<vmem>>
      %dma_wait3A_76 = arith.constant 0 : i32
      %dma_wait3A_77 = arith.constant 0 : i32
      %dma_wait3A_78 = tpu.memref_slice %arg21[%dma_wait3A_76, %dma_wait3A_77] : memref<10016x128xf32, #tpu.memory_space<vmem_shared>> -> memref<10016x128xf32, #tpu.memory_space<vmem_shared>>
      tpu.wait_indirect_dma semaphore(%arg17 : memref<!tpu.dma_semaphore, #tpu.memory_space<semaphore_mem>>) src(%arg9 : memref<80x128xf32, #tpu.memory_space<vmem>>) dst(%dma_wait3A_78 : memref<10016x128xf32, #tpu.memory_space<vmem_shared>>)
      %dma_start3A_79 = arith.constant 4 : i32
      %dma_start3A_80 = arith.constant 0 : i32
      %dma_start3A_81 = tpu.memref_slice %arg7[%dma_start3A_79, %dma_start3A_80] : memref<32x80xi32, #tpu.memory_space<vmem>> -> memref<1x80xi32, #tpu.memory_space<vmem>>
      %dma_start3A_82 = tpu.memref_squeeze %dma_start3A_81 : memref<1x80xi32, #tpu.memory_space<vmem>> -> memref<80xi32, #tpu.memory_space<vmem>>
      %dma_start3A_83 = arith.constant 0 : i32
      %dma_start3A_84 = arith.constant 0 : i32
      %dma_start3A_85 = tpu.memref_slice %arg2[%dma_start3A_83, %dma_start3A_84] : memref<10000x128xf32, #tpu.memory_space<hbm>> -> memref<10000x128xf32, #tpu.memory_space<hbm>>
      tpu.enqueue_indirect_dma source(%dma_start3A_85 : memref<10000x128xf32, #tpu.memory_space<hbm>>) target(%arg9 : memref<80x128xf32, #tpu.memory_space<vmem>>) offsets(%dma_start3A_82 : memref<80xi32, #tpu.memory_space<vmem>>) semaphore(%arg13 : memref<!tpu.dma_semaphore, #tpu.memory_space<semaphore_mem>>)
      %dma_wait3A_86 = arith.constant 2 : i32
      %dma_wait3A_87 = arith.constant 0 : i32
      %dma_wait3A_88 = tpu.memref_slice %arg7[%dma_wait3A_86, %dma_wait3A_87] : memref<32x80xi32, #tpu.memory_space<vmem>> -> memref<1x80xi32, #tpu.memory_space<vmem>>
      %dma_wait3A_89 = tpu.memref_squeeze %dma_wait3A_88 : memref<1x80xi32, #tpu.memory_space<vmem>> -> memref<80xi32, #tpu.memory_space<vmem>>
      %dma_wait3A_90 = arith.constant 0 : i32
      %dma_wait3A_91 = arith.constant 0 : i32
      %dma_wait3A_92 = tpu.memref_slice %arg2[%dma_wait3A_90, %dma_wait3A_91] : memref<10000x128xf32, #tpu.memory_space<hbm>> -> memref<10000x128xf32, #tpu.memory_space<hbm>>
      tpu.wait_indirect_dma semaphore(%arg15 : memref<!tpu.dma_semaphore, #tpu.memory_space<semaphore_mem>>) src(%dma_wait3A_92 : memref<10000x128xf32, #tpu.memory_space<hbm>>) dst(%arg11 : memref<80x128xf32, #tpu.memory_space<vmem>>)
      %dma_start3A_93 = arith.constant 2 : i32
      %dma_start3A_94 = arith.constant 0 : i32
      %dma_start3A_95 = tpu.memref_slice %arg8[%dma_start3A_93, %dma_start3A_94] : memref<32x80xi32, #tpu.memory_space<vmem>> -> memref<1x80xi32, #tpu.memory_space<vmem>>
      %dma_start3A_96 = tpu.memref_squeeze %dma_start3A_95 : memref<1x80xi32, #tpu.memory_space<vmem>> -> memref<80xi32, #tpu.memory_space<vmem>>
      %dma_start3A_97 = arith.constant 0 : i32
      %dma_start3A_98 = arith.constant 0 : i32
      %dma_start3A_99 = tpu.memref_slice %arg21[%dma_start3A_97, %dma_start3A_98] : memref<10016x128xf32, #tpu.memory_space<vmem_shared>> -> memref<10016x128xf32, #tpu.memory_space<vmem_shared>>
      tpu.enqueue_indirect_dma source(%arg11 : memref<80x128xf32, #tpu.memory_space<vmem>>) target(%dma_start3A_99 : memref<10016x128xf32, #tpu.memory_space<vmem_shared>>) offsets(%dma_start3A_96 : memref<80xi32, #tpu.memory_space<vmem>>) semaphore(%arg19 : memref<!tpu.dma_semaphore, #tpu.memory_space<semaphore_mem>>) {add = true}
      %dma_wait3A_100 = arith.constant 1 : i32
      %dma_wait3A_101 = arith.constant 0 : i32
      %dma_wait3A_102 = tpu.memref_slice %arg8[%dma_wait3A_100, %dma_wait3A_101] : memref<32x80xi32, #tpu.memory_space<vmem>> -> memref<1x80xi32, #tpu.memory_space<vmem>>
      %dma_wait3A_103 = tpu.memref_squeeze %dma_wait3A_102 : memref<1x80xi32, #tpu.memory_space<vmem>> -> memref<80xi32, #tpu.memory_space<vmem>>
      %dma_wait3A_104 = arith.constant 0 : i32
      %dma_wait3A_105 = arith.constant 0 : i32
      %dma_wait3A_106 = tpu.memref_slice %arg21[%dma_wait3A_104, %dma_wait3A_105] : memref<10016x128xf32, #tpu.memory_space<vmem_shared>> -> memref<10016x128xf32, #tpu.memory_space<vmem_shared>>
      tpu.wait_indirect_dma semaphore(%arg18 : memref<!tpu.dma_semaphore, #tpu.memory_space<semaphore_mem>>) src(%arg10 : memref<80x128xf32, #tpu.memory_space<vmem>>) dst(%dma_wait3A_106 : memref<10016x128xf32, #tpu.memory_space<vmem_shared>>)
      %dma_start3A_107 = arith.constant 5 : i32
      %dma_start3A_108 = arith.constant 0 : i32
      %dma_start3A_109 = tpu.memref_slice %arg7[%dma_start3A_107, %dma_start3A_108] : memref<32x80xi32, #tpu.memory_space<vmem>> -> memref<1x80xi32, #tpu.memory_space<vmem>>
      %dma_start3A_110 = tpu.memref_squeeze %dma_start3A_109 : memref<1x80xi32, #tpu.memory_space<vmem>> -> memref<80xi32, #tpu.memory_space<vmem>>
      %dma_start3A_111 = arith.constant 0 : i32
      %dma_start3A_112 = arith.constant 0 : i32
      %dma_start3A_113 = tpu.memref_slice %arg2[%dma_start3A_111, %dma_start3A_112] : memref<10000x128xf32, #tpu.memory_space<hbm>> -> memref<10000x128xf32, #tpu.memory_space<hbm>>
      tpu.enqueue_indirect_dma source(%dma_start3A_113 : memref<10000x128xf32, #tpu.memory_space<hbm>>) target(%arg10 : memref<80x128xf32, #tpu.memory_space<vmem>>) offsets(%dma_start3A_110 : memref<80xi32, #tpu.memory_space<vmem>>) semaphore(%arg14 : memref<!tpu.dma_semaphore, #tpu.memory_space<semaphore_mem>>)
      %dma_wait3A_114 = arith.constant 3 : i32
      %dma_wait3A_115 = arith.constant 0 : i32
      %dma_wait3A_116 = tpu.memref_slice %arg7[%dma_wait3A_114, %dma_wait3A_115] : memref<32x80xi32, #tpu.memory_space<vmem>> -> memref<1x80xi32, #tpu.memory_space<vmem>>
      %dma_wait3A_117 = tpu.memref_squeeze %dma_wait3A_116 : memref<1x80xi32, #tpu.memory_space<vmem>> -> memref<80xi32, #tpu.memory_space<vmem>>
      %dma_wait3A_118 = arith.constant 0 : i32
      %dma_wait3A_119 = arith.constant 0 : i32
      %dma_wait3A_120 = tpu.memref_slice %arg2[%dma_wait3A_118, %dma_wait3A_119] : memref<10000x128xf32, #tpu.memory_space<hbm>> -> memref<10000x128xf32, #tpu.memory_space<hbm>>
      tpu.wait_indirect_dma semaphore(%arg16 : memref<!tpu.dma_semaphore, #tpu.memory_space<semaphore_mem>>) src(%dma_wait3A_120 : memref<10000x128xf32, #tpu.memory_space<hbm>>) dst(%arg12 : memref<80x128xf32, #tpu.memory_space<vmem>>)
      %dma_start3A_121 = arith.constant 3 : i32
      %dma_start3A_122 = arith.constant 0 : i32
      %dma_start3A_123 = tpu.memref_slice %arg8[%dma_start3A_121, %dma_start3A_122] : memref<32x80xi32, #tpu.memory_space<vmem>> -> memref<1x80xi32, #tpu.memory_space<vmem>>
      %dma_start3A_124 = tpu.memref_squeeze %dma_start3A_123 : memref<1x80xi32, #tpu.memory_space<vmem>> -> memref<80xi32, #tpu.memory_space<vmem>>
      %dma_start3A_125 = arith.constant 0 : i32
      %dma_start3A_126 = arith.constant 0 : i32
      %dma_start3A_127 = tpu.memref_slice %arg21[%dma_start3A_125, %dma_start3A_126] : memref<10016x128xf32, #tpu.memory_space<vmem_shared>> -> memref<10016x128xf32, #tpu.memory_space<vmem_shared>>
      tpu.enqueue_indirect_dma source(%arg12 : memref<80x128xf32, #tpu.memory_space<vmem>>) target(%dma_start3A_127 : memref<10016x128xf32, #tpu.memory_space<vmem_shared>>) offsets(%dma_start3A_124 : memref<80xi32, #tpu.memory_space<vmem>>) semaphore(%arg20 : memref<!tpu.dma_semaphore, #tpu.memory_space<semaphore_mem>>) {add = true}
      %dma_wait3A_128 = arith.constant 2 : i32
      %dma_wait3A_129 = arith.constant 0 : i32
      %dma_wait3A_130 = tpu.memref_slice %arg8[%dma_wait3A_128, %dma_wait3A_129] : memref<32x80xi32, #tpu.memory_space<vmem>> -> memref<1x80xi32, #tpu.memory_space<vmem>>
      %dma_wait3A_131 = tpu.memref_squeeze %dma_wait3A_130 : memref<1x80xi32, #tpu.memory_space<vmem>> -> memref<80xi32, #tpu.memory_space<vmem>>
      %dma_wait3A_132 = arith.constant 0 : i32
      %dma_wait3A_133 = arith.constant 0 : i32
      %dma_wait3A_134 = tpu.memref_slice %arg21[%dma_wait3A_132, %dma_wait3A_133] : memref<10016x128xf32, #tpu.memory_space<vmem_shared>> -> memref<10016x128xf32, #tpu.memory_space<vmem_shared>>
      tpu.wait_indirect_dma semaphore(%arg19 : memref<!tpu.dma_semaphore, #tpu.memory_space<semaphore_mem>>) src(%arg11 : memref<80x128xf32, #tpu.memory_space<vmem>>) dst(%dma_wait3A_134 : memref<10016x128xf32, #tpu.memory_space<vmem_shared>>)
      %dma_start3A_135 = arith.constant 6 : i32
      %dma_start3A_136 = arith.constant 0 : i32
      %dma_start3A_137 = tpu.memref_slice %arg7[%dma_start3A_135, %dma_start3A_136] : memref<32x80xi32, #tpu.memory_space<vmem>> -> memref<1x80xi32, #tpu.memory_space<vmem>>
      %dma_start3A_138 = tpu.memref_squeeze %dma_start3A_137 : memref<1x80xi32, #tpu.memory_space<vmem>> -> memref<80xi32, #tpu.memory_space<vmem>>
      %dma_start3A_139 = arith.constant 0 : i32
      %dma_start3A_140 = arith.constant 0 : i32
      %dma_start3A_141 = tpu.memref_slice %arg2[%dma_start3A_139, %dma_start3A_140] : memref<10000x128xf32, #tpu.memory_space<hbm>> -> memref<10000x128xf32, #tpu.memory_space<hbm>>
      tpu.enqueue_indirect_dma source(%dma_start3A_141 : memref<10000x128xf32, #tpu.memory_space<hbm>>) target(%arg11 : memref<80x128xf32, #tpu.memory_space<vmem>>) offsets(%dma_start3A_138 : memref<80xi32, #tpu.memory_space<vmem>>) semaphore(%arg15 : memref<!tpu.dma_semaphore, #tpu.memory_space<semaphore_mem>>)
      %dma_wait3A_142 = arith.constant 4 : i32
      %dma_wait3A_143 = arith.constant 0 : i32
      %dma_wait3A_144 = tpu.memref_slice %arg7[%dma_wait3A_142, %dma_wait3A_143] : memref<32x80xi32, #tpu.memory_space<vmem>> -> memref<1x80xi32, #tpu.memory_space<vmem>>
      %dma_wait3A_145 = tpu.memref_squeeze %dma_wait3A_144 : memref<1x80xi32, #tpu.memory_space<vmem>> -> memref<80xi32, #tpu.memory_space<vmem>>
      %dma_wait3A_146 = arith.constant 0 : i32
      %dma_wait3A_147 = arith.constant 0 : i32
      %dma_wait3A_148 = tpu.memref_slice %arg2[%dma_wait3A_146, %dma_wait3A_147] : memref<10000x128xf32, #tpu.memory_space<hbm>> -> memref<10000x128xf32, #tpu.memory_space<hbm>>
      tpu.wait_indirect_dma semaphore(%arg13 : memref<!tpu.dma_semaphore, #tpu.memory_space<semaphore_mem>>) src(%dma_wait3A_148 : memref<10000x128xf32, #tpu.memory_space<hbm>>) dst(%arg9 : memref<80x128xf32, #tpu.memory_space<vmem>>)
      %dma_start3A_149 = arith.constant 4 : i32
      %dma_start3A_150 = arith.constant 0 : i32
      %dma_start3A_151 = tpu.memref_slice %arg8[%dma_start3A_149, %dma_start3A_150] : memref<32x80xi32, #tpu.memory_space<vmem>> -> memref<1x80xi32, #tpu.memory_space<vmem>>
      %dma_start3A_152 = tpu.memref_squeeze %dma_start3A_151 : memref<1x80xi32, #tpu.memory_space<vmem>> -> memref<80xi32, #tpu.memory_space<vmem>>
      %dma_start3A_153 = arith.constant 0 : i32
      %dma_start3A_154 = arith.constant 0 : i32
      %dma_start3A_155 = tpu.memref_slice %arg21[%dma_start3A_153, %dma_start3A_154] : memref<10016x128xf32, #tpu.memory_space<vmem_shared>> -> memref<10016x128xf32, #tpu.memory_space<vmem_shared>>
      tpu.enqueue_indirect_dma source(%arg9 : memref<80x128xf32, #tpu.memory_space<vmem>>) target(%dma_start3A_155 : memref<10016x128xf32, #tpu.memory_space<vmem_shared>>) offsets(%dma_start3A_152 : memref<80xi32, #tpu.memory_space<vmem>>) semaphore(%arg17 : memref<!tpu.dma_semaphore, #tpu.memory_space<semaphore_mem>>) {add = true}
      %dma_wait3A_156 = arith.constant 3 : i32
      %dma_wait3A_157 = arith.constant 0 : i32
      %dma_wait3A_158 = tpu.memref_slice %arg8[%dma_wait3A_156, %dma_wait3A_157] : memref<32x80xi32, #tpu.memory_space<vmem>> -> memref<1x80xi32, #tpu.memory_space<vmem>>
      %dma_wait3A_159 = tpu.memref_squeeze %dma_wait3A_158 : memref<1x80xi32, #tpu.memory_space<vmem>> -> memref<80xi32, #tpu.memory_space<vmem>>
      %dma_wait3A_160 = arith.constant 0 : i32
      %dma_wait3A_161 = arith.constant 0 : i32
      %dma_wait3A_162 = tpu.memref_slice %arg21[%dma_wait3A_160, %dma_wait3A_161] : memref<10016x128xf32, #tpu.memory_space<vmem_shared>> -> memref<10016x128xf32, #tpu.memory_space<vmem_shared>>
      tpu.wait_indirect_dma semaphore(%arg20 : memref<!tpu.dma_semaphore, #tpu.memory_space<semaphore_mem>>) src(%arg12 : memref<80x128xf32, #tpu.memory_space<vmem>>) dst(%dma_wait3A_162 : memref<10016x128xf32, #tpu.memory_space<vmem_shared>>)
      %dma_start3A_163 = arith.constant 7 : i32
      %dma_start3A_164 = arith.constant 0 : i32
      %dma_start3A_165 = tpu.memref_slice %arg7[%dma_start3A_163, %dma_start3A_164] : memref<32x80xi32, #tpu.memory_space<vmem>> -> memref<1x80xi32, #tpu.memory_space<vmem>>
      %dma_start3A_166 = tpu.memref_squeeze %dma_start3A_165 : memref<1x80xi32, #tpu.memory_space<vmem>> -> memref<80xi32, #tpu.memory_space<vmem>>
      %dma_start3A_167 = arith.constant 0 : i32
      %dma_start3A_168 = arith.constant 0 : i32
      %dma_start3A_169 = tpu.memref_slice %arg2[%dma_start3A_167, %dma_start3A_168] : memref<10000x128xf32, #tpu.memory_space<hbm>> -> memref<10000x128xf32, #tpu.memory_space<hbm>>
      tpu.enqueue_indirect_dma source(%dma_start3A_169 : memref<10000x128xf32, #tpu.memory_space<hbm>>) target(%arg12 : memref<80x128xf32, #tpu.memory_space<vmem>>) offsets(%dma_start3A_166 : memref<80xi32, #tpu.memory_space<vmem>>) semaphore(%arg16 : memref<!tpu.dma_semaphore, #tpu.memory_space<semaphore_mem>>)
      %dma_wait3A_170 = arith.constant 5 : i32
      %dma_wait3A_171 = arith.constant 0 : i32
      %dma_wait3A_172 = tpu.memref_slice %arg7[%dma_wait3A_170, %dma_wait3A_171] : memref<32x80xi32, #tpu.memory_space<vmem>> -> memref<1x80xi32, #tpu.memory_space<vmem>>
      %dma_wait3A_173 = tpu.memref_squeeze %dma_wait3A_172 : memref<1x80xi32, #tpu.memory_space<vmem>> -> memref<80xi32, #tpu.memory_space<vmem>>
      %dma_wait3A_174 = arith.constant 0 : i32
      %dma_wait3A_175 = arith.constant 0 : i32
      %dma_wait3A_176 = tpu.memref_slice %arg2[%dma_wait3A_174, %dma_wait3A_175] : memref<10000x128xf32, #tpu.memory_space<hbm>> -> memref<10000x128xf32, #tpu.memory_space<hbm>>
      tpu.wait_indirect_dma semaphore(%arg14 : memref<!tpu.dma_semaphore, #tpu.memory_space<semaphore_mem>>) src(%dma_wait3A_176 : memref<10000x128xf32, #tpu.memory_space<hbm>>) dst(%arg10 : memref<80x128xf32, #tpu.memory_space<vmem>>)
      %dma_start3A_177 = arith.constant 5 : i32
      %dma_start3A_178 = arith.constant 0 : i32
      %dma_start3A_179 = tpu.memref_slice %arg8[%dma_start3A_177, %dma_start3A_178] : memref<32x80xi32, #tpu.memory_space<vmem>> -> memref<1x80xi32, #tpu.memory_space<vmem>>
      %dma_start3A_180 = tpu.memref_squeeze %dma_start3A_179 : memref<1x80xi32, #tpu.memory_space<vmem>> -> memref<80xi32, #tpu.memory_space<vmem>>
      %dma_start3A_181 = arith.constant 0 : i32
      %dma_start3A_182 = arith.constant 0 : i32
      %dma_start3A_183 = tpu.memref_slice %arg21[%dma_start3A_181, %dma_start3A_182] : memref<10016x128xf32, #tpu.memory_space<vmem_shared>> -> memref<10016x128xf32, #tpu.memory_space<vmem_shared>>
      tpu.enqueue_indirect_dma source(%arg10 : memref<80x128xf32, #tpu.memory_space<vmem>>) target(%dma_start3A_183 : memref<10016x128xf32, #tpu.memory_space<vmem_shared>>) offsets(%dma_start3A_180 : memref<80xi32, #tpu.memory_space<vmem>>) semaphore(%arg18 : memref<!tpu.dma_semaphore, #tpu.memory_space<semaphore_mem>>) {add = true}
      %dma_wait3A_184 = arith.constant 4 : i32
      %dma_wait3A_185 = arith.constant 0 : i32
      %dma_wait3A_186 = tpu.memref_slice %arg8[%dma_wait3A_184, %dma_wait3A_185] : memref<32x80xi32, #tpu.memory_space<vmem>> -> memref<1x80xi32, #tpu.memory_space<vmem>>
      %dma_wait3A_187 = tpu.memref_squeeze %dma_wait3A_186 : memref<1x80xi32, #tpu.memory_space<vmem>> -> memref<80xi32, #tpu.memory_space<vmem>>
      %dma_wait3A_188 = arith.constant 0 : i32
      %dma_wait3A_189 = arith.constant 0 : i32
      %dma_wait3A_190 = tpu.memref_slice %arg21[%dma_wait3A_188, %dma_wait3A_189] : memref<10016x128xf32, #tpu.memory_space<vmem_shared>> -> memref<10016x128xf32, #tpu.memory_space<vmem_shared>>
      tpu.wait_indirect_dma semaphore(%arg17 : memref<!tpu.dma_semaphore, #tpu.memory_space<semaphore_mem>>) src(%arg9 : memref<80x128xf32, #tpu.memory_space<vmem>>) dst(%dma_wait3A_190 : memref<10016x128xf32, #tpu.memory_space<vmem_shared>>)
      %dma_start3A_191 = arith.constant 8 : i32
      %dma_start3A_192 = arith.constant 0 : i32
      %dma_start3A_193 = tpu.memref_slice %arg7[%dma_start3A_191, %dma_start3A_192] : memref<32x80xi32, #tpu.memory_space<vmem>> -> memref<1x80xi32, #tpu.memory_space<vmem>>
      %dma_start3A_194 = tpu.memref_squeeze %dma_start3A_193 : memref<1x80xi32, #tpu.memory_space<vmem>> -> memref<80xi32, #tpu.memory_space<vmem>>
      %dma_start3A_195 = arith.constant 0 : i32
      %dma_start3A_196 = arith.constant 0 : i32
      %dma_start3A_197 = tpu.memref_slice %arg2[%dma_start3A_195, %dma_start3A_196] : memref<10000x128xf32, #tpu.memory_space<hbm>> -> memref<10000x128xf32, #tpu.memory_space<hbm>>
      tpu.enqueue_indirect_dma source(%dma_start3A_197 : memref<10000x128xf32, #tpu.memory_space<hbm>>) target(%arg9 : memref<80x128xf32, #tpu.memory_space<vmem>>) offsets(%dma_start3A_194 : memref<80xi32, #tpu.memory_space<vmem>>) semaphore(%arg13 : memref<!tpu.dma_semaphore, #tpu.memory_space<semaphore_mem>>)
      %dma_wait3A_198 = arith.constant 6 : i32
      %dma_wait3A_199 = arith.constant 0 : i32
      %dma_wait3A_200 = tpu.memref_slice %arg7[%dma_wait3A_198, %dma_wait3A_199] : memref<32x80xi32, #tpu.memory_space<vmem>> -> memref<1x80xi32, #tpu.memory_space<vmem>>
      %dma_wait3A_201 = tpu.memref_squeeze %dma_wait3A_200 : memref<1x80xi32, #tpu.memory_space<vmem>> -> memref<80xi32, #tpu.memory_space<vmem>>
      %dma_wait3A_202 = arith.constant 0 : i32
      %dma_wait3A_203 = arith.constant 0 : i32
      %dma_wait3A_204 = tpu.memref_slice %arg2[%dma_wait3A_202, %dma_wait3A_203] : memref<10000x128xf32, #tpu.memory_space<hbm>> -> memref<10000x128xf32, #tpu.memory_space<hbm>>
      tpu.wait_indirect_dma semaphore(%arg15 : memref<!tpu.dma_semaphore, #tpu.memory_space<semaphore_mem>>) src(%dma_wait3A_204 : memref<10000x128xf32, #tpu.memory_space<hbm>>) dst(%arg11 : memref<80x128xf32, #tpu.memory_space<vmem>>)
      %dma_start3A_205 = arith.constant 6 : i32
      %dma_start3A_206 = arith.constant 0 : i32
      %dma_start3A_207 = tpu.memref_slice %arg8[%dma_start3A_205, %dma_start3A_206] : memref<32x80xi32, #tpu.memory_space<vmem>> -> memref<1x80xi32, #tpu.memory_space<vmem>>
      %dma_start3A_208 = tpu.memref_squeeze %dma_start3A_207 : memref<1x80xi32, #tpu.memory_space<vmem>> -> memref<80xi32, #tpu.memory_space<vmem>>
      %dma_start3A_209 = arith.constant 0 : i32
      %dma_start3A_210 = arith.constant 0 : i32
      %dma_start3A_211 = tpu.memref_slice %arg21[%dma_start3A_209, %dma_start3A_210] : memref<10016x128xf32, #tpu.memory_space<vmem_shared>> -> memref<10016x128xf32, #tpu.memory_space<vmem_shared>>
      tpu.enqueue_indirect_dma source(%arg11 : memref<80x128xf32, #tpu.memory_space<vmem>>) target(%dma_start3A_211 : memref<10016x128xf32, #tpu.memory_space<vmem_shared>>) offsets(%dma_start3A_208 : memref<80xi32, #tpu.memory_space<vmem>>) semaphore(%arg19 : memref<!tpu.dma_semaphore, #tpu.memory_space<semaphore_mem>>) {add = true}
      %dma_wait3A_212 = arith.constant 5 : i32
      %dma_wait3A_213 = arith.constant 0 : i32
      %dma_wait3A_214 = tpu.memref_slice %arg8[%dma_wait3A_212, %dma_wait3A_213] : memref<32x80xi32, #tpu.memory_space<vmem>> -> memref<1x80xi32, #tpu.memory_space<vmem>>
      %dma_wait3A_215 = tpu.memref_squeeze %dma_wait3A_214 : memref<1x80xi32, #tpu.memory_space<vmem>> -> memref<80xi32, #tpu.memory_space<vmem>>
      %dma_wait3A_216 = arith.constant 0 : i32
      %dma_wait3A_217 = arith.constant 0 : i32
      %dma_wait3A_218 = tpu.memref_slice %arg21[%dma_wait3A_216, %dma_wait3A_217] : memref<10016x128xf32, #tpu.memory_space<vmem_shared>> -> memref<10016x128xf32, #tpu.memory_space<vmem_shared>>
      tpu.wait_indirect_dma semaphore(%arg18 : memref<!tpu.dma_semaphore, #tpu.memory_space<semaphore_mem>>) src(%arg10 : memref<80x128xf32, #tpu.memory_space<vmem>>) dst(%dma_wait3A_218 : memref<10016x128xf32, #tpu.memory_space<vmem_shared>>)
      %dma_start3A_219 = arith.constant 9 : i32
      %dma_start3A_220 = arith.constant 0 : i32
      %dma_start3A_221 = tpu.memref_slice %arg7[%dma_start3A_219, %dma_start3A_220] : memref<32x80xi32, #tpu.memory_space<vmem>> -> memref<1x80xi32, #tpu.memory_space<vmem>>
      %dma_start3A_222 = tpu.memref_squeeze %dma_start3A_221 : memref<1x80xi32, #tpu.memory_space<vmem>> -> memref<80xi32, #tpu.memory_space<vmem>>
      %dma_start3A_223 = arith.constant 0 : i32
      %dma_start3A_224 = arith.constant 0 : i32
      %dma_start3A_225 = tpu.memref_slice %arg2[%dma_start3A_223, %dma_start3A_224] : memref<10000x128xf32, #tpu.memory_space<hbm>> -> memref<10000x128xf32, #tpu.memory_space<hbm>>
      tpu.enqueue_indirect_dma source(%dma_start3A_225 : memref<10000x128xf32, #tpu.memory_space<hbm>>) target(%arg10 : memref<80x128xf32, #tpu.memory_space<vmem>>) offsets(%dma_start3A_222 : memref<80xi32, #tpu.memory_space<vmem>>) semaphore(%arg14 : memref<!tpu.dma_semaphore, #tpu.memory_space<semaphore_mem>>)
      %dma_wait3A_226 = arith.constant 7 : i32
      %dma_wait3A_227 = arith.constant 0 : i32
      %dma_wait3A_228 = tpu.memref_slice %arg7[%dma_wait3A_226, %dma_wait3A_227] : memref<32x80xi32, #tpu.memory_space<vmem>> -> memref<1x80xi32, #tpu.memory_space<vmem>>
      %dma_wait3A_229 = tpu.memref_squeeze %dma_wait3A_228 : memref<1x80xi32, #tpu.memory_space<vmem>> -> memref<80xi32, #tpu.memory_space<vmem>>
      %dma_wait3A_230 = arith.constant 0 : i32
      %dma_wait3A_231 = arith.constant 0 : i32
      %dma_wait3A_232 = tpu.memref_slice %arg2[%dma_wait3A_230, %dma_wait3A_231] : memref<10000x128xf32, #tpu.memory_space<hbm>> -> memref<10000x128xf32, #tpu.memory_space<hbm>>
      tpu.wait_indirect_dma semaphore(%arg16 : memref<!tpu.dma_semaphore, #tpu.memory_space<semaphore_mem>>) src(%dma_wait3A_232 : memref<10000x128xf32, #tpu.memory_space<hbm>>) dst(%arg12 : memref<80x128xf32, #tpu.memory_space<vmem>>)
      %dma_start3A_233 = arith.constant 7 : i32
      %dma_start3A_234 = arith.constant 0 : i32
      %dma_start3A_235 = tpu.memref_slice %arg8[%dma_start3A_233, %dma_start3A_234] : memref<32x80xi32, #tpu.memory_space<vmem>> -> memref<1x80xi32, #tpu.memory_space<vmem>>
      %dma_start3A_236 = tpu.memref_squeeze %dma_start3A_235 : memref<1x80xi32, #tpu.memory_space<vmem>> -> memref<80xi32, #tpu.memory_space<vmem>>
      %dma_start3A_237 = arith.constant 0 : i32
      %dma_start3A_238 = arith.constant 0 : i32
      %dma_start3A_239 = tpu.memref_slice %arg21[%dma_start3A_237, %dma_start3A_238] : memref<10016x128xf32, #tpu.memory_space<vmem_shared>> -> memref<10016x128xf32, #tpu.memory_space<vmem_shared>>
      tpu.enqueue_indirect_dma source(%arg12 : memref<80x128xf32, #tpu.memory_space<vmem>>) target(%dma_start3A_239 : memref<10016x128xf32, #tpu.memory_space<vmem_shared>>) offsets(%dma_start3A_236 : memref<80xi32, #tpu.memory_space<vmem>>) semaphore(%arg20 : memref<!tpu.dma_semaphore, #tpu.memory_space<semaphore_mem>>) {add = true}
      %dma_wait3A_240 = arith.constant 6 : i32
      %dma_wait3A_241 = arith.constant 0 : i32
      %dma_wait3A_242 = tpu.memref_slice %arg8[%dma_wait3A_240, %dma_wait3A_241] : memref<32x80xi32, #tpu.memory_space<vmem>> -> memref<1x80xi32, #tpu.memory_space<vmem>>
      %dma_wait3A_243 = tpu.memref_squeeze %dma_wait3A_242 : memref<1x80xi32, #tpu.memory_space<vmem>> -> memref<80xi32, #tpu.memory_space<vmem>>
      %dma_wait3A_244 = arith.constant 0 : i32
      %dma_wait3A_245 = arith.constant 0 : i32
      %dma_wait3A_246 = tpu.memref_slice %arg21[%dma_wait3A_244, %dma_wait3A_245] : memref<10016x128xf32, #tpu.memory_space<vmem_shared>> -> memref<10016x128xf32, #tpu.memory_space<vmem_shared>>
      tpu.wait_indirect_dma semaphore(%arg19 : memref<!tpu.dma_semaphore, #tpu.memory_space<semaphore_mem>>) src(%arg11 : memref<80x128xf32, #tpu.memory_space<vmem>>) dst(%dma_wait3A_246 : memref<10016x128xf32, #tpu.memory_space<vmem_shared>>)
      %dma_start3A_247 = arith.constant 10 : i32
      %dma_start3A_248 = arith.constant 0 : i32
      %dma_start3A_249 = tpu.memref_slice %arg7[%dma_start3A_247, %dma_start3A_248] : memref<32x80xi32, #tpu.memory_space<vmem>> -> memref<1x80xi32, #tpu.memory_space<vmem>>
      %dma_start3A_250 = tpu.memref_squeeze %dma_start3A_249 : memref<1x80xi32, #tpu.memory_space<vmem>> -> memref<80xi32, #tpu.memory_space<vmem>>
      %dma_start3A_251 = arith.constant 0 : i32
      %dma_start3A_252 = arith.constant 0 : i32
      %dma_start3A_253 = tpu.memref_slice %arg2[%dma_start3A_251, %dma_start3A_252] : memref<10000x128xf32, #tpu.memory_space<hbm>> -> memref<10000x128xf32, #tpu.memory_space<hbm>>
      tpu.enqueue_indirect_dma source(%dma_start3A_253 : memref<10000x128xf32, #tpu.memory_space<hbm>>) target(%arg11 : memref<80x128xf32, #tpu.memory_space<vmem>>) offsets(%dma_start3A_250 : memref<80xi32, #tpu.memory_space<vmem>>) semaphore(%arg15 : memref<!tpu.dma_semaphore, #tpu.memory_space<semaphore_mem>>)
      %dma_wait3A_254 = arith.constant 8 : i32
      %dma_wait3A_255 = arith.constant 0 : i32
      %dma_wait3A_256 = tpu.memref_slice %arg7[%dma_wait3A_254, %dma_wait3A_255] : memref<32x80xi32, #tpu.memory_space<vmem>> -> memref<1x80xi32, #tpu.memory_space<vmem>>
      %dma_wait3A_257 = tpu.memref_squeeze %dma_wait3A_256 : memref<1x80xi32, #tpu.memory_space<vmem>> -> memref<80xi32, #tpu.memory_space<vmem>>
      %dma_wait3A_258 = arith.constant 0 : i32
      %dma_wait3A_259 = arith.constant 0 : i32
      %dma_wait3A_260 = tpu.memref_slice %arg2[%dma_wait3A_258, %dma_wait3A_259] : memref<10000x128xf32, #tpu.memory_space<hbm>> -> memref<10000x128xf32, #tpu.memory_space<hbm>>
      tpu.wait_indirect_dma semaphore(%arg13 : memref<!tpu.dma_semaphore, #tpu.memory_space<semaphore_mem>>) src(%dma_wait3A_260 : memref<10000x128xf32, #tpu.memory_space<hbm>>) dst(%arg9 : memref<80x128xf32, #tpu.memory_space<vmem>>)
      %dma_start3A_261 = arith.constant 8 : i32
      %dma_start3A_262 = arith.constant 0 : i32
      %dma_start3A_263 = tpu.memref_slice %arg8[%dma_start3A_261, %dma_start3A_262] : memref<32x80xi32, #tpu.memory_space<vmem>> -> memref<1x80xi32, #tpu.memory_space<vmem>>
      %dma_start3A_264 = tpu.memref_squeeze %dma_start3A_263 : memref<1x80xi32, #tpu.memory_space<vmem>> -> memref<80xi32, #tpu.memory_space<vmem>>
      %dma_start3A_265 = arith.constant 0 : i32
      %dma_start3A_266 = arith.constant 0 : i32
      %dma_start3A_267 = tpu.memref_slice %arg21[%dma_start3A_265, %dma_start3A_266] : memref<10016x128xf32, #tpu.memory_space<vmem_shared>> -> memref<10016x128xf32, #tpu.memory_space<vmem_shared>>
      tpu.enqueue_indirect_dma source(%arg9 : memref<80x128xf32, #tpu.memory_space<vmem>>) target(%dma_start3A_267 : memref<10016x128xf32, #tpu.memory_space<vmem_shared>>) offsets(%dma_start3A_264 : memref<80xi32, #tpu.memory_space<vmem>>) semaphore(%arg17 : memref<!tpu.dma_semaphore, #tpu.memory_space<semaphore_mem>>) {add = true}
      %dma_wait3A_268 = arith.constant 7 : i32
      %dma_wait3A_269 = arith.constant 0 : i32
      %dma_wait3A_270 = tpu.memref_slice %arg8[%dma_wait3A_268, %dma_wait3A_269] : memref<32x80xi32, #tpu.memory_space<vmem>> -> memref<1x80xi32, #tpu.memory_space<vmem>>
      %dma_wait3A_271 = tpu.memref_squeeze %dma_wait3A_270 : memref<1x80xi32, #tpu.memory_space<vmem>> -> memref<80xi32, #tpu.memory_space<vmem>>
      %dma_wait3A_272 = arith.constant 0 : i32
      %dma_wait3A_273 = arith.constant 0 : i32
      %dma_wait3A_274 = tpu.memref_slice %arg21[%dma_wait3A_272, %dma_wait3A_273] : memref<10016x128xf32, #tpu.memory_space<vmem_shared>> -> memref<10016x128xf32, #tpu.memory_space<vmem_shared>>
      tpu.wait_indirect_dma semaphore(%arg20 : memref<!tpu.dma_semaphore, #tpu.memory_space<semaphore_mem>>) src(%arg12 : memref<80x128xf32, #tpu.memory_space<vmem>>) dst(%dma_wait3A_274 : memref<10016x128xf32, #tpu.memory_space<vmem_shared>>)
      %dma_start3A_275 = arith.constant 11 : i32
      %dma_start3A_276 = arith.constant 0 : i32
      %dma_start3A_277 = tpu.memref_slice %arg7[%dma_start3A_275, %dma_start3A_276] : memref<32x80xi32, #tpu.memory_space<vmem>> -> memref<1x80xi32, #tpu.memory_space<vmem>>
      %dma_start3A_278 = tpu.memref_squeeze %dma_start3A_277 : memref<1x80xi32, #tpu.memory_space<vmem>> -> memref<80xi32, #tpu.memory_space<vmem>>
      %dma_start3A_279 = arith.constant 0 : i32
      %dma_start3A_280 = arith.constant 0 : i32
      %dma_start3A_281 = tpu.memref_slice %arg2[%dma_start3A_279, %dma_start3A_280] : memref<10000x128xf32, #tpu.memory_space<hbm>> -> memref<10000x128xf32, #tpu.memory_space<hbm>>
      tpu.enqueue_indirect_dma source(%dma_start3A_281 : memref<10000x128xf32, #tpu.memory_space<hbm>>) target(%arg12 : memref<80x128xf32, #tpu.memory_space<vmem>>) offsets(%dma_start3A_278 : memref<80xi32, #tpu.memory_space<vmem>>) semaphore(%arg16 : memref<!tpu.dma_semaphore, #tpu.memory_space<semaphore_mem>>)
      %dma_wait3A_282 = arith.constant 9 : i32
      %dma_wait3A_283 = arith.constant 0 : i32
      %dma_wait3A_284 = tpu.memref_slice %arg7[%dma_wait3A_282, %dma_wait3A_283] : memref<32x80xi32, #tpu.memory_space<vmem>> -> memref<1x80xi32, #tpu.memory_space<vmem>>
      %dma_wait3A_285 = tpu.memref_squeeze %dma_wait3A_284 : memref<1x80xi32, #tpu.memory_space<vmem>> -> memref<80xi32, #tpu.memory_space<vmem>>
      %dma_wait3A_286 = arith.constant 0 : i32
      %dma_wait3A_287 = arith.constant 0 : i32
      %dma_wait3A_288 = tpu.memref_slice %arg2[%dma_wait3A_286, %dma_wait3A_287] : memref<10000x128xf32, #tpu.memory_space<hbm>> -> memref<10000x128xf32, #tpu.memory_space<hbm>>
      tpu.wait_indirect_dma semaphore(%arg14 : memref<!tpu.dma_semaphore, #tpu.memory_space<semaphore_mem>>) src(%dma_wait3A_288 : memref<10000x128xf32, #tpu.memory_space<hbm>>) dst(%arg10 : memref<80x128xf32, #tpu.memory_space<vmem>>)
      %dma_start3A_289 = arith.constant 9 : i32
      %dma_start3A_290 = arith.constant 0 : i32
      %dma_start3A_291 = tpu.memref_slice %arg8[%dma_start3A_289, %dma_start3A_290] : memref<32x80xi32, #tpu.memory_space<vmem>> -> memref<1x80xi32, #tpu.memory_space<vmem>>
      %dma_start3A_292 = tpu.memref_squeeze %dma_start3A_291 : memref<1x80xi32, #tpu.memory_space<vmem>> -> memref<80xi32, #tpu.memory_space<vmem>>
      %dma_start3A_293 = arith.constant 0 : i32
      %dma_start3A_294 = arith.constant 0 : i32
      %dma_start3A_295 = tpu.memref_slice %arg21[%dma_start3A_293, %dma_start3A_294] : memref<10016x128xf32, #tpu.memory_space<vmem_shared>> -> memref<10016x128xf32, #tpu.memory_space<vmem_shared>>
      tpu.enqueue_indirect_dma source(%arg10 : memref<80x128xf32, #tpu.memory_space<vmem>>) target(%dma_start3A_295 : memref<10016x128xf32, #tpu.memory_space<vmem_shared>>) offsets(%dma_start3A_292 : memref<80xi32, #tpu.memory_space<vmem>>) semaphore(%arg18 : memref<!tpu.dma_semaphore, #tpu.memory_space<semaphore_mem>>) {add = true}
      %dma_wait3A_296 = arith.constant 8 : i32
      %dma_wait3A_297 = arith.constant 0 : i32
      %dma_wait3A_298 = tpu.memref_slice %arg8[%dma_wait3A_296, %dma_wait3A_297] : memref<32x80xi32, #tpu.memory_space<vmem>> -> memref<1x80xi32, #tpu.memory_space<vmem>>
      %dma_wait3A_299 = tpu.memref_squeeze %dma_wait3A_298 : memref<1x80xi32, #tpu.memory_space<vmem>> -> memref<80xi32, #tpu.memory_space<vmem>>
      %dma_wait3A_300 = arith.constant 0 : i32
      %dma_wait3A_301 = arith.constant 0 : i32
      %dma_wait3A_302 = tpu.memref_slice %arg21[%dma_wait3A_300, %dma_wait3A_301] : memref<10016x128xf32, #tpu.memory_space<vmem_shared>> -> memref<10016x128xf32, #tpu.memory_space<vmem_shared>>
      tpu.wait_indirect_dma semaphore(%arg17 : memref<!tpu.dma_semaphore, #tpu.memory_space<semaphore_mem>>) src(%arg9 : memref<80x128xf32, #tpu.memory_space<vmem>>) dst(%dma_wait3A_302 : memref<10016x128xf32, #tpu.memory_space<vmem_shared>>)
      %dma_start3A_303 = arith.constant 12 : i32
      %dma_start3A_304 = arith.constant 0 : i32
      %dma_start3A_305 = tpu.memref_slice %arg7[%dma_start3A_303, %dma_start3A_304] : memref<32x80xi32, #tpu.memory_space<vmem>> -> memref<1x80xi32, #tpu.memory_space<vmem>>
      %dma_start3A_306 = tpu.memref_squeeze %dma_start3A_305 : memref<1x80xi32, #tpu.memory_space<vmem>> -> memref<80xi32, #tpu.memory_space<vmem>>
      %dma_start3A_307 = arith.constant 0 : i32
      %dma_start3A_308 = arith.constant 0 : i32
      %dma_start3A_309 = tpu.memref_slice %arg2[%dma_start3A_307, %dma_start3A_308] : memref<10000x128xf32, #tpu.memory_space<hbm>> -> memref<10000x128xf32, #tpu.memory_space<hbm>>
      tpu.enqueue_indirect_dma source(%dma_start3A_309 : memref<10000x128xf32, #tpu.memory_space<hbm>>) target(%arg9 : memref<80x128xf32, #tpu.memory_space<vmem>>) offsets(%dma_start3A_306 : memref<80xi32, #tpu.memory_space<vmem>>) semaphore(%arg13 : memref<!tpu.dma_semaphore, #tpu.memory_space<semaphore_mem>>)
      %dma_wait3A_310 = arith.constant 10 : i32
      %dma_wait3A_311 = arith.constant 0 : i32
      %dma_wait3A_312 = tpu.memref_slice %arg7[%dma_wait3A_310, %dma_wait3A_311] : memref<32x80xi32, #tpu.memory_space<vmem>> -> memref<1x80xi32, #tpu.memory_space<vmem>>
      %dma_wait3A_313 = tpu.memref_squeeze %dma_wait3A_312 : memref<1x80xi32, #tpu.memory_space<vmem>> -> memref<80xi32, #tpu.memory_space<vmem>>
      %dma_wait3A_314 = arith.constant 0 : i32
      %dma_wait3A_315 = arith.constant 0 : i32
      %dma_wait3A_316 = tpu.memref_slice %arg2[%dma_wait3A_314, %dma_wait3A_315] : memref<10000x128xf32, #tpu.memory_space<hbm>> -> memref<10000x128xf32, #tpu.memory_space<hbm>>
      tpu.wait_indirect_dma semaphore(%arg15 : memref<!tpu.dma_semaphore, #tpu.memory_space<semaphore_mem>>) src(%dma_wait3A_316 : memref<10000x128xf32, #tpu.memory_space<hbm>>) dst(%arg11 : memref<80x128xf32, #tpu.memory_space<vmem>>)
      %dma_start3A_317 = arith.constant 10 : i32
      %dma_start3A_318 = arith.constant 0 : i32
      %dma_start3A_319 = tpu.memref_slice %arg8[%dma_start3A_317, %dma_start3A_318] : memref<32x80xi32, #tpu.memory_space<vmem>> -> memref<1x80xi32, #tpu.memory_space<vmem>>
      %dma_start3A_320 = tpu.memref_squeeze %dma_start3A_319 : memref<1x80xi32, #tpu.memory_space<vmem>> -> memref<80xi32, #tpu.memory_space<vmem>>
      %dma_start3A_321 = arith.constant 0 : i32
      %dma_start3A_322 = arith.constant 0 : i32
      %dma_start3A_323 = tpu.memref_slice %arg21[%dma_start3A_321, %dma_start3A_322] : memref<10016x128xf32, #tpu.memory_space<vmem_shared>> -> memref<10016x128xf32, #tpu.memory_space<vmem_shared>>
      tpu.enqueue_indirect_dma source(%arg11 : memref<80x128xf32, #tpu.memory_space<vmem>>) target(%dma_start3A_323 : memref<10016x128xf32, #tpu.memory_space<vmem_shared>>) offsets(%dma_start3A_320 : memref<80xi32, #tpu.memory_space<vmem>>) semaphore(%arg19 : memref<!tpu.dma_semaphore, #tpu.memory_space<semaphore_mem>>) {add = true}
      %dma_wait3A_324 = arith.constant 9 : i32
      %dma_wait3A_325 = arith.constant 0 : i32
      %dma_wait3A_326 = tpu.memref_slice %arg8[%dma_wait3A_324, %dma_wait3A_325] : memref<32x80xi32, #tpu.memory_space<vmem>> -> memref<1x80xi32, #tpu.memory_space<vmem>>
      %dma_wait3A_327 = tpu.memref_squeeze %dma_wait3A_326 : memref<1x80xi32, #tpu.memory_space<vmem>> -> memref<80xi32, #tpu.memory_space<vmem>>
      %dma_wait3A_328 = arith.constant 0 : i32
      %dma_wait3A_329 = arith.constant 0 : i32
      %dma_wait3A_330 = tpu.memref_slice %arg21[%dma_wait3A_328, %dma_wait3A_329] : memref<10016x128xf32, #tpu.memory_space<vmem_shared>> -> memref<10016x128xf32, #tpu.memory_space<vmem_shared>>
      tpu.wait_indirect_dma semaphore(%arg18 : memref<!tpu.dma_semaphore, #tpu.memory_space<semaphore_mem>>) src(%arg10 : memref<80x128xf32, #tpu.memory_space<vmem>>) dst(%dma_wait3A_330 : memref<10016x128xf32, #tpu.memory_space<vmem_shared>>)
      %dma_start3A_331 = arith.constant 13 : i32
      %dma_start3A_332 = arith.constant 0 : i32
      %dma_start3A_333 = tpu.memref_slice %arg7[%dma_start3A_331, %dma_start3A_332] : memref<32x80xi32, #tpu.memory_space<vmem>> -> memref<1x80xi32, #tpu.memory_space<vmem>>
      %dma_start3A_334 = tpu.memref_squeeze %dma_start3A_333 : memref<1x80xi32, #tpu.memory_space<vmem>> -> memref<80xi32, #tpu.memory_space<vmem>>
      %dma_start3A_335 = arith.constant 0 : i32
      %dma_start3A_336 = arith.constant 0 : i32
      %dma_start3A_337 = tpu.memref_slice %arg2[%dma_start3A_335, %dma_start3A_336] : memref<10000x128xf32, #tpu.memory_space<hbm>> -> memref<10000x128xf32, #tpu.memory_space<hbm>>
      tpu.enqueue_indirect_dma source(%dma_start3A_337 : memref<10000x128xf32, #tpu.memory_space<hbm>>) target(%arg10 : memref<80x128xf32, #tpu.memory_space<vmem>>) offsets(%dma_start3A_334 : memref<80xi32, #tpu.memory_space<vmem>>) semaphore(%arg14 : memref<!tpu.dma_semaphore, #tpu.memory_space<semaphore_mem>>)
      %dma_wait3A_338 = arith.constant 11 : i32
      %dma_wait3A_339 = arith.constant 0 : i32
      %dma_wait3A_340 = tpu.memref_slice %arg7[%dma_wait3A_338, %dma_wait3A_339] : memref<32x80xi32, #tpu.memory_space<vmem>> -> memref<1x80xi32, #tpu.memory_space<vmem>>
      %dma_wait3A_341 = tpu.memref_squeeze %dma_wait3A_340 : memref<1x80xi32, #tpu.memory_space<vmem>> -> memref<80xi32, #tpu.memory_space<vmem>>
      %dma_wait3A_342 = arith.constant 0 : i32
      %dma_wait3A_343 = arith.constant 0 : i32
      %dma_wait3A_344 = tpu.memref_slice %arg2[%dma_wait3A_342, %dma_wait3A_343] : memref<10000x128xf32, #tpu.memory_space<hbm>> -> memref<10000x128xf32, #tpu.memory_space<hbm>>
      tpu.wait_indirect_dma semaphore(%arg16 : memref<!tpu.dma_semaphore, #tpu.memory_space<semaphore_mem>>) src(%dma_wait3A_344 : memref<10000x128xf32, #tpu.memory_space<hbm>>) dst(%arg12 : memref<80x128xf32, #tpu.memory_space<vmem>>)
      %dma_start3A_345 = arith.constant 11 : i32
      %dma_start3A_346 = arith.constant 0 : i32
      %dma_start3A_347 = tpu.memref_slice %arg8[%dma_start3A_345, %dma_start3A_346] : memref<32x80xi32, #tpu.memory_space<vmem>> -> memref<1x80xi32, #tpu.memory_space<vmem>>
      %dma_start3A_348 = tpu.memref_squeeze %dma_start3A_347 : memref<1x80xi32, #tpu.memory_space<vmem>> -> memref<80xi32, #tpu.memory_space<vmem>>
      %dma_start3A_349 = arith.constant 0 : i32
      %dma_start3A_350 = arith.constant 0 : i32
      %dma_start3A_351 = tpu.memref_slice %arg21[%dma_start3A_349, %dma_start3A_350] : memref<10016x128xf32, #tpu.memory_space<vmem_shared>> -> memref<10016x128xf32, #tpu.memory_space<vmem_shared>>
      tpu.enqueue_indirect_dma source(%arg12 : memref<80x128xf32, #tpu.memory_space<vmem>>) target(%dma_start3A_351 : memref<10016x128xf32, #tpu.memory_space<vmem_shared>>) offsets(%dma_start3A_348 : memref<80xi32, #tpu.memory_space<vmem>>) semaphore(%arg20 : memref<!tpu.dma_semaphore, #tpu.memory_space<semaphore_mem>>) {add = true}
      %dma_wait3A_352 = arith.constant 10 : i32
      %dma_wait3A_353 = arith.constant 0 : i32
      %dma_wait3A_354 = tpu.memref_slice %arg8[%dma_wait3A_352, %dma_wait3A_353] : memref<32x80xi32, #tpu.memory_space<vmem>> -> memref<1x80xi32, #tpu.memory_space<vmem>>
      %dma_wait3A_355 = tpu.memref_squeeze %dma_wait3A_354 : memref<1x80xi32, #tpu.memory_space<vmem>> -> memref<80xi32, #tpu.memory_space<vmem>>
      %dma_wait3A_356 = arith.constant 0 : i32
      %dma_wait3A_357 = arith.constant 0 : i32
      %dma_wait3A_358 = tpu.memref_slice %arg21[%dma_wait3A_356, %dma_wait3A_357] : memref<10016x128xf32, #tpu.memory_space<vmem_shared>> -> memref<10016x128xf32, #tpu.memory_space<vmem_shared>>
      tpu.wait_indirect_dma semaphore(%arg19 : memref<!tpu.dma_semaphore, #tpu.memory_space<semaphore_mem>>) src(%arg11 : memref<80x128xf32, #tpu.memory_space<vmem>>) dst(%dma_wait3A_358 : memref<10016x128xf32, #tpu.memory_space<vmem_shared>>)
      %dma_start3A_359 = arith.constant 14 : i32
      %dma_start3A_360 = arith.constant 0 : i32
      %dma_start3A_361 = tpu.memref_slice %arg7[%dma_start3A_359, %dma_start3A_360] : memref<32x80xi32, #tpu.memory_space<vmem>> -> memref<1x80xi32, #tpu.memory_space<vmem>>
      %dma_start3A_362 = tpu.memref_squeeze %dma_start3A_361 : memref<1x80xi32, #tpu.memory_space<vmem>> -> memref<80xi32, #tpu.memory_space<vmem>>
      %dma_start3A_363 = arith.constant 0 : i32
      %dma_start3A_364 = arith.constant 0 : i32
      %dma_start3A_365 = tpu.memref_slice %arg2[%dma_start3A_363, %dma_start3A_364] : memref<10000x128xf32, #tpu.memory_space<hbm>> -> memref<10000x128xf32, #tpu.memory_space<hbm>>
      tpu.enqueue_indirect_dma source(%dma_start3A_365 : memref<10000x128xf32, #tpu.memory_space<hbm>>) target(%arg11 : memref<80x128xf32, #tpu.memory_space<vmem>>) offsets(%dma_start3A_362 : memref<80xi32, #tpu.memory_space<vmem>>) semaphore(%arg15 : memref<!tpu.dma_semaphore, #tpu.memory_space<semaphore_mem>>)
      %dma_wait3A_366 = arith.constant 12 : i32
      %dma_wait3A_367 = arith.constant 0 : i32
      %dma_wait3A_368 = tpu.memref_slice %arg7[%dma_wait3A_366, %dma_wait3A_367] : memref<32x80xi32, #tpu.memory_space<vmem>> -> memref<1x80xi32, #tpu.memory_space<vmem>>
      %dma_wait3A_369 = tpu.memref_squeeze %dma_wait3A_368 : memref<1x80xi32, #tpu.memory_space<vmem>> -> memref<80xi32, #tpu.memory_space<vmem>>
      %dma_wait3A_370 = arith.constant 0 : i32
      %dma_wait3A_371 = arith.constant 0 : i32
      %dma_wait3A_372 = tpu.memref_slice %arg2[%dma_wait3A_370, %dma_wait3A_371] : memref<10000x128xf32, #tpu.memory_space<hbm>> -> memref<10000x128xf32, #tpu.memory_space<hbm>>
      tpu.wait_indirect_dma semaphore(%arg13 : memref<!tpu.dma_semaphore, #tpu.memory_space<semaphore_mem>>) src(%dma_wait3A_372 : memref<10000x128xf32, #tpu.memory_space<hbm>>) dst(%arg9 : memref<80x128xf32, #tpu.memory_space<vmem>>)
      %dma_start3A_373 = arith.constant 12 : i32
      %dma_start3A_374 = arith.constant 0 : i32
      %dma_start3A_375 = tpu.memref_slice %arg8[%dma_start3A_373, %dma_start3A_374] : memref<32x80xi32, #tpu.memory_space<vmem>> -> memref<1x80xi32, #tpu.memory_space<vmem>>
      %dma_start3A_376 = tpu.memref_squeeze %dma_start3A_375 : memref<1x80xi32, #tpu.memory_space<vmem>> -> memref<80xi32, #tpu.memory_space<vmem>>
      %dma_start3A_377 = arith.constant 0 : i32
      %dma_start3A_378 = arith.constant 0 : i32
      %dma_start3A_379 = tpu.memref_slice %arg21[%dma_start3A_377, %dma_start3A_378] : memref<10016x128xf32, #tpu.memory_space<vmem_shared>> -> memref<10016x128xf32, #tpu.memory_space<vmem_shared>>
      tpu.enqueue_indirect_dma source(%arg9 : memref<80x128xf32, #tpu.memory_space<vmem>>) target(%dma_start3A_379 : memref<10016x128xf32, #tpu.memory_space<vmem_shared>>) offsets(%dma_start3A_376 : memref<80xi32, #tpu.memory_space<vmem>>) semaphore(%arg17 : memref<!tpu.dma_semaphore, #tpu.memory_space<semaphore_mem>>) {add = true}
      %dma_wait3A_380 = arith.constant 11 : i32
      %dma_wait3A_381 = arith.constant 0 : i32
      %dma_wait3A_382 = tpu.memref_slice %arg8[%dma_wait3A_380, %dma_wait3A_381] : memref<32x80xi32, #tpu.memory_space<vmem>> -> memref<1x80xi32, #tpu.memory_space<vmem>>
      %dma_wait3A_383 = tpu.memref_squeeze %dma_wait3A_382 : memref<1x80xi32, #tpu.memory_space<vmem>> -> memref<80xi32, #tpu.memory_space<vmem>>
      %dma_wait3A_384 = arith.constant 0 : i32
      %dma_wait3A_385 = arith.constant 0 : i32
      %dma_wait3A_386 = tpu.memref_slice %arg21[%dma_wait3A_384, %dma_wait3A_385] : memref<10016x128xf32, #tpu.memory_space<vmem_shared>> -> memref<10016x128xf32, #tpu.memory_space<vmem_shared>>
      tpu.wait_indirect_dma semaphore(%arg20 : memref<!tpu.dma_semaphore, #tpu.memory_space<semaphore_mem>>) src(%arg12 : memref<80x128xf32, #tpu.memory_space<vmem>>) dst(%dma_wait3A_386 : memref<10016x128xf32, #tpu.memory_space<vmem_shared>>)
      %dma_start3A_387 = arith.constant 15 : i32
      %dma_start3A_388 = arith.constant 0 : i32
      %dma_start3A_389 = tpu.memref_slice %arg7[%dma_start3A_387, %dma_start3A_388] : memref<32x80xi32, #tpu.memory_space<vmem>> -> memref<1x80xi32, #tpu.memory_space<vmem>>
      %dma_start3A_390 = tpu.memref_squeeze %dma_start3A_389 : memref<1x80xi32, #tpu.memory_space<vmem>> -> memref<80xi32, #tpu.memory_space<vmem>>
      %dma_start3A_391 = arith.constant 0 : i32
      %dma_start3A_392 = arith.constant 0 : i32
      %dma_start3A_393 = tpu.memref_slice %arg2[%dma_start3A_391, %dma_start3A_392] : memref<10000x128xf32, #tpu.memory_space<hbm>> -> memref<10000x128xf32, #tpu.memory_space<hbm>>
      tpu.enqueue_indirect_dma source(%dma_start3A_393 : memref<10000x128xf32, #tpu.memory_space<hbm>>) target(%arg12 : memref<80x128xf32, #tpu.memory_space<vmem>>) offsets(%dma_start3A_390 : memref<80xi32, #tpu.memory_space<vmem>>) semaphore(%arg16 : memref<!tpu.dma_semaphore, #tpu.memory_space<semaphore_mem>>)
      %dma_wait3A_394 = arith.constant 13 : i32
      %dma_wait3A_395 = arith.constant 0 : i32
      %dma_wait3A_396 = tpu.memref_slice %arg7[%dma_wait3A_394, %dma_wait3A_395] : memref<32x80xi32, #tpu.memory_space<vmem>> -> memref<1x80xi32, #tpu.memory_space<vmem>>
      %dma_wait3A_397 = tpu.memref_squeeze %dma_wait3A_396 : memref<1x80xi32, #tpu.memory_space<vmem>> -> memref<80xi32, #tpu.memory_space<vmem>>
      %dma_wait3A_398 = arith.constant 0 : i32
      %dma_wait3A_399 = arith.constant 0 : i32
      %dma_wait3A_400 = tpu.memref_slice %arg2[%dma_wait3A_398, %dma_wait3A_399] : memref<10000x128xf32, #tpu.memory_space<hbm>> -> memref<10000x128xf32, #tpu.memory_space<hbm>>
      tpu.wait_indirect_dma semaphore(%arg14 : memref<!tpu.dma_semaphore, #tpu.memory_space<semaphore_mem>>) src(%dma_wait3A_400 : memref<10000x128xf32, #tpu.memory_space<hbm>>) dst(%arg10 : memref<80x128xf32, #tpu.memory_space<vmem>>)
      %dma_start3A_401 = arith.constant 13 : i32
      %dma_start3A_402 = arith.constant 0 : i32
      %dma_start3A_403 = tpu.memref_slice %arg8[%dma_start3A_401, %dma_start3A_402] : memref<32x80xi32, #tpu.memory_space<vmem>> -> memref<1x80xi32, #tpu.memory_space<vmem>>
      %dma_start3A_404 = tpu.memref_squeeze %dma_start3A_403 : memref<1x80xi32, #tpu.memory_space<vmem>> -> memref<80xi32, #tpu.memory_space<vmem>>
      %dma_start3A_405 = arith.constant 0 : i32
      %dma_start3A_406 = arith.constant 0 : i32
      %dma_start3A_407 = tpu.memref_slice %arg21[%dma_start3A_405, %dma_start3A_406] : memref<10016x128xf32, #tpu.memory_space<vmem_shared>> -> memref<10016x128xf32, #tpu.memory_space<vmem_shared>>
      tpu.enqueue_indirect_dma source(%arg10 : memref<80x128xf32, #tpu.memory_space<vmem>>) target(%dma_start3A_407 : memref<10016x128xf32, #tpu.memory_space<vmem_shared>>) offsets(%dma_start3A_404 : memref<80xi32, #tpu.memory_space<vmem>>) semaphore(%arg18 : memref<!tpu.dma_semaphore, #tpu.memory_space<semaphore_mem>>) {add = true}
      %dma_wait3A_408 = arith.constant 12 : i32
      %dma_wait3A_409 = arith.constant 0 : i32
      %dma_wait3A_410 = tpu.memref_slice %arg8[%dma_wait3A_408, %dma_wait3A_409] : memref<32x80xi32, #tpu.memory_space<vmem>> -> memref<1x80xi32, #tpu.memory_space<vmem>>
      %dma_wait3A_411 = tpu.memref_squeeze %dma_wait3A_410 : memref<1x80xi32, #tpu.memory_space<vmem>> -> memref<80xi32, #tpu.memory_space<vmem>>
      %dma_wait3A_412 = arith.constant 0 : i32
      %dma_wait3A_413 = arith.constant 0 : i32
      %dma_wait3A_414 = tpu.memref_slice %arg21[%dma_wait3A_412, %dma_wait3A_413] : memref<10016x128xf32, #tpu.memory_space<vmem_shared>> -> memref<10016x128xf32, #tpu.memory_space<vmem_shared>>
      tpu.wait_indirect_dma semaphore(%arg17 : memref<!tpu.dma_semaphore, #tpu.memory_space<semaphore_mem>>) src(%arg9 : memref<80x128xf32, #tpu.memory_space<vmem>>) dst(%dma_wait3A_414 : memref<10016x128xf32, #tpu.memory_space<vmem_shared>>)
      %dma_start3A_415 = arith.constant 16 : i32
      %dma_start3A_416 = arith.constant 0 : i32
      %dma_start3A_417 = tpu.memref_slice %arg7[%dma_start3A_415, %dma_start3A_416] : memref<32x80xi32, #tpu.memory_space<vmem>> -> memref<1x80xi32, #tpu.memory_space<vmem>>
      %dma_start3A_418 = tpu.memref_squeeze %dma_start3A_417 : memref<1x80xi32, #tpu.memory_space<vmem>> -> memref<80xi32, #tpu.memory_space<vmem>>
      %dma_start3A_419 = arith.constant 0 : i32
      %dma_start3A_420 = arith.constant 0 : i32
      %dma_start3A_421 = tpu.memref_slice %arg2[%dma_start3A_419, %dma_start3A_420] : memref<10000x128xf32, #tpu.memory_space<hbm>> -> memref<10000x128xf32, #tpu.memory_space<hbm>>
      tpu.enqueue_indirect_dma source(%dma_start3A_421 : memref<10000x128xf32, #tpu.memory_space<hbm>>) target(%arg9 : memref<80x128xf32, #tpu.memory_space<vmem>>) offsets(%dma_start3A_418 : memref<80xi32, #tpu.memory_space<vmem>>) semaphore(%arg13 : memref<!tpu.dma_semaphore, #tpu.memory_space<semaphore_mem>>)
      %dma_wait3A_422 = arith.constant 14 : i32
      %dma_wait3A_423 = arith.constant 0 : i32
      %dma_wait3A_424 = tpu.memref_slice %arg7[%dma_wait3A_422, %dma_wait3A_423] : memref<32x80xi32, #tpu.memory_space<vmem>> -> memref<1x80xi32, #tpu.memory_space<vmem>>
      %dma_wait3A_425 = tpu.memref_squeeze %dma_wait3A_424 : memref<1x80xi32, #tpu.memory_space<vmem>> -> memref<80xi32, #tpu.memory_space<vmem>>
      %dma_wait3A_426 = arith.constant 0 : i32
      %dma_wait3A_427 = arith.constant 0 : i32
      %dma_wait3A_428 = tpu.memref_slice %arg2[%dma_wait3A_426, %dma_wait3A_427] : memref<10000x128xf32, #tpu.memory_space<hbm>> -> memref<10000x128xf32, #tpu.memory_space<hbm>>
      tpu.wait_indirect_dma semaphore(%arg15 : memref<!tpu.dma_semaphore, #tpu.memory_space<semaphore_mem>>) src(%dma_wait3A_428 : memref<10000x128xf32, #tpu.memory_space<hbm>>) dst(%arg11 : memref<80x128xf32, #tpu.memory_space<vmem>>)
      %dma_start3A_429 = arith.constant 14 : i32
      %dma_start3A_430 = arith.constant 0 : i32
      %dma_start3A_431 = tpu.memref_slice %arg8[%dma_start3A_429, %dma_start3A_430] : memref<32x80xi32, #tpu.memory_space<vmem>> -> memref<1x80xi32, #tpu.memory_space<vmem>>
      %dma_start3A_432 = tpu.memref_squeeze %dma_start3A_431 : memref<1x80xi32, #tpu.memory_space<vmem>> -> memref<80xi32, #tpu.memory_space<vmem>>
      %dma_start3A_433 = arith.constant 0 : i32
      %dma_start3A_434 = arith.constant 0 : i32
      %dma_start3A_435 = tpu.memref_slice %arg21[%dma_start3A_433, %dma_start3A_434] : memref<10016x128xf32, #tpu.memory_space<vmem_shared>> -> memref<10016x128xf32, #tpu.memory_space<vmem_shared>>
      tpu.enqueue_indirect_dma source(%arg11 : memref<80x128xf32, #tpu.memory_space<vmem>>) target(%dma_start3A_435 : memref<10016x128xf32, #tpu.memory_space<vmem_shared>>) offsets(%dma_start3A_432 : memref<80xi32, #tpu.memory_space<vmem>>) semaphore(%arg19 : memref<!tpu.dma_semaphore, #tpu.memory_space<semaphore_mem>>) {add = true}
      %dma_wait3A_436 = arith.constant 13 : i32
      %dma_wait3A_437 = arith.constant 0 : i32
      %dma_wait3A_438 = tpu.memref_slice %arg8[%dma_wait3A_436, %dma_wait3A_437] : memref<32x80xi32, #tpu.memory_space<vmem>> -> memref<1x80xi32, #tpu.memory_space<vmem>>
      %dma_wait3A_439 = tpu.memref_squeeze %dma_wait3A_438 : memref<1x80xi32, #tpu.memory_space<vmem>> -> memref<80xi32, #tpu.memory_space<vmem>>
      %dma_wait3A_440 = arith.constant 0 : i32
      %dma_wait3A_441 = arith.constant 0 : i32
      %dma_wait3A_442 = tpu.memref_slice %arg21[%dma_wait3A_440, %dma_wait3A_441] : memref<10016x128xf32, #tpu.memory_space<vmem_shared>> -> memref<10016x128xf32, #tpu.memory_space<vmem_shared>>
      tpu.wait_indirect_dma semaphore(%arg18 : memref<!tpu.dma_semaphore, #tpu.memory_space<semaphore_mem>>) src(%arg10 : memref<80x128xf32, #tpu.memory_space<vmem>>) dst(%dma_wait3A_442 : memref<10016x128xf32, #tpu.memory_space<vmem_shared>>)
      %dma_start3A_443 = arith.constant 17 : i32
      %dma_start3A_444 = arith.constant 0 : i32
      %dma_start3A_445 = tpu.memref_slice %arg7[%dma_start3A_443, %dma_start3A_444] : memref<32x80xi32, #tpu.memory_space<vmem>> -> memref<1x80xi32, #tpu.memory_space<vmem>>
      %dma_start3A_446 = tpu.memref_squeeze %dma_start3A_445 : memref<1x80xi32, #tpu.memory_space<vmem>> -> memref<80xi32, #tpu.memory_space<vmem>>
      %dma_start3A_447 = arith.constant 0 : i32
      %dma_start3A_448 = arith.constant 0 : i32
      %dma_start3A_449 = tpu.memref_slice %arg2[%dma_start3A_447, %dma_start3A_448] : memref<10000x128xf32, #tpu.memory_space<hbm>> -> memref<10000x128xf32, #tpu.memory_space<hbm>>
      tpu.enqueue_indirect_dma source(%dma_start3A_449 : memref<10000x128xf32, #tpu.memory_space<hbm>>) target(%arg10 : memref<80x128xf32, #tpu.memory_space<vmem>>) offsets(%dma_start3A_446 : memref<80xi32, #tpu.memory_space<vmem>>) semaphore(%arg14 : memref<!tpu.dma_semaphore, #tpu.memory_space<semaphore_mem>>)
      %dma_wait3A_450 = arith.constant 15 : i32
      %dma_wait3A_451 = arith.constant 0 : i32
      %dma_wait3A_452 = tpu.memref_slice %arg7[%dma_wait3A_450, %dma_wait3A_451] : memref<32x80xi32, #tpu.memory_space<vmem>> -> memref<1x80xi32, #tpu.memory_space<vmem>>
      %dma_wait3A_453 = tpu.memref_squeeze %dma_wait3A_452 : memref<1x80xi32, #tpu.memory_space<vmem>> -> memref<80xi32, #tpu.memory_space<vmem>>
      %dma_wait3A_454 = arith.constant 0 : i32
      %dma_wait3A_455 = arith.constant 0 : i32
      %dma_wait3A_456 = tpu.memref_slice %arg2[%dma_wait3A_454, %dma_wait3A_455] : memref<10000x128xf32, #tpu.memory_space<hbm>> -> memref<10000x128xf32, #tpu.memory_space<hbm>>
      tpu.wait_indirect_dma semaphore(%arg16 : memref<!tpu.dma_semaphore, #tpu.memory_space<semaphore_mem>>) src(%dma_wait3A_456 : memref<10000x128xf32, #tpu.memory_space<hbm>>) dst(%arg12 : memref<80x128xf32, #tpu.memory_space<vmem>>)
      %dma_start3A_457 = arith.constant 15 : i32
      %dma_start3A_458 = arith.constant 0 : i32
      %dma_start3A_459 = tpu.memref_slice %arg8[%dma_start3A_457, %dma_start3A_458] : memref<32x80xi32, #tpu.memory_space<vmem>> -> memref<1x80xi32, #tpu.memory_space<vmem>>
      %dma_start3A_460 = tpu.memref_squeeze %dma_start3A_459 : memref<1x80xi32, #tpu.memory_space<vmem>> -> memref<80xi32, #tpu.memory_space<vmem>>
      %dma_start3A_461 = arith.constant 0 : i32
      %dma_start3A_462 = arith.constant 0 : i32
      %dma_start3A_463 = tpu.memref_slice %arg21[%dma_start3A_461, %dma_start3A_462] : memref<10016x128xf32, #tpu.memory_space<vmem_shared>> -> memref<10016x128xf32, #tpu.memory_space<vmem_shared>>
      tpu.enqueue_indirect_dma source(%arg12 : memref<80x128xf32, #tpu.memory_space<vmem>>) target(%dma_start3A_463 : memref<10016x128xf32, #tpu.memory_space<vmem_shared>>) offsets(%dma_start3A_460 : memref<80xi32, #tpu.memory_space<vmem>>) semaphore(%arg20 : memref<!tpu.dma_semaphore, #tpu.memory_space<semaphore_mem>>) {add = true}
      %dma_wait3A_464 = arith.constant 14 : i32
      %dma_wait3A_465 = arith.constant 0 : i32
      %dma_wait3A_466 = tpu.memref_slice %arg8[%dma_wait3A_464, %dma_wait3A_465] : memref<32x80xi32, #tpu.memory_space<vmem>> -> memref<1x80xi32, #tpu.memory_space<vmem>>
      %dma_wait3A_467 = tpu.memref_squeeze %dma_wait3A_466 : memref<1x80xi32, #tpu.memory_space<vmem>> -> memref<80xi32, #tpu.memory_space<vmem>>
      %dma_wait3A_468 = arith.constant 0 : i32
      %dma_wait3A_469 = arith.constant 0 : i32
      %dma_wait3A_470 = tpu.memref_slice %arg21[%dma_wait3A_468, %dma_wait3A_469] : memref<10016x128xf32, #tpu.memory_space<vmem_shared>> -> memref<10016x128xf32, #tpu.memory_space<vmem_shared>>
      tpu.wait_indirect_dma semaphore(%arg19 : memref<!tpu.dma_semaphore, #tpu.memory_space<semaphore_mem>>) src(%arg11 : memref<80x128xf32, #tpu.memory_space<vmem>>) dst(%dma_wait3A_470 : memref<10016x128xf32, #tpu.memory_space<vmem_shared>>)
      %dma_start3A_471 = arith.constant 18 : i32
      %dma_start3A_472 = arith.constant 0 : i32
      %dma_start3A_473 = tpu.memref_slice %arg7[%dma_start3A_471, %dma_start3A_472] : memref<32x80xi32, #tpu.memory_space<vmem>> -> memref<1x80xi32, #tpu.memory_space<vmem>>
      %dma_start3A_474 = tpu.memref_squeeze %dma_start3A_473 : memref<1x80xi32, #tpu.memory_space<vmem>> -> memref<80xi32, #tpu.memory_space<vmem>>
      %dma_start3A_475 = arith.constant 0 : i32
      %dma_start3A_476 = arith.constant 0 : i32
      %dma_start3A_477 = tpu.memref_slice %arg2[%dma_start3A_475, %dma_start3A_476] : memref<10000x128xf32, #tpu.memory_space<hbm>> -> memref<10000x128xf32, #tpu.memory_space<hbm>>
      tpu.enqueue_indirect_dma source(%dma_start3A_477 : memref<10000x128xf32, #tpu.memory_space<hbm>>) target(%arg11 : memref<80x128xf32, #tpu.memory_space<vmem>>) offsets(%dma_start3A_474 : memref<80xi32, #tpu.memory_space<vmem>>) semaphore(%arg15 : memref<!tpu.dma_semaphore, #tpu.memory_space<semaphore_mem>>)
      %dma_wait3A_478 = arith.constant 16 : i32
      %dma_wait3A_479 = arith.constant 0 : i32
      %dma_wait3A_480 = tpu.memref_slice %arg7[%dma_wait3A_478, %dma_wait3A_479] : memref<32x80xi32, #tpu.memory_space<vmem>> -> memref<1x80xi32, #tpu.memory_space<vmem>>
      %dma_wait3A_481 = tpu.memref_squeeze %dma_wait3A_480 : memref<1x80xi32, #tpu.memory_space<vmem>> -> memref<80xi32, #tpu.memory_space<vmem>>
      %dma_wait3A_482 = arith.constant 0 : i32
      %dma_wait3A_483 = arith.constant 0 : i32
      %dma_wait3A_484 = tpu.memref_slice %arg2[%dma_wait3A_482, %dma_wait3A_483] : memref<10000x128xf32, #tpu.memory_space<hbm>> -> memref<10000x128xf32, #tpu.memory_space<hbm>>
      tpu.wait_indirect_dma semaphore(%arg13 : memref<!tpu.dma_semaphore, #tpu.memory_space<semaphore_mem>>) src(%dma_wait3A_484 : memref<10000x128xf32, #tpu.memory_space<hbm>>) dst(%arg9 : memref<80x128xf32, #tpu.memory_space<vmem>>)
      %dma_start3A_485 = arith.constant 16 : i32
      %dma_start3A_486 = arith.constant 0 : i32
      %dma_start3A_487 = tpu.memref_slice %arg8[%dma_start3A_485, %dma_start3A_486] : memref<32x80xi32, #tpu.memory_space<vmem>> -> memref<1x80xi32, #tpu.memory_space<vmem>>
      %dma_start3A_488 = tpu.memref_squeeze %dma_start3A_487 : memref<1x80xi32, #tpu.memory_space<vmem>> -> memref<80xi32, #tpu.memory_space<vmem>>
      %dma_start3A_489 = arith.constant 0 : i32
      %dma_start3A_490 = arith.constant 0 : i32
      %dma_start3A_491 = tpu.memref_slice %arg21[%dma_start3A_489, %dma_start3A_490] : memref<10016x128xf32, #tpu.memory_space<vmem_shared>> -> memref<10016x128xf32, #tpu.memory_space<vmem_shared>>
      tpu.enqueue_indirect_dma source(%arg9 : memref<80x128xf32, #tpu.memory_space<vmem>>) target(%dma_start3A_491 : memref<10016x128xf32, #tpu.memory_space<vmem_shared>>) offsets(%dma_start3A_488 : memref<80xi32, #tpu.memory_space<vmem>>) semaphore(%arg17 : memref<!tpu.dma_semaphore, #tpu.memory_space<semaphore_mem>>) {add = true}
      %dma_wait3A_492 = arith.constant 15 : i32
      %dma_wait3A_493 = arith.constant 0 : i32
      %dma_wait3A_494 = tpu.memref_slice %arg8[%dma_wait3A_492, %dma_wait3A_493] : memref<32x80xi32, #tpu.memory_space<vmem>> -> memref<1x80xi32, #tpu.memory_space<vmem>>
      %dma_wait3A_495 = tpu.memref_squeeze %dma_wait3A_494 : memref<1x80xi32, #tpu.memory_space<vmem>> -> memref<80xi32, #tpu.memory_space<vmem>>
      %dma_wait3A_496 = arith.constant 0 : i32
      %dma_wait3A_497 = arith.constant 0 : i32
      %dma_wait3A_498 = tpu.memref_slice %arg21[%dma_wait3A_496, %dma_wait3A_497] : memref<10016x128xf32, #tpu.memory_space<vmem_shared>> -> memref<10016x128xf32, #tpu.memory_space<vmem_shared>>
      tpu.wait_indirect_dma semaphore(%arg20 : memref<!tpu.dma_semaphore, #tpu.memory_space<semaphore_mem>>) src(%arg12 : memref<80x128xf32, #tpu.memory_space<vmem>>) dst(%dma_wait3A_498 : memref<10016x128xf32, #tpu.memory_space<vmem_shared>>)
      %dma_start3A_499 = arith.constant 19 : i32
      %dma_start3A_500 = arith.constant 0 : i32
      %dma_start3A_501 = tpu.memref_slice %arg7[%dma_start3A_499, %dma_start3A_500] : memref<32x80xi32, #tpu.memory_space<vmem>> -> memref<1x80xi32, #tpu.memory_space<vmem>>
      %dma_start3A_502 = tpu.memref_squeeze %dma_start3A_501 : memref<1x80xi32, #tpu.memory_space<vmem>> -> memref<80xi32, #tpu.memory_space<vmem>>
      %dma_start3A_503 = arith.constant 0 : i32
      %dma_start3A_504 = arith.constant 0 : i32
      %dma_start3A_505 = tpu.memref_slice %arg2[%dma_start3A_503, %dma_start3A_504] : memref<10000x128xf32, #tpu.memory_space<hbm>> -> memref<10000x128xf32, #tpu.memory_space<hbm>>
      tpu.enqueue_indirect_dma source(%dma_start3A_505 : memref<10000x128xf32, #tpu.memory_space<hbm>>) target(%arg12 : memref<80x128xf32, #tpu.memory_space<vmem>>) offsets(%dma_start3A_502 : memref<80xi32, #tpu.memory_space<vmem>>) semaphore(%arg16 : memref<!tpu.dma_semaphore, #tpu.memory_space<semaphore_mem>>)
      %dma_wait3A_506 = arith.constant 17 : i32
      %dma_wait3A_507 = arith.constant 0 : i32
      %dma_wait3A_508 = tpu.memref_slice %arg7[%dma_wait3A_506, %dma_wait3A_507] : memref<32x80xi32, #tpu.memory_space<vmem>> -> memref<1x80xi32, #tpu.memory_space<vmem>>
      %dma_wait3A_509 = tpu.memref_squeeze %dma_wait3A_508 : memref<1x80xi32, #tpu.memory_space<vmem>> -> memref<80xi32, #tpu.memory_space<vmem>>
      %dma_wait3A_510 = arith.constant 0 : i32
      %dma_wait3A_511 = arith.constant 0 : i32
      %dma_wait3A_512 = tpu.memref_slice %arg2[%dma_wait3A_510, %dma_wait3A_511] : memref<10000x128xf32, #tpu.memory_space<hbm>> -> memref<10000x128xf32, #tpu.memory_space<hbm>>
      tpu.wait_indirect_dma semaphore(%arg14 : memref<!tpu.dma_semaphore, #tpu.memory_space<semaphore_mem>>) src(%dma_wait3A_512 : memref<10000x128xf32, #tpu.memory_space<hbm>>) dst(%arg10 : memref<80x128xf32, #tpu.memory_space<vmem>>)
      %dma_start3A_513 = arith.constant 17 : i32
      %dma_start3A_514 = arith.constant 0 : i32
      %dma_start3A_515 = tpu.memref_slice %arg8[%dma_start3A_513, %dma_start3A_514] : memref<32x80xi32, #tpu.memory_space<vmem>> -> memref<1x80xi32, #tpu.memory_space<vmem>>
      %dma_start3A_516 = tpu.memref_squeeze %dma_start3A_515 : memref<1x80xi32, #tpu.memory_space<vmem>> -> memref<80xi32, #tpu.memory_space<vmem>>
      %dma_start3A_517 = arith.constant 0 : i32
      %dma_start3A_518 = arith.constant 0 : i32
      %dma_start3A_519 = tpu.memref_slice %arg21[%dma_start3A_517, %dma_start3A_518] : memref<10016x128xf32, #tpu.memory_space<vmem_shared>> -> memref<10016x128xf32, #tpu.memory_space<vmem_shared>>
      tpu.enqueue_indirect_dma source(%arg10 : memref<80x128xf32, #tpu.memory_space<vmem>>) target(%dma_start3A_519 : memref<10016x128xf32, #tpu.memory_space<vmem_shared>>) offsets(%dma_start3A_516 : memref<80xi32, #tpu.memory_space<vmem>>) semaphore(%arg18 : memref<!tpu.dma_semaphore, #tpu.memory_space<semaphore_mem>>) {add = true}
      %dma_wait3A_520 = arith.constant 16 : i32
      %dma_wait3A_521 = arith.constant 0 : i32
      %dma_wait3A_522 = tpu.memref_slice %arg8[%dma_wait3A_520, %dma_wait3A_521] : memref<32x80xi32, #tpu.memory_space<vmem>> -> memref<1x80xi32, #tpu.memory_space<vmem>>
      %dma_wait3A_523 = tpu.memref_squeeze %dma_wait3A_522 : memref<1x80xi32, #tpu.memory_space<vmem>> -> memref<80xi32, #tpu.memory_space<vmem>>
      %dma_wait3A_524 = arith.constant 0 : i32
      %dma_wait3A_525 = arith.constant 0 : i32
      %dma_wait3A_526 = tpu.memref_slice %arg21[%dma_wait3A_524, %dma_wait3A_525] : memref<10016x128xf32, #tpu.memory_space<vmem_shared>> -> memref<10016x128xf32, #tpu.memory_space<vmem_shared>>
      tpu.wait_indirect_dma semaphore(%arg17 : memref<!tpu.dma_semaphore, #tpu.memory_space<semaphore_mem>>) src(%arg9 : memref<80x128xf32, #tpu.memory_space<vmem>>) dst(%dma_wait3A_526 : memref<10016x128xf32, #tpu.memory_space<vmem_shared>>)
      %dma_start3A_527 = arith.constant 20 : i32
      %dma_start3A_528 = arith.constant 0 : i32
      %dma_start3A_529 = tpu.memref_slice %arg7[%dma_start3A_527, %dma_start3A_528] : memref<32x80xi32, #tpu.memory_space<vmem>> -> memref<1x80xi32, #tpu.memory_space<vmem>>
      %dma_start3A_530 = tpu.memref_squeeze %dma_start3A_529 : memref<1x80xi32, #tpu.memory_space<vmem>> -> memref<80xi32, #tpu.memory_space<vmem>>
      %dma_start3A_531 = arith.constant 0 : i32
      %dma_start3A_532 = arith.constant 0 : i32
      %dma_start3A_533 = tpu.memref_slice %arg2[%dma_start3A_531, %dma_start3A_532] : memref<10000x128xf32, #tpu.memory_space<hbm>> -> memref<10000x128xf32, #tpu.memory_space<hbm>>
      tpu.enqueue_indirect_dma source(%dma_start3A_533 : memref<10000x128xf32, #tpu.memory_space<hbm>>) target(%arg9 : memref<80x128xf32, #tpu.memory_space<vmem>>) offsets(%dma_start3A_530 : memref<80xi32, #tpu.memory_space<vmem>>) semaphore(%arg13 : memref<!tpu.dma_semaphore, #tpu.memory_space<semaphore_mem>>)
      %dma_wait3A_534 = arith.constant 18 : i32
      %dma_wait3A_535 = arith.constant 0 : i32
      %dma_wait3A_536 = tpu.memref_slice %arg7[%dma_wait3A_534, %dma_wait3A_535] : memref<32x80xi32, #tpu.memory_space<vmem>> -> memref<1x80xi32, #tpu.memory_space<vmem>>
      %dma_wait3A_537 = tpu.memref_squeeze %dma_wait3A_536 : memref<1x80xi32, #tpu.memory_space<vmem>> -> memref<80xi32, #tpu.memory_space<vmem>>
      %dma_wait3A_538 = arith.constant 0 : i32
      %dma_wait3A_539 = arith.constant 0 : i32
      %dma_wait3A_540 = tpu.memref_slice %arg2[%dma_wait3A_538, %dma_wait3A_539] : memref<10000x128xf32, #tpu.memory_space<hbm>> -> memref<10000x128xf32, #tpu.memory_space<hbm>>
      tpu.wait_indirect_dma semaphore(%arg15 : memref<!tpu.dma_semaphore, #tpu.memory_space<semaphore_mem>>) src(%dma_wait3A_540 : memref<10000x128xf32, #tpu.memory_space<hbm>>) dst(%arg11 : memref<80x128xf32, #tpu.memory_space<vmem>>)
      %dma_start3A_541 = arith.constant 18 : i32
      %dma_start3A_542 = arith.constant 0 : i32
      %dma_start3A_543 = tpu.memref_slice %arg8[%dma_start3A_541, %dma_start3A_542] : memref<32x80xi32, #tpu.memory_space<vmem>> -> memref<1x80xi32, #tpu.memory_space<vmem>>
      %dma_start3A_544 = tpu.memref_squeeze %dma_start3A_543 : memref<1x80xi32, #tpu.memory_space<vmem>> -> memref<80xi32, #tpu.memory_space<vmem>>
      %dma_start3A_545 = arith.constant 0 : i32
      %dma_start3A_546 = arith.constant 0 : i32
      %dma_start3A_547 = tpu.memref_slice %arg21[%dma_start3A_545, %dma_start3A_546] : memref<10016x128xf32, #tpu.memory_space<vmem_shared>> -> memref<10016x128xf32, #tpu.memory_space<vmem_shared>>
      tpu.enqueue_indirect_dma source(%arg11 : memref<80x128xf32, #tpu.memory_space<vmem>>) target(%dma_start3A_547 : memref<10016x128xf32, #tpu.memory_space<vmem_shared>>) offsets(%dma_start3A_544 : memref<80xi32, #tpu.memory_space<vmem>>) semaphore(%arg19 : memref<!tpu.dma_semaphore, #tpu.memory_space<semaphore_mem>>) {add = true}
      %dma_wait3A_548 = arith.constant 17 : i32
      %dma_wait3A_549 = arith.constant 0 : i32
      %dma_wait3A_550 = tpu.memref_slice %arg8[%dma_wait3A_548, %dma_wait3A_549] : memref<32x80xi32, #tpu.memory_space<vmem>> -> memref<1x80xi32, #tpu.memory_space<vmem>>
      %dma_wait3A_551 = tpu.memref_squeeze %dma_wait3A_550 : memref<1x80xi32, #tpu.memory_space<vmem>> -> memref<80xi32, #tpu.memory_space<vmem>>
      %dma_wait3A_552 = arith.constant 0 : i32
      %dma_wait3A_553 = arith.constant 0 : i32
      %dma_wait3A_554 = tpu.memref_slice %arg21[%dma_wait3A_552, %dma_wait3A_553] : memref<10016x128xf32, #tpu.memory_space<vmem_shared>> -> memref<10016x128xf32, #tpu.memory_space<vmem_shared>>
      tpu.wait_indirect_dma semaphore(%arg18 : memref<!tpu.dma_semaphore, #tpu.memory_space<semaphore_mem>>) src(%arg10 : memref<80x128xf32, #tpu.memory_space<vmem>>) dst(%dma_wait3A_554 : memref<10016x128xf32, #tpu.memory_space<vmem_shared>>)
      %dma_start3A_555 = arith.constant 21 : i32
      %dma_start3A_556 = arith.constant 0 : i32
      %dma_start3A_557 = tpu.memref_slice %arg7[%dma_start3A_555, %dma_start3A_556] : memref<32x80xi32, #tpu.memory_space<vmem>> -> memref<1x80xi32, #tpu.memory_space<vmem>>
      %dma_start3A_558 = tpu.memref_squeeze %dma_start3A_557 : memref<1x80xi32, #tpu.memory_space<vmem>> -> memref<80xi32, #tpu.memory_space<vmem>>
      %dma_start3A_559 = arith.constant 0 : i32
      %dma_start3A_560 = arith.constant 0 : i32
      %dma_start3A_561 = tpu.memref_slice %arg2[%dma_start3A_559, %dma_start3A_560] : memref<10000x128xf32, #tpu.memory_space<hbm>> -> memref<10000x128xf32, #tpu.memory_space<hbm>>
      tpu.enqueue_indirect_dma source(%dma_start3A_561 : memref<10000x128xf32, #tpu.memory_space<hbm>>) target(%arg10 : memref<80x128xf32, #tpu.memory_space<vmem>>) offsets(%dma_start3A_558 : memref<80xi32, #tpu.memory_space<vmem>>) semaphore(%arg14 : memref<!tpu.dma_semaphore, #tpu.memory_space<semaphore_mem>>)
      %dma_wait3A_562 = arith.constant 19 : i32
      %dma_wait3A_563 = arith.constant 0 : i32
      %dma_wait3A_564 = tpu.memref_slice %arg7[%dma_wait3A_562, %dma_wait3A_563] : memref<32x80xi32, #tpu.memory_space<vmem>> -> memref<1x80xi32, #tpu.memory_space<vmem>>
      %dma_wait3A_565 = tpu.memref_squeeze %dma_wait3A_564 : memref<1x80xi32, #tpu.memory_space<vmem>> -> memref<80xi32, #tpu.memory_space<vmem>>
      %dma_wait3A_566 = arith.constant 0 : i32
      %dma_wait3A_567 = arith.constant 0 : i32
      %dma_wait3A_568 = tpu.memref_slice %arg2[%dma_wait3A_566, %dma_wait3A_567] : memref<10000x128xf32, #tpu.memory_space<hbm>> -> memref<10000x128xf32, #tpu.memory_space<hbm>>
      tpu.wait_indirect_dma semaphore(%arg16 : memref<!tpu.dma_semaphore, #tpu.memory_space<semaphore_mem>>) src(%dma_wait3A_568 : memref<10000x128xf32, #tpu.memory_space<hbm>>) dst(%arg12 : memref<80x128xf32, #tpu.memory_space<vmem>>)
      %dma_start3A_569 = arith.constant 19 : i32
      %dma_start3A_570 = arith.constant 0 : i32
      %dma_start3A_571 = tpu.memref_slice %arg8[%dma_start3A_569, %dma_start3A_570] : memref<32x80xi32, #tpu.memory_space<vmem>> -> memref<1x80xi32, #tpu.memory_space<vmem>>
      %dma_start3A_572 = tpu.memref_squeeze %dma_start3A_571 : memref<1x80xi32, #tpu.memory_space<vmem>> -> memref<80xi32, #tpu.memory_space<vmem>>
      %dma_start3A_573 = arith.constant 0 : i32
      %dma_start3A_574 = arith.constant 0 : i32
      %dma_start3A_575 = tpu.memref_slice %arg21[%dma_start3A_573, %dma_start3A_574] : memref<10016x128xf32, #tpu.memory_space<vmem_shared>> -> memref<10016x128xf32, #tpu.memory_space<vmem_shared>>
      tpu.enqueue_indirect_dma source(%arg12 : memref<80x128xf32, #tpu.memory_space<vmem>>) target(%dma_start3A_575 : memref<10016x128xf32, #tpu.memory_space<vmem_shared>>) offsets(%dma_start3A_572 : memref<80xi32, #tpu.memory_space<vmem>>) semaphore(%arg20 : memref<!tpu.dma_semaphore, #tpu.memory_space<semaphore_mem>>) {add = true}
      %dma_wait3A_576 = arith.constant 18 : i32
      %dma_wait3A_577 = arith.constant 0 : i32
      %dma_wait3A_578 = tpu.memref_slice %arg8[%dma_wait3A_576, %dma_wait3A_577] : memref<32x80xi32, #tpu.memory_space<vmem>> -> memref<1x80xi32, #tpu.memory_space<vmem>>
      %dma_wait3A_579 = tpu.memref_squeeze %dma_wait3A_578 : memref<1x80xi32, #tpu.memory_space<vmem>> -> memref<80xi32, #tpu.memory_space<vmem>>
      %dma_wait3A_580 = arith.constant 0 : i32
      %dma_wait3A_581 = arith.constant 0 : i32
      %dma_wait3A_582 = tpu.memref_slice %arg21[%dma_wait3A_580, %dma_wait3A_581] : memref<10016x128xf32, #tpu.memory_space<vmem_shared>> -> memref<10016x128xf32, #tpu.memory_space<vmem_shared>>
      tpu.wait_indirect_dma semaphore(%arg19 : memref<!tpu.dma_semaphore, #tpu.memory_space<semaphore_mem>>) src(%arg11 : memref<80x128xf32, #tpu.memory_space<vmem>>) dst(%dma_wait3A_582 : memref<10016x128xf32, #tpu.memory_space<vmem_shared>>)
      %dma_start3A_583 = arith.constant 22 : i32
      %dma_start3A_584 = arith.constant 0 : i32
      %dma_start3A_585 = tpu.memref_slice %arg7[%dma_start3A_583, %dma_start3A_584] : memref<32x80xi32, #tpu.memory_space<vmem>> -> memref<1x80xi32, #tpu.memory_space<vmem>>
      %dma_start3A_586 = tpu.memref_squeeze %dma_start3A_585 : memref<1x80xi32, #tpu.memory_space<vmem>> -> memref<80xi32, #tpu.memory_space<vmem>>
      %dma_start3A_587 = arith.constant 0 : i32
      %dma_start3A_588 = arith.constant 0 : i32
      %dma_start3A_589 = tpu.memref_slice %arg2[%dma_start3A_587, %dma_start3A_588] : memref<10000x128xf32, #tpu.memory_space<hbm>> -> memref<10000x128xf32, #tpu.memory_space<hbm>>
      tpu.enqueue_indirect_dma source(%dma_start3A_589 : memref<10000x128xf32, #tpu.memory_space<hbm>>) target(%arg11 : memref<80x128xf32, #tpu.memory_space<vmem>>) offsets(%dma_start3A_586 : memref<80xi32, #tpu.memory_space<vmem>>) semaphore(%arg15 : memref<!tpu.dma_semaphore, #tpu.memory_space<semaphore_mem>>)
      %dma_wait3A_590 = arith.constant 20 : i32
      %dma_wait3A_591 = arith.constant 0 : i32
      %dma_wait3A_592 = tpu.memref_slice %arg7[%dma_wait3A_590, %dma_wait3A_591] : memref<32x80xi32, #tpu.memory_space<vmem>> -> memref<1x80xi32, #tpu.memory_space<vmem>>
      %dma_wait3A_593 = tpu.memref_squeeze %dma_wait3A_592 : memref<1x80xi32, #tpu.memory_space<vmem>> -> memref<80xi32, #tpu.memory_space<vmem>>
      %dma_wait3A_594 = arith.constant 0 : i32
      %dma_wait3A_595 = arith.constant 0 : i32
      %dma_wait3A_596 = tpu.memref_slice %arg2[%dma_wait3A_594, %dma_wait3A_595] : memref<10000x128xf32, #tpu.memory_space<hbm>> -> memref<10000x128xf32, #tpu.memory_space<hbm>>
      tpu.wait_indirect_dma semaphore(%arg13 : memref<!tpu.dma_semaphore, #tpu.memory_space<semaphore_mem>>) src(%dma_wait3A_596 : memref<10000x128xf32, #tpu.memory_space<hbm>>) dst(%arg9 : memref<80x128xf32, #tpu.memory_space<vmem>>)
      %dma_start3A_597 = arith.constant 20 : i32
      %dma_start3A_598 = arith.constant 0 : i32
      %dma_start3A_599 = tpu.memref_slice %arg8[%dma_start3A_597, %dma_start3A_598] : memref<32x80xi32, #tpu.memory_space<vmem>> -> memref<1x80xi32, #tpu.memory_space<vmem>>
      %dma_start3A_600 = tpu.memref_squeeze %dma_start3A_599 : memref<1x80xi32, #tpu.memory_space<vmem>> -> memref<80xi32, #tpu.memory_space<vmem>>
      %dma_start3A_601 = arith.constant 0 : i32
      %dma_start3A_602 = arith.constant 0 : i32
      %dma_start3A_603 = tpu.memref_slice %arg21[%dma_start3A_601, %dma_start3A_602] : memref<10016x128xf32, #tpu.memory_space<vmem_shared>> -> memref<10016x128xf32, #tpu.memory_space<vmem_shared>>
      tpu.enqueue_indirect_dma source(%arg9 : memref<80x128xf32, #tpu.memory_space<vmem>>) target(%dma_start3A_603 : memref<10016x128xf32, #tpu.memory_space<vmem_shared>>) offsets(%dma_start3A_600 : memref<80xi32, #tpu.memory_space<vmem>>) semaphore(%arg17 : memref<!tpu.dma_semaphore, #tpu.memory_space<semaphore_mem>>) {add = true}
      %dma_wait3A_604 = arith.constant 19 : i32
      %dma_wait3A_605 = arith.constant 0 : i32
      %dma_wait3A_606 = tpu.memref_slice %arg8[%dma_wait3A_604, %dma_wait3A_605] : memref<32x80xi32, #tpu.memory_space<vmem>> -> memref<1x80xi32, #tpu.memory_space<vmem>>
      %dma_wait3A_607 = tpu.memref_squeeze %dma_wait3A_606 : memref<1x80xi32, #tpu.memory_space<vmem>> -> memref<80xi32, #tpu.memory_space<vmem>>
      %dma_wait3A_608 = arith.constant 0 : i32
      %dma_wait3A_609 = arith.constant 0 : i32
      %dma_wait3A_610 = tpu.memref_slice %arg21[%dma_wait3A_608, %dma_wait3A_609] : memref<10016x128xf32, #tpu.memory_space<vmem_shared>> -> memref<10016x128xf32, #tpu.memory_space<vmem_shared>>
      tpu.wait_indirect_dma semaphore(%arg20 : memref<!tpu.dma_semaphore, #tpu.memory_space<semaphore_mem>>) src(%arg12 : memref<80x128xf32, #tpu.memory_space<vmem>>) dst(%dma_wait3A_610 : memref<10016x128xf32, #tpu.memory_space<vmem_shared>>)
      %dma_start3A_611 = arith.constant 23 : i32
      %dma_start3A_612 = arith.constant 0 : i32
      %dma_start3A_613 = tpu.memref_slice %arg7[%dma_start3A_611, %dma_start3A_612] : memref<32x80xi32, #tpu.memory_space<vmem>> -> memref<1x80xi32, #tpu.memory_space<vmem>>
      %dma_start3A_614 = tpu.memref_squeeze %dma_start3A_613 : memref<1x80xi32, #tpu.memory_space<vmem>> -> memref<80xi32, #tpu.memory_space<vmem>>
      %dma_start3A_615 = arith.constant 0 : i32
      %dma_start3A_616 = arith.constant 0 : i32
      %dma_start3A_617 = tpu.memref_slice %arg2[%dma_start3A_615, %dma_start3A_616] : memref<10000x128xf32, #tpu.memory_space<hbm>> -> memref<10000x128xf32, #tpu.memory_space<hbm>>
      tpu.enqueue_indirect_dma source(%dma_start3A_617 : memref<10000x128xf32, #tpu.memory_space<hbm>>) target(%arg12 : memref<80x128xf32, #tpu.memory_space<vmem>>) offsets(%dma_start3A_614 : memref<80xi32, #tpu.memory_space<vmem>>) semaphore(%arg16 : memref<!tpu.dma_semaphore, #tpu.memory_space<semaphore_mem>>)
      %dma_wait3A_618 = arith.constant 21 : i32
      %dma_wait3A_619 = arith.constant 0 : i32
      %dma_wait3A_620 = tpu.memref_slice %arg7[%dma_wait3A_618, %dma_wait3A_619] : memref<32x80xi32, #tpu.memory_space<vmem>> -> memref<1x80xi32, #tpu.memory_space<vmem>>
      %dma_wait3A_621 = tpu.memref_squeeze %dma_wait3A_620 : memref<1x80xi32, #tpu.memory_space<vmem>> -> memref<80xi32, #tpu.memory_space<vmem>>
      %dma_wait3A_622 = arith.constant 0 : i32
      %dma_wait3A_623 = arith.constant 0 : i32
      %dma_wait3A_624 = tpu.memref_slice %arg2[%dma_wait3A_622, %dma_wait3A_623] : memref<10000x128xf32, #tpu.memory_space<hbm>> -> memref<10000x128xf32, #tpu.memory_space<hbm>>
      tpu.wait_indirect_dma semaphore(%arg14 : memref<!tpu.dma_semaphore, #tpu.memory_space<semaphore_mem>>) src(%dma_wait3A_624 : memref<10000x128xf32, #tpu.memory_space<hbm>>) dst(%arg10 : memref<80x128xf32, #tpu.memory_space<vmem>>)
      %dma_start3A_625 = arith.constant 21 : i32
      %dma_start3A_626 = arith.constant 0 : i32
      %dma_start3A_627 = tpu.memref_slice %arg8[%dma_start3A_625, %dma_start3A_626] : memref<32x80xi32, #tpu.memory_space<vmem>> -> memref<1x80xi32, #tpu.memory_space<vmem>>
      %dma_start3A_628 = tpu.memref_squeeze %dma_start3A_627 : memref<1x80xi32, #tpu.memory_space<vmem>> -> memref<80xi32, #tpu.memory_space<vmem>>
      %dma_start3A_629 = arith.constant 0 : i32
      %dma_start3A_630 = arith.constant 0 : i32
      %dma_start3A_631 = tpu.memref_slice %arg21[%dma_start3A_629, %dma_start3A_630] : memref<10016x128xf32, #tpu.memory_space<vmem_shared>> -> memref<10016x128xf32, #tpu.memory_space<vmem_shared>>
      tpu.enqueue_indirect_dma source(%arg10 : memref<80x128xf32, #tpu.memory_space<vmem>>) target(%dma_start3A_631 : memref<10016x128xf32, #tpu.memory_space<vmem_shared>>) offsets(%dma_start3A_628 : memref<80xi32, #tpu.memory_space<vmem>>) semaphore(%arg18 : memref<!tpu.dma_semaphore, #tpu.memory_space<semaphore_mem>>) {add = true}
      %dma_wait3A_632 = arith.constant 20 : i32
      %dma_wait3A_633 = arith.constant 0 : i32
      %dma_wait3A_634 = tpu.memref_slice %arg8[%dma_wait3A_632, %dma_wait3A_633] : memref<32x80xi32, #tpu.memory_space<vmem>> -> memref<1x80xi32, #tpu.memory_space<vmem>>
      %dma_wait3A_635 = tpu.memref_squeeze %dma_wait3A_634 : memref<1x80xi32, #tpu.memory_space<vmem>> -> memref<80xi32, #tpu.memory_space<vmem>>
      %dma_wait3A_636 = arith.constant 0 : i32
      %dma_wait3A_637 = arith.constant 0 : i32
      %dma_wait3A_638 = tpu.memref_slice %arg21[%dma_wait3A_636, %dma_wait3A_637] : memref<10016x128xf32, #tpu.memory_space<vmem_shared>> -> memref<10016x128xf32, #tpu.memory_space<vmem_shared>>
      tpu.wait_indirect_dma semaphore(%arg17 : memref<!tpu.dma_semaphore, #tpu.memory_space<semaphore_mem>>) src(%arg9 : memref<80x128xf32, #tpu.memory_space<vmem>>) dst(%dma_wait3A_638 : memref<10016x128xf32, #tpu.memory_space<vmem_shared>>)
      %dma_start3A_639 = arith.constant 24 : i32
      %dma_start3A_640 = arith.constant 0 : i32
      %dma_start3A_641 = tpu.memref_slice %arg7[%dma_start3A_639, %dma_start3A_640] : memref<32x80xi32, #tpu.memory_space<vmem>> -> memref<1x80xi32, #tpu.memory_space<vmem>>
      %dma_start3A_642 = tpu.memref_squeeze %dma_start3A_641 : memref<1x80xi32, #tpu.memory_space<vmem>> -> memref<80xi32, #tpu.memory_space<vmem>>
      %dma_start3A_643 = arith.constant 0 : i32
      %dma_start3A_644 = arith.constant 0 : i32
      %dma_start3A_645 = tpu.memref_slice %arg2[%dma_start3A_643, %dma_start3A_644] : memref<10000x128xf32, #tpu.memory_space<hbm>> -> memref<10000x128xf32, #tpu.memory_space<hbm>>
      tpu.enqueue_indirect_dma source(%dma_start3A_645 : memref<10000x128xf32, #tpu.memory_space<hbm>>) target(%arg9 : memref<80x128xf32, #tpu.memory_space<vmem>>) offsets(%dma_start3A_642 : memref<80xi32, #tpu.memory_space<vmem>>) semaphore(%arg13 : memref<!tpu.dma_semaphore, #tpu.memory_space<semaphore_mem>>)
      %dma_wait3A_646 = arith.constant 22 : i32
      %dma_wait3A_647 = arith.constant 0 : i32
      %dma_wait3A_648 = tpu.memref_slice %arg7[%dma_wait3A_646, %dma_wait3A_647] : memref<32x80xi32, #tpu.memory_space<vmem>> -> memref<1x80xi32, #tpu.memory_space<vmem>>
      %dma_wait3A_649 = tpu.memref_squeeze %dma_wait3A_648 : memref<1x80xi32, #tpu.memory_space<vmem>> -> memref<80xi32, #tpu.memory_space<vmem>>
      %dma_wait3A_650 = arith.constant 0 : i32
      %dma_wait3A_651 = arith.constant 0 : i32
      %dma_wait3A_652 = tpu.memref_slice %arg2[%dma_wait3A_650, %dma_wait3A_651] : memref<10000x128xf32, #tpu.memory_space<hbm>> -> memref<10000x128xf32, #tpu.memory_space<hbm>>
      tpu.wait_indirect_dma semaphore(%arg15 : memref<!tpu.dma_semaphore, #tpu.memory_space<semaphore_mem>>) src(%dma_wait3A_652 : memref<10000x128xf32, #tpu.memory_space<hbm>>) dst(%arg11 : memref<80x128xf32, #tpu.memory_space<vmem>>)
      %dma_start3A_653 = arith.constant 22 : i32
      %dma_start3A_654 = arith.constant 0 : i32
      %dma_start3A_655 = tpu.memref_slice %arg8[%dma_start3A_653, %dma_start3A_654] : memref<32x80xi32, #tpu.memory_space<vmem>> -> memref<1x80xi32, #tpu.memory_space<vmem>>
      %dma_start3A_656 = tpu.memref_squeeze %dma_start3A_655 : memref<1x80xi32, #tpu.memory_space<vmem>> -> memref<80xi32, #tpu.memory_space<vmem>>
      %dma_start3A_657 = arith.constant 0 : i32
      %dma_start3A_658 = arith.constant 0 : i32
      %dma_start3A_659 = tpu.memref_slice %arg21[%dma_start3A_657, %dma_start3A_658] : memref<10016x128xf32, #tpu.memory_space<vmem_shared>> -> memref<10016x128xf32, #tpu.memory_space<vmem_shared>>
      tpu.enqueue_indirect_dma source(%arg11 : memref<80x128xf32, #tpu.memory_space<vmem>>) target(%dma_start3A_659 : memref<10016x128xf32, #tpu.memory_space<vmem_shared>>) offsets(%dma_start3A_656 : memref<80xi32, #tpu.memory_space<vmem>>) semaphore(%arg19 : memref<!tpu.dma_semaphore, #tpu.memory_space<semaphore_mem>>) {add = true}
      %dma_wait3A_660 = arith.constant 21 : i32
      %dma_wait3A_661 = arith.constant 0 : i32
      %dma_wait3A_662 = tpu.memref_slice %arg8[%dma_wait3A_660, %dma_wait3A_661] : memref<32x80xi32, #tpu.memory_space<vmem>> -> memref<1x80xi32, #tpu.memory_space<vmem>>
      %dma_wait3A_663 = tpu.memref_squeeze %dma_wait3A_662 : memref<1x80xi32, #tpu.memory_space<vmem>> -> memref<80xi32, #tpu.memory_space<vmem>>
      %dma_wait3A_664 = arith.constant 0 : i32
      %dma_wait3A_665 = arith.constant 0 : i32
      %dma_wait3A_666 = tpu.memref_slice %arg21[%dma_wait3A_664, %dma_wait3A_665] : memref<10016x128xf32, #tpu.memory_space<vmem_shared>> -> memref<10016x128xf32, #tpu.memory_space<vmem_shared>>
      tpu.wait_indirect_dma semaphore(%arg18 : memref<!tpu.dma_semaphore, #tpu.memory_space<semaphore_mem>>) src(%arg10 : memref<80x128xf32, #tpu.memory_space<vmem>>) dst(%dma_wait3A_666 : memref<10016x128xf32, #tpu.memory_space<vmem_shared>>)
      %dma_start3A_667 = arith.constant 25 : i32
      %dma_start3A_668 = arith.constant 0 : i32
      %dma_start3A_669 = tpu.memref_slice %arg7[%dma_start3A_667, %dma_start3A_668] : memref<32x80xi32, #tpu.memory_space<vmem>> -> memref<1x80xi32, #tpu.memory_space<vmem>>
      %dma_start3A_670 = tpu.memref_squeeze %dma_start3A_669 : memref<1x80xi32, #tpu.memory_space<vmem>> -> memref<80xi32, #tpu.memory_space<vmem>>
      %dma_start3A_671 = arith.constant 0 : i32
      %dma_start3A_672 = arith.constant 0 : i32
      %dma_start3A_673 = tpu.memref_slice %arg2[%dma_start3A_671, %dma_start3A_672] : memref<10000x128xf32, #tpu.memory_space<hbm>> -> memref<10000x128xf32, #tpu.memory_space<hbm>>
      tpu.enqueue_indirect_dma source(%dma_start3A_673 : memref<10000x128xf32, #tpu.memory_space<hbm>>) target(%arg10 : memref<80x128xf32, #tpu.memory_space<vmem>>) offsets(%dma_start3A_670 : memref<80xi32, #tpu.memory_space<vmem>>) semaphore(%arg14 : memref<!tpu.dma_semaphore, #tpu.memory_space<semaphore_mem>>)
      %dma_wait3A_674 = arith.constant 23 : i32
      %dma_wait3A_675 = arith.constant 0 : i32
      %dma_wait3A_676 = tpu.memref_slice %arg7[%dma_wait3A_674, %dma_wait3A_675] : memref<32x80xi32, #tpu.memory_space<vmem>> -> memref<1x80xi32, #tpu.memory_space<vmem>>
      %dma_wait3A_677 = tpu.memref_squeeze %dma_wait3A_676 : memref<1x80xi32, #tpu.memory_space<vmem>> -> memref<80xi32, #tpu.memory_space<vmem>>
      %dma_wait3A_678 = arith.constant 0 : i32
      %dma_wait3A_679 = arith.constant 0 : i32
      %dma_wait3A_680 = tpu.memref_slice %arg2[%dma_wait3A_678, %dma_wait3A_679] : memref<10000x128xf32, #tpu.memory_space<hbm>> -> memref<10000x128xf32, #tpu.memory_space<hbm>>
      tpu.wait_indirect_dma semaphore(%arg16 : memref<!tpu.dma_semaphore, #tpu.memory_space<semaphore_mem>>) src(%dma_wait3A_680 : memref<10000x128xf32, #tpu.memory_space<hbm>>) dst(%arg12 : memref<80x128xf32, #tpu.memory_space<vmem>>)
      %dma_start3A_681 = arith.constant 23 : i32
      %dma_start3A_682 = arith.constant 0 : i32
      %dma_start3A_683 = tpu.memref_slice %arg8[%dma_start3A_681, %dma_start3A_682] : memref<32x80xi32, #tpu.memory_space<vmem>> -> memref<1x80xi32, #tpu.memory_space<vmem>>
      %dma_start3A_684 = tpu.memref_squeeze %dma_start3A_683 : memref<1x80xi32, #tpu.memory_space<vmem>> -> memref<80xi32, #tpu.memory_space<vmem>>
      %dma_start3A_685 = arith.constant 0 : i32
      %dma_start3A_686 = arith.constant 0 : i32
      %dma_start3A_687 = tpu.memref_slice %arg21[%dma_start3A_685, %dma_start3A_686] : memref<10016x128xf32, #tpu.memory_space<vmem_shared>> -> memref<10016x128xf32, #tpu.memory_space<vmem_shared>>
      tpu.enqueue_indirect_dma source(%arg12 : memref<80x128xf32, #tpu.memory_space<vmem>>) target(%dma_start3A_687 : memref<10016x128xf32, #tpu.memory_space<vmem_shared>>) offsets(%dma_start3A_684 : memref<80xi32, #tpu.memory_space<vmem>>) semaphore(%arg20 : memref<!tpu.dma_semaphore, #tpu.memory_space<semaphore_mem>>) {add = true}
      %dma_wait3A_688 = arith.constant 22 : i32
      %dma_wait3A_689 = arith.constant 0 : i32
      %dma_wait3A_690 = tpu.memref_slice %arg8[%dma_wait3A_688, %dma_wait3A_689] : memref<32x80xi32, #tpu.memory_space<vmem>> -> memref<1x80xi32, #tpu.memory_space<vmem>>
      %dma_wait3A_691 = tpu.memref_squeeze %dma_wait3A_690 : memref<1x80xi32, #tpu.memory_space<vmem>> -> memref<80xi32, #tpu.memory_space<vmem>>
      %dma_wait3A_692 = arith.constant 0 : i32
      %dma_wait3A_693 = arith.constant 0 : i32
      %dma_wait3A_694 = tpu.memref_slice %arg21[%dma_wait3A_692, %dma_wait3A_693] : memref<10016x128xf32, #tpu.memory_space<vmem_shared>> -> memref<10016x128xf32, #tpu.memory_space<vmem_shared>>
      tpu.wait_indirect_dma semaphore(%arg19 : memref<!tpu.dma_semaphore, #tpu.memory_space<semaphore_mem>>) src(%arg11 : memref<80x128xf32, #tpu.memory_space<vmem>>) dst(%dma_wait3A_694 : memref<10016x128xf32, #tpu.memory_space<vmem_shared>>)
      %dma_start3A_695 = arith.constant 26 : i32
      %dma_start3A_696 = arith.constant 0 : i32
      %dma_start3A_697 = tpu.memref_slice %arg7[%dma_start3A_695, %dma_start3A_696] : memref<32x80xi32, #tpu.memory_space<vmem>> -> memref<1x80xi32, #tpu.memory_space<vmem>>
      %dma_start3A_698 = tpu.memref_squeeze %dma_start3A_697 : memref<1x80xi32, #tpu.memory_space<vmem>> -> memref<80xi32, #tpu.memory_space<vmem>>
      %dma_start3A_699 = arith.constant 0 : i32
      %dma_start3A_700 = arith.constant 0 : i32
      %dma_start3A_701 = tpu.memref_slice %arg2[%dma_start3A_699, %dma_start3A_700] : memref<10000x128xf32, #tpu.memory_space<hbm>> -> memref<10000x128xf32, #tpu.memory_space<hbm>>
      tpu.enqueue_indirect_dma source(%dma_start3A_701 : memref<10000x128xf32, #tpu.memory_space<hbm>>) target(%arg11 : memref<80x128xf32, #tpu.memory_space<vmem>>) offsets(%dma_start3A_698 : memref<80xi32, #tpu.memory_space<vmem>>) semaphore(%arg15 : memref<!tpu.dma_semaphore, #tpu.memory_space<semaphore_mem>>)
      %dma_wait3A_702 = arith.constant 24 : i32
      %dma_wait3A_703 = arith.constant 0 : i32
      %dma_wait3A_704 = tpu.memref_slice %arg7[%dma_wait3A_702, %dma_wait3A_703] : memref<32x80xi32, #tpu.memory_space<vmem>> -> memref<1x80xi32, #tpu.memory_space<vmem>>
      %dma_wait3A_705 = tpu.memref_squeeze %dma_wait3A_704 : memref<1x80xi32, #tpu.memory_space<vmem>> -> memref<80xi32, #tpu.memory_space<vmem>>
      %dma_wait3A_706 = arith.constant 0 : i32
      %dma_wait3A_707 = arith.constant 0 : i32
      %dma_wait3A_708 = tpu.memref_slice %arg2[%dma_wait3A_706, %dma_wait3A_707] : memref<10000x128xf32, #tpu.memory_space<hbm>> -> memref<10000x128xf32, #tpu.memory_space<hbm>>
      tpu.wait_indirect_dma semaphore(%arg13 : memref<!tpu.dma_semaphore, #tpu.memory_space<semaphore_mem>>) src(%dma_wait3A_708 : memref<10000x128xf32, #tpu.memory_space<hbm>>) dst(%arg9 : memref<80x128xf32, #tpu.memory_space<vmem>>)
      %dma_start3A_709 = arith.constant 24 : i32
      %dma_start3A_710 = arith.constant 0 : i32
      %dma_start3A_711 = tpu.memref_slice %arg8[%dma_start3A_709, %dma_start3A_710] : memref<32x80xi32, #tpu.memory_space<vmem>> -> memref<1x80xi32, #tpu.memory_space<vmem>>
      %dma_start3A_712 = tpu.memref_squeeze %dma_start3A_711 : memref<1x80xi32, #tpu.memory_space<vmem>> -> memref<80xi32, #tpu.memory_space<vmem>>
      %dma_start3A_713 = arith.constant 0 : i32
      %dma_start3A_714 = arith.constant 0 : i32
      %dma_start3A_715 = tpu.memref_slice %arg21[%dma_start3A_713, %dma_start3A_714] : memref<10016x128xf32, #tpu.memory_space<vmem_shared>> -> memref<10016x128xf32, #tpu.memory_space<vmem_shared>>
      tpu.enqueue_indirect_dma source(%arg9 : memref<80x128xf32, #tpu.memory_space<vmem>>) target(%dma_start3A_715 : memref<10016x128xf32, #tpu.memory_space<vmem_shared>>) offsets(%dma_start3A_712 : memref<80xi32, #tpu.memory_space<vmem>>) semaphore(%arg17 : memref<!tpu.dma_semaphore, #tpu.memory_space<semaphore_mem>>) {add = true}
      %dma_wait3A_716 = arith.constant 23 : i32
      %dma_wait3A_717 = arith.constant 0 : i32
      %dma_wait3A_718 = tpu.memref_slice %arg8[%dma_wait3A_716, %dma_wait3A_717] : memref<32x80xi32, #tpu.memory_space<vmem>> -> memref<1x80xi32, #tpu.memory_space<vmem>>
      %dma_wait3A_719 = tpu.memref_squeeze %dma_wait3A_718 : memref<1x80xi32, #tpu.memory_space<vmem>> -> memref<80xi32, #tpu.memory_space<vmem>>
      %dma_wait3A_720 = arith.constant 0 : i32
      %dma_wait3A_721 = arith.constant 0 : i32
      %dma_wait3A_722 = tpu.memref_slice %arg21[%dma_wait3A_720, %dma_wait3A_721] : memref<10016x128xf32, #tpu.memory_space<vmem_shared>> -> memref<10016x128xf32, #tpu.memory_space<vmem_shared>>
      tpu.wait_indirect_dma semaphore(%arg20 : memref<!tpu.dma_semaphore, #tpu.memory_space<semaphore_mem>>) src(%arg12 : memref<80x128xf32, #tpu.memory_space<vmem>>) dst(%dma_wait3A_722 : memref<10016x128xf32, #tpu.memory_space<vmem_shared>>)
      %dma_start3A_723 = arith.constant 27 : i32
      %dma_start3A_724 = arith.constant 0 : i32
      %dma_start3A_725 = tpu.memref_slice %arg7[%dma_start3A_723, %dma_start3A_724] : memref<32x80xi32, #tpu.memory_space<vmem>> -> memref<1x80xi32, #tpu.memory_space<vmem>>
      %dma_start3A_726 = tpu.memref_squeeze %dma_start3A_725 : memref<1x80xi32, #tpu.memory_space<vmem>> -> memref<80xi32, #tpu.memory_space<vmem>>
      %dma_start3A_727 = arith.constant 0 : i32
      %dma_start3A_728 = arith.constant 0 : i32
      %dma_start3A_729 = tpu.memref_slice %arg2[%dma_start3A_727, %dma_start3A_728] : memref<10000x128xf32, #tpu.memory_space<hbm>> -> memref<10000x128xf32, #tpu.memory_space<hbm>>
      tpu.enqueue_indirect_dma source(%dma_start3A_729 : memref<10000x128xf32, #tpu.memory_space<hbm>>) target(%arg12 : memref<80x128xf32, #tpu.memory_space<vmem>>) offsets(%dma_start3A_726 : memref<80xi32, #tpu.memory_space<vmem>>) semaphore(%arg16 : memref<!tpu.dma_semaphore, #tpu.memory_space<semaphore_mem>>)
      %dma_wait3A_730 = arith.constant 25 : i32
      %dma_wait3A_731 = arith.constant 0 : i32
      %dma_wait3A_732 = tpu.memref_slice %arg7[%dma_wait3A_730, %dma_wait3A_731] : memref<32x80xi32, #tpu.memory_space<vmem>> -> memref<1x80xi32, #tpu.memory_space<vmem>>
      %dma_wait3A_733 = tpu.memref_squeeze %dma_wait3A_732 : memref<1x80xi32, #tpu.memory_space<vmem>> -> memref<80xi32, #tpu.memory_space<vmem>>
      %dma_wait3A_734 = arith.constant 0 : i32
      %dma_wait3A_735 = arith.constant 0 : i32
      %dma_wait3A_736 = tpu.memref_slice %arg2[%dma_wait3A_734, %dma_wait3A_735] : memref<10000x128xf32, #tpu.memory_space<hbm>> -> memref<10000x128xf32, #tpu.memory_space<hbm>>
      tpu.wait_indirect_dma semaphore(%arg14 : memref<!tpu.dma_semaphore, #tpu.memory_space<semaphore_mem>>) src(%dma_wait3A_736 : memref<10000x128xf32, #tpu.memory_space<hbm>>) dst(%arg10 : memref<80x128xf32, #tpu.memory_space<vmem>>)
      %dma_start3A_737 = arith.constant 25 : i32
      %dma_start3A_738 = arith.constant 0 : i32
      %dma_start3A_739 = tpu.memref_slice %arg8[%dma_start3A_737, %dma_start3A_738] : memref<32x80xi32, #tpu.memory_space<vmem>> -> memref<1x80xi32, #tpu.memory_space<vmem>>
      %dma_start3A_740 = tpu.memref_squeeze %dma_start3A_739 : memref<1x80xi32, #tpu.memory_space<vmem>> -> memref<80xi32, #tpu.memory_space<vmem>>
      %dma_start3A_741 = arith.constant 0 : i32
      %dma_start3A_742 = arith.constant 0 : i32
      %dma_start3A_743 = tpu.memref_slice %arg21[%dma_start3A_741, %dma_start3A_742] : memref<10016x128xf32, #tpu.memory_space<vmem_shared>> -> memref<10016x128xf32, #tpu.memory_space<vmem_shared>>
      tpu.enqueue_indirect_dma source(%arg10 : memref<80x128xf32, #tpu.memory_space<vmem>>) target(%dma_start3A_743 : memref<10016x128xf32, #tpu.memory_space<vmem_shared>>) offsets(%dma_start3A_740 : memref<80xi32, #tpu.memory_space<vmem>>) semaphore(%arg18 : memref<!tpu.dma_semaphore, #tpu.memory_space<semaphore_mem>>) {add = true}
      %dma_wait3A_744 = arith.constant 24 : i32
      %dma_wait3A_745 = arith.constant 0 : i32
      %dma_wait3A_746 = tpu.memref_slice %arg8[%dma_wait3A_744, %dma_wait3A_745] : memref<32x80xi32, #tpu.memory_space<vmem>> -> memref<1x80xi32, #tpu.memory_space<vmem>>
      %dma_wait3A_747 = tpu.memref_squeeze %dma_wait3A_746 : memref<1x80xi32, #tpu.memory_space<vmem>> -> memref<80xi32, #tpu.memory_space<vmem>>
      %dma_wait3A_748 = arith.constant 0 : i32
      %dma_wait3A_749 = arith.constant 0 : i32
      %dma_wait3A_750 = tpu.memref_slice %arg21[%dma_wait3A_748, %dma_wait3A_749] : memref<10016x128xf32, #tpu.memory_space<vmem_shared>> -> memref<10016x128xf32, #tpu.memory_space<vmem_shared>>
      tpu.wait_indirect_dma semaphore(%arg17 : memref<!tpu.dma_semaphore, #tpu.memory_space<semaphore_mem>>) src(%arg9 : memref<80x128xf32, #tpu.memory_space<vmem>>) dst(%dma_wait3A_750 : memref<10016x128xf32, #tpu.memory_space<vmem_shared>>)
      %dma_start3A_751 = arith.constant 28 : i32
      %dma_start3A_752 = arith.constant 0 : i32
      %dma_start3A_753 = tpu.memref_slice %arg7[%dma_start3A_751, %dma_start3A_752] : memref<32x80xi32, #tpu.memory_space<vmem>> -> memref<1x80xi32, #tpu.memory_space<vmem>>
      %dma_start3A_754 = tpu.memref_squeeze %dma_start3A_753 : memref<1x80xi32, #tpu.memory_space<vmem>> -> memref<80xi32, #tpu.memory_space<vmem>>
      %dma_start3A_755 = arith.constant 0 : i32
      %dma_start3A_756 = arith.constant 0 : i32
      %dma_start3A_757 = tpu.memref_slice %arg2[%dma_start3A_755, %dma_start3A_756] : memref<10000x128xf32, #tpu.memory_space<hbm>> -> memref<10000x128xf32, #tpu.memory_space<hbm>>
      tpu.enqueue_indirect_dma source(%dma_start3A_757 : memref<10000x128xf32, #tpu.memory_space<hbm>>) target(%arg9 : memref<80x128xf32, #tpu.memory_space<vmem>>) offsets(%dma_start3A_754 : memref<80xi32, #tpu.memory_space<vmem>>) semaphore(%arg13 : memref<!tpu.dma_semaphore, #tpu.memory_space<semaphore_mem>>)
      %dma_wait3A_758 = arith.constant 26 : i32
      %dma_wait3A_759 = arith.constant 0 : i32
      %dma_wait3A_760 = tpu.memref_slice %arg7[%dma_wait3A_758, %dma_wait3A_759] : memref<32x80xi32, #tpu.memory_space<vmem>> -> memref<1x80xi32, #tpu.memory_space<vmem>>
      %dma_wait3A_761 = tpu.memref_squeeze %dma_wait3A_760 : memref<1x80xi32, #tpu.memory_space<vmem>> -> memref<80xi32, #tpu.memory_space<vmem>>
      %dma_wait3A_762 = arith.constant 0 : i32
      %dma_wait3A_763 = arith.constant 0 : i32
      %dma_wait3A_764 = tpu.memref_slice %arg2[%dma_wait3A_762, %dma_wait3A_763] : memref<10000x128xf32, #tpu.memory_space<hbm>> -> memref<10000x128xf32, #tpu.memory_space<hbm>>
      tpu.wait_indirect_dma semaphore(%arg15 : memref<!tpu.dma_semaphore, #tpu.memory_space<semaphore_mem>>) src(%dma_wait3A_764 : memref<10000x128xf32, #tpu.memory_space<hbm>>) dst(%arg11 : memref<80x128xf32, #tpu.memory_space<vmem>>)
      %dma_start3A_765 = arith.constant 26 : i32
      %dma_start3A_766 = arith.constant 0 : i32
      %dma_start3A_767 = tpu.memref_slice %arg8[%dma_start3A_765, %dma_start3A_766] : memref<32x80xi32, #tpu.memory_space<vmem>> -> memref<1x80xi32, #tpu.memory_space<vmem>>
      %dma_start3A_768 = tpu.memref_squeeze %dma_start3A_767 : memref<1x80xi32, #tpu.memory_space<vmem>> -> memref<80xi32, #tpu.memory_space<vmem>>
      %dma_start3A_769 = arith.constant 0 : i32
      %dma_start3A_770 = arith.constant 0 : i32
      %dma_start3A_771 = tpu.memref_slice %arg21[%dma_start3A_769, %dma_start3A_770] : memref<10016x128xf32, #tpu.memory_space<vmem_shared>> -> memref<10016x128xf32, #tpu.memory_space<vmem_shared>>
      tpu.enqueue_indirect_dma source(%arg11 : memref<80x128xf32, #tpu.memory_space<vmem>>) target(%dma_start3A_771 : memref<10016x128xf32, #tpu.memory_space<vmem_shared>>) offsets(%dma_start3A_768 : memref<80xi32, #tpu.memory_space<vmem>>) semaphore(%arg19 : memref<!tpu.dma_semaphore, #tpu.memory_space<semaphore_mem>>) {add = true}
      %dma_wait3A_772 = arith.constant 25 : i32
      %dma_wait3A_773 = arith.constant 0 : i32
      %dma_wait3A_774 = tpu.memref_slice %arg8[%dma_wait3A_772, %dma_wait3A_773] : memref<32x80xi32, #tpu.memory_space<vmem>> -> memref<1x80xi32, #tpu.memory_space<vmem>>
      %dma_wait3A_775 = tpu.memref_squeeze %dma_wait3A_774 : memref<1x80xi32, #tpu.memory_space<vmem>> -> memref<80xi32, #tpu.memory_space<vmem>>
      %dma_wait3A_776 = arith.constant 0 : i32
      %dma_wait3A_777 = arith.constant 0 : i32
      %dma_wait3A_778 = tpu.memref_slice %arg21[%dma_wait3A_776, %dma_wait3A_777] : memref<10016x128xf32, #tpu.memory_space<vmem_shared>> -> memref<10016x128xf32, #tpu.memory_space<vmem_shared>>
      tpu.wait_indirect_dma semaphore(%arg18 : memref<!tpu.dma_semaphore, #tpu.memory_space<semaphore_mem>>) src(%arg10 : memref<80x128xf32, #tpu.memory_space<vmem>>) dst(%dma_wait3A_778 : memref<10016x128xf32, #tpu.memory_space<vmem_shared>>)
      %dma_start3A_779 = arith.constant 29 : i32
      %dma_start3A_780 = arith.constant 0 : i32
      %dma_start3A_781 = tpu.memref_slice %arg7[%dma_start3A_779, %dma_start3A_780] : memref<32x80xi32, #tpu.memory_space<vmem>> -> memref<1x80xi32, #tpu.memory_space<vmem>>
      %dma_start3A_782 = tpu.memref_squeeze %dma_start3A_781 : memref<1x80xi32, #tpu.memory_space<vmem>> -> memref<80xi32, #tpu.memory_space<vmem>>
      %dma_start3A_783 = arith.constant 0 : i32
      %dma_start3A_784 = arith.constant 0 : i32
      %dma_start3A_785 = tpu.memref_slice %arg2[%dma_start3A_783, %dma_start3A_784] : memref<10000x128xf32, #tpu.memory_space<hbm>> -> memref<10000x128xf32, #tpu.memory_space<hbm>>
      tpu.enqueue_indirect_dma source(%dma_start3A_785 : memref<10000x128xf32, #tpu.memory_space<hbm>>) target(%arg10 : memref<80x128xf32, #tpu.memory_space<vmem>>) offsets(%dma_start3A_782 : memref<80xi32, #tpu.memory_space<vmem>>) semaphore(%arg14 : memref<!tpu.dma_semaphore, #tpu.memory_space<semaphore_mem>>)
      %dma_wait3A_786 = arith.constant 27 : i32
      %dma_wait3A_787 = arith.constant 0 : i32
      %dma_wait3A_788 = tpu.memref_slice %arg7[%dma_wait3A_786, %dma_wait3A_787] : memref<32x80xi32, #tpu.memory_space<vmem>> -> memref<1x80xi32, #tpu.memory_space<vmem>>
      %dma_wait3A_789 = tpu.memref_squeeze %dma_wait3A_788 : memref<1x80xi32, #tpu.memory_space<vmem>> -> memref<80xi32, #tpu.memory_space<vmem>>
      %dma_wait3A_790 = arith.constant 0 : i32
      %dma_wait3A_791 = arith.constant 0 : i32
      %dma_wait3A_792 = tpu.memref_slice %arg2[%dma_wait3A_790, %dma_wait3A_791] : memref<10000x128xf32, #tpu.memory_space<hbm>> -> memref<10000x128xf32, #tpu.memory_space<hbm>>
      tpu.wait_indirect_dma semaphore(%arg16 : memref<!tpu.dma_semaphore, #tpu.memory_space<semaphore_mem>>) src(%dma_wait3A_792 : memref<10000x128xf32, #tpu.memory_space<hbm>>) dst(%arg12 : memref<80x128xf32, #tpu.memory_space<vmem>>)
      %dma_start3A_793 = arith.constant 27 : i32
      %dma_start3A_794 = arith.constant 0 : i32
      %dma_start3A_795 = tpu.memref_slice %arg8[%dma_start3A_793, %dma_start3A_794] : memref<32x80xi32, #tpu.memory_space<vmem>> -> memref<1x80xi32, #tpu.memory_space<vmem>>
      %dma_start3A_796 = tpu.memref_squeeze %dma_start3A_795 : memref<1x80xi32, #tpu.memory_space<vmem>> -> memref<80xi32, #tpu.memory_space<vmem>>
      %dma_start3A_797 = arith.constant 0 : i32
      %dma_start3A_798 = arith.constant 0 : i32
      %dma_start3A_799 = tpu.memref_slice %arg21[%dma_start3A_797, %dma_start3A_798] : memref<10016x128xf32, #tpu.memory_space<vmem_shared>> -> memref<10016x128xf32, #tpu.memory_space<vmem_shared>>
      tpu.enqueue_indirect_dma source(%arg12 : memref<80x128xf32, #tpu.memory_space<vmem>>) target(%dma_start3A_799 : memref<10016x128xf32, #tpu.memory_space<vmem_shared>>) offsets(%dma_start3A_796 : memref<80xi32, #tpu.memory_space<vmem>>) semaphore(%arg20 : memref<!tpu.dma_semaphore, #tpu.memory_space<semaphore_mem>>) {add = true}
      %dma_wait3A_800 = arith.constant 26 : i32
      %dma_wait3A_801 = arith.constant 0 : i32
      %dma_wait3A_802 = tpu.memref_slice %arg8[%dma_wait3A_800, %dma_wait3A_801] : memref<32x80xi32, #tpu.memory_space<vmem>> -> memref<1x80xi32, #tpu.memory_space<vmem>>
      %dma_wait3A_803 = tpu.memref_squeeze %dma_wait3A_802 : memref<1x80xi32, #tpu.memory_space<vmem>> -> memref<80xi32, #tpu.memory_space<vmem>>
      %dma_wait3A_804 = arith.constant 0 : i32
      %dma_wait3A_805 = arith.constant 0 : i32
      %dma_wait3A_806 = tpu.memref_slice %arg21[%dma_wait3A_804, %dma_wait3A_805] : memref<10016x128xf32, #tpu.memory_space<vmem_shared>> -> memref<10016x128xf32, #tpu.memory_space<vmem_shared>>
      tpu.wait_indirect_dma semaphore(%arg19 : memref<!tpu.dma_semaphore, #tpu.memory_space<semaphore_mem>>) src(%arg11 : memref<80x128xf32, #tpu.memory_space<vmem>>) dst(%dma_wait3A_806 : memref<10016x128xf32, #tpu.memory_space<vmem_shared>>)
      %dma_start3A_807 = arith.constant 30 : i32
      %dma_start3A_808 = arith.constant 0 : i32
      %dma_start3A_809 = tpu.memref_slice %arg7[%dma_start3A_807, %dma_start3A_808] : memref<32x80xi32, #tpu.memory_space<vmem>> -> memref<1x80xi32, #tpu.memory_space<vmem>>
      %dma_start3A_810 = tpu.memref_squeeze %dma_start3A_809 : memref<1x80xi32, #tpu.memory_space<vmem>> -> memref<80xi32, #tpu.memory_space<vmem>>
      %dma_start3A_811 = arith.constant 0 : i32
      %dma_start3A_812 = arith.constant 0 : i32
      %dma_start3A_813 = tpu.memref_slice %arg2[%dma_start3A_811, %dma_start3A_812] : memref<10000x128xf32, #tpu.memory_space<hbm>> -> memref<10000x128xf32, #tpu.memory_space<hbm>>
      tpu.enqueue_indirect_dma source(%dma_start3A_813 : memref<10000x128xf32, #tpu.memory_space<hbm>>) target(%arg11 : memref<80x128xf32, #tpu.memory_space<vmem>>) offsets(%dma_start3A_810 : memref<80xi32, #tpu.memory_space<vmem>>) semaphore(%arg15 : memref<!tpu.dma_semaphore, #tpu.memory_space<semaphore_mem>>)
      %dma_wait3A_814 = arith.constant 28 : i32
      %dma_wait3A_815 = arith.constant 0 : i32
      %dma_wait3A_816 = tpu.memref_slice %arg7[%dma_wait3A_814, %dma_wait3A_815] : memref<32x80xi32, #tpu.memory_space<vmem>> -> memref<1x80xi32, #tpu.memory_space<vmem>>
      %dma_wait3A_817 = tpu.memref_squeeze %dma_wait3A_816 : memref<1x80xi32, #tpu.memory_space<vmem>> -> memref<80xi32, #tpu.memory_space<vmem>>
      %dma_wait3A_818 = arith.constant 0 : i32
      %dma_wait3A_819 = arith.constant 0 : i32
      %dma_wait3A_820 = tpu.memref_slice %arg2[%dma_wait3A_818, %dma_wait3A_819] : memref<10000x128xf32, #tpu.memory_space<hbm>> -> memref<10000x128xf32, #tpu.memory_space<hbm>>
      tpu.wait_indirect_dma semaphore(%arg13 : memref<!tpu.dma_semaphore, #tpu.memory_space<semaphore_mem>>) src(%dma_wait3A_820 : memref<10000x128xf32, #tpu.memory_space<hbm>>) dst(%arg9 : memref<80x128xf32, #tpu.memory_space<vmem>>)
      %dma_start3A_821 = arith.constant 28 : i32
      %dma_start3A_822 = arith.constant 0 : i32
      %dma_start3A_823 = tpu.memref_slice %arg8[%dma_start3A_821, %dma_start3A_822] : memref<32x80xi32, #tpu.memory_space<vmem>> -> memref<1x80xi32, #tpu.memory_space<vmem>>
      %dma_start3A_824 = tpu.memref_squeeze %dma_start3A_823 : memref<1x80xi32, #tpu.memory_space<vmem>> -> memref<80xi32, #tpu.memory_space<vmem>>
      %dma_start3A_825 = arith.constant 0 : i32
      %dma_start3A_826 = arith.constant 0 : i32
      %dma_start3A_827 = tpu.memref_slice %arg21[%dma_start3A_825, %dma_start3A_826] : memref<10016x128xf32, #tpu.memory_space<vmem_shared>> -> memref<10016x128xf32, #tpu.memory_space<vmem_shared>>
      tpu.enqueue_indirect_dma source(%arg9 : memref<80x128xf32, #tpu.memory_space<vmem>>) target(%dma_start3A_827 : memref<10016x128xf32, #tpu.memory_space<vmem_shared>>) offsets(%dma_start3A_824 : memref<80xi32, #tpu.memory_space<vmem>>) semaphore(%arg17 : memref<!tpu.dma_semaphore, #tpu.memory_space<semaphore_mem>>) {add = true}
      %dma_wait3A_828 = arith.constant 27 : i32
      %dma_wait3A_829 = arith.constant 0 : i32
      %dma_wait3A_830 = tpu.memref_slice %arg8[%dma_wait3A_828, %dma_wait3A_829] : memref<32x80xi32, #tpu.memory_space<vmem>> -> memref<1x80xi32, #tpu.memory_space<vmem>>
      %dma_wait3A_831 = tpu.memref_squeeze %dma_wait3A_830 : memref<1x80xi32, #tpu.memory_space<vmem>> -> memref<80xi32, #tpu.memory_space<vmem>>
      %dma_wait3A_832 = arith.constant 0 : i32
      %dma_wait3A_833 = arith.constant 0 : i32
      %dma_wait3A_834 = tpu.memref_slice %arg21[%dma_wait3A_832, %dma_wait3A_833] : memref<10016x128xf32, #tpu.memory_space<vmem_shared>> -> memref<10016x128xf32, #tpu.memory_space<vmem_shared>>
      tpu.wait_indirect_dma semaphore(%arg20 : memref<!tpu.dma_semaphore, #tpu.memory_space<semaphore_mem>>) src(%arg12 : memref<80x128xf32, #tpu.memory_space<vmem>>) dst(%dma_wait3A_834 : memref<10016x128xf32, #tpu.memory_space<vmem_shared>>)
      %dma_start3A_835 = arith.constant 31 : i32
      %dma_start3A_836 = arith.constant 0 : i32
      %dma_start3A_837 = tpu.memref_slice %arg7[%dma_start3A_835, %dma_start3A_836] : memref<32x80xi32, #tpu.memory_space<vmem>> -> memref<1x80xi32, #tpu.memory_space<vmem>>
      %dma_start3A_838 = tpu.memref_squeeze %dma_start3A_837 : memref<1x80xi32, #tpu.memory_space<vmem>> -> memref<80xi32, #tpu.memory_space<vmem>>
      %dma_start3A_839 = arith.constant 0 : i32
      %dma_start3A_840 = arith.constant 0 : i32
      %dma_start3A_841 = tpu.memref_slice %arg2[%dma_start3A_839, %dma_start3A_840] : memref<10000x128xf32, #tpu.memory_space<hbm>> -> memref<10000x128xf32, #tpu.memory_space<hbm>>
      tpu.enqueue_indirect_dma source(%dma_start3A_841 : memref<10000x128xf32, #tpu.memory_space<hbm>>) target(%arg12 : memref<80x128xf32, #tpu.memory_space<vmem>>) offsets(%dma_start3A_838 : memref<80xi32, #tpu.memory_space<vmem>>) semaphore(%arg16 : memref<!tpu.dma_semaphore, #tpu.memory_space<semaphore_mem>>)
      %dma_wait3A_842 = arith.constant 29 : i32
      %dma_wait3A_843 = arith.constant 0 : i32
      %dma_wait3A_844 = tpu.memref_slice %arg7[%dma_wait3A_842, %dma_wait3A_843] : memref<32x80xi32, #tpu.memory_space<vmem>> -> memref<1x80xi32, #tpu.memory_space<vmem>>
      %dma_wait3A_845 = tpu.memref_squeeze %dma_wait3A_844 : memref<1x80xi32, #tpu.memory_space<vmem>> -> memref<80xi32, #tpu.memory_space<vmem>>
      %dma_wait3A_846 = arith.constant 0 : i32
      %dma_wait3A_847 = arith.constant 0 : i32
      %dma_wait3A_848 = tpu.memref_slice %arg2[%dma_wait3A_846, %dma_wait3A_847] : memref<10000x128xf32, #tpu.memory_space<hbm>> -> memref<10000x128xf32, #tpu.memory_space<hbm>>
      tpu.wait_indirect_dma semaphore(%arg14 : memref<!tpu.dma_semaphore, #tpu.memory_space<semaphore_mem>>) src(%dma_wait3A_848 : memref<10000x128xf32, #tpu.memory_space<hbm>>) dst(%arg10 : memref<80x128xf32, #tpu.memory_space<vmem>>)
      %dma_start3A_849 = arith.constant 29 : i32
      %dma_start3A_850 = arith.constant 0 : i32
      %dma_start3A_851 = tpu.memref_slice %arg8[%dma_start3A_849, %dma_start3A_850] : memref<32x80xi32, #tpu.memory_space<vmem>> -> memref<1x80xi32, #tpu.memory_space<vmem>>
      %dma_start3A_852 = tpu.memref_squeeze %dma_start3A_851 : memref<1x80xi32, #tpu.memory_space<vmem>> -> memref<80xi32, #tpu.memory_space<vmem>>
      %dma_start3A_853 = arith.constant 0 : i32
      %dma_start3A_854 = arith.constant 0 : i32
      %dma_start3A_855 = tpu.memref_slice %arg21[%dma_start3A_853, %dma_start3A_854] : memref<10016x128xf32, #tpu.memory_space<vmem_shared>> -> memref<10016x128xf32, #tpu.memory_space<vmem_shared>>
      tpu.enqueue_indirect_dma source(%arg10 : memref<80x128xf32, #tpu.memory_space<vmem>>) target(%dma_start3A_855 : memref<10016x128xf32, #tpu.memory_space<vmem_shared>>) offsets(%dma_start3A_852 : memref<80xi32, #tpu.memory_space<vmem>>) semaphore(%arg18 : memref<!tpu.dma_semaphore, #tpu.memory_space<semaphore_mem>>) {add = true}
      %dma_wait3A_856 = arith.constant 28 : i32
      %dma_wait3A_857 = arith.constant 0 : i32
      %dma_wait3A_858 = tpu.memref_slice %arg8[%dma_wait3A_856, %dma_wait3A_857] : memref<32x80xi32, #tpu.memory_space<vmem>> -> memref<1x80xi32, #tpu.memory_space<vmem>>
      %dma_wait3A_859 = tpu.memref_squeeze %dma_wait3A_858 : memref<1x80xi32, #tpu.memory_space<vmem>> -> memref<80xi32, #tpu.memory_space<vmem>>
      %dma_wait3A_860 = arith.constant 0 : i32
      %dma_wait3A_861 = arith.constant 0 : i32
      %dma_wait3A_862 = tpu.memref_slice %arg21[%dma_wait3A_860, %dma_wait3A_861] : memref<10016x128xf32, #tpu.memory_space<vmem_shared>> -> memref<10016x128xf32, #tpu.memory_space<vmem_shared>>
      tpu.wait_indirect_dma semaphore(%arg17 : memref<!tpu.dma_semaphore, #tpu.memory_space<semaphore_mem>>) src(%arg9 : memref<80x128xf32, #tpu.memory_space<vmem>>) dst(%dma_wait3A_862 : memref<10016x128xf32, #tpu.memory_space<vmem_shared>>)
      %dma_wait3A_863 = arith.constant 30 : i32
      %dma_wait3A_864 = arith.constant 0 : i32
      %dma_wait3A_865 = tpu.memref_slice %arg7[%dma_wait3A_863, %dma_wait3A_864] : memref<32x80xi32, #tpu.memory_space<vmem>> -> memref<1x80xi32, #tpu.memory_space<vmem>>
      %dma_wait3A_866 = tpu.memref_squeeze %dma_wait3A_865 : memref<1x80xi32, #tpu.memory_space<vmem>> -> memref<80xi32, #tpu.memory_space<vmem>>
      %dma_wait3A_867 = arith.constant 0 : i32
      %dma_wait3A_868 = arith.constant 0 : i32
      %dma_wait3A_869 = tpu.memref_slice %arg2[%dma_wait3A_867, %dma_wait3A_868] : memref<10000x128xf32, #tpu.memory_space<hbm>> -> memref<10000x128xf32, #tpu.memory_space<hbm>>
      tpu.wait_indirect_dma semaphore(%arg15 : memref<!tpu.dma_semaphore, #tpu.memory_space<semaphore_mem>>) src(%dma_wait3A_869 : memref<10000x128xf32, #tpu.memory_space<hbm>>) dst(%arg11 : memref<80x128xf32, #tpu.memory_space<vmem>>)
      %dma_start3A_870 = arith.constant 30 : i32
      %dma_start3A_871 = arith.constant 0 : i32
      %dma_start3A_872 = tpu.memref_slice %arg8[%dma_start3A_870, %dma_start3A_871] : memref<32x80xi32, #tpu.memory_space<vmem>> -> memref<1x80xi32, #tpu.memory_space<vmem>>
      %dma_start3A_873 = tpu.memref_squeeze %dma_start3A_872 : memref<1x80xi32, #tpu.memory_space<vmem>> -> memref<80xi32, #tpu.memory_space<vmem>>
      %dma_start3A_874 = arith.constant 0 : i32
      %dma_start3A_875 = arith.constant 0 : i32
      %dma_start3A_876 = tpu.memref_slice %arg21[%dma_start3A_874, %dma_start3A_875] : memref<10016x128xf32, #tpu.memory_space<vmem_shared>> -> memref<10016x128xf32, #tpu.memory_space<vmem_shared>>
      tpu.enqueue_indirect_dma source(%arg11 : memref<80x128xf32, #tpu.memory_space<vmem>>) target(%dma_start3A_876 : memref<10016x128xf32, #tpu.memory_space<vmem_shared>>) offsets(%dma_start3A_873 : memref<80xi32, #tpu.memory_space<vmem>>) semaphore(%arg19 : memref<!tpu.dma_semaphore, #tpu.memory_space<semaphore_mem>>) {add = true}
      %dma_wait3A_877 = arith.constant 29 : i32
      %dma_wait3A_878 = arith.constant 0 : i32
      %dma_wait3A_879 = tpu.memref_slice %arg8[%dma_wait3A_877, %dma_wait3A_878] : memref<32x80xi32, #tpu.memory_space<vmem>> -> memref<1x80xi32, #tpu.memory_space<vmem>>
      %dma_wait3A_880 = tpu.memref_squeeze %dma_wait3A_879 : memref<1x80xi32, #tpu.memory_space<vmem>> -> memref<80xi32, #tpu.memory_space<vmem>>
      %dma_wait3A_881 = arith.constant 0 : i32
      %dma_wait3A_882 = arith.constant 0 : i32
      %dma_wait3A_883 = tpu.memref_slice %arg21[%dma_wait3A_881, %dma_wait3A_882] : memref<10016x128xf32, #tpu.memory_space<vmem_shared>> -> memref<10016x128xf32, #tpu.memory_space<vmem_shared>>
      tpu.wait_indirect_dma semaphore(%arg18 : memref<!tpu.dma_semaphore, #tpu.memory_space<semaphore_mem>>) src(%arg10 : memref<80x128xf32, #tpu.memory_space<vmem>>) dst(%dma_wait3A_883 : memref<10016x128xf32, #tpu.memory_space<vmem_shared>>)
      %dma_wait3A_884 = arith.constant 31 : i32
      %dma_wait3A_885 = arith.constant 0 : i32
      %dma_wait3A_886 = tpu.memref_slice %arg7[%dma_wait3A_884, %dma_wait3A_885] : memref<32x80xi32, #tpu.memory_space<vmem>> -> memref<1x80xi32, #tpu.memory_space<vmem>>
      %dma_wait3A_887 = tpu.memref_squeeze %dma_wait3A_886 : memref<1x80xi32, #tpu.memory_space<vmem>> -> memref<80xi32, #tpu.memory_space<vmem>>
      %dma_wait3A_888 = arith.constant 0 : i32
      %dma_wait3A_889 = arith.constant 0 : i32
      %dma_wait3A_890 = tpu.memref_slice %arg2[%dma_wait3A_888, %dma_wait3A_889] : memref<10000x128xf32, #tpu.memory_space<hbm>> -> memref<10000x128xf32, #tpu.memory_space<hbm>>
      tpu.wait_indirect_dma semaphore(%arg16 : memref<!tpu.dma_semaphore, #tpu.memory_space<semaphore_mem>>) src(%dma_wait3A_890 : memref<10000x128xf32, #tpu.memory_space<hbm>>) dst(%arg12 : memref<80x128xf32, #tpu.memory_space<vmem>>)
      %dma_start3A_891 = arith.constant 31 : i32
      %dma_start3A_892 = arith.constant 0 : i32
      %dma_start3A_893 = tpu.memref_slice %arg8[%dma_start3A_891, %dma_start3A_892] : memref<32x80xi32, #tpu.memory_space<vmem>> -> memref<1x80xi32, #tpu.memory_space<vmem>>
      %dma_start3A_894 = tpu.memref_squeeze %dma_start3A_893 : memref<1x80xi32, #tpu.memory_space<vmem>> -> memref<80xi32, #tpu.memory_space<vmem>>
      %dma_start3A_895 = arith.constant 0 : i32
      %dma_start3A_896 = arith.constant 0 : i32
      %dma_start3A_897 = tpu.memref_slice %arg21[%dma_start3A_895, %dma_start3A_896] : memref<10016x128xf32, #tpu.memory_space<vmem_shared>> -> memref<10016x128xf32, #tpu.memory_space<vmem_shared>>
      tpu.enqueue_indirect_dma source(%arg12 : memref<80x128xf32, #tpu.memory_space<vmem>>) target(%dma_start3A_897 : memref<10016x128xf32, #tpu.memory_space<vmem_shared>>) offsets(%dma_start3A_894 : memref<80xi32, #tpu.memory_space<vmem>>) semaphore(%arg20 : memref<!tpu.dma_semaphore, #tpu.memory_space<semaphore_mem>>) {add = true}
      %dma_wait3A_898 = arith.constant 30 : i32
      %dma_wait3A_899 = arith.constant 0 : i32
      %dma_wait3A_900 = tpu.memref_slice %arg8[%dma_wait3A_898, %dma_wait3A_899] : memref<32x80xi32, #tpu.memory_space<vmem>> -> memref<1x80xi32, #tpu.memory_space<vmem>>
      %dma_wait3A_901 = tpu.memref_squeeze %dma_wait3A_900 : memref<1x80xi32, #tpu.memory_space<vmem>> -> memref<80xi32, #tpu.memory_space<vmem>>
      %dma_wait3A_902 = arith.constant 0 : i32
      %dma_wait3A_903 = arith.constant 0 : i32
      %dma_wait3A_904 = tpu.memref_slice %arg21[%dma_wait3A_902, %dma_wait3A_903] : memref<10016x128xf32, #tpu.memory_space<vmem_shared>> -> memref<10016x128xf32, #tpu.memory_space<vmem_shared>>
      tpu.wait_indirect_dma semaphore(%arg19 : memref<!tpu.dma_semaphore, #tpu.memory_space<semaphore_mem>>) src(%arg11 : memref<80x128xf32, #tpu.memory_space<vmem>>) dst(%dma_wait3A_904 : memref<10016x128xf32, #tpu.memory_space<vmem_shared>>)
      %dma_wait3A_905 = arith.constant 31 : i32
      %dma_wait3A_906 = arith.constant 0 : i32
      %dma_wait3A_907 = tpu.memref_slice %arg8[%dma_wait3A_905, %dma_wait3A_906] : memref<32x80xi32, #tpu.memory_space<vmem>> -> memref<1x80xi32, #tpu.memory_space<vmem>>
      %dma_wait3A_908 = tpu.memref_squeeze %dma_wait3A_907 : memref<1x80xi32, #tpu.memory_space<vmem>> -> memref<80xi32, #tpu.memory_space<vmem>>
      %dma_wait3A_909 = arith.constant 0 : i32
      %dma_wait3A_910 = arith.constant 0 : i32
      %dma_wait3A_911 = tpu.memref_slice %arg21[%dma_wait3A_909, %dma_wait3A_910] : memref<10016x128xf32, #tpu.memory_space<vmem_shared>> -> memref<10016x128xf32, #tpu.memory_space<vmem_shared>>
      tpu.wait_indirect_dma semaphore(%arg20 : memref<!tpu.dma_semaphore, #tpu.memory_space<semaphore_mem>>) src(%arg12 : memref<80x128xf32, #tpu.memory_space<vmem>>) dst(%dma_wait3A_911 : memref<10016x128xf32, #tpu.memory_space<vmem_shared>>)
    }
    %scan3A_7 = arith.constant 4 : i32
    %barrier3A_8 = arith.constant 0 : index
    tpu.barrier barrier_id(%barrier3A_8)
    %mul3A_9 = arith.constant 10000 : i32
    %mul3A_10 = arith.muli %arg0, %mul3A_9 : i32
    %add3A_11 = arith.addi %mul3A_10, %mul3A_2 : i32
    "tpu.region"() ({
      %run_scoped3A = tpu.sem_alloc : memref<!tpu.dma_semaphore, #tpu.memory_space<semaphore_mem>>
      %dma_start3A = arith.constant 0 : i32
      %dma_start3A_12 = tpu.memref_slice %arg6[%add3A_11, %dma_start3A] : memref<20000x128xf32, #tpu.memory_space<hbm>> -> memref<640x128xf32, #tpu.memory_space<hbm>>
      %dma_start3A_13 = arith.constant 0 : i32
      %dma_start3A_14 = tpu.memref_slice %arg21[%mul3A_2, %dma_start3A_13] : memref<10016x128xf32, #tpu.memory_space<vmem_shared>> -> memref<640x128xf32, #tpu.memory_space<vmem_shared>>
      tpu.enqueue_dma source(%dma_start3A_14 : memref<640x128xf32, #tpu.memory_space<vmem_shared>>) target(%dma_start3A_12 : memref<640x128xf32, #tpu.memory_space<hbm>>) target_semaphore(%run_scoped3A : memref<!tpu.dma_semaphore, #tpu.memory_space<semaphore_mem>>)
      %dma_wait3A = arith.constant 0 : i32
      %dma_wait3A_15 = tpu.memref_slice %arg6[%add3A_11, %dma_wait3A] : memref<20000x128xf32, #tpu.memory_space<hbm>> -> memref<640x128xf32, #tpu.memory_space<hbm>>
      %dma_wait3A_16 = arith.constant 0 : i32
      %dma_wait3A_17 = tpu.memref_slice %arg21[%mul3A_2, %dma_wait3A_16] : memref<10016x128xf32, #tpu.memory_space<vmem_shared>> -> memref<640x128xf32, #tpu.memory_space<vmem_shared>>
      tpu.wait_dma2 semaphore(%run_scoped3A : memref<!tpu.dma_semaphore, #tpu.memory_space<semaphore_mem>>) src(%dma_wait3A_17 : memref<640x128xf32, #tpu.memory_space<vmem_shared>>) dst(%dma_wait3A_15 : memref<640x128xf32, #tpu.memory_space<hbm>>)
      tpu.yield
    }) : () -> ()
    return
  }
}

module attributes {stable_mosaic.version = 14 : i64} {
  func.func @_dense_body(%arg0: i32, %arg1: memref<2000x128xf32, #tpu.memory_space<vmem>>, %arg2: memref<2000x128xf32, #tpu.memory_space<vmem>>, %arg3: memref<2000x128xf32, #tpu.memory_space<vmem>>, %arg4: memref<2000x128xf32, #tpu.memory_space<vmem>>, %arg5: memref<2000x128xf32, #tpu.memory_space<vmem>>, %arg6: memref<128x128xf32, #tpu.memory_space<vmem>>, %arg7: memref<1x128xf32, #tpu.memory_space<vmem>>, %arg8: memref<128x128xf32, #tpu.memory_space<vmem>>, %arg9: memref<2000x128xf32, #tpu.memory_space<vmem>>) attributes {dimension_semantics = [#tpu.dimension_semantics<arbitrary>], iteration_bounds = array<i64: 5>, scalar_prefetch = 0 : i64, scratch_operands = 0 : i64, tpu.core_type = #tpu.core_type<tc>, window_params = [{transform_indices = @transform_0, window_bounds = array<i64: 2000, 128>}, {transform_indices = @transform_1, window_bounds = array<i64: 2000, 128>}, {transform_indices = @transform_2, window_bounds = array<i64: 2000, 128>}, {transform_indices = @transform_3, window_bounds = array<i64: 2000, 128>}, {transform_indices = @transform_4, window_bounds = array<i64: 2000, 128>}, {pipeline_mode = #tpu.pipeline_mode<synchronous>, transform_indices = @transform_5, window_bounds = array<i64: 128, 128>}, {pipeline_mode = #tpu.pipeline_mode<synchronous>, transform_indices = @transform_6, window_bounds = array<i64: 1, 128>}, {pipeline_mode = #tpu.pipeline_mode<synchronous>, transform_indices = @transform_7, window_bounds = array<i64: 128, 128>}, {transform_indices = @transform_8, window_bounds = array<i64: 2000, 128>}]} {
    %get3A = arith.constant 0 : index
    %get3A_0 = arith.constant 0 : index
    %get3A_1 = vector.load %arg3[%get3A, %get3A_0] : memref<2000x128xf32, #tpu.memory_space<vmem>>, vector<2000x1xf32>
    %get3A_2 = arith.constant 0 : index
    %get3A_3 = arith.constant 0 : index
    %get3A_4 = vector.load %arg4[%get3A_2, %get3A_3] : memref<2000x128xf32, #tpu.memory_space<vmem>>, vector<2000x1xf32>
    %add3A = arith.addf %get3A_1, %get3A_4 : vector<2000x1xf32>
    %get3A_5 = arith.constant 0 : index
    %get3A_6 = arith.constant 0 : index
    %get3A_7 = vector.load %arg1[%get3A_5, %get3A_6] : memref<2000x128xf32, #tpu.memory_space<vmem>>, vector<2000x128xf32>
    %get3A_8 = arith.constant 0 : index
    %get3A_9 = arith.constant 0 : index
    %get3A_10 = vector.load %arg2[%get3A_8, %get3A_9] : memref<2000x128xf32, #tpu.memory_space<vmem>>, vector<2000x128xf32>
    %add3A_11 = arith.addf %get3A_7, %get3A_10 : vector<2000x128xf32>
    %max3A = arith.constant 1.000000e+00 : f32
    %max3A_12 = vector.broadcast %max3A : f32 to vector<2000x1xf32>
    %max3A_13 = arith.maximumf %add3A, %max3A_12 : vector<2000x1xf32>
    %div3A = vector.broadcast %max3A_13 : vector<2000x1xf32> to vector<2000x128xf32>
    %div3A_14 = arith.divf %add3A_11, %div3A : vector<2000x128xf32>
    %get3A_15 = arith.constant 0 : index
    %get3A_16 = arith.constant 0 : index
    %get3A_17 = vector.load %arg6[%get3A_15, %get3A_16] : memref<128x128xf32, #tpu.memory_space<vmem>>, vector<128x128xf32>
    %dot_general3A = arith.constant dense<0.000000e+00> : vector<2000x128xf32>
    %dot_general3A_18 = tpu.matmul %div3A_14, %get3A_17, %dot_general3A {dimension_numbers = #tpu.dot_dimension_numbers<[1], [0], [0], [1], [0, 0, 1, 1], [], []>, precision = #tpu.contract_precision<fp32>, transpose_lhs_hint = false} : vector<2000x128xf32>, vector<128x128xf32>, vector<2000x128xf32> -> vector<2000x128xf32>
    %get3A_19 = arith.constant 0 : index
    %get3A_20 = arith.constant 0 : index
    %get3A_21 = vector.load %arg5[%get3A_19, %get3A_20] : memref<2000x128xf32, #tpu.memory_space<vmem>>, vector<2000x128xf32>
    %get3A_22 = arith.constant 0 : index
    %get3A_23 = arith.constant 0 : index
    %get3A_24 = vector.load %arg8[%get3A_22, %get3A_23] : memref<128x128xf32, #tpu.memory_space<vmem>>, vector<128x128xf32>
    %dot_general3A_25 = arith.constant dense<0.000000e+00> : vector<2000x128xf32>
    %dot_general3A_26 = tpu.matmul %get3A_21, %get3A_24, %dot_general3A_25 {dimension_numbers = #tpu.dot_dimension_numbers<[1], [0], [0], [1], [0, 0, 1, 1], [], []>, precision = #tpu.contract_precision<fp32>, transpose_lhs_hint = false} : vector<2000x128xf32>, vector<128x128xf32>, vector<2000x128xf32> -> vector<2000x128xf32>
    %add3A_27 = arith.addf %dot_general3A_18, %dot_general3A_26 : vector<2000x128xf32>
    %get3A_28 = arith.constant 0 : index
    %get3A_29 = arith.constant 0 : index
    %get3A_30 = vector.load %arg7[%get3A_28, %get3A_29] : memref<1x128xf32, #tpu.memory_space<vmem>>, vector<1x128xf32>
    %add3A_31 = vector.broadcast %get3A_30 : vector<1x128xf32> to vector<2000x128xf32>
    %add3A_32 = arith.addf %add3A_27, %add3A_31 : vector<2000x128xf32>
    %max3A_33 = arith.constant 0.000000e+00 : f32
    %max3A_34 = vector.broadcast %max3A_33 : f32 to vector<2000x128xf32>
    %max3A_35 = arith.maximumf %add3A_32, %max3A_34 : vector<2000x128xf32>
    %swap3A = arith.constant 0 : index
    %swap3A_36 = arith.constant 0 : index
    %swap3A_37 = vector.load %arg9[%swap3A, %swap3A_36] : memref<2000x128xf32, #tpu.memory_space<vmem>>, vector<2000x128xf32>
    tpu.vector_store %arg9[%swap3A, %swap3A_36], %max3A_35 {strides = array<i32>} : memref<2000x128xf32, #tpu.memory_space<vmem>>, vector<2000x128xf32>,
    return
  }
  func.func @transform_0(%arg0: i32) -> (i32, i32) {
    %c0_i32 = arith.constant 0 : i32
    %c0_i32_0 = arith.constant 0 : i32
    return %arg0, %c0_i32 : i32, i32
  }
  func.func @transform_1(%arg0: i32) -> (i32, i32) {
    %add3A = arith.constant 5 : i32
    %add3A_0 = arith.addi %arg0, %add3A : i32
    %c0_i32 = arith.constant 0 : i32
    %c0_i32_1 = arith.constant 0 : i32
    return %add3A_0, %c0_i32 : i32, i32
  }
  func.func @transform_2(%arg0: i32) -> (i32, i32) {
    %c0_i32 = arith.constant 0 : i32
    %c0_i32_0 = arith.constant 0 : i32
    return %arg0, %c0_i32 : i32, i32
  }
  func.func @transform_3(%arg0: i32) -> (i32, i32) {
    %add3A = arith.constant 5 : i32
    %add3A_0 = arith.addi %arg0, %add3A : i32
    %c0_i32 = arith.constant 0 : i32
    %c0_i32_1 = arith.constant 0 : i32
    return %add3A_0, %c0_i32 : i32, i32
  }
  func.func @transform_4(%arg0: i32) -> (i32, i32) {
    %c0_i32 = arith.constant 0 : i32
    %c0_i32_0 = arith.constant 0 : i32
    return %arg0, %c0_i32 : i32, i32
  }
  func.func @transform_5(%arg0: i32) -> (i32, i32) {
    %c0_i32 = arith.constant 0 : i32
    %c0_i32_0 = arith.constant 0 : i32
    %c0_i32_1 = arith.constant 0 : i32
    return %c0_i32, %c0_i32_0 : i32, i32
  }
  func.func @transform_6(%arg0: i32) -> (i32, i32) {
    %c0_i32 = arith.constant 0 : i32
    %c0_i32_0 = arith.constant 0 : i32
    %c0_i32_1 = arith.constant 0 : i32
    return %c0_i32, %c0_i32_0 : i32, i32
  }
  func.func @transform_7(%arg0: i32) -> (i32, i32) {
    %c0_i32 = arith.constant 0 : i32
    %c0_i32_0 = arith.constant 0 : i32
    %c0_i32_1 = arith.constant 0 : i32
    return %c0_i32, %c0_i32_0 : i32, i32
  }
  func.func @transform_8(%arg0: i32) -> (i32, i32) {
    %c0_i32 = arith.constant 0 : i32
    %c0_i32_0 = arith.constant 0 : i32
    return %arg0, %c0_i32 : i32, i32
  }
}

module attributes {stable_mosaic.version = 14 : i64} {
  func.func @_dense_body(%arg0: i32, %arg1: memref<2000x128xf32, #tpu.memory_space<vmem>>, %arg2: memref<2000x128xf32, #tpu.memory_space<vmem>>, %arg3: memref<2000x128xf32, #tpu.memory_space<vmem>>, %arg4: memref<2000x128xf32, #tpu.memory_space<vmem>>, %arg5: memref<2000x128xf32, #tpu.memory_space<vmem>>, %arg6: memref<128x128xf32, #tpu.memory_space<vmem>>, %arg7: memref<1x128xf32, #tpu.memory_space<vmem>>, %arg8: memref<128x128xf32, #tpu.memory_space<vmem>>, %arg9: memref<2000x128xf32, #tpu.memory_space<vmem>>) attributes {dimension_semantics = [#tpu.dimension_semantics<arbitrary>], iteration_bounds = array<i64: 5>, scalar_prefetch = 0 : i64, scratch_operands = 0 : i64, tpu.core_type = #tpu.core_type<tc>, window_params = [{transform_indices = @transform_0, window_bounds = array<i64: 2000, 128>}, {transform_indices = @transform_1, window_bounds = array<i64: 2000, 128>}, {transform_indices = @transform_2, window_bounds = array<i64: 2000, 128>}, {transform_indices = @transform_3, window_bounds = array<i64: 2000, 128>}, {transform_indices = @transform_4, window_bounds = array<i64: 2000, 128>}, {pipeline_mode = #tpu.pipeline_mode<synchronous>, transform_indices = @transform_5, window_bounds = array<i64: 128, 128>}, {pipeline_mode = #tpu.pipeline_mode<synchronous>, transform_indices = @transform_6, window_bounds = array<i64: 1, 128>}, {pipeline_mode = #tpu.pipeline_mode<synchronous>, transform_indices = @transform_7, window_bounds = array<i64: 128, 128>}, {transform_indices = @transform_8, window_bounds = array<i64: 2000, 128>}]} {
    %get3A = arith.constant 0 : index
    %get3A_0 = arith.constant 0 : index
    %get3A_1 = vector.load %arg3[%get3A, %get3A_0] : memref<2000x128xf32, #tpu.memory_space<vmem>>, vector<2000x1xf32>
    %get3A_2 = arith.constant 0 : index
    %get3A_3 = arith.constant 0 : index
    %get3A_4 = vector.load %arg4[%get3A_2, %get3A_3] : memref<2000x128xf32, #tpu.memory_space<vmem>>, vector<2000x1xf32>
    %add3A = arith.addf %get3A_1, %get3A_4 : vector<2000x1xf32>
    %get3A_5 = arith.constant 0 : index
    %get3A_6 = arith.constant 0 : index
    %get3A_7 = vector.load %arg1[%get3A_5, %get3A_6] : memref<2000x128xf32, #tpu.memory_space<vmem>>, vector<2000x128xf32>
    %get3A_8 = arith.constant 0 : index
    %get3A_9 = arith.constant 0 : index
    %get3A_10 = vector.load %arg2[%get3A_8, %get3A_9] : memref<2000x128xf32, #tpu.memory_space<vmem>>, vector<2000x128xf32>
    %add3A_11 = arith.addf %get3A_7, %get3A_10 : vector<2000x128xf32>
    %max3A = arith.constant 1.000000e+00 : f32
    %max3A_12 = vector.broadcast %max3A : f32 to vector<2000x1xf32>
    %max3A_13 = arith.maximumf %add3A, %max3A_12 : vector<2000x1xf32>
    %div3A = vector.broadcast %max3A_13 : vector<2000x1xf32> to vector<2000x128xf32>
    %div3A_14 = arith.divf %add3A_11, %div3A : vector<2000x128xf32>
    %get3A_15 = arith.constant 0 : index
    %get3A_16 = arith.constant 0 : index
    %get3A_17 = vector.load %arg6[%get3A_15, %get3A_16] : memref<128x128xf32, #tpu.memory_space<vmem>>, vector<128x128xf32>
    %dot_general3A = arith.constant dense<0.000000e+00> : vector<2000x128xf32>
    %dot_general3A_18 = tpu.matmul %div3A_14, %get3A_17, %dot_general3A {dimension_numbers = #tpu.dot_dimension_numbers<[1], [0], [0], [1], [0, 0, 1, 1], [], []>, precision = #tpu.contract_precision<fp32>, transpose_lhs_hint = false} : vector<2000x128xf32>, vector<128x128xf32>, vector<2000x128xf32> -> vector<2000x128xf32>
    %get3A_19 = arith.constant 0 : index
    %get3A_20 = arith.constant 0 : index
    %get3A_21 = vector.load %arg5[%get3A_19, %get3A_20] : memref<2000x128xf32, #tpu.memory_space<vmem>>, vector<2000x128xf32>
    %get3A_22 = arith.constant 0 : index
    %get3A_23 = arith.constant 0 : index
    %get3A_24 = vector.load %arg8[%get3A_22, %get3A_23] : memref<128x128xf32, #tpu.memory_space<vmem>>, vector<128x128xf32>
    %dot_general3A_25 = arith.constant dense<0.000000e+00> : vector<2000x128xf32>
    %dot_general3A_26 = tpu.matmul %get3A_21, %get3A_24, %dot_general3A_25 {dimension_numbers = #tpu.dot_dimension_numbers<[1], [0], [0], [1], [0, 0, 1, 1], [], []>, precision = #tpu.contract_precision<fp32>, transpose_lhs_hint = false} : vector<2000x128xf32>, vector<128x128xf32>, vector<2000x128xf32> -> vector<2000x128xf32>
    %add3A_27 = arith.addf %dot_general3A_18, %dot_general3A_26 : vector<2000x128xf32>
    %get3A_28 = arith.constant 0 : index
    %get3A_29 = arith.constant 0 : index
    %get3A_30 = vector.load %arg7[%get3A_28, %get3A_29] : memref<1x128xf32, #tpu.memory_space<vmem>>, vector<1x128xf32>
    %add3A_31 = vector.broadcast %get3A_30 : vector<1x128xf32> to vector<2000x128xf32>
    %add3A_32 = arith.addf %add3A_27, %add3A_31 : vector<2000x128xf32>
    %max3A_33 = arith.constant 0.000000e+00 : f32
    %max3A_34 = vector.broadcast %max3A_33 : f32 to vector<2000x128xf32>
    %max3A_35 = arith.maximumf %add3A_32, %max3A_34 : vector<2000x128xf32>
    %swap3A = arith.constant 0 : index
    %swap3A_36 = arith.constant 0 : index
    %swap3A_37 = vector.load %arg9[%swap3A, %swap3A_36] : memref<2000x128xf32, #tpu.memory_space<vmem>>, vector<2000x128xf32>
    tpu.vector_store %arg9[%swap3A, %swap3A_36], %max3A_35 {strides = array<i32>} : memref<2000x128xf32, #tpu.memory_space<vmem>>, vector<2000x128xf32>,
    return
  }
  func.func @transform_0(%arg0: i32) -> (i32, i32) {
    %c0_i32 = arith.constant 0 : i32
    %c0_i32_0 = arith.constant 0 : i32
    return %arg0, %c0_i32 : i32, i32
  }
  func.func @transform_1(%arg0: i32) -> (i32, i32) {
    %add3A = arith.constant 5 : i32
    %add3A_0 = arith.addi %arg0, %add3A : i32
    %c0_i32 = arith.constant 0 : i32
    %c0_i32_1 = arith.constant 0 : i32
    return %add3A_0, %c0_i32 : i32, i32
  }
  func.func @transform_2(%arg0: i32) -> (i32, i32) {
    %c0_i32 = arith.constant 0 : i32
    %c0_i32_0 = arith.constant 0 : i32
    return %arg0, %c0_i32 : i32, i32
  }
  func.func @transform_3(%arg0: i32) -> (i32, i32) {
    %add3A = arith.constant 5 : i32
    %add3A_0 = arith.addi %arg0, %add3A : i32
    %c0_i32 = arith.constant 0 : i32
    %c0_i32_1 = arith.constant 0 : i32
    return %add3A_0, %c0_i32 : i32, i32
  }
  func.func @transform_4(%arg0: i32) -> (i32, i32) {
    %c0_i32 = arith.constant 0 : i32
    %c0_i32_0 = arith.constant 0 : i32
    return %arg0, %c0_i32 : i32, i32
  }
  func.func @transform_5(%arg0: i32) -> (i32, i32) {
    %c0_i32 = arith.constant 0 : i32
    %c0_i32_0 = arith.constant 0 : i32
    %c0_i32_1 = arith.constant 0 : i32
    return %c0_i32, %c0_i32_0 : i32, i32
  }
  func.func @transform_6(%arg0: i32) -> (i32, i32) {
    %c0_i32 = arith.constant 0 : i32
    %c0_i32_0 = arith.constant 0 : i32
    %c0_i32_1 = arith.constant 0 : i32
    return %c0_i32, %c0_i32_0 : i32, i32
  }
  func.func @transform_7(%arg0: i32) -> (i32, i32) {
    %c0_i32 = arith.constant 0 : i32
    %c0_i32_0 = arith.constant 0 : i32
    %c0_i32_1 = arith.constant 0 : i32
    return %c0_i32, %c0_i32_0 : i32, i32
  }
  func.func @transform_8(%arg0: i32) -> (i32, i32) {
    %c0_i32 = arith.constant 0 : i32
    %c0_i32_0 = arith.constant 0 : i32
    return %arg0, %c0_i32 : i32, i32
  }
}

</mosaic_0001>

<sc_bundles>
// kernel: kernel.10.cloned.1.call-start
scs
__scs_entry_jumppad:
0x0: {  	(pc) =	sbr.rel $0x88, $3  }
0x1: {  	(tag) =	ssettag $0x0;
	lr =	simm.s32 $0x1  }
0x2: {  	[smem:$0x3F99] =	sst lr;
	_ =	strace $0xD0000000  }
0x3: {  	_ = 	snop  }
0x4: {  	_ = 	snop  }
0x5: {  	_ = 	snop  }
0x6: {  	_ = 	snop  }
0x7: {  	_ = 	snop  }
__scs_overlays_trampoline_lowered:
0x8: {  	[smem:$0x3FA8] =	sst s0  }
0x9: {  	[smem:$0x3FA9] =	sst s1  }
0xa: {  	[smem:$0x3FAA] =	sst s2  }
0xb: {  	[smem:$0x3FAB] =	sst s3  }
0xc: {  	[smem:$0x3FAC] =	sst s4  }
0xd: {  	[smem:$0x3FAD] =	sst s5  }
0xe: {  	[smem:$0x3FAE] =	sst s6  }
0xf: {  	[smem:$0x3FAF] =	sst s7  }
0x10: {  	[smem:$0x3FB0] =	sst s8  }
0x11: {  	[smem:$0x3FB1] =	sst s9;
	s0 =	simm.s32 @!p0 $0x0  }
0x12: {  	s1 =	sld [smem:$0x3F97];
	s0 =	simm.s32 @p0 $0x1  }
0x13: {  	[smem:$0x3FB2] =	sst s0;
	s0 =	simm.s32 @!p1 $0x0  }
0x14: {  	s2 =	sld [smem:$0x3F96];
	s0 =	simm.s32 @p1 $0x1  }
0x15: {  	[smem:$0x3FB3] =	sst s0;
	s0 =	simm.s32 @!p2 $0x0  }
0x16: {  	s3 =	sld [smem:$0x3FDB];
	s0 =	simm.s32 @p2 $0x1  }
0x17: {  	s4 =	simm.s32 $0x1BF5;
	[smem:$0x3FB5] =	sst s0  }
0x18: {  	s0 =	sld [smem:$0x3F98];
	_ =	swait.ge [sflag:s4], $0x0  }
0x19: {  	s7 =	sld [smem:$0x3F99]  }
0x1a: {  	s8 =	sadd.s32 $0xFFFFE003, lr  }
0x1b: {  	s9 =	sadd.s32 $0xFFFFFEF7, lr;
	s5 =	simm.s32 $0xFFFFFFFF;
	p2 =	slt.u32 s8, $0xFFFFF086  }
0x1c: {  	p1 =	slt.u32 s9, $0xF7A;
	s5 =	simm.s32 @!p2 $0x0  }
0x1d: {  	s5 =	simm.s32 @p1 $0x1;
	p0 =	seq.s32 s7, s2  }
0x1e: {  	s7 =	smul.u32 @!p0 $0xF7A, s2;
	p2 =	seq.s32 @!p0 s5, $0x0  }
0x1f: {  	s9 =	smul.u32 $0xF7A, s1;
	s8 =	simm.s32 @!p0 $0x1BF5;
	p2 =	por !p2, p0  }
0x20: {  	[sflag:s8] =	ssyncset.s32 @!p0 $0xFFFFF086;
	s6 =	sadd.s32 @!p0 s3, s7;
	s7 =	simm.s32 @!p0 $0x108  }
0x21: {  	s3 =	sadd.s32 s3, s9;
	s6 =	sadd.s32 @!p0 $0x88, s6;
	s7 =	simm.s32 @p2 $0x1082  }
0x22: {  	[simem:s7], [sflag:s8] =	dma.local @!p0 [hbm:s6], $0xF7A  }
0x23: {  	s9 =	sor.u32 $0xD0000000, s2;
	s6 =	simm.s32 $0x108;
	_ =	swait.ge @!p0 [sflag:s8], $0x0  }
0x24: {  	s3 =	sadd.s32 $0x88, s3;
	s6 =	simm.s32 @!p1 $0x1082;
	[sflag:s4] =	ssyncset.s32 $0xFFFFF086  }
0x25: {  	[simem:s6], [sflag:s4] =	dma.local [hbm:s3], $0xF7A  }
0x26: {  	[smem:$0x3F99] =	sst s1;
	(tag) =	ssettag s2;
	_ =	strace s9  }
0x27: {  	s1 =	sld [smem:$0x3FA9]  }
0x28: {  	s2 =	sld [smem:$0x3FAA]  }
0x29: {  	s4 =	sld [smem:$0x3FAC]  }
0x2a: {  	p0 =	seq.s32 s5, $0x0;
	s5 =	sld [smem:$0x3FAD]  }
0x2b: {  	s6 =	sld [smem:$0x3FAE]  }
0x2c: {  	s7 =	sld [smem:$0x3FAF]  }
0x2d: {  	s3 =	simm.s32 $0x108;
	s8 =	sld [smem:$0x3FB0]  }
0x2e: {  	s3 =	simm.s32 @!p0 $0x1082;
	s9 =	sld [smem:$0x3FB1]  }
0x2f: {  	lr =	sadd.s32 s0, s3;
	s0 =	sld [smem:$0x3FA8]  }
0x30: {  	s3 =	sld [smem:$0x3FAB]  }
0x31: {  	[smem:$0x3FB4] =	sst s10  }
0x32: {  	s10 =	sld [smem:$0x3FB2];
	_ =	sdelay $0x3  }
0x33: {  	p0 =	seq.s32 s10, $0x1;
	s10 =	sld [smem:$0x3FB4];
	_ =	sdelay $0x3  }
0x34: {  	[smem:$0x3FB4] =	sst s10  }
0x35: {  	s10 =	sld [smem:$0x3FB3];
	_ =	sdelay $0x3  }
0x36: {  	p1 =	seq.s32 s10, $0x1;
	s10 =	sld [smem:$0x3FB4];
	_ =	sdelay $0x3  }
0x37: {  	[smem:$0x3FB4] =	sst s10  }
0x38: {  	s10 =	sld [smem:$0x3FB5]  }
0x39: {  	_ = 	snop;
	(pc) =	sbr.ind lr, $3  }
0x3a: {  	_ = 	snop  }
0x3b: {  	_ = 	snop  }
0x3c: {  	p2 =	seq.s32 s10, $0x1;
	s10 =	sld [smem:$0x3FB4]  }
0x3d: {  	_ =	shalt  }
0x3e: {  	_ =	shalt  }
0x3f: {  	_ =	shalt  }
0x40: {  	_ =	shalt  }
0x41: {  	_ =	shalt  }
0x42: {  	_ =	shalt  }
0x43: {  	_ =	shalt  }
0x44: {  	_ =	shalt  }
0x45: {  	_ =	shalt  }
0x46: {  	_ =	shalt  }
0x47: {  	_ =	shalt  }
0x48: {  	_ =	shalt  }
0x49: {  	_ =	shalt  }
0x4a: {  	_ =	shalt  }
0x4b: {  	_ =	shalt  }
0x4c: {  	_ =	shalt  }
0x4d: {  	_ =	shalt  }
0x4e: {  	_ =	shalt  }
0x4f: {  	_ =	shalt  }
0x50: {  	_ =	shalt  }
0x51: {  	_ =	shalt  }
0x52: {  	_ =	shalt  }
0x53: {  	_ =	shalt  }
0x54: {  	_ =	shalt  }
0x55: {  	_ =	shalt  }
0x56: {  	_ =	shalt  }
0x57: {  	_ =	shalt  }
0x58: {  	_ =	shalt  }
0x59: {  	_ =	shalt  }
0x5a: {  	_ =	shalt  }
0x5b: {  	_ =	shalt  }
0x5c: {  	_ =	shalt  }
0x5d: {  	_ =	shalt  }
0x5e: {  	_ =	shalt  }
0x5f: {  	_ =	shalt  }
0x60: {  	_ =	shalt  }
0x61: {  	_ =	shalt  }
0x62: {  	_ =	shalt  }
0x63: {  	_ =	shalt  }
0x64: {  	_ =	shalt  }
0x65: {  	_ =	shalt  }
0x66: {  	_ =	shalt  }
0x67: {  	_ =	shalt  }
0x68: {  	_ =	shalt  }
0x69: {  	_ =	shalt  }
0x6a: {  	_ =	shalt  }
0x6b: {  	_ =	shalt  }
0x6c: {  	_ =	shalt  }
0x6d: {  	_ =	shalt  }
0x6e: {  	_ =	shalt  }
0x6f: {  	_ =	shalt  }
0x70: {  	_ =	shalt  }
0x71: {  	_ =	shalt  }
0x72: {  	_ =	shalt  }
0x73: {  	_ =	shalt  }
0x74: {  	_ =	shalt  }
0x75: {  	_ =	shalt  }
0x76: {  	_ =	shalt  }
0x77: {  	_ =	shalt  }
0x78: {  	_ =	shalt  }
0x79: {  	_ =	shalt  }
0x7a: {  	_ =	shalt  }
0x7b: {  	_ =	shalt  }
0x7c: {  	_ =	shalt  }
0x7d: {  	_ =	shalt  }
0x7e: {  	_ =	shalt  }
0x7f: {  	_ =	shalt  }
0x80: {  	_ =	shalt  }
0x81: {  	_ =	shalt  }
0x82: {  	_ =	shalt  }
0x83: {  	_ =	shalt  }
0x84: {  	_ =	shalt  }
0x85: {  	_ =	shalt  }
0x86: {  	_ =	shalt  }
0x87: {  	_ =	shalt  }
.Lfunc_end0:
.L_simem_size_0:
called_computation.1_lowered:
.L_overlay_start_0:
0x88: {  	s2 =	sld [smem:$0x3FD9]  }
0x89: {  	s3 =	sld [smem:$0x3FFE];
	_ =	sdelay $0x1  }
0x8a: {  	s1 =	srdreg.scid  }
0x8b: {  	s0 =	sand.u32 $0x1, s1  }
0x8c: {  	s17 =	sshll.u32 s0, $0xA;
	s2 =	sadd.s32 s3, s2  }
0x8d: {  	s2 =	sadd.s32 s2, s17  }
0x8e: {  	[smem:$0x3FC0] =	sst s2  }
0x8f: {  	_ = 	snop  }
0x90: {  	s2 =	sld [smem:$0x3FC9]  }
0x91: {  	s18 =	sld [smem:$0x3FD0];
	(tm) =	ssettm $0x1  }
0x92: {  	s4 =	sld [smem:$0x3FFB];
	_ =	sdelay $0x3  }
0x93: {  	_ =	strace s4  }
0x94: {  	s4 =	sld [smem:$0x3FFC];
	_ =	sdelay $0x3  }
0x95: {  	_ =	strace s4  }
0x96: {  	s4 =	sld [smem:$0x3FFD];
	_ =	sdelay $0x3  }
0x97: {  	_ =	strace s4  }
0x98: {  	_ =	strace $0x8FFFFFFF  }
0x99: {  	s19 =	sld [smem:$0x3FDB];
	_ =	sdelay $0x1  }
0x9a: {  	s5 =	simm.s32 $_scs_section_size  }
0x9b: {  	s6 =	simm.s32 $_size__tile_overlayer_lowered;
	s7 =	simm.s32 $_tile_overlayer_lowered  }
0x9c: {  	s22 =	simm.s32 $0x1BFF;
	s21 =	sshll.u32 s7, $0x1;
	s4 =	sadd.s32 s5, s19  }
0x9d: {  	s8 =	simm.s32 $0x0;
	s20 =	sshll.u32 s6, $0x1;
	s6 =	sadd.s32 s21, s4  }
0x9e: {  	[timem:s8], [sflag:s22] =	dma.local [hbm:s6], s20  }
0x9f: {  	_ =	swait.ge [sflag:s22], s20  }
0xa0: {  	s5 =	ssub.s32 $0x0, s20;
	[sflag:s22] =	ssyncset.done $0x0  }
0xa1: {  	[sflag:s22] =	ssyncadd.s32 s5;
	_ =	sdelay $0x1  }
0xa2: {  	s23 =	simm.s32 $0x1B8B  }
0xa3: {  	_ =	swait.ge [sflag:s23], $0x1  }
0xa4: {  	[sflag:s23] =	ssyncset.done $0x0  }
0xa5: {  	s25 =	simm.s32 $0x1B8E;
	s24 =	sld [smem:$0x3FFE];
	[sflag:s23] =	ssyncadd.s32 $0xFFFFFFFF  }
0xa6: {  	s26 =	simm.s32 $execute0_lowered;
	[smem:$0x3FD2] =	sst s25  }
0xa7: {  	s6 =	sshll.u32 s26, $0x1;
	_ =	strace $0x80000046;
	[dreg:$0x1] =	wrdreg $0xFFFFFFFF  }
0xa8: {  	s28 =	simm.s32 $_size_execute0_lowered;
	s4 =	sadd.s32 s4, s6;
	[dreg:$0x0] =	wrdreg $0x0  }
0xa9: {  	s6 =	sshll.u32 s28, $0x1;
	[dreg:$0x2] =	wrdreg s4  }
0xaa: {  	[dreg:$0x3] =	wrdreg s6  }
0xab: {  	[dreg:$0x4] =	wrdreg $0xC0  }
0xac: {  	_ =	task [dreg:s8], $0x5FFFF  }
0xad: {  	[dreg:$0x1] =	wrdreg $0xFFFFFFFF  }
0xae: {  	[dreg:$0x0] =	wrdreg $0x60  }
0xaf: {  	[dreg:$0x2] =	wrdreg s2  }
0xb0: {  	[dreg:$0x3] =	wrdreg s24  }
0xb1: {  	[dreg:$0x4] =	wrdreg s18  }
0xb2: {  	[dreg:$0x5] =	wrdreg $0xC0000  }
0xb3: {  	[dreg:$0x6] =	wrdreg $0xA  }
0xb4: {  	_ =	task.clear_ibuf [dreg:s8], $0x7FFFF;
	_ =	strace $0x90000046  }
0xb5: {  	s29 =	simm.s32 $0xA;
	_ =	strace $0x80000048  }
0xb6: {  	_ =	swait.ge [sflag:s29], $0x1  }
0xb7: {  	[sflag:s29] =	ssyncadd.s32 $0xFFFFFFFF  }
0xb8: {  	_ =	strace $0x90000048  }
0xb9: {  	_ =	sfence  }
0xba: {  	s30 =	sld [smem:$0x0];
	_ =	sdelay $0x2  }
0xbb: {  	s31 =	sshll.u32 s1, $0xD;
	s1 =	sshrl.u32 s1, $0x2  }
0xbc: {  	s3 =	sand.u32 $0x4000, s31;
	s1 =	sadd.s32 s1, s30  }
0xbd: {  	s0 =	sor.u32 s3, s0;
	s1 =	sshll.u32 s1, $0x11  }
0xbe: {  	s0 =	sor.u32 s1, s0  }
0xbf: {  	s0 =	sadd.s32 $0x8F2B, s0  }
0xc0: {  	[sflag:s0] =	ssyncadd.remote.s32 $0x1  }
0xc1: {  	_ =	sfence.sel $0xFFFF  }
0xc2: {  	[dreg:$0x0] =	wrdreg $0xFFFFFFFF;
	(pc) =	sbr.abs _section_cstart, $3  }
0xc3: {  	[dreg:$0x1] =	wrdreg $0xFFFFFFFF  }
0xc4: {  	_ =	task.clear_ibuf [dreg:s8], $0x2FFFF;
	_ =	strace $0x9FFFFFFF  }
0xc5: {  	(tm) =	ssettm $0x7FFFFFFF  }
tec
execute0_lowered:
.L_overlay_start_1:
0x0: {  	(tag) =	ssettag $0x1  }
0x1: {  	s1 =	rddreg [dreg:$0x0]  }
0x2: {  	s2 =	rddreg [dreg:$0x1]  }
0x3: {  	s0 =	rddreg [dreg:$0x2];
	s4 =	srdreg.scid  }
0x4: {  	s3 =	rddreg [dreg:$0x3];
	s5 =	sand.u32 $0x1, s4;
	s4 =	simm.s32 $0x0  }
0x5: {  	s23 =	simm.s32 $0x80;
	[smem:$0x7FF] =	sst s4  }
0x6: {  	s24 =	simm.s32 $0x100;
	_ =	strace $0x80000047;
	[dreg:$0x7] =	wrdreg s23  }
0x7: {  	s25 =	simm.s32 $0x180;
	[dreg:$0x8] =	wrdreg s24  }
0x8: {  	s26 =	simm.s32 $0x1080;
	[dreg:$0x9] =	wrdreg s25  }
0x9: {  	s8 =	simm.s32 $0x1100;
	[dreg:$0xa] =	wrdreg s26  }
0xa: {  	s9 =	simm.s32 $0x280;
	[dreg:$0xc] =	wrdreg s8  }
0xb: {  	s11 =	simm.s32 $0x1180;
	[dreg:$0xd] =	wrdreg s9  }
0xc: {  	s12 =	simm.s32 $0x300;
	[dreg:$0xe] =	wrdreg s11  }
0xd: {  	s13 =	simm.s32 $0x1200;
	[dreg:$0xf] =	wrdreg s12  }
0xe: {  	s14 =	simm.s32 $0x380;
	[dreg:$0x10] =	wrdreg s13  }
0xf: {  	s15 =	simm.s32 $0x1280;
	[dreg:$0x11] =	wrdreg s14  }
0x10: {  	s16 =	simm.s32 $0x400;
	[dreg:$0x12] =	wrdreg s15  }
0x11: {  	s17 =	simm.s32 $0x1300;
	[dreg:$0x13] =	wrdreg s16  }
0x12: {  	s18 =	simm.s32 $0x480;
	[dreg:$0x14] =	wrdreg s17  }
0x13: {  	s19 =	simm.s32 $0x1380;
	[dreg:$0x15] =	wrdreg s18  }
0x14: {  	s20 =	simm.s32 $0x500;
	[dreg:$0x16] =	wrdreg s19  }
0x15: {  	s21 =	simm.s32 $0x1400;
	[dreg:$0x17] =	wrdreg s20  }
0x16: {  	s22 =	simm.s32 $0x580;
	[dreg:$0x18] =	wrdreg s21  }
0x17: {  	[dreg:$0x19] =	wrdreg s22;
	s23 =	simm.s32 $0x1480  }
0x18: {  	s24 =	simm.s32 $0x600;
	[dreg:$0x1a] =	wrdreg s23  }
0x19: {  	s25 =	simm.s32 $0x1500;
	[dreg:$0x1b] =	wrdreg s24  }
0x1a: {  	s10 =	stileid.u32;
	s11 =	simm.s32 $0x680;
	[dreg:$0x1c] =	wrdreg s25  }
0x1b: {  	s28 =	simm.s32 $0x1D80;
	s12 =	simm.s32 $0x1580;
	[dreg:$0x1d] =	wrdreg s11  }
0x1c: {  	s29 =	simm.s32 $0xF00;
	s13 =	simm.s32 $0x700;
	[dreg:$0x1e] =	wrdreg s12  }
0x1d: {  	s30 =	simm.s32 $0x1E00;
	s14 =	simm.s32 $0x1600;
	[dreg:$0x1f] =	wrdreg s13  }
0x1e: {  	s31 =	simm.s32 $0xF80;
	s15 =	simm.s32 $0x780;
	[smem:$0x7DD] =	sst s14  }
0x1f: {  	s7 =	sshll.u32 s10, $0xB;
	s16 =	simm.s32 $0x1680;
	[smem:$0x7DE] =	sst s15  }
0x20: {  	s6 =	sshll.u32 s5, $0xF;
	s18 =	simm.s32 $0x800;
	[smem:$0x7DF] =	sst s16  }
0x21: {  	s6 =	sadd.s32 s6, s2;
	s19 =	simm.s32 $0x1700;
	[smem:$0x7E0] =	sst s18  }
0x22: {  	s26 =	smul.u32 $0x2700, s10;
	s20 =	simm.s32 $0x880;
	[smem:$0x7E1] =	sst s19  }
0x23: {  	s8 =	smul.u32 $0x27100, s5;
	s22 =	simm.s32 $0x1780;
	[smem:$0x7E2] =	sst s20  }
0x24: {  	s5 =	ssub.s32 $0x2, s5;
	[smem:$0x7E3] =	sst s22;
	s23 =	simm.s32 $0x900  }
0x25: {  	s9 =	smul.u32 $0x4E000, s10;
	s24 =	simm.s32 $0x1800;
	[smem:$0x7E5] =	sst s23  }
0x26: {  	s6 =	sadd.s32 s7, s6;
	s11 =	simm.s32 $0x1900;
	[smem:$0x7E6] =	sst s24  }
0x27: {  	s17 =	sshrl.u32 s5, $0x1;
	s12 =	simm.s32 $0xA80;
	[smem:$0x7EC] =	sst s11  }
0x28: {  	s25 =	sshll.u32 s10, $0x6;
	s13 =	simm.s32 $0x1980;
	[smem:$0x7ED] =	sst s12  }
0x29: {  	s14 =	simm.s32 $0xB00;
	s15 =	simm.s32 $0x1A00;
	[smem:$0x7EE] =	sst s13  }
0x2a: {  	s16 =	simm.s32 $0xB80;
	s18 =	simm.s32 $0xC00;
	[smem:$0x7EF] =	sst s14  }
0x2b: {  	s19 =	simm.s32 $0x1B00;
	s20 =	simm.s32 $0xC80;
	[smem:$0x7F0] =	sst s15  }
0x2c: {  	s22 =	simm.s32 $0xD00;
	s7 =	sadd.s32 $0x2200, s6;
	[smem:$0x7F1] =	sst s16  }
0x2d: {  	s6 =	sadd.s32 $0x12200, s6;
	s8 =	sadd.s32 s26, s8;
	[smem:$0x7F3] =	sst s18  }
0x2e: {  	s5 =	ssub.s32 s5, s17;
	s21 =	sshrl.u32 s9, $0x2;
	[smem:$0x7F4] =	sst s19  }
0x2f: {  	s0 =	sadd.s32 s0, s26;
	s26 =	simm.s32 $0x980;
	[smem:$0x7F5] =	sst s20  }
0x30: {  	s9 =	simm.s32 $0xA00;
	s11 =	simm.s32 $0x1000;
	[smem:$0x7F7] =	sst s22  }
0x31: {  	s12 =	simm.s32 $0x50;
	s13 =	simm.s32 $0x2000;
	[dreg:$0x5] =	wrdreg s7  }
0x32: {  	s14 =	simm.s32 $0x4800;
	s17 =	simm.s32 $0x1A80;
	[dreg:$0x6] =	wrdreg s6  }
0x33: {  	s15 =	simm.s32 $0x7000;
	s16 =	simm.s32 $0x1;
	[smem:$0x7E4] =	sst s0  }
0x34: {  	s18 =	simm.s32 $0x2;
	s19 =	simm.s32 $0x5;
	[smem:$0x7E7] =	sst s26  }
0x35: {  	s20 =	simm.s32 $0x3;
	s23 =	simm.s32 $0x1C00;
	[smem:$0x7EB] =	sst s9  }
0x36: {  	s24 =	simm.s32 $0xD80;
	s22 =	simm.s32 $0x4;
	[smem:$0x7F2] =	sst s17  }
0x37: {  	s7 =	simm.s32 $0x200;
	s2 =	sadd.s32 s8, s2;
	[smem:$0x7F8] =	sst s23  }
0x38: {  	s8 =	sadd.s32 s21, s3;
	s6 =	simm.s32 $0x1880;
	[smem:$0x7F9] =	sst s24  }
0x39: {  	s10 =	smax.u32 s5, $0x1;
	s17 =	simm.s32 $0x9800;
	[dreg:$0xb] =	wrdreg s7  }
0x3a: {  	s21 =	simm.s32 $0x1B80;
	s23 =	simm.s32 $0x7;
	[smem:$0x7E9] =	sst s6  }
0x3b: {  	s26 =	simm.s32 $0xE00;
	s24 =	simm.s32 $0x8;
	[smem:$0x7EA] =	sst s10  }
0x3c: {  	s0 =	simm.s32 $0x1E80;
	s5 =	simm.s32 $0x1F80;
	[smem:$0x7F6] =	sst s21  }
0x3d: {  	s9 =	simm.s32 $0x0;
	s2 =	sadd.s32 $0x22200, s2;
	[smem:$0x7FB] =	sst s26  }
0x3e: {  	s7 =	sor.u32 $0x1C09, s25;
	s25 =	simm.s32 $0x1C80;
	[smem:$0x7E8] =	sst s2  }
0x3f: {  	s8 =	sshrl.u32 s8, $0x3;
	s10 =	simm.s32 $0x9;
	[smem:$0x7FA] =	sst s25  }
0x40: {  	s21 =	simm.s32 $0x6;
	s26 =	simm.s32 $0xE80;
	[smem:$0x7FC] =	sst s7  }
0x41: {  	s25 =	simm.s32 $0x1D00;
	s2 =	simm.s32 $0x1F00;
	[smem:$0x7FD] =	sst s8  }
.LBB2_1:
0x42: {  	s6 =	sld [smem:$0x7E4];
	_ =	sdelay $0x1  }
0x43: {  	[smem:$0x7DC] =	sst s9  }
0x44: {  	[spmem:s8], [sflag:s7] =	dma.local [hbm:s6], $0x2800  }
0x45: {  	_ =	swait.ge [sflag:s10], $0x2800  }
0x46: {  	[sflag:s10] =	ssyncset.done $0x0  }
0x47: {  	[sflag:s10] =	ssyncadd.s32 $0xFFFFD800  }
0x48: {  	[bflag:$0x0] =	sbarrier.arrive $0xFFFF  }
0x49: {  	s9 =	rddreg [dreg:$0x6]  }
0x4a: {  	s6 =	sadd.s32 $0x0, s9  }
0x4b: {  	[tilespmem:s4], [sflag:$0x9] =	stream.linear.gather [hbm4b:s6+s4], $0x1000, $0x38;
	[tilespmem:$0x1F900] =	vst v63  }
0x4c: {  	_ =	swait.ge [sflag:s10], $0x1000  }
0x4d: {  	s7 =	rddreg [dreg:$0x5];
	[sflag:s10] =	ssyncset.done $0x0  }
0x4e: {  	[sflag:s10] =	ssyncadd.s32 $0xFFFFF000;
	s6 =	sadd.s32 $0x0, s7  }
0x4f: {  	[tilespmem:s11], [sflag:$0x9] =	stream.linear.gather [hbm4b:s6+s4], $0x1000, $0x38;
	[tilespmem:$0x1F900] =	vst v63  }
0x50: {  	_ =	swait.ge [sflag:s10], $0x1000  }
0x51: {  	[sflag:s10] =	ssyncset.done $0x0  }
0x52: {  	[sflag:s10] =	ssyncadd.s32 $0xFFFFF000  }
0x53: {  	[tilespmem:s13], [sflag:$0x1] =	stream.indirect.gather [hbm4b:s1+s12], $0x80, s4, s12, $0xb8;
	[tilespmem:$0x1F900] =	vst v63  }
0x54: {  	s8 =	rddreg [dreg:$0x7]  }
0x55: {  	[tilespmem:s14], [sflag:$0x2] =	stream.indirect.gather [hbm4b:s1+s12], $0x80, s8, s12, $0xb8;
	[tilespmem:$0x1F900] =	vst v63  }
0x56: {  	s9 =	rddreg [dreg:$0x8]  }
0x57: {  	[tilespmem:s15], [sflag:$0x3] =	stream.indirect.gather [hbm4b:s1+s12], $0x80, s9, s12, $0xb8;
	[tilespmem:$0x1F900] =	vst v63  }
0x58: {  	_ =	swait.ge [sflag:s16], $0x2800  }
0x59: {  	[sflag:s16] =	ssyncset.done $0x0  }
0x5a: {  	[sflag:s16] =	ssyncadd.s32 $0xFFFFD800  }
0x5b: {  	[spmem:s3] =	stream.indirect.scatter.add.f32 [tilespmem:s13], [sflag:$0x5], $0x80, s11, s12, $0xb8;
	[tilespmem:$0x1F900] =	vst v63  }
0x5c: {  	s7 =	rddreg [dreg:$0x9]  }
0x5d: {  	[tilespmem:s17], [sflag:$0x4] =	stream.indirect.gather [hbm4b:s1+s12], $0x80, s7, s12, $0xb8;
	[tilespmem:$0x1F900] =	vst v63  }
0x5e: {  	_ =	swait.ge [sflag:s18], $0x2800  }
0x5f: {  	[sflag:s18] =	ssyncset.done $0x0  }
0x60: {  	s8 =	rddreg [dreg:$0xa];
	[sflag:s18] =	ssyncadd.s32 $0xFFFFD800  }
0x61: {  	[spmem:s3] =	stream.indirect.scatter.add.f32 [tilespmem:s14], [sflag:$0x6], $0x80, s8, s12, $0xb8;
	[tilespmem:$0x1F900] =	vst v63  }
0x62: {  	_ =	swait.ge [sflag:s19], $0x2800  }
0x63: {  	[sflag:s19] =	ssyncset.done $0x0  }
0x64: {  	s9 =	rddreg [dreg:$0xb];
	[sflag:s19] =	ssyncadd.s32 $0xFFFFD800  }
0x65: {  	[tilespmem:s13], [sflag:$0x1] =	stream.indirect.gather [hbm4b:s1+s12], $0x80, s9, s12, $0xb8;
	[tilespmem:$0x1F900] =	vst v63  }
0x66: {  	_ =	swait.ge [sflag:s20], $0x2800  }
0x67: {  	[sflag:s20] =	ssyncset.done $0x0  }
0x68: {  	s7 =	rddreg [dreg:$0xc];
	[sflag:s20] =	ssyncadd.s32 $0xFFFFD800  }
0x69: {  	[spmem:s3] =	stream.indirect.scatter.add.f32 [tilespmem:s15], [sflag:$0x7], $0x80, s7, s12, $0xb8;
	[tilespmem:$0x1F900] =	vst v63  }
0x6a: {  	_ =	swait.ge [sflag:s21], $0x2800  }
0x6b: {  	[sflag:s21] =	ssyncset.done $0x0  }
0x6c: {  	s8 =	rddreg [dreg:$0xd];
	[sflag:s21] =	ssyncadd.s32 $0xFFFFD800  }
0x6d: {  	[tilespmem:s14], [sflag:$0x2] =	stream.indirect.gather [hbm4b:s1+s12], $0x80, s8, s12, $0xb8;
	[tilespmem:$0x1F900] =	vst v63  }
0x6e: {  	_ =	swait.ge [sflag:s22], $0x2800  }
0x6f: {  	[sflag:s22] =	ssyncset.done $0x0  }
0x70: {  	s9 =	rddreg [dreg:$0xe];
	[sflag:s22] =	ssyncadd.s32 $0xFFFFD800  }
0x71: {  	[spmem:s3] =	stream.indirect.scatter.add.f32 [tilespmem:s17], [sflag:$0x8], $0x80, s9, s12, $0xb8;
	[tilespmem:$0x1F900] =	vst v63  }
0x72: {  	_ =	swait.ge [sflag:s23], $0x2800  }
0x73: {  	[sflag:s23] =	ssyncset.done $0x0  }
0x74: {  	s7 =	rddreg [dreg:$0xf];
	[sflag:s23] =	ssyncadd.s32 $0xFFFFD800  }
0x75: {  	[tilespmem:s15], [sflag:$0x3] =	stream.indirect.gather [hbm4b:s1+s12], $0x80, s7, s12, $0xb8;
	[tilespmem:$0x1F900] =	vst v63  }
0x76: {  	_ =	swait.ge [sflag:s16], $0x2800  }
0x77: {  	[sflag:s16] =	ssyncset.done $0x0  }
0x78: {  	s8 =	rddreg [dreg:$0x10];
	[sflag:s16] =	ssyncadd.s32 $0xFFFFD800  }
0x79: {  	[spmem:s3] =	stream.indirect.scatter.add.f32 [tilespmem:s13], [sflag:$0x5], $0x80, s8, s12, $0xb8;
	[tilespmem:$0x1F900] =	vst v63  }
0x7a: {  	_ =	swait.ge [sflag:s24], $0x2800  }
0x7b: {  	[sflag:s24] =	ssyncset.done $0x0  }
0x7c: {  	s9 =	rddreg [dreg:$0x11];
	[sflag:s24] =	ssyncadd.s32 $0xFFFFD800  }
0x7d: {  	[tilespmem:s17], [sflag:$0x4] =	stream.indirect.gather [hbm4b:s1+s12], $0x80, s9, s12, $0xb8;
	[tilespmem:$0x1F900] =	vst v63  }
0x7e: {  	_ =	swait.ge [sflag:s18], $0x2800  }
0x7f: {  	[sflag:s18] =	ssyncset.done $0x0  }
0x80: {  	s7 =	rddreg [dreg:$0x12];
	[sflag:s18] =	ssyncadd.s32 $0xFFFFD800  }
0x81: {  	[spmem:s3] =	stream.indirect.scatter.add.f32 [tilespmem:s14], [sflag:$0x6], $0x80, s7, s12, $0xb8;
	[tilespmem:$0x1F900] =	vst v63  }
0x82: {  	_ =	swait.ge [sflag:s19], $0x2800  }
0x83: {  	[sflag:s19] =	ssyncset.done $0x0  }
0x84: {  	s8 =	rddreg [dreg:$0x13];
	[sflag:s19] =	ssyncadd.s32 $0xFFFFD800  }
0x85: {  	[tilespmem:s13], [sflag:$0x1] =	stream.indirect.gather [hbm4b:s1+s12], $0x80, s8, s12, $0xb8;
	[tilespmem:$0x1F900] =	vst v63  }
0x86: {  	_ =	swait.ge [sflag:s20], $0x2800  }
0x87: {  	[sflag:s20] =	ssyncset.done $0x0  }
0x88: {  	s9 =	rddreg [dreg:$0x14];
	[sflag:s20] =	ssyncadd.s32 $0xFFFFD800  }
0x89: {  	[spmem:s3] =	stream.indirect.scatter.add.f32 [tilespmem:s15], [sflag:$0x7], $0x80, s9, s12, $0xb8;
	[tilespmem:$0x1F900] =	vst v63  }
0x8a: {  	_ =	swait.ge [sflag:s21], $0x2800  }
0x8b: {  	[sflag:s21] =	ssyncset.done $0x0  }
0x8c: {  	s7 =	rddreg [dreg:$0x15];
	[sflag:s21] =	ssyncadd.s32 $0xFFFFD800  }
0x8d: {  	[tilespmem:s14], [sflag:$0x2] =	stream.indirect.gather [hbm4b:s1+s12], $0x80, s7, s12, $0xb8;
	[tilespmem:$0x1F900] =	vst v63  }
0x8e: {  	_ =	swait.ge [sflag:s22], $0x2800  }
0x8f: {  	[sflag:s22] =	ssyncset.done $0x0  }
0x90: {  	s8 =	rddreg [dreg:$0x16];
	[sflag:s22] =	ssyncadd.s32 $0xFFFFD800  }
0x91: {  	[spmem:s3] =	stream.indirect.scatter.add.f32 [tilespmem:s17], [sflag:$0x8], $0x80, s8, s12, $0xb8;
	[tilespmem:$0x1F900] =	vst v63  }
0x92: {  	_ =	swait.ge [sflag:s23], $0x2800  }
0x93: {  	[sflag:s23] =	ssyncset.done $0x0  }
0x94: {  	s9 =	rddreg [dreg:$0x17];
	[sflag:s23] =	ssyncadd.s32 $0xFFFFD800  }
0x95: {  	[tilespmem:s15], [sflag:$0x3] =	stream.indirect.gather [hbm4b:s1+s12], $0x80, s9, s12, $0xb8;
	[tilespmem:$0x1F900] =	vst v63  }
0x96: {  	_ =	swait.ge [sflag:s16], $0x2800  }
0x97: {  	[sflag:s16] =	ssyncset.done $0x0  }
0x98: {  	s7 =	rddreg [dreg:$0x18];
	[sflag:s16] =	ssyncadd.s32 $0xFFFFD800  }
0x99: {  	[spmem:s3] =	stream.indirect.scatter.add.f32 [tilespmem:s13], [sflag:$0x5], $0x80, s7, s12, $0xb8;
	[tilespmem:$0x1F900] =	vst v63  }
0x9a: {  	_ =	swait.ge [sflag:s24], $0x2800  }
0x9b: {  	[sflag:s24] =	ssyncset.done $0x0  }
0x9c: {  	s8 =	rddreg [dreg:$0x19];
	[sflag:s24] =	ssyncadd.s32 $0xFFFFD800  }
0x9d: {  	[tilespmem:s17], [sflag:$0x4] =	stream.indirect.gather [hbm4b:s1+s12], $0x80, s8, s12, $0xb8;
	[tilespmem:$0x1F900] =	vst v63  }
0x9e: {  	_ =	swait.ge [sflag:s18], $0x2800  }
0x9f: {  	[sflag:s18] =	ssyncset.done $0x0  }
0xa0: {  	s9 =	rddreg [dreg:$0x1a];
	[sflag:s18] =	ssyncadd.s32 $0xFFFFD800  }
0xa1: {  	[spmem:s3] =	stream.indirect.scatter.add.f32 [tilespmem:s14], [sflag:$0x6], $0x80, s9, s12, $0xb8;
	[tilespmem:$0x1F900] =	vst v63  }
0xa2: {  	_ =	swait.ge [sflag:s19], $0x2800  }
0xa3: {  	[sflag:s19] =	ssyncset.done $0x0  }
0xa4: {  	s7 =	rddreg [dreg:$0x1b];
	[sflag:s19] =	ssyncadd.s32 $0xFFFFD800  }
0xa5: {  	[tilespmem:s13], [sflag:$0x1] =	stream.indirect.gather [hbm4b:s1+s12], $0x80, s7, s12, $0xb8;
	[tilespmem:$0x1F900] =	vst v63  }
0xa6: {  	_ =	swait.ge [sflag:s20], $0x2800  }
0xa7: {  	[sflag:s20] =	ssyncset.done $0x0  }
0xa8: {  	s8 =	rddreg [dreg:$0x1c];
	[sflag:s20] =	ssyncadd.s32 $0xFFFFD800  }
0xa9: {  	[spmem:s3] =	stream.indirect.scatter.add.f32 [tilespmem:s15], [sflag:$0x7], $0x80, s8, s12, $0xb8;
	[tilespmem:$0x1F900] =	vst v63  }
0xaa: {  	_ =	swait.ge [sflag:s21], $0x2800  }
0xab: {  	[sflag:s21] =	ssyncset.done $0x0  }
0xac: {  	s9 =	rddreg [dreg:$0x1d];
	[sflag:s21] =	ssyncadd.s32 $0xFFFFD800  }
0xad: {  	[tilespmem:s14], [sflag:$0x2] =	stream.indirect.gather [hbm4b:s1+s12], $0x80, s9, s12, $0xb8;
	[tilespmem:$0x1F900] =	vst v63  }
0xae: {  	_ =	swait.ge [sflag:s22], $0x2800  }
0xaf: {  	[sflag:s22] =	ssyncset.done $0x0  }
0xb0: {  	s7 =	rddreg [dreg:$0x1e];
	[sflag:s22] =	ssyncadd.s32 $0xFFFFD800  }
0xb1: {  	[spmem:s3] =	stream.indirect.scatter.add.f32 [tilespmem:s17], [sflag:$0x8], $0x80, s7, s12, $0xb8;
	[tilespmem:$0x1F900] =	vst v63  }
0xb2: {  	_ =	swait.ge [sflag:s23], $0x2800  }
0xb3: {  	[sflag:s23] =	ssyncset.done $0x0  }
0xb4: {  	s8 =	rddreg [dreg:$0x1f];
	[sflag:s23] =	ssyncadd.s32 $0xFFFFD800  }
0xb5: {  	[tilespmem:s15], [sflag:$0x3] =	stream.indirect.gather [hbm4b:s1+s12], $0x80, s8, s12, $0xb8;
	[tilespmem:$0x1F900] =	vst v63  }
0xb6: {  	_ =	swait.ge [sflag:s16], $0x2800  }
0xb7: {  	s9 =	sld [smem:$0x7DD]  }
0xb8: {  	[sflag:s16] =	ssyncset.done $0x0  }
0xb9: {  	[sflag:s16] =	ssyncadd.s32 $0xFFFFD800  }
0xba: {  	[spmem:s3] =	stream.indirect.scatter.add.f32 [tilespmem:s13], [sflag:$0x5], $0x80, s9, s12, $0xb8;
	[tilespmem:$0x1F900] =	vst v63  }
0xbb: {  	_ =	swait.ge [sflag:s24], $0x2800  }
0xbc: {  	s7 =	sld [smem:$0x7DE]  }
0xbd: {  	[sflag:s24] =	ssyncset.done $0x0  }
0xbe: {  	[sflag:s24] =	ssyncadd.s32 $0xFFFFD800  }
0xbf: {  	[tilespmem:s17], [sflag:$0x4] =	stream.indirect.gather [hbm4b:s1+s12], $0x80, s7, s12, $0xb8;
	[tilespmem:$0x1F900] =	vst v63  }
0xc0: {  	_ =	swait.ge [sflag:s18], $0x2800  }
0xc1: {  	s8 =	sld [smem:$0x7DF]  }
0xc2: {  	[sflag:s18] =	ssyncset.done $0x0  }
0xc3: {  	[sflag:s18] =	ssyncadd.s32 $0xFFFFD800  }
0xc4: {  	[spmem:s3] =	stream.indirect.scatter.add.f32 [tilespmem:s14], [sflag:$0x6], $0x80, s8, s12, $0xb8;
	[tilespmem:$0x1F900] =	vst v63  }
0xc5: {  	_ =	swait.ge [sflag:s19], $0x2800  }
0xc6: {  	s9 =	sld [smem:$0x7E0]  }
0xc7: {  	[sflag:s19] =	ssyncset.done $0x0  }
0xc8: {  	[sflag:s19] =	ssyncadd.s32 $0xFFFFD800  }
0xc9: {  	[tilespmem:s13], [sflag:$0x1] =	stream.indirect.gather [hbm4b:s1+s12], $0x80, s9, s12, $0xb8;
	[tilespmem:$0x1F900] =	vst v63  }
0xca: {  	_ =	swait.ge [sflag:s20], $0x2800  }
0xcb: {  	s7 =	sld [smem:$0x7E1]  }
0xcc: {  	[sflag:s20] =	ssyncset.done $0x0  }
0xcd: {  	[sflag:s20] =	ssyncadd.s32 $0xFFFFD800  }
0xce: {  	[spmem:s3] =	stream.indirect.scatter.add.f32 [tilespmem:s15], [sflag:$0x7], $0x80, s7, s12, $0xb8;
	[tilespmem:$0x1F900] =	vst v63  }
0xcf: {  	_ =	swait.ge [sflag:s21], $0x2800  }
0xd0: {  	s8 =	sld [smem:$0x7E2]  }
0xd1: {  	[sflag:s21] =	ssyncset.done $0x0  }
0xd2: {  	[sflag:s21] =	ssyncadd.s32 $0xFFFFD800  }
0xd3: {  	[tilespmem:s14], [sflag:$0x2] =	stream.indirect.gather [hbm4b:s1+s12], $0x80, s8, s12, $0xb8;
	[tilespmem:$0x1F900] =	vst v63  }
0xd4: {  	_ =	swait.ge [sflag:s22], $0x2800  }
0xd5: {  	s9 =	sld [smem:$0x7E3]  }
0xd6: {  	[sflag:s22] =	ssyncset.done $0x0  }
0xd7: {  	[sflag:s22] =	ssyncadd.s32 $0xFFFFD800  }
0xd8: {  	[spmem:s3] =	stream.indirect.scatter.add.f32 [tilespmem:s17], [sflag:$0x8], $0x80, s9, s12, $0xb8;
	[tilespmem:$0x1F900] =	vst v63  }
0xd9: {  	_ =	swait.ge [sflag:s23], $0x2800  }
0xda: {  	s7 =	sld [smem:$0x7E5]  }
0xdb: {  	[sflag:s23] =	ssyncset.done $0x0  }
0xdc: {  	[sflag:s23] =	ssyncadd.s32 $0xFFFFD800  }
0xdd: {  	[tilespmem:s15], [sflag:$0x3] =	stream.indirect.gather [hbm4b:s1+s12], $0x80, s7, s12, $0xb8;
	[tilespmem:$0x1F900] =	vst v63  }
0xde: {  	_ =	swait.ge [sflag:s16], $0x2800  }
0xdf: {  	s8 =	sld [smem:$0x7E6]  }
0xe0: {  	[sflag:s16] =	ssyncset.done $0x0  }
0xe1: {  	[sflag:s16] =	ssyncadd.s32 $0xFFFFD800  }
0xe2: {  	[spmem:s3] =	stream.indirect.scatter.add.f32 [tilespmem:s13], [sflag:$0x5], $0x80, s8, s12, $0xb8;
	[tilespmem:$0x1F900] =	vst v63  }
0xe3: {  	_ =	swait.ge [sflag:s24], $0x2800  }
0xe4: {  	s9 =	sld [smem:$0x7E7]  }
0xe5: {  	[sflag:s24] =	ssyncset.done $0x0  }
0xe6: {  	[sflag:s24] =	ssyncadd.s32 $0xFFFFD800  }
0xe7: {  	[tilespmem:s17], [sflag:$0x4] =	stream.indirect.gather [hbm4b:s1+s12], $0x80, s9, s12, $0xb8;
	[tilespmem:$0x1F900] =	vst v63  }
0xe8: {  	_ =	swait.ge [sflag:s18], $0x2800  }
0xe9: {  	s7 =	sld [smem:$0x7E9]  }
0xea: {  	[sflag:s18] =	ssyncset.done $0x0  }
0xeb: {  	[sflag:s18] =	ssyncadd.s32 $0xFFFFD800  }
0xec: {  	[spmem:s3] =	stream.indirect.scatter.add.f32 [tilespmem:s14], [sflag:$0x6], $0x80, s7, s12, $0xb8;
	[tilespmem:$0x1F900] =	vst v63  }
0xed: {  	_ =	swait.ge [sflag:s19], $0x2800  }
0xee: {  	s8 =	sld [smem:$0x7EB]  }
0xef: {  	[sflag:s19] =	ssyncset.done $0x0  }
0xf0: {  	[sflag:s19] =	ssyncadd.s32 $0xFFFFD800  }
0xf1: {  	[tilespmem:s13], [sflag:$0x1] =	stream.indirect.gather [hbm4b:s1+s12], $0x80, s8, s12, $0xb8;
	[tilespmem:$0x1F900] =	vst v63  }
0xf2: {  	_ =	swait.ge [sflag:s20], $0x2800  }
0xf3: {  	s9 =	sld [smem:$0x7EC]  }
0xf4: {  	[sflag:s20] =	ssyncset.done $0x0  }
0xf5: {  	[sflag:s20] =	ssyncadd.s32 $0xFFFFD800  }
0xf6: {  	[spmem:s3] =	stream.indirect.scatter.add.f32 [tilespmem:s15], [sflag:$0x7], $0x80, s9, s12, $0xb8;
	[tilespmem:$0x1F900] =	vst v63  }
0xf7: {  	_ =	swait.ge [sflag:s21], $0x2800  }
0xf8: {  	s7 =	sld [smem:$0x7ED]  }
0xf9: {  	[sflag:s21] =	ssyncset.done $0x0  }
0xfa: {  	[sflag:s21] =	ssyncadd.s32 $0xFFFFD800  }
0xfb: {  	[tilespmem:s14], [sflag:$0x2] =	stream.indirect.gather [hbm4b:s1+s12], $0x80, s7, s12, $0xb8;
	[tilespmem:$0x1F900] =	vst v63  }
0xfc: {  	_ =	swait.ge [sflag:s22], $0x2800  }
0xfd: {  	s8 =	sld [smem:$0x7EE]  }
0xfe: {  	[sflag:s22] =	ssyncset.done $0x0  }
0xff: {  	[sflag:s22] =	ssyncadd.s32 $0xFFFFD800  }
0x100: {  	[spmem:s3] =	stream.indirect.scatter.add.f32 [tilespmem:s17], [sflag:$0x8], $0x80, s8, s12, $0xb8;
	[tilespmem:$0x1F900] =	vst v63  }
0x101: {  	_ =	swait.ge [sflag:s23], $0x2800  }
0x102: {  	s9 =	sld [smem:$0x7EF]  }
0x103: {  	[sflag:s23] =	ssyncset.done $0x0  }
0x104: {  	[sflag:s23] =	ssyncadd.s32 $0xFFFFD800  }
0x105: {  	[tilespmem:s15], [sflag:$0x3] =	stream.indirect.gather [hbm4b:s1+s12], $0x80, s9, s12, $0xb8;
	[tilespmem:$0x1F900] =	vst v63  }
0x106: {  	_ =	swait.ge [sflag:s16], $0x2800  }
0x107: {  	s7 =	sld [smem:$0x7F0]  }
0x108: {  	[sflag:s16] =	ssyncset.done $0x0  }
0x109: {  	[sflag:s16] =	ssyncadd.s32 $0xFFFFD800  }
0x10a: {  	[spmem:s3] =	stream.indirect.scatter.add.f32 [tilespmem:s13], [sflag:$0x5], $0x80, s7, s12, $0xb8;
	[tilespmem:$0x1F900] =	vst v63  }
0x10b: {  	_ =	swait.ge [sflag:s24], $0x2800  }
0x10c: {  	s8 =	sld [smem:$0x7F1]  }
0x10d: {  	[sflag:s24] =	ssyncset.done $0x0  }
0x10e: {  	[sflag:s24] =	ssyncadd.s32 $0xFFFFD800  }
0x10f: {  	[tilespmem:s17], [sflag:$0x4] =	stream.indirect.gather [hbm4b:s1+s12], $0x80, s8, s12, $0xb8;
	[tilespmem:$0x1F900] =	vst v63  }
0x110: {  	_ =	swait.ge [sflag:s18], $0x2800  }
0x111: {  	s9 =	sld [smem:$0x7F2]  }
0x112: {  	[sflag:s18] =	ssyncset.done $0x0  }
0x113: {  	[sflag:s18] =	ssyncadd.s32 $0xFFFFD800  }
0x114: {  	[spmem:s3] =	stream.indirect.scatter.add.f32 [tilespmem:s14], [sflag:$0x6], $0x80, s9, s12, $0xb8;
	[tilespmem:$0x1F900] =	vst v63  }
0x115: {  	_ =	swait.ge [sflag:s19], $0x2800  }
0x116: {  	s7 =	sld [smem:$0x7F3]  }
0x117: {  	[sflag:s19] =	ssyncset.done $0x0  }
0x118: {  	[sflag:s19] =	ssyncadd.s32 $0xFFFFD800  }
0x119: {  	[tilespmem:s13], [sflag:$0x1] =	stream.indirect.gather [hbm4b:s1+s12], $0x80, s7, s12, $0xb8;
	[tilespmem:$0x1F900] =	vst v63  }
0x11a: {  	_ =	swait.ge [sflag:s20], $0x2800  }
0x11b: {  	s8 =	sld [smem:$0x7F4]  }
0x11c: {  	[sflag:s20] =	ssyncset.done $0x0  }
0x11d: {  	[sflag:s20] =	ssyncadd.s32 $0xFFFFD800  }
0x11e: {  	[spmem:s3] =	stream.indirect.scatter.add.f32 [tilespmem:s15], [sflag:$0x7], $0x80, s8, s12, $0xb8;
	[tilespmem:$0x1F900] =	vst v63  }
0x11f: {  	_ =	swait.ge [sflag:s21], $0x2800  }
0x120: {  	s9 =	sld [smem:$0x7F5]  }
0x121: {  	[sflag:s21] =	ssyncset.done $0x0  }
0x122: {  	[sflag:s21] =	ssyncadd.s32 $0xFFFFD800  }
0x123: {  	[tilespmem:s14], [sflag:$0x2] =	stream.indirect.gather [hbm4b:s1+s12], $0x80, s9, s12, $0xb8;
	[tilespmem:$0x1F900] =	vst v63  }
0x124: {  	_ =	swait.ge [sflag:s22], $0x2800  }
0x125: {  	s7 =	sld [smem:$0x7F6]  }
0x126: {  	[sflag:s22] =	ssyncset.done $0x0  }
0x127: {  	[sflag:s22] =	ssyncadd.s32 $0xFFFFD800  }
0x128: {  	[spmem:s3] =	stream.indirect.scatter.add.f32 [tilespmem:s17], [sflag:$0x8], $0x80, s7, s12, $0xb8;
	[tilespmem:$0x1F900] =	vst v63  }
0x129: {  	_ =	swait.ge [sflag:s23], $0x2800  }
0x12a: {  	s8 =	sld [smem:$0x7F7]  }
0x12b: {  	[sflag:s23] =	ssyncset.done $0x0  }
0x12c: {  	[sflag:s23] =	ssyncadd.s32 $0xFFFFD800  }
0x12d: {  	[tilespmem:s15], [sflag:$0x3] =	stream.indirect.gather [hbm4b:s1+s12], $0x80, s8, s12, $0xb8;
	[tilespmem:$0x1F900] =	vst v63  }
0x12e: {  	_ =	swait.ge [sflag:s16], $0x2800  }
0x12f: {  	s9 =	sld [smem:$0x7F8]  }
0x130: {  	[sflag:s16] =	ssyncset.done $0x0  }
0x131: {  	[sflag:s16] =	ssyncadd.s32 $0xFFFFD800  }
0x132: {  	[spmem:s3] =	stream.indirect.scatter.add.f32 [tilespmem:s13], [sflag:$0x5], $0x80, s9, s12, $0xb8;
	[tilespmem:$0x1F900] =	vst v63  }
0x133: {  	_ =	swait.ge [sflag:s24], $0x2800  }
0x134: {  	s7 =	sld [smem:$0x7F9]  }
0x135: {  	[sflag:s24] =	ssyncset.done $0x0  }
0x136: {  	[sflag:s24] =	ssyncadd.s32 $0xFFFFD800  }
0x137: {  	[tilespmem:s17], [sflag:$0x4] =	stream.indirect.gather [hbm4b:s1+s12], $0x80, s7, s12, $0xb8;
	[tilespmem:$0x1F900] =	vst v63  }
0x138: {  	_ =	swait.ge [sflag:s18], $0x2800  }
0x139: {  	s8 =	sld [smem:$0x7FA]  }
0x13a: {  	[sflag:s18] =	ssyncset.done $0x0  }
0x13b: {  	[sflag:s18] =	ssyncadd.s32 $0xFFFFD800  }
0x13c: {  	[spmem:s3] =	stream.indirect.scatter.add.f32 [tilespmem:s14], [sflag:$0x6], $0x80, s8, s12, $0xb8;
	[tilespmem:$0x1F900] =	vst v63  }
0x13d: {  	_ =	swait.ge [sflag:s19], $0x2800  }
0x13e: {  	s9 =	sld [smem:$0x7FB]  }
0x13f: {  	[sflag:s19] =	ssyncset.done $0x0  }
0x140: {  	[sflag:s19] =	ssyncadd.s32 $0xFFFFD800  }
0x141: {  	[tilespmem:s13], [sflag:$0x1] =	stream.indirect.gather [hbm4b:s1+s12], $0x80, s9, s12, $0xb8;
	[tilespmem:$0x1F900] =	vst v63  }
0x142: {  	_ =	swait.ge [sflag:s20], $0x2800  }
0x143: {  	[sflag:s20] =	ssyncset.done $0x0  }
0x144: {  	[sflag:s20] =	ssyncadd.s32 $0xFFFFD800  }
0x145: {  	[spmem:s3] =	stream.indirect.scatter.add.f32 [tilespmem:s15], [sflag:$0x7], $0x80, s25, s12, $0xb8;
	[tilespmem:$0x1F900] =	vst v63  }
0x146: {  	_ =	swait.ge [sflag:s21], $0x2800  }
0x147: {  	[sflag:s21] =	ssyncset.done $0x0  }
0x148: {  	[sflag:s21] =	ssyncadd.s32 $0xFFFFD800  }
0x149: {  	[tilespmem:s14], [sflag:$0x2] =	stream.indirect.gather [hbm4b:s1+s12], $0x80, s26, s12, $0xb8;
	[tilespmem:$0x1F900] =	vst v63  }
0x14a: {  	_ =	swait.ge [sflag:s22], $0x2800  }
0x14b: {  	[sflag:s22] =	ssyncset.done $0x0  }
0x14c: {  	[sflag:s22] =	ssyncadd.s32 $0xFFFFD800  }
0x14d: {  	[spmem:s3] =	stream.indirect.scatter.add.f32 [tilespmem:s17], [sflag:$0x8], $0x80, s28, s12, $0xb8;
	[tilespmem:$0x1F900] =	vst v63  }
0x14e: {  	_ =	swait.ge [sflag:s23], $0x2800  }
0x14f: {  	[sflag:s23] =	ssyncset.done $0x0  }
0x150: {  	[sflag:s23] =	ssyncadd.s32 $0xFFFFD800  }
0x151: {  	[tilespmem:s15], [sflag:$0x3] =	stream.indirect.gather [hbm4b:s1+s12], $0x80, s29, s12, $0xb8;
	[tilespmem:$0x1F900] =	vst v63  }
0x152: {  	_ =	swait.ge [sflag:s16], $0x2800  }
0x153: {  	[sflag:s16] =	ssyncset.done $0x0  }
0x154: {  	[sflag:s16] =	ssyncadd.s32 $0xFFFFD800  }
0x155: {  	[spmem:s3] =	stream.indirect.scatter.add.f32 [tilespmem:s13], [sflag:$0x5], $0x80, s30, s12, $0xb8;
	[tilespmem:$0x1F900] =	vst v63  }
0x156: {  	_ =	swait.ge [sflag:s24], $0x2800  }
0x157: {  	[sflag:s24] =	ssyncset.done $0x0  }
0x158: {  	[sflag:s24] =	ssyncadd.s32 $0xFFFFD800  }
0x159: {  	[tilespmem:s17], [sflag:$0x4] =	stream.indirect.gather [hbm4b:s1+s12], $0x80, s31, s12, $0xb8;
	[tilespmem:$0x1F900] =	vst v63  }
0x15a: {  	_ =	swait.ge [sflag:s18], $0x2800  }
0x15b: {  	[sflag:s18] =	ssyncset.done $0x0  }
0x15c: {  	[sflag:s18] =	ssyncadd.s32 $0xFFFFD800  }
0x15d: {  	[spmem:s3] =	stream.indirect.scatter.add.f32 [tilespmem:s14], [sflag:$0x6], $0x80, s0, s12, $0xb8;
	[tilespmem:$0x1F900] =	vst v63  }
0x15e: {  	_ =	swait.ge [sflag:s19], $0x2800  }
0x15f: {  	[sflag:s19] =	ssyncset.done $0x0  }
0x160: {  	[sflag:s19] =	ssyncadd.s32 $0xFFFFD800  }
0x161: {  	_ =	swait.ge [sflag:s20], $0x2800  }
0x162: {  	[sflag:s20] =	ssyncset.done $0x0  }
0x163: {  	[sflag:s20] =	ssyncadd.s32 $0xFFFFD800  }
0x164: {  	[spmem:s3] =	stream.indirect.scatter.add.f32 [tilespmem:s15], [sflag:$0x7], $0x80, s2, s12, $0xb8;
	[tilespmem:$0x1F900] =	vst v63  }
0x165: {  	_ =	swait.ge [sflag:s21], $0x2800  }
0x166: {  	[sflag:s21] =	ssyncset.done $0x0  }
0x167: {  	[sflag:s21] =	ssyncadd.s32 $0xFFFFD800  }
0x168: {  	_ =	swait.ge [sflag:s22], $0x2800  }
0x169: {  	[sflag:s22] =	ssyncset.done $0x0  }
0x16a: {  	[sflag:s22] =	ssyncadd.s32 $0xFFFFD800  }
0x16b: {  	[spmem:s3] =	stream.indirect.scatter.add.f32 [tilespmem:s17], [sflag:$0x8], $0x80, s5, s12, $0xb8;
	[tilespmem:$0x1F900] =	vst v63  }
0x16c: {  	_ =	swait.ge [sflag:s23], $0x2800  }
0x16d: {  	[sflag:s23] =	ssyncset.done $0x0  }
0x16e: {  	[sflag:s23] =	ssyncadd.s32 $0xFFFFD800  }
0x16f: {  	s6 =	simm.s32 $0x400;
	_ =	swait.ge [sflag:s24], $0x2800  }
0x170: {  	s8 =	simm.s32 $0x200;
	s9 =	rddreg [dreg:$0x6];
	[sflag:s24] =	ssyncset.done $0x0  }
.LBB2_2:
0x171: {  	[sflag:s24] =	ssyncadd.s32 $0xFFFFD800;
	s9 =	sadd.s32 s8, s9  }
0x172: {  	[tilespmem:s4], [sflag:$0x9] =	stream.linear.gather [hbm4b:s9+s4], $0x1000, $0x38;
	[tilespmem:$0x1F900] =	vst v63  }
0x173: {  	_ =	swait.ge [sflag:s10], $0x1000  }
0x174: {  	s9 =	rddreg [dreg:$0x5];
	[sflag:s10] =	ssyncset.done $0x0  }
0x175: {  	[sflag:s10] =	ssyncadd.s32 $0xFFFFF000;
	s9 =	sadd.s32 s8, s9  }
0x176: {  	[tilespmem:s11], [sflag:$0x9] =	stream.linear.gather [hbm4b:s9+s4], $0x1000, $0x38;
	[tilespmem:$0x1F900] =	vst v63  }
0x177: {  	_ =	swait.ge [sflag:s10], $0x1000  }
0x178: {  	[sflag:s10] =	ssyncset.done $0x0  }
0x179: {  	s7 =	smov.u32 s6;
	[sflag:s10] =	ssyncadd.s32 $0xFFFFF000  }
0x17a: {  	[tilespmem:s13], [sflag:$0x1] =	stream.indirect.gather [hbm4b:s1+s12], $0x80, s4, s12, $0xb8;
	[tilespmem:$0x1F900] =	vst v63  }
0x17b: {  	s8 =	smov.u32 s7;
	s7 =	rddreg [dreg:$0x7]  }
0x17c: {  	[tilespmem:s14], [sflag:$0x2] =	stream.indirect.gather [hbm4b:s1+s12], $0x80, s7, s12, $0xb8;
	[tilespmem:$0x1F900] =	vst v63  }
0x17d: {  	s9 =	rddreg [dreg:$0x8]  }
0x17e: {  	[tilespmem:s15], [sflag:$0x3] =	stream.indirect.gather [hbm4b:s1+s12], $0x80, s9, s12, $0xb8;
	[tilespmem:$0x1F900] =	vst v63  }
0x17f: {  	_ =	swait.ge [sflag:s16], $0x2800  }
0x180: {  	[sflag:s16] =	ssyncset.done $0x0  }
0x181: {  	[sflag:s16] =	ssyncadd.s32 $0xFFFFD800  }
0x182: {  	[spmem:s3] =	stream.indirect.scatter.add.f32 [tilespmem:s13], [sflag:$0x5], $0x80, s11, s12, $0xb8;
	[tilespmem:$0x1F900] =	vst v63  }
0x183: {  	s9 =	rddreg [dreg:$0x9]  }
0x184: {  	[tilespmem:s17], [sflag:$0x4] =	stream.indirect.gather [hbm4b:s1+s12], $0x80, s9, s12, $0xb8;
	[tilespmem:$0x1F900] =	vst v63  }
0x185: {  	_ =	swait.ge [sflag:s18], $0x2800  }
0x186: {  	[sflag:s18] =	ssyncset.done $0x0  }
0x187: {  	s9 =	rddreg [dreg:$0xa];
	[sflag:s18] =	ssyncadd.s32 $0xFFFFD800  }
0x188: {  	[spmem:s3] =	stream.indirect.scatter.add.f32 [tilespmem:s14], [sflag:$0x6], $0x80, s9, s12, $0xb8;
	[tilespmem:$0x1F900] =	vst v63  }
0x189: {  	_ =	swait.ge [sflag:s19], $0x2800  }
0x18a: {  	[sflag:s19] =	ssyncset.done $0x0  }
0x18b: {  	s9 =	rddreg [dreg:$0xb];
	[sflag:s19] =	ssyncadd.s32 $0xFFFFD800  }
0x18c: {  	[tilespmem:s13], [sflag:$0x1] =	stream.indirect.gather [hbm4b:s1+s12], $0x80, s9, s12, $0xb8;
	[tilespmem:$0x1F900] =	vst v63  }
0x18d: {  	_ =	swait.ge [sflag:s20], $0x2800  }
0x18e: {  	[sflag:s20] =	ssyncset.done $0x0  }
0x18f: {  	s9 =	rddreg [dreg:$0xc];
	[sflag:s20] =	ssyncadd.s32 $0xFFFFD800  }
0x190: {  	[spmem:s3] =	stream.indirect.scatter.add.f32 [tilespmem:s15], [sflag:$0x7], $0x80, s9, s12, $0xb8;
	[tilespmem:$0x1F900] =	vst v63  }
0x191: {  	_ =	swait.ge [sflag:s21], $0x2800  }
0x192: {  	[sflag:s21] =	ssyncset.done $0x0  }
0x193: {  	s9 =	rddreg [dreg:$0xd];
	[sflag:s21] =	ssyncadd.s32 $0xFFFFD800  }
0x194: {  	[tilespmem:s14], [sflag:$0x2] =	stream.indirect.gather [hbm4b:s1+s12], $0x80, s9, s12, $0xb8;
	[tilespmem:$0x1F900] =	vst v63  }
0x195: {  	_ =	swait.ge [sflag:s22], $0x2800  }
0x196: {  	[sflag:s22] =	ssyncset.done $0x0  }
0x197: {  	s9 =	rddreg [dreg:$0xe];
	[sflag:s22] =	ssyncadd.s32 $0xFFFFD800  }
0x198: {  	[spmem:s3] =	stream.indirect.scatter.add.f32 [tilespmem:s17], [sflag:$0x8], $0x80, s9, s12, $0xb8;
	[tilespmem:$0x1F900] =	vst v63  }
0x199: {  	_ =	swait.ge [sflag:s23], $0x2800  }
0x19a: {  	[sflag:s23] =	ssyncset.done $0x0  }
0x19b: {  	s9 =	rddreg [dreg:$0xf];
	[sflag:s23] =	ssyncadd.s32 $0xFFFFD800  }
0x19c: {  	[tilespmem:s15], [sflag:$0x3] =	stream.indirect.gather [hbm4b:s1+s12], $0x80, s9, s12, $0xb8;
	[tilespmem:$0x1F900] =	vst v63  }
0x19d: {  	_ =	swait.ge [sflag:s16], $0x2800  }
0x19e: {  	[sflag:s16] =	ssyncset.done $0x0  }
0x19f: {  	s9 =	rddreg [dreg:$0x10];
	[sflag:s16] =	ssyncadd.s32 $0xFFFFD800  }
0x1a0: {  	[spmem:s3] =	stream.indirect.scatter.add.f32 [tilespmem:s13], [sflag:$0x5], $0x80, s9, s12, $0xb8;
	[tilespmem:$0x1F900] =	vst v63  }
0x1a1: {  	_ =	swait.ge [sflag:s24], $0x2800  }
0x1a2: {  	[sflag:s24] =	ssyncset.done $0x0  }
0x1a3: {  	s9 =	rddreg [dreg:$0x11];
	[sflag:s24] =	ssyncadd.s32 $0xFFFFD800  }
0x1a4: {  	[tilespmem:s17], [sflag:$0x4] =	stream.indirect.gather [hbm4b:s1+s12], $0x80, s9, s12, $0xb8;
	[tilespmem:$0x1F900] =	vst v63  }
0x1a5: {  	_ =	swait.ge [sflag:s18], $0x2800  }
0x1a6: {  	[sflag:s18] =	ssyncset.done $0x0  }
0x1a7: {  	s9 =	rddreg [dreg:$0x12];
	[sflag:s18] =	ssyncadd.s32 $0xFFFFD800  }
0x1a8: {  	[spmem:s3] =	stream.indirect.scatter.add.f32 [tilespmem:s14], [sflag:$0x6], $0x80, s9, s12, $0xb8;
	[tilespmem:$0x1F900] =	vst v63  }
0x1a9: {  	_ =	swait.ge [sflag:s19], $0x2800  }
0x1aa: {  	[sflag:s19] =	ssyncset.done $0x0  }
0x1ab: {  	s9 =	rddreg [dreg:$0x13];
	[sflag:s19] =	ssyncadd.s32 $0xFFFFD800  }
0x1ac: {  	[tilespmem:s13], [sflag:$0x1] =	stream.indirect.gather [hbm4b:s1+s12], $0x80, s9, s12, $0xb8;
	[tilespmem:$0x1F900] =	vst v63  }
0x1ad: {  	_ =	swait.ge [sflag:s20], $0x2800  }
0x1ae: {  	[sflag:s20] =	ssyncset.done $0x0  }
0x1af: {  	s9 =	rddreg [dreg:$0x14];
	[sflag:s20] =	ssyncadd.s32 $0xFFFFD800  }
0x1b0: {  	[spmem:s3] =	stream.indirect.scatter.add.f32 [tilespmem:s15], [sflag:$0x7], $0x80, s9, s12, $0xb8;
	[tilespmem:$0x1F900] =	vst v63  }
0x1b1: {  	_ =	swait.ge [sflag:s21], $0x2800  }
0x1b2: {  	[sflag:s21] =	ssyncset.done $0x0  }
0x1b3: {  	s9 =	rddreg [dreg:$0x15];
	[sflag:s21] =	ssyncadd.s32 $0xFFFFD800  }
0x1b4: {  	[tilespmem:s14], [sflag:$0x2] =	stream.indirect.gather [hbm4b:s1+s12], $0x80, s9, s12, $0xb8;
	[tilespmem:$0x1F900] =	vst v63  }
0x1b5: {  	_ =	swait.ge [sflag:s22], $0x2800  }
0x1b6: {  	[sflag:s22] =	ssyncset.done $0x0  }
0x1b7: {  	s9 =	rddreg [dreg:$0x16];
	[sflag:s22] =	ssyncadd.s32 $0xFFFFD800  }
0x1b8: {  	[spmem:s3] =	stream.indirect.scatter.add.f32 [tilespmem:s17], [sflag:$0x8], $0x80, s9, s12, $0xb8;
	[tilespmem:$0x1F900] =	vst v63  }
0x1b9: {  	_ =	swait.ge [sflag:s23], $0x2800  }
0x1ba: {  	[sflag:s23] =	ssyncset.done $0x0  }
0x1bb: {  	s9 =	rddreg [dreg:$0x17];
	[sflag:s23] =	ssyncadd.s32 $0xFFFFD800  }
0x1bc: {  	[tilespmem:s15], [sflag:$0x3] =	stream.indirect.gather [hbm4b:s1+s12], $0x80, s9, s12, $0xb8;
	[tilespmem:$0x1F900] =	vst v63  }
0x1bd: {  	_ =	swait.ge [sflag:s16], $0x2800  }
0x1be: {  	[sflag:s16] =	ssyncset.done $0x0  }
0x1bf: {  	s9 =	rddreg [dreg:$0x18];
	[sflag:s16] =	ssyncadd.s32 $0xFFFFD800  }
0x1c0: {  	[spmem:s3] =	stream.indirect.scatter.add.f32 [tilespmem:s13], [sflag:$0x5], $0x80, s9, s12, $0xb8;
	[tilespmem:$0x1F900] =	vst v63  }
0x1c1: {  	_ =	swait.ge [sflag:s24], $0x2800  }
0x1c2: {  	[sflag:s24] =	ssyncset.done $0x0  }
0x1c3: {  	s9 =	rddreg [dreg:$0x19];
	[sflag:s24] =	ssyncadd.s32 $0xFFFFD800  }
0x1c4: {  	[tilespmem:s17], [sflag:$0x4] =	stream.indirect.gather [hbm4b:s1+s12], $0x80, s9, s12, $0xb8;
	[tilespmem:$0x1F900] =	vst v63  }
0x1c5: {  	_ =	swait.ge [sflag:s18], $0x2800  }
0x1c6: {  	[sflag:s18] =	ssyncset.done $0x0  }
0x1c7: {  	s9 =	rddreg [dreg:$0x1a];
	[sflag:s18] =	ssyncadd.s32 $0xFFFFD800  }
0x1c8: {  	[spmem:s3] =	stream.indirect.scatter.add.f32 [tilespmem:s14], [sflag:$0x6], $0x80, s9, s12, $0xb8;
	[tilespmem:$0x1F900] =	vst v63  }
0x1c9: {  	_ =	swait.ge [sflag:s19], $0x2800  }
0x1ca: {  	[sflag:s19] =	ssyncset.done $0x0  }
0x1cb: {  	s9 =	rddreg [dreg:$0x1b];
	[sflag:s19] =	ssyncadd.s32 $0xFFFFD800  }
0x1cc: {  	[tilespmem:s13], [sflag:$0x1] =	stream.indirect.gather [hbm4b:s1+s12], $0x80, s9, s12, $0xb8;
	[tilespmem:$0x1F900] =	vst v63  }
0x1cd: {  	_ =	swait.ge [sflag:s20], $0x2800  }
0x1ce: {  	[sflag:s20] =	ssyncset.done $0x0  }
0x1cf: {  	s9 =	rddreg [dreg:$0x1c];
	[sflag:s20] =	ssyncadd.s32 $0xFFFFD800  }
0x1d0: {  	[spmem:s3] =	stream.indirect.scatter.add.f32 [tilespmem:s15], [sflag:$0x7], $0x80, s9, s12, $0xb8;
	[tilespmem:$0x1F900] =	vst v63  }
0x1d1: {  	_ =	swait.ge [sflag:s21], $0x2800  }
0x1d2: {  	[sflag:s21] =	ssyncset.done $0x0  }
0x1d3: {  	s9 =	rddreg [dreg:$0x1d];
	[sflag:s21] =	ssyncadd.s32 $0xFFFFD800  }
0x1d4: {  	[tilespmem:s14], [sflag:$0x2] =	stream.indirect.gather [hbm4b:s1+s12], $0x80, s9, s12, $0xb8;
	[tilespmem:$0x1F900] =	vst v63  }
0x1d5: {  	_ =	swait.ge [sflag:s22], $0x2800  }
0x1d6: {  	[sflag:s22] =	ssyncset.done $0x0  }
0x1d7: {  	s9 =	rddreg [dreg:$0x1e];
	[sflag:s22] =	ssyncadd.s32 $0xFFFFD800  }
0x1d8: {  	[spmem:s3] =	stream.indirect.scatter.add.f32 [tilespmem:s17], [sflag:$0x8], $0x80, s9, s12, $0xb8;
	[tilespmem:$0x1F900] =	vst v63  }
0x1d9: {  	_ =	swait.ge [sflag:s23], $0x2800  }
0x1da: {  	[sflag:s23] =	ssyncset.done $0x0  }
0x1db: {  	s9 =	rddreg [dreg:$0x1f];
	[sflag:s23] =	ssyncadd.s32 $0xFFFFD800  }
0x1dc: {  	[tilespmem:s15], [sflag:$0x3] =	stream.indirect.gather [hbm4b:s1+s12], $0x80, s9, s12, $0xb8;
	[tilespmem:$0x1F900] =	vst v63  }
0x1dd: {  	_ =	swait.ge [sflag:s16], $0x2800  }
0x1de: {  	s9 =	sld [smem:$0x7DD]  }
0x1df: {  	[sflag:s16] =	ssyncset.done $0x0  }
0x1e0: {  	[sflag:s16] =	ssyncadd.s32 $0xFFFFD800  }
0x1e1: {  	[spmem:s3] =	stream.indirect.scatter.add.f32 [tilespmem:s13], [sflag:$0x5], $0x80, s9, s12, $0xb8;
	[tilespmem:$0x1F900] =	vst v63  }
0x1e2: {  	_ =	swait.ge [sflag:s24], $0x2800  }
0x1e3: {  	s9 =	sld [smem:$0x7DE]  }
0x1e4: {  	[sflag:s24] =	ssyncset.done $0x0  }
0x1e5: {  	[sflag:s24] =	ssyncadd.s32 $0xFFFFD800  }
0x1e6: {  	[tilespmem:s17], [sflag:$0x4] =	stream.indirect.gather [hbm4b:s1+s12], $0x80, s9, s12, $0xb8;
	[tilespmem:$0x1F900] =	vst v63  }
0x1e7: {  	_ =	swait.ge [sflag:s18], $0x2800  }
0x1e8: {  	s9 =	sld [smem:$0x7DF]  }
0x1e9: {  	[sflag:s18] =	ssyncset.done $0x0  }
0x1ea: {  	[sflag:s18] =	ssyncadd.s32 $0xFFFFD800  }
0x1eb: {  	[spmem:s3] =	stream.indirect.scatter.add.f32 [tilespmem:s14], [sflag:$0x6], $0x80, s9, s12, $0xb8;
	[tilespmem:$0x1F900] =	vst v63  }
0x1ec: {  	_ =	swait.ge [sflag:s19], $0x2800  }
0x1ed: {  	s9 =	sld [smem:$0x7E0]  }
0x1ee: {  	[sflag:s19] =	ssyncset.done $0x0  }
0x1ef: {  	[sflag:s19] =	ssyncadd.s32 $0xFFFFD800  }
0x1f0: {  	[tilespmem:s13], [sflag:$0x1] =	stream.indirect.gather [hbm4b:s1+s12], $0x80, s9, s12, $0xb8;
	[tilespmem:$0x1F900] =	vst v63  }
0x1f1: {  	_ =	swait.ge [sflag:s20], $0x2800  }
0x1f2: {  	s9 =	sld [smem:$0x7E1]  }
0x1f3: {  	[sflag:s20] =	ssyncset.done $0x0  }
0x1f4: {  	[sflag:s20] =	ssyncadd.s32 $0xFFFFD800  }
0x1f5: {  	[spmem:s3] =	stream.indirect.scatter.add.f32 [tilespmem:s15], [sflag:$0x7], $0x80, s9, s12, $0xb8;
	[tilespmem:$0x1F900] =	vst v63  }
0x1f6: {  	_ =	swait.ge [sflag:s21], $0x2800  }
0x1f7: {  	s9 =	sld [smem:$0x7E2]  }
0x1f8: {  	[sflag:s21] =	ssyncset.done $0x0  }
0x1f9: {  	[sflag:s21] =	ssyncadd.s32 $0xFFFFD800  }
0x1fa: {  	[tilespmem:s14], [sflag:$0x2] =	stream.indirect.gather [hbm4b:s1+s12], $0x80, s9, s12, $0xb8;
	[tilespmem:$0x1F900] =	vst v63  }
0x1fb: {  	_ =	swait.ge [sflag:s22], $0x2800  }
0x1fc: {  	s9 =	sld [smem:$0x7E3]  }
0x1fd: {  	[sflag:s22] =	ssyncset.done $0x0  }
0x1fe: {  	[sflag:s22] =	ssyncadd.s32 $0xFFFFD800  }
0x1ff: {  	[spmem:s3] =	stream.indirect.scatter.add.f32 [tilespmem:s17], [sflag:$0x8], $0x80, s9, s12, $0xb8;
	[tilespmem:$0x1F900] =	vst v63  }
0x200: {  	_ =	swait.ge [sflag:s23], $0x2800  }
0x201: {  	s9 =	sld [smem:$0x7E5]  }
0x202: {  	[sflag:s23] =	ssyncset.done $0x0  }
0x203: {  	[sflag:s23] =	ssyncadd.s32 $0xFFFFD800  }
0x204: {  	[tilespmem:s15], [sflag:$0x3] =	stream.indirect.gather [hbm4b:s1+s12], $0x80, s9, s12, $0xb8;
	[tilespmem:$0x1F900] =	vst v63  }
0x205: {  	_ =	swait.ge [sflag:s16], $0x2800  }
0x206: {  	s9 =	sld [smem:$0x7E6]  }
0x207: {  	[sflag:s16] =	ssyncset.done $0x0  }
0x208: {  	[sflag:s16] =	ssyncadd.s32 $0xFFFFD800  }
0x209: {  	[spmem:s3] =	stream.indirect.scatter.add.f32 [tilespmem:s13], [sflag:$0x5], $0x80, s9, s12, $0xb8;
	[tilespmem:$0x1F900] =	vst v63  }
0x20a: {  	_ =	swait.ge [sflag:s24], $0x2800  }
0x20b: {  	s9 =	sld [smem:$0x7E7]  }
0x20c: {  	[sflag:s24] =	ssyncset.done $0x0  }
0x20d: {  	[sflag:s24] =	ssyncadd.s32 $0xFFFFD800  }
0x20e: {  	[tilespmem:s17], [sflag:$0x4] =	stream.indirect.gather [hbm4b:s1+s12], $0x80, s9, s12, $0xb8;
	[tilespmem:$0x1F900] =	vst v63  }
0x20f: {  	_ =	swait.ge [sflag:s18], $0x2800  }
0x210: {  	s9 =	sld [smem:$0x7E9]  }
0x211: {  	[sflag:s18] =	ssyncset.done $0x0  }
0x212: {  	[sflag:s18] =	ssyncadd.s32 $0xFFFFD800  }
0x213: {  	[spmem:s3] =	stream.indirect.scatter.add.f32 [tilespmem:s14], [sflag:$0x6], $0x80, s9, s12, $0xb8;
	[tilespmem:$0x1F900] =	vst v63  }
0x214: {  	_ =	swait.ge [sflag:s19], $0x2800  }
0x215: {  	s9 =	sld [smem:$0x7EB]  }
0x216: {  	[sflag:s19] =	ssyncset.done $0x0  }
0x217: {  	[sflag:s19] =	ssyncadd.s32 $0xFFFFD800  }
0x218: {  	[tilespmem:s13], [sflag:$0x1] =	stream.indirect.gather [hbm4b:s1+s12], $0x80, s9, s12, $0xb8;
	[tilespmem:$0x1F900] =	vst v63  }
0x219: {  	_ =	swait.ge [sflag:s20], $0x2800  }
0x21a: {  	s9 =	sld [smem:$0x7EC]  }
0x21b: {  	[sflag:s20] =	ssyncset.done $0x0  }
0x21c: {  	[sflag:s20] =	ssyncadd.s32 $0xFFFFD800  }
0x21d: {  	[spmem:s3] =	stream.indirect.scatter.add.f32 [tilespmem:s15], [sflag:$0x7], $0x80, s9, s12, $0xb8;
	[tilespmem:$0x1F900] =	vst v63  }
0x21e: {  	_ =	swait.ge [sflag:s21], $0x2800  }
0x21f: {  	s9 =	sld [smem:$0x7ED]  }
0x220: {  	[sflag:s21] =	ssyncset.done $0x0  }
0x221: {  	[sflag:s21] =	ssyncadd.s32 $0xFFFFD800  }
0x222: {  	[tilespmem:s14], [sflag:$0x2] =	stream.indirect.gather [hbm4b:s1+s12], $0x80, s9, s12, $0xb8;
	[tilespmem:$0x1F900] =	vst v63  }
0x223: {  	_ =	swait.ge [sflag:s22], $0x2800  }
0x224: {  	s9 =	sld [smem:$0x7EE]  }
0x225: {  	[sflag:s22] =	ssyncset.done $0x0  }
0x226: {  	[sflag:s22] =	ssyncadd.s32 $0xFFFFD800  }
0x227: {  	[spmem:s3] =	stream.indirect.scatter.add.f32 [tilespmem:s17], [sflag:$0x8], $0x80, s9, s12, $0xb8;
	[tilespmem:$0x1F900] =	vst v63  }
0x228: {  	_ =	swait.ge [sflag:s23], $0x2800  }
0x229: {  	s9 =	sld [smem:$0x7EF]  }
0x22a: {  	[sflag:s23] =	ssyncset.done $0x0  }
0x22b: {  	[sflag:s23] =	ssyncadd.s32 $0xFFFFD800  }
0x22c: {  	[tilespmem:s15], [sflag:$0x3] =	stream.indirect.gather [hbm4b:s1+s12], $0x80, s9, s12, $0xb8;
	[tilespmem:$0x1F900] =	vst v63  }
0x22d: {  	_ =	swait.ge [sflag:s16], $0x2800  }
0x22e: {  	s9 =	sld [smem:$0x7F0]  }
0x22f: {  	[sflag:s16] =	ssyncset.done $0x0  }
0x230: {  	[sflag:s16] =	ssyncadd.s32 $0xFFFFD800  }
0x231: {  	[spmem:s3] =	stream.indirect.scatter.add.f32 [tilespmem:s13], [sflag:$0x5], $0x80, s9, s12, $0xb8;
	[tilespmem:$0x1F900] =	vst v63  }
0x232: {  	_ =	swait.ge [sflag:s24], $0x2800  }
0x233: {  	s9 =	sld [smem:$0x7F1]  }
0x234: {  	[sflag:s24] =	ssyncset.done $0x0  }
0x235: {  	[sflag:s24] =	ssyncadd.s32 $0xFFFFD800  }
0x236: {  	[tilespmem:s17], [sflag:$0x4] =	stream.indirect.gather [hbm4b:s1+s12], $0x80, s9, s12, $0xb8;
	[tilespmem:$0x1F900] =	vst v63  }
0x237: {  	_ =	swait.ge [sflag:s18], $0x2800  }
0x238: {  	s9 =	sld [smem:$0x7F2]  }
0x239: {  	[sflag:s18] =	ssyncset.done $0x0  }
0x23a: {  	[sflag:s18] =	ssyncadd.s32 $0xFFFFD800  }
0x23b: {  	[spmem:s3] =	stream.indirect.scatter.add.f32 [tilespmem:s14], [sflag:$0x6], $0x80, s9, s12, $0xb8;
	[tilespmem:$0x1F900] =	vst v63  }
0x23c: {  	_ =	swait.ge [sflag:s19], $0x2800  }
0x23d: {  	s9 =	sld [smem:$0x7F3]  }
0x23e: {  	[sflag:s19] =	ssyncset.done $0x0  }
0x23f: {  	[sflag:s19] =	ssyncadd.s32 $0xFFFFD800  }
0x240: {  	[tilespmem:s13], [sflag:$0x1] =	stream.indirect.gather [hbm4b:s1+s12], $0x80, s9, s12, $0xb8;
	[tilespmem:$0x1F900] =	vst v63  }
0x241: {  	_ =	swait.ge [sflag:s20], $0x2800  }
0x242: {  	s9 =	sld [smem:$0x7F4]  }
0x243: {  	[sflag:s20] =	ssyncset.done $0x0  }
0x244: {  	[sflag:s20] =	ssyncadd.s32 $0xFFFFD800  }
0x245: {  	[spmem:s3] =	stream.indirect.scatter.add.f32 [tilespmem:s15], [sflag:$0x7], $0x80, s9, s12, $0xb8;
	[tilespmem:$0x1F900] =	vst v63  }
0x246: {  	_ =	swait.ge [sflag:s21], $0x2800  }
0x247: {  	s9 =	sld [smem:$0x7F5]  }
0x248: {  	[sflag:s21] =	ssyncset.done $0x0  }
0x249: {  	[sflag:s21] =	ssyncadd.s32 $0xFFFFD800  }
0x24a: {  	[tilespmem:s14], [sflag:$0x2] =	stream.indirect.gather [hbm4b:s1+s12], $0x80, s9, s12, $0xb8;
	[tilespmem:$0x1F900] =	vst v63  }
0x24b: {  	_ =	swait.ge [sflag:s22], $0x2800  }
0x24c: {  	s9 =	sld [smem:$0x7F6]  }
0x24d: {  	[sflag:s22] =	ssyncset.done $0x0  }
0x24e: {  	[sflag:s22] =	ssyncadd.s32 $0xFFFFD800  }
0x24f: {  	[spmem:s3] =	stream.indirect.scatter.add.f32 [tilespmem:s17], [sflag:$0x8], $0x80, s9, s12, $0xb8;
	[tilespmem:$0x1F900] =	vst v63  }
0x250: {  	_ =	swait.ge [sflag:s23], $0x2800  }
0x251: {  	s9 =	sld [smem:$0x7F7]  }
0x252: {  	[sflag:s23] =	ssyncset.done $0x0  }
0x253: {  	[sflag:s23] =	ssyncadd.s32 $0xFFFFD800  }
0x254: {  	[tilespmem:s15], [sflag:$0x3] =	stream.indirect.gather [hbm4b:s1+s12], $0x80, s9, s12, $0xb8;
	[tilespmem:$0x1F900] =	vst v63  }
0x255: {  	_ =	swait.ge [sflag:s16], $0x2800  }
0x256: {  	s9 =	sld [smem:$0x7F8]  }
0x257: {  	[sflag:s16] =	ssyncset.done $0x0  }
0x258: {  	[sflag:s16] =	ssyncadd.s32 $0xFFFFD800  }
0x259: {  	[spmem:s3] =	stream.indirect.scatter.add.f32 [tilespmem:s13], [sflag:$0x5], $0x80, s9, s12, $0xb8;
	[tilespmem:$0x1F900] =	vst v63  }
0x25a: {  	_ =	swait.ge [sflag:s24], $0x2800  }
0x25b: {  	s9 =	sld [smem:$0x7F9]  }
0x25c: {  	[sflag:s24] =	ssyncset.done $0x0  }
0x25d: {  	[sflag:s24] =	ssyncadd.s32 $0xFFFFD800  }
0x25e: {  	[tilespmem:s17], [sflag:$0x4] =	stream.indirect.gather [hbm4b:s1+s12], $0x80, s9, s12, $0xb8;
	[tilespmem:$0x1F900] =	vst v63  }
0x25f: {  	_ =	swait.ge [sflag:s18], $0x2800  }
0x260: {  	s9 =	sld [smem:$0x7FA]  }
0x261: {  	[sflag:s18] =	ssyncset.done $0x0  }
0x262: {  	[sflag:s18] =	ssyncadd.s32 $0xFFFFD800  }
0x263: {  	[spmem:s3] =	stream.indirect.scatter.add.f32 [tilespmem:s14], [sflag:$0x6], $0x80, s9, s12, $0xb8;
	[tilespmem:$0x1F900] =	vst v63  }
0x264: {  	_ =	swait.ge [sflag:s19], $0x2800  }
0x265: {  	s9 =	sld [smem:$0x7FB]  }
0x266: {  	[sflag:s19] =	ssyncset.done $0x0  }
0x267: {  	[sflag:s19] =	ssyncadd.s32 $0xFFFFD800  }
0x268: {  	[tilespmem:s13], [sflag:$0x1] =	stream.indirect.gather [hbm4b:s1+s12], $0x80, s9, s12, $0xb8;
	[tilespmem:$0x1F900] =	vst v63  }
0x269: {  	_ =	swait.ge [sflag:s20], $0x2800  }
0x26a: {  	[sflag:s20] =	ssyncset.done $0x0  }
0x26b: {  	[sflag:s20] =	ssyncadd.s32 $0xFFFFD800  }
0x26c: {  	[spmem:s3] =	stream.indirect.scatter.add.f32 [tilespmem:s15], [sflag:$0x7], $0x80, s25, s12, $0xb8;
	[tilespmem:$0x1F900] =	vst v63  }
0x26d: {  	_ =	swait.ge [sflag:s21], $0x2800  }
0x26e: {  	[sflag:s21] =	ssyncset.done $0x0  }
0x26f: {  	[sflag:s21] =	ssyncadd.s32 $0xFFFFD800  }
0x270: {  	[tilespmem:s14], [sflag:$0x2] =	stream.indirect.gather [hbm4b:s1+s12], $0x80, s26, s12, $0xb8;
	[tilespmem:$0x1F900] =	vst v63  }
0x271: {  	_ =	swait.ge [sflag:s22], $0x2800  }
0x272: {  	[sflag:s22] =	ssyncset.done $0x0  }
0x273: {  	[sflag:s22] =	ssyncadd.s32 $0xFFFFD800  }
0x274: {  	[spmem:s3] =	stream.indirect.scatter.add.f32 [tilespmem:s17], [sflag:$0x8], $0x80, s28, s12, $0xb8;
	[tilespmem:$0x1F900] =	vst v63  }
0x275: {  	_ =	swait.ge [sflag:s23], $0x2800  }
0x276: {  	[sflag:s23] =	ssyncset.done $0x0  }
0x277: {  	[sflag:s23] =	ssyncadd.s32 $0xFFFFD800  }
0x278: {  	[tilespmem:s15], [sflag:$0x3] =	stream.indirect.gather [hbm4b:s1+s12], $0x80, s29, s12, $0xb8;
	[tilespmem:$0x1F900] =	vst v63  }
0x279: {  	_ =	swait.ge [sflag:s16], $0x2800  }
0x27a: {  	[sflag:s16] =	ssyncset.done $0x0  }
0x27b: {  	[sflag:s16] =	ssyncadd.s32 $0xFFFFD800  }
0x27c: {  	[spmem:s3] =	stream.indirect.scatter.add.f32 [tilespmem:s13], [sflag:$0x5], $0x80, s30, s12, $0xb8;
	[tilespmem:$0x1F900] =	vst v63  }
0x27d: {  	_ =	swait.ge [sflag:s24], $0x2800  }
0x27e: {  	[sflag:s24] =	ssyncset.done $0x0  }
0x27f: {  	[sflag:s24] =	ssyncadd.s32 $0xFFFFD800  }
0x280: {  	[tilespmem:s17], [sflag:$0x4] =	stream.indirect.gather [hbm4b:s1+s12], $0x80, s31, s12, $0xb8;
	[tilespmem:$0x1F900] =	vst v63  }
0x281: {  	_ =	swait.ge [sflag:s18], $0x2800  }
0x282: {  	[sflag:s18] =	ssyncset.done $0x0  }
0x283: {  	[sflag:s18] =	ssyncadd.s32 $0xFFFFD800  }
0x284: {  	[spmem:s3] =	stream.indirect.scatter.add.f32 [tilespmem:s14], [sflag:$0x6], $0x80, s0, s12, $0xb8;
	[tilespmem:$0x1F900] =	vst v63  }
0x285: {  	_ =	swait.ge [sflag:s19], $0x2800  }
0x286: {  	[sflag:s19] =	ssyncset.done $0x0  }
0x287: {  	[sflag:s19] =	ssyncadd.s32 $0xFFFFD800  }
0x288: {  	_ =	swait.ge [sflag:s20], $0x2800  }
0x289: {  	[sflag:s20] =	ssyncset.done $0x0  }
0x28a: {  	[sflag:s20] =	ssyncadd.s32 $0xFFFFD800  }
0x28b: {  	[spmem:s3] =	stream.indirect.scatter.add.f32 [tilespmem:s15], [sflag:$0x7], $0x80, s2, s12, $0xb8;
	[tilespmem:$0x1F900] =	vst v63  }
0x28c: {  	_ =	swait.ge [sflag:s21], $0x2800  }
0x28d: {  	[sflag:s21] =	ssyncset.done $0x0  }
0x28e: {  	[sflag:s21] =	ssyncadd.s32 $0xFFFFD800  }
0x28f: {  	_ =	swait.ge [sflag:s22], $0x2800  }
0x290: {  	[sflag:s22] =	ssyncset.done $0x0  }
0x291: {  	p0 =	sne.s32 s6, $0x600;
	[sflag:s22] =	ssyncadd.s32 $0xFFFFD800  }
0x292: {  	[spmem:s3] =	stream.indirect.scatter.add.f32 [tilespmem:s17], [sflag:$0x8], $0x80, s5, s12, $0xb8;
	[tilespmem:$0x1F900] =	vst v63  }
.Ltmp0:
0x293: {  	_ =	swait.ge [sflag:s23], $0x2800;
	(pc) =	sbr.rel @p0 .LBB2_2-.Ltmp0, $4  }
0x294: {  	[sflag:s23] =	ssyncset.done $0x0  }
0x295: {  	[sflag:s23] =	ssyncadd.s32 $0xFFFFD800  }
0x296: {  	_ =	swait.ge [sflag:s24], $0x2800  }
0x297: {  	s6 =	sadd.s32 $0x200, s6;
	s9 =	rddreg [dreg:$0x6];
	[sflag:s24] =	ssyncset.done $0x0  }
0x298: {  	[sflag:s24] =	ssyncadd.s32 $0xFFFFD800;
	s6 =	sadd.s32 s8, s9  }
0x299: {  	[tilespmem:s4], [sflag:$0x9] =	stream.linear.gather [hbm4b:s6+s4], $0x1000, $0x38;
	[tilespmem:$0x1F900] =	vst v63  }
0x29a: {  	_ =	swait.ge [sflag:s10], $0x1000  }
0x29b: {  	s7 =	rddreg [dreg:$0x5];
	[sflag:s10] =	ssyncset.done $0x0  }
0x29c: {  	[sflag:s10] =	ssyncadd.s32 $0xFFFFF000;
	s6 =	sadd.s32 s8, s7  }
0x29d: {  	[tilespmem:s11], [sflag:$0x9] =	stream.linear.gather [hbm4b:s6+s4], $0x1000, $0x38;
	[tilespmem:$0x1F900] =	vst v63  }
0x29e: {  	_ =	swait.ge [sflag:s10], $0x1000  }
0x29f: {  	[sflag:s10] =	ssyncset.done $0x0  }
0x2a0: {  	[sflag:s10] =	ssyncadd.s32 $0xFFFFF000  }
0x2a1: {  	[tilespmem:s13], [sflag:$0x1] =	stream.indirect.gather [hbm4b:s1+s12], $0x80, s4, s12, $0xb8;
	[tilespmem:$0x1F900] =	vst v63  }
0x2a2: {  	s8 =	rddreg [dreg:$0x7]  }
0x2a3: {  	[tilespmem:s14], [sflag:$0x2] =	stream.indirect.gather [hbm4b:s1+s12], $0x80, s8, s12, $0xb8;
	[tilespmem:$0x1F900] =	vst v63  }
0x2a4: {  	s7 =	rddreg [dreg:$0x8]  }
0x2a5: {  	[tilespmem:s15], [sflag:$0x3] =	stream.indirect.gather [hbm4b:s1+s12], $0x80, s7, s12, $0xb8;
	[tilespmem:$0x1F900] =	vst v63  }
0x2a6: {  	_ =	swait.ge [sflag:s16], $0x2800  }
0x2a7: {  	[sflag:s16] =	ssyncset.done $0x0  }
0x2a8: {  	[sflag:s16] =	ssyncadd.s32 $0xFFFFD800  }
0x2a9: {  	[spmem:s3] =	stream.indirect.scatter.add.f32 [tilespmem:s13], [sflag:$0x5], $0x80, s11, s12, $0xb8;
	[tilespmem:$0x1F900] =	vst v63  }
0x2aa: {  	s9 =	rddreg [dreg:$0x9]  }
0x2ab: {  	[tilespmem:s17], [sflag:$0x4] =	stream.indirect.gather [hbm4b:s1+s12], $0x80, s9, s12, $0xb8;
	[tilespmem:$0x1F900] =	vst v63  }
0x2ac: {  	_ =	swait.ge [sflag:s18], $0x2800  }
0x2ad: {  	[sflag:s18] =	ssyncset.done $0x0  }
0x2ae: {  	s7 =	rddreg [dreg:$0xa];
	[sflag:s18] =	ssyncadd.s32 $0xFFFFD800  }
0x2af: {  	[spmem:s3] =	stream.indirect.scatter.add.f32 [tilespmem:s14], [sflag:$0x6], $0x80, s7, s12, $0xb8;
	[tilespmem:$0x1F900] =	vst v63  }
0x2b0: {  	_ =	swait.ge [sflag:s19], $0x2800  }
0x2b1: {  	[sflag:s19] =	ssyncset.done $0x0  }
0x2b2: {  	s8 =	rddreg [dreg:$0xb];
	[sflag:s19] =	ssyncadd.s32 $0xFFFFD800  }
0x2b3: {  	[tilespmem:s13], [sflag:$0x1] =	stream.indirect.gather [hbm4b:s1+s12], $0x80, s8, s12, $0xb8;
	[tilespmem:$0x1F900] =	vst v63  }
0x2b4: {  	_ =	swait.ge [sflag:s20], $0x2800  }
0x2b5: {  	[sflag:s20] =	ssyncset.done $0x0  }
0x2b6: {  	s9 =	rddreg [dreg:$0xc];
	[sflag:s20] =	ssyncadd.s32 $0xFFFFD800  }
0x2b7: {  	[spmem:s3] =	stream.indirect.scatter.add.f32 [tilespmem:s15], [sflag:$0x7], $0x80, s9, s12, $0xb8;
	[tilespmem:$0x1F900] =	vst v63  }
0x2b8: {  	_ =	swait.ge [sflag:s21], $0x2800  }
0x2b9: {  	[sflag:s21] =	ssyncset.done $0x0  }
0x2ba: {  	s7 =	rddreg [dreg:$0xd];
	[sflag:s21] =	ssyncadd.s32 $0xFFFFD800  }
0x2bb: {  	[tilespmem:s14], [sflag:$0x2] =	stream.indirect.gather [hbm4b:s1+s12], $0x80, s7, s12, $0xb8;
	[tilespmem:$0x1F900] =	vst v63  }
0x2bc: {  	_ =	swait.ge [sflag:s22], $0x2800  }
0x2bd: {  	[sflag:s22] =	ssyncset.done $0x0  }
0x2be: {  	s8 =	rddreg [dreg:$0xe];
	[sflag:s22] =	ssyncadd.s32 $0xFFFFD800  }
0x2bf: {  	[spmem:s3] =	stream.indirect.scatter.add.f32 [tilespmem:s17], [sflag:$0x8], $0x80, s8, s12, $0xb8;
	[tilespmem:$0x1F900] =	vst v63  }
0x2c0: {  	_ =	swait.ge [sflag:s23], $0x2800  }
0x2c1: {  	[sflag:s23] =	ssyncset.done $0x0  }
0x2c2: {  	s9 =	rddreg [dreg:$0xf];
	[sflag:s23] =	ssyncadd.s32 $0xFFFFD800  }
0x2c3: {  	[tilespmem:s15], [sflag:$0x3] =	stream.indirect.gather [hbm4b:s1+s12], $0x80, s9, s12, $0xb8;
	[tilespmem:$0x1F900] =	vst v63  }
0x2c4: {  	_ =	swait.ge [sflag:s16], $0x2800  }
0x2c5: {  	[sflag:s16] =	ssyncset.done $0x0  }
0x2c6: {  	s7 =	rddreg [dreg:$0x10];
	[sflag:s16] =	ssyncadd.s32 $0xFFFFD800  }
0x2c7: {  	[spmem:s3] =	stream.indirect.scatter.add.f32 [tilespmem:s13], [sflag:$0x5], $0x80, s7, s12, $0xb8;
	[tilespmem:$0x1F900] =	vst v63  }
0x2c8: {  	_ =	swait.ge [sflag:s24], $0x2800  }
0x2c9: {  	[sflag:s24] =	ssyncset.done $0x0  }
0x2ca: {  	s8 =	rddreg [dreg:$0x11];
	[sflag:s24] =	ssyncadd.s32 $0xFFFFD800  }
0x2cb: {  	[tilespmem:s17], [sflag:$0x4] =	stream.indirect.gather [hbm4b:s1+s12], $0x80, s8, s12, $0xb8;
	[tilespmem:$0x1F900] =	vst v63  }
0x2cc: {  	_ =	swait.ge [sflag:s18], $0x2800  }
0x2cd: {  	[sflag:s18] =	ssyncset.done $0x0  }
0x2ce: {  	s9 =	rddreg [dreg:$0x12];
	[sflag:s18] =	ssyncadd.s32 $0xFFFFD800  }
0x2cf: {  	[spmem:s3] =	stream.indirect.scatter.add.f32 [tilespmem:s14], [sflag:$0x6], $0x80, s9, s12, $0xb8;
	[tilespmem:$0x1F900] =	vst v63  }
0x2d0: {  	_ =	swait.ge [sflag:s19], $0x2800  }
0x2d1: {  	[sflag:s19] =	ssyncset.done $0x0  }
0x2d2: {  	s7 =	rddreg [dreg:$0x13];
	[sflag:s19] =	ssyncadd.s32 $0xFFFFD800  }
0x2d3: {  	[tilespmem:s13], [sflag:$0x1] =	stream.indirect.gather [hbm4b:s1+s12], $0x80, s7, s12, $0xb8;
	[tilespmem:$0x1F900] =	vst v63  }
0x2d4: {  	_ =	swait.ge [sflag:s20], $0x2800  }
0x2d5: {  	[sflag:s20] =	ssyncset.done $0x0  }
0x2d6: {  	s8 =	rddreg [dreg:$0x14];
	[sflag:s20] =	ssyncadd.s32 $0xFFFFD800  }
0x2d7: {  	[spmem:s3] =	stream.indirect.scatter.add.f32 [tilespmem:s15], [sflag:$0x7], $0x80, s8, s12, $0xb8;
	[tilespmem:$0x1F900] =	vst v63  }
0x2d8: {  	_ =	swait.ge [sflag:s21], $0x2800  }
0x2d9: {  	[sflag:s21] =	ssyncset.done $0x0  }
0x2da: {  	s9 =	rddreg [dreg:$0x15];
	[sflag:s21] =	ssyncadd.s32 $0xFFFFD800  }
0x2db: {  	[tilespmem:s14], [sflag:$0x2] =	stream.indirect.gather [hbm4b:s1+s12], $0x80, s9, s12, $0xb8;
	[tilespmem:$0x1F900] =	vst v63  }
0x2dc: {  	_ =	swait.ge [sflag:s22], $0x2800  }
0x2dd: {  	[sflag:s22] =	ssyncset.done $0x0  }
0x2de: {  	s7 =	rddreg [dreg:$0x16];
	[sflag:s22] =	ssyncadd.s32 $0xFFFFD800  }
0x2df: {  	[spmem:s3] =	stream.indirect.scatter.add.f32 [tilespmem:s17], [sflag:$0x8], $0x80, s7, s12, $0xb8;
	[tilespmem:$0x1F900] =	vst v63  }
0x2e0: {  	_ =	swait.ge [sflag:s23], $0x2800  }
0x2e1: {  	[sflag:s23] =	ssyncset.done $0x0  }
0x2e2: {  	s8 =	rddreg [dreg:$0x17];
	[sflag:s23] =	ssyncadd.s32 $0xFFFFD800  }
0x2e3: {  	[tilespmem:s15], [sflag:$0x3] =	stream.indirect.gather [hbm4b:s1+s12], $0x80, s8, s12, $0xb8;
	[tilespmem:$0x1F900] =	vst v63  }
0x2e4: {  	_ =	swait.ge [sflag:s16], $0x2800  }
0x2e5: {  	[sflag:s16] =	ssyncset.done $0x0  }
0x2e6: {  	s9 =	rddreg [dreg:$0x18];
	[sflag:s16] =	ssyncadd.s32 $0xFFFFD800  }
0x2e7: {  	[spmem:s3] =	stream.indirect.scatter.add.f32 [tilespmem:s13], [sflag:$0x5], $0x80, s9, s12, $0xb8;
	[tilespmem:$0x1F900] =	vst v63  }
0x2e8: {  	_ =	swait.ge [sflag:s24], $0x2800  }
0x2e9: {  	[sflag:s24] =	ssyncset.done $0x0  }
0x2ea: {  	s7 =	rddreg [dreg:$0x19];
	[sflag:s24] =	ssyncadd.s32 $0xFFFFD800  }
0x2eb: {  	[tilespmem:s17], [sflag:$0x4] =	stream.indirect.gather [hbm4b:s1+s12], $0x80, s7, s12, $0xb8;
	[tilespmem:$0x1F900] =	vst v63  }
0x2ec: {  	_ =	swait.ge [sflag:s18], $0x2800  }
0x2ed: {  	[sflag:s18] =	ssyncset.done $0x0  }
0x2ee: {  	s8 =	rddreg [dreg:$0x1a];
	[sflag:s18] =	ssyncadd.s32 $0xFFFFD800  }
0x2ef: {  	[spmem:s3] =	stream.indirect.scatter.add.f32 [tilespmem:s14], [sflag:$0x6], $0x80, s8, s12, $0xb8;
	[tilespmem:$0x1F900] =	vst v63  }
0x2f0: {  	_ =	swait.ge [sflag:s19], $0x2800  }
0x2f1: {  	[sflag:s19] =	ssyncset.done $0x0  }
0x2f2: {  	s9 =	rddreg [dreg:$0x1b];
	[sflag:s19] =	ssyncadd.s32 $0xFFFFD800  }
0x2f3: {  	[tilespmem:s13], [sflag:$0x1] =	stream.indirect.gather [hbm4b:s1+s12], $0x80, s9, s12, $0xb8;
	[tilespmem:$0x1F900] =	vst v63  }
0x2f4: {  	_ =	swait.ge [sflag:s20], $0x2800  }
0x2f5: {  	[sflag:s20] =	ssyncset.done $0x0  }
0x2f6: {  	s7 =	rddreg [dreg:$0x1c];
	[sflag:s20] =	ssyncadd.s32 $0xFFFFD800  }
0x2f7: {  	[spmem:s3] =	stream.indirect.scatter.add.f32 [tilespmem:s15], [sflag:$0x7], $0x80, s7, s12, $0xb8;
	[tilespmem:$0x1F900] =	vst v63  }
0x2f8: {  	_ =	swait.ge [sflag:s21], $0x2800  }
0x2f9: {  	[sflag:s21] =	ssyncset.done $0x0  }
0x2fa: {  	s8 =	rddreg [dreg:$0x1d];
	[sflag:s21] =	ssyncadd.s32 $0xFFFFD800  }
0x2fb: {  	[tilespmem:s14], [sflag:$0x2] =	stream.indirect.gather [hbm4b:s1+s12], $0x80, s8, s12, $0xb8;
	[tilespmem:$0x1F900] =	vst v63  }
0x2fc: {  	_ =	swait.ge [sflag:s22], $0x2800  }
0x2fd: {  	[sflag:s22] =	ssyncset.done $0x0  }
0x2fe: {  	s9 =	rddreg [dreg:$0x1e];
	[sflag:s22] =	ssyncadd.s32 $0xFFFFD800  }
0x2ff: {  	[spmem:s3] =	stream.indirect.scatter.add.f32 [tilespmem:s17], [sflag:$0x8], $0x80, s9, s12, $0xb8;
	[tilespmem:$0x1F900] =	vst v63  }
0x300: {  	_ =	swait.ge [sflag:s23], $0x2800  }
0x301: {  	[sflag:s23] =	ssyncset.done $0x0  }
0x302: {  	s7 =	rddreg [dreg:$0x1f];
	[sflag:s23] =	ssyncadd.s32 $0xFFFFD800  }
0x303: {  	[tilespmem:s15], [sflag:$0x3] =	stream.indirect.gather [hbm4b:s1+s12], $0x80, s7, s12, $0xb8;
	[tilespmem:$0x1F900] =	vst v63  }
0x304: {  	_ =	swait.ge [sflag:s16], $0x2800  }
0x305: {  	s8 =	sld [smem:$0x7DD]  }
0x306: {  	[sflag:s16] =	ssyncset.done $0x0  }
0x307: {  	[sflag:s16] =	ssyncadd.s32 $0xFFFFD800  }
0x308: {  	[spmem:s3] =	stream.indirect.scatter.add.f32 [tilespmem:s13], [sflag:$0x5], $0x80, s8, s12, $0xb8;
	[tilespmem:$0x1F900] =	vst v63  }
0x309: {  	_ =	swait.ge [sflag:s24], $0x2800  }
0x30a: {  	s9 =	sld [smem:$0x7DE]  }
0x30b: {  	[sflag:s24] =	ssyncset.done $0x0  }
0x30c: {  	[sflag:s24] =	ssyncadd.s32 $0xFFFFD800  }
0x30d: {  	[tilespmem:s17], [sflag:$0x4] =	stream.indirect.gather [hbm4b:s1+s12], $0x80, s9, s12, $0xb8;
	[tilespmem:$0x1F900] =	vst v63  }
0x30e: {  	_ =	swait.ge [sflag:s18], $0x2800  }
0x30f: {  	s7 =	sld [smem:$0x7DF]  }
0x310: {  	[sflag:s18] =	ssyncset.done $0x0  }
0x311: {  	[sflag:s18] =	ssyncadd.s32 $0xFFFFD800  }
0x312: {  	[spmem:s3] =	stream.indirect.scatter.add.f32 [tilespmem:s14], [sflag:$0x6], $0x80, s7, s12, $0xb8;
	[tilespmem:$0x1F900] =	vst v63  }
0x313: {  	_ =	swait.ge [sflag:s19], $0x2800  }
0x314: {  	s8 =	sld [smem:$0x7E0]  }
0x315: {  	[sflag:s19] =	ssyncset.done $0x0  }
0x316: {  	[sflag:s19] =	ssyncadd.s32 $0xFFFFD800  }
0x317: {  	[tilespmem:s13], [sflag:$0x1] =	stream.indirect.gather [hbm4b:s1+s12], $0x80, s8, s12, $0xb8;
	[tilespmem:$0x1F900] =	vst v63  }
0x318: {  	_ =	swait.ge [sflag:s20], $0x2800  }
0x319: {  	s9 =	sld [smem:$0x7E1]  }
0x31a: {  	[sflag:s20] =	ssyncset.done $0x0  }
0x31b: {  	[sflag:s20] =	ssyncadd.s32 $0xFFFFD800  }
0x31c: {  	[spmem:s3] =	stream.indirect.scatter.add.f32 [tilespmem:s15], [sflag:$0x7], $0x80, s9, s12, $0xb8;
	[tilespmem:$0x1F900] =	vst v63  }
0x31d: {  	_ =	swait.ge [sflag:s21], $0x2800  }
0x31e: {  	s7 =	sld [smem:$0x7E2]  }
0x31f: {  	[sflag:s21] =	ssyncset.done $0x0  }
0x320: {  	[sflag:s21] =	ssyncadd.s32 $0xFFFFD800  }
0x321: {  	[tilespmem:s14], [sflag:$0x2] =	stream.indirect.gather [hbm4b:s1+s12], $0x80, s7, s12, $0xb8;
	[tilespmem:$0x1F900] =	vst v63  }
0x322: {  	_ =	swait.ge [sflag:s22], $0x2800  }
0x323: {  	s8 =	sld [smem:$0x7E3]  }
0x324: {  	[sflag:s22] =	ssyncset.done $0x0  }
0x325: {  	[sflag:s22] =	ssyncadd.s32 $0xFFFFD800  }
0x326: {  	[spmem:s3] =	stream.indirect.scatter.add.f32 [tilespmem:s17], [sflag:$0x8], $0x80, s8, s12, $0xb8;
	[tilespmem:$0x1F900] =	vst v63  }
0x327: {  	_ =	swait.ge [sflag:s23], $0x2800  }
0x328: {  	s9 =	sld [smem:$0x7E5]  }
0x329: {  	[sflag:s23] =	ssyncset.done $0x0  }
0x32a: {  	[sflag:s23] =	ssyncadd.s32 $0xFFFFD800  }
0x32b: {  	[tilespmem:s15], [sflag:$0x3] =	stream.indirect.gather [hbm4b:s1+s12], $0x80, s9, s12, $0xb8;
	[tilespmem:$0x1F900] =	vst v63  }
0x32c: {  	_ =	swait.ge [sflag:s16], $0x2800  }
0x32d: {  	s7 =	sld [smem:$0x7E6]  }
0x32e: {  	[sflag:s16] =	ssyncset.done $0x0  }
0x32f: {  	[sflag:s16] =	ssyncadd.s32 $0xFFFFD800  }
0x330: {  	[spmem:s3] =	stream.indirect.scatter.add.f32 [tilespmem:s13], [sflag:$0x5], $0x80, s7, s12, $0xb8;
	[tilespmem:$0x1F900] =	vst v63  }
0x331: {  	_ =	swait.ge [sflag:s24], $0x2800  }
0x332: {  	s8 =	sld [smem:$0x7E7]  }
0x333: {  	[sflag:s24] =	ssyncset.done $0x0  }
0x334: {  	[sflag:s24] =	ssyncadd.s32 $0xFFFFD800  }
0x335: {  	[tilespmem:s17], [sflag:$0x4] =	stream.indirect.gather [hbm4b:s1+s12], $0x80, s8, s12, $0xb8;
	[tilespmem:$0x1F900] =	vst v63  }
0x336: {  	_ =	swait.ge [sflag:s18], $0x2800  }
0x337: {  	s9 =	sld [smem:$0x7E9]  }
0x338: {  	[sflag:s18] =	ssyncset.done $0x0  }
0x339: {  	[sflag:s18] =	ssyncadd.s32 $0xFFFFD800  }
0x33a: {  	[spmem:s3] =	stream.indirect.scatter.add.f32 [tilespmem:s14], [sflag:$0x6], $0x80, s9, s12, $0xb8;
	[tilespmem:$0x1F900] =	vst v63  }
0x33b: {  	_ =	swait.ge [sflag:s19], $0x2800  }
0x33c: {  	s7 =	sld [smem:$0x7EB]  }
0x33d: {  	[sflag:s19] =	ssyncset.done $0x0  }
0x33e: {  	[sflag:s19] =	ssyncadd.s32 $0xFFFFD800  }
0x33f: {  	[tilespmem:s13], [sflag:$0x1] =	stream.indirect.gather [hbm4b:s1+s12], $0x80, s7, s12, $0xb8;
	[tilespmem:$0x1F900] =	vst v63  }
0x340: {  	_ =	swait.ge [sflag:s20], $0x2800  }
0x341: {  	s8 =	sld [smem:$0x7EC]  }
0x342: {  	[sflag:s20] =	ssyncset.done $0x0  }
0x343: {  	[sflag:s20] =	ssyncadd.s32 $0xFFFFD800  }
0x344: {  	[spmem:s3] =	stream.indirect.scatter.add.f32 [tilespmem:s15], [sflag:$0x7], $0x80, s8, s12, $0xb8;
	[tilespmem:$0x1F900] =	vst v63  }
0x345: {  	_ =	swait.ge [sflag:s21], $0x2800  }
0x346: {  	s9 =	sld [smem:$0x7ED]  }
0x347: {  	[sflag:s21] =	ssyncset.done $0x0  }
0x348: {  	[sflag:s21] =	ssyncadd.s32 $0xFFFFD800  }
0x349: {  	[tilespmem:s14], [sflag:$0x2] =	stream.indirect.gather [hbm4b:s1+s12], $0x80, s9, s12, $0xb8;
	[tilespmem:$0x1F900] =	vst v63  }
0x34a: {  	_ =	swait.ge [sflag:s22], $0x2800  }
0x34b: {  	s7 =	sld [smem:$0x7EE]  }
0x34c: {  	[sflag:s22] =	ssyncset.done $0x0  }
0x34d: {  	[sflag:s22] =	ssyncadd.s32 $0xFFFFD800  }
0x34e: {  	[spmem:s3] =	stream.indirect.scatter.add.f32 [tilespmem:s17], [sflag:$0x8], $0x80, s7, s12, $0xb8;
	[tilespmem:$0x1F900] =	vst v63  }
0x34f: {  	_ =	swait.ge [sflag:s23], $0x2800  }
0x350: {  	s8 =	sld [smem:$0x7EF]  }
0x351: {  	[sflag:s23] =	ssyncset.done $0x0  }
0x352: {  	[sflag:s23] =	ssyncadd.s32 $0xFFFFD800  }
0x353: {  	[tilespmem:s15], [sflag:$0x3] =	stream.indirect.gather [hbm4b:s1+s12], $0x80, s8, s12, $0xb8;
	[tilespmem:$0x1F900] =	vst v63  }
0x354: {  	_ =	swait.ge [sflag:s16], $0x2800  }
0x355: {  	s9 =	sld [smem:$0x7F0]  }
0x356: {  	[sflag:s16] =	ssyncset.done $0x0  }
0x357: {  	[sflag:s16] =	ssyncadd.s32 $0xFFFFD800  }
0x358: {  	[spmem:s3] =	stream.indirect.scatter.add.f32 [tilespmem:s13], [sflag:$0x5], $0x80, s9, s12, $0xb8;
	[tilespmem:$0x1F900] =	vst v63  }
0x359: {  	_ =	swait.ge [sflag:s24], $0x2800  }
0x35a: {  	s7 =	sld [smem:$0x7F1]  }
0x35b: {  	[sflag:s24] =	ssyncset.done $0x0  }
0x35c: {  	[sflag:s24] =	ssyncadd.s32 $0xFFFFD800  }
0x35d: {  	[tilespmem:s17], [sflag:$0x4] =	stream.indirect.gather [hbm4b:s1+s12], $0x80, s7, s12, $0xb8;
	[tilespmem:$0x1F900] =	vst v63  }
0x35e: {  	_ =	swait.ge [sflag:s18], $0x2800  }
0x35f: {  	s8 =	sld [smem:$0x7F2]  }
0x360: {  	[sflag:s18] =	ssyncset.done $0x0  }
0x361: {  	[sflag:s18] =	ssyncadd.s32 $0xFFFFD800  }
0x362: {  	[spmem:s3] =	stream.indirect.scatter.add.f32 [tilespmem:s14], [sflag:$0x6], $0x80, s8, s12, $0xb8;
	[tilespmem:$0x1F900] =	vst v63  }
0x363: {  	_ =	swait.ge [sflag:s19], $0x2800  }
0x364: {  	s9 =	sld [smem:$0x7F3]  }
0x365: {  	[sflag:s19] =	ssyncset.done $0x0  }
0x366: {  	[sflag:s19] =	ssyncadd.s32 $0xFFFFD800  }
0x367: {  	[tilespmem:s13], [sflag:$0x1] =	stream.indirect.gather [hbm4b:s1+s12], $0x80, s9, s12, $0xb8;
	[tilespmem:$0x1F900] =	vst v63  }
0x368: {  	_ =	swait.ge [sflag:s20], $0x2800  }
0x369: {  	s7 =	sld [smem:$0x7F4]  }
0x36a: {  	[sflag:s20] =	ssyncset.done $0x0  }
0x36b: {  	[sflag:s20] =	ssyncadd.s32 $0xFFFFD800  }
0x36c: {  	[spmem:s3] =	stream.indirect.scatter.add.f32 [tilespmem:s15], [sflag:$0x7], $0x80, s7, s12, $0xb8;
	[tilespmem:$0x1F900] =	vst v63  }
0x36d: {  	_ =	swait.ge [sflag:s21], $0x2800  }
0x36e: {  	s8 =	sld [smem:$0x7F5]  }
0x36f: {  	[sflag:s21] =	ssyncset.done $0x0  }
0x370: {  	[sflag:s21] =	ssyncadd.s32 $0xFFFFD800  }
0x371: {  	[tilespmem:s14], [sflag:$0x2] =	stream.indirect.gather [hbm4b:s1+s12], $0x80, s8, s12, $0xb8;
	[tilespmem:$0x1F900] =	vst v63  }
0x372: {  	_ =	swait.ge [sflag:s22], $0x2800  }
0x373: {  	s9 =	sld [smem:$0x7F6]  }
0x374: {  	[sflag:s22] =	ssyncset.done $0x0  }
0x375: {  	[sflag:s22] =	ssyncadd.s32 $0xFFFFD800  }
0x376: {  	[spmem:s3] =	stream.indirect.scatter.add.f32 [tilespmem:s17], [sflag:$0x8], $0x80, s9, s12, $0xb8;
	[tilespmem:$0x1F900] =	vst v63  }
0x377: {  	_ =	swait.ge [sflag:s23], $0x2800  }
0x378: {  	s7 =	sld [smem:$0x7F7]  }
0x379: {  	[sflag:s23] =	ssyncset.done $0x0  }
0x37a: {  	[sflag:s23] =	ssyncadd.s32 $0xFFFFD800  }
0x37b: {  	[tilespmem:s15], [sflag:$0x3] =	stream.indirect.gather [hbm4b:s1+s12], $0x80, s7, s12, $0xb8;
	[tilespmem:$0x1F900] =	vst v63  }
0x37c: {  	_ =	swait.ge [sflag:s16], $0x2800  }
0x37d: {  	s8 =	sld [smem:$0x7F8]  }
0x37e: {  	[sflag:s16] =	ssyncset.done $0x0  }
0x37f: {  	[sflag:s16] =	ssyncadd.s32 $0xFFFFD800  }
0x380: {  	[spmem:s3] =	stream.indirect.scatter.add.f32 [tilespmem:s13], [sflag:$0x5], $0x80, s8, s12, $0xb8;
	[tilespmem:$0x1F900] =	vst v63  }
0x381: {  	_ =	swait.ge [sflag:s24], $0x2800  }
0x382: {  	s9 =	sld [smem:$0x7F9]  }
0x383: {  	[sflag:s24] =	ssyncset.done $0x0  }
0x384: {  	[sflag:s24] =	ssyncadd.s32 $0xFFFFD800  }
0x385: {  	[tilespmem:s17], [sflag:$0x4] =	stream.indirect.gather [hbm4b:s1+s12], $0x80, s9, s12, $0xb8;
	[tilespmem:$0x1F900] =	vst v63  }
0x386: {  	_ =	swait.ge [sflag:s18], $0x2800  }
0x387: {  	s7 =	sld [smem:$0x7FA]  }
0x388: {  	[sflag:s18] =	ssyncset.done $0x0  }
0x389: {  	[sflag:s18] =	ssyncadd.s32 $0xFFFFD800  }
0x38a: {  	[spmem:s3] =	stream.indirect.scatter.add.f32 [tilespmem:s14], [sflag:$0x6], $0x80, s7, s12, $0xb8;
	[tilespmem:$0x1F900] =	vst v63  }
0x38b: {  	_ =	swait.ge [sflag:s19], $0x2800  }
0x38c: {  	s8 =	sld [smem:$0x7FB]  }
0x38d: {  	[sflag:s19] =	ssyncset.done $0x0  }
0x38e: {  	[sflag:s19] =	ssyncadd.s32 $0xFFFFD800  }
0x38f: {  	[tilespmem:s13], [sflag:$0x1] =	stream.indirect.gather [hbm4b:s1+s12], $0x80, s8, s12, $0xb8;
	[tilespmem:$0x1F900] =	vst v63  }
0x390: {  	_ =	swait.ge [sflag:s20], $0x2800  }
0x391: {  	[sflag:s20] =	ssyncset.done $0x0  }
0x392: {  	[sflag:s20] =	ssyncadd.s32 $0xFFFFD800  }
0x393: {  	[spmem:s3] =	stream.indirect.scatter.add.f32 [tilespmem:s15], [sflag:$0x7], $0x80, s25, s12, $0xb8;
	[tilespmem:$0x1F900] =	vst v63  }
0x394: {  	_ =	swait.ge [sflag:s21], $0x2800  }
0x395: {  	[sflag:s21] =	ssyncset.done $0x0  }
0x396: {  	[sflag:s21] =	ssyncadd.s32 $0xFFFFD800  }
0x397: {  	[tilespmem:s14], [sflag:$0x2] =	stream.indirect.gather [hbm4b:s1+s12], $0x80, s26, s12, $0xb8;
	[tilespmem:$0x1F900] =	vst v63  }
0x398: {  	_ =	swait.ge [sflag:s22], $0x2800  }
0x399: {  	[sflag:s22] =	ssyncset.done $0x0  }
0x39a: {  	[sflag:s22] =	ssyncadd.s32 $0xFFFFD800  }
0x39b: {  	[spmem:s3] =	stream.indirect.scatter.add.f32 [tilespmem:s17], [sflag:$0x8], $0x80, s28, s12, $0xb8;
	[tilespmem:$0x1F900] =	vst v63  }
0x39c: {  	_ =	swait.ge [sflag:s23], $0x2800  }
0x39d: {  	[sflag:s23] =	ssyncset.done $0x0  }
0x39e: {  	[sflag:s23] =	ssyncadd.s32 $0xFFFFD800  }
0x39f: {  	[tilespmem:s15], [sflag:$0x3] =	stream.indirect.gather [hbm4b:s1+s12], $0x80, s29, s12, $0xb8;
	[tilespmem:$0x1F900] =	vst v63  }
0x3a0: {  	_ =	swait.ge [sflag:s16], $0x2800  }
0x3a1: {  	[sflag:s16] =	ssyncset.done $0x0  }
0x3a2: {  	[sflag:s16] =	ssyncadd.s32 $0xFFFFD800  }
0x3a3: {  	[spmem:s3] =	stream.indirect.scatter.add.f32 [tilespmem:s13], [sflag:$0x5], $0x80, s30, s12, $0xb8;
	[tilespmem:$0x1F900] =	vst v63  }
0x3a4: {  	_ =	swait.ge [sflag:s24], $0x2800  }
0x3a5: {  	[sflag:s24] =	ssyncset.done $0x0  }
0x3a6: {  	[sflag:s24] =	ssyncadd.s32 $0xFFFFD800  }
0x3a7: {  	[tilespmem:s17], [sflag:$0x4] =	stream.indirect.gather [hbm4b:s1+s12], $0x80, s31, s12, $0xb8;
	[tilespmem:$0x1F900] =	vst v63  }
0x3a8: {  	_ =	swait.ge [sflag:s18], $0x2800  }
0x3a9: {  	[sflag:s18] =	ssyncset.done $0x0  }
0x3aa: {  	[sflag:s18] =	ssyncadd.s32 $0xFFFFD800  }
0x3ab: {  	[spmem:s3] =	stream.indirect.scatter.add.f32 [tilespmem:s14], [sflag:$0x6], $0x80, s0, s12, $0xb8;
	[tilespmem:$0x1F900] =	vst v63  }
0x3ac: {  	_ =	swait.ge [sflag:s19], $0x2800  }
0x3ad: {  	[sflag:s19] =	ssyncset.done $0x0  }
0x3ae: {  	[sflag:s19] =	ssyncadd.s32 $0xFFFFD800  }
0x3af: {  	_ =	swait.ge [sflag:s20], $0x2800  }
0x3b0: {  	[sflag:s20] =	ssyncset.done $0x0  }
0x3b1: {  	[sflag:s20] =	ssyncadd.s32 $0xFFFFD800  }
0x3b2: {  	[spmem:s3] =	stream.indirect.scatter.add.f32 [tilespmem:s15], [sflag:$0x7], $0x80, s2, s12, $0xb8;
	[tilespmem:$0x1F900] =	vst v63  }
0x3b3: {  	_ =	swait.ge [sflag:s21], $0x2800  }
0x3b4: {  	[sflag:s21] =	ssyncset.done $0x0  }
0x3b5: {  	[sflag:s21] =	ssyncadd.s32 $0xFFFFD800  }
0x3b6: {  	_ =	swait.ge [sflag:s22], $0x2800  }
0x3b7: {  	[sflag:s22] =	ssyncset.done $0x0  }
0x3b8: {  	[sflag:s22] =	ssyncadd.s32 $0xFFFFD800  }
0x3b9: {  	[spmem:s3] =	stream.indirect.scatter.add.f32 [tilespmem:s17], [sflag:$0x8], $0x80, s5, s12, $0xb8;
	[tilespmem:$0x1F900] =	vst v63  }
0x3ba: {  	_ =	swait.ge [sflag:s23], $0x2800  }
0x3bb: {  	[sflag:s23] =	ssyncset.done $0x0  }
0x3bc: {  	[sflag:s23] =	ssyncadd.s32 $0xFFFFD800  }
0x3bd: {  	_ =	swait.ge [sflag:s24], $0x2800  }
0x3be: {  	[sflag:s24] =	ssyncset.done $0x0  }
0x3bf: {  	[sflag:s24] =	ssyncadd.s32 $0xFFFFD800  }
0x3c0: {  	[bflag:$0x0] =	sbarrier.arrive $0xFFFF  }
0x3c1: {  	s7 =	sld [smem:$0x7FC]  }
0x3c2: {  	s9 =	sld [smem:$0x7E8]  }
0x3c3: {  	s8 =	sld [smem:$0x7FD];
	_ =	sdelay $0x2  }
0x3c4: {  	[hbm:s9], [sflag:s7] =	dma.local [spmem:s8], $0x2800  }
0x3c5: {  	_ =	swait.ge [sflag:s10], $0x2800  }
0x3c6: {  	s6 =	sld [smem:$0x7DC];
	_ =	sdelay $0x2  }
0x3c7: {  	s9 =	sadd.s32 $0x1, s6;
	s6 =	sld [smem:$0x7EA];
	_ =	sdelay $0x2  }
0x3c8: {  	p0 =	sne.s32 s9, s6  }
.Ltmp1:
0x3c9: {  	_ = 	snop;
	(pc) =	sbr.rel @p0 .LBB2_1-.Ltmp1, $3  }
0x3ca: {  	_ =	sdelay $0x1  }
0x3cb: {  	[sflag:s10] =	ssyncset.done $0x0  }
0x3cc: {  	[sflag:s10] =	ssyncadd.s32 $0xFFFFD800  }
0x3cd: {  	_ =	sfence.sel $0x180000  }
0x3ce: {  	[bflag:$0x0] =	sbarrier.arrive $0xFFFF  }
0x3cf: {  	_ =	strace $0x90000047  }
0x3d0: {  	s0 =	stileid.u32;
	[bflag:$0x2] =	sbarrier.arrive $0xFFFF  }
0x3d1: {  	p0 =	sne.s32 s0, $0x0;
	s0 =	rddreg [dreg:$0x4]  }
0x3d2: {  	s0 =	sadd.s32 @!p0 $0x100000, s0  }
0x3d3: {  	[sflag:s0] =	ssyncadd.tile.s32 @!p0 $0x1;
	_ =	shalt  }
.Lfunc_end2:
_tile_overlayer_lowered:
.L_overlay_start_2:
0x3d4: {  	(tag) =	ssettag $0x2  }
0x3d5: {  	s0 =	rddreg [dreg:$0x0];
	s2 =	stileid.u32  }
0x3d6: {  	s1 =	rddreg [dreg:$0x1];
	p0 =	sne.s32 s2, $0x0  }
0x3d7: {  	s3 =	rddreg [dreg:$0x2];
	[bflag:$0x3] =	sbarrier.arrive $0xFFFF;
	s2 =	simm.s32 @!p0 $0x1C09  }
0x3d8: {  	[timem:s3], [sflag:s2] =	dma.local @!p0 [hbm:s0], s1  }
0x3d9: {  	s0 =	simm.s32 @!p0 $0x9  }
0x3da: {  	_ =	swait.ge @!p0 [sflag:s0], s1  }
0x3db: {  	s1 =	ssub.s32 @!p0 $0x0, s1;
	[sflag:s0] =	ssyncset.done @!p0 $0x0  }
0x3dc: {  	[sflag:s0] =	ssyncadd.s32 @!p0 s1  }
0x3dd: {  	[bflag:$0x3] =	sbarrier.arrive $0xFFFF  }
0x3de: {  	_ =	shalt  }

// kernel: kernel.13.cloned.1.call-start
scs
__scs_entry_jumppad:
0x0: {  	(pc) =	sbr.rel $0x88, $3  }
0x1: {  	(tag) =	ssettag $0x0;
	lr =	simm.s32 $0x1  }
0x2: {  	[smem:$0x3F99] =	sst lr;
	_ =	strace $0xD0000000  }
0x3: {  	_ = 	snop  }
0x4: {  	_ = 	snop  }
0x5: {  	_ = 	snop  }
0x6: {  	_ = 	snop  }
0x7: {  	_ = 	snop  }
__scs_overlays_trampoline_lowered:
0x8: {  	[smem:$0x3FA8] =	sst s0  }
0x9: {  	[smem:$0x3FA9] =	sst s1  }
0xa: {  	[smem:$0x3FAA] =	sst s2  }
0xb: {  	[smem:$0x3FAB] =	sst s3  }
0xc: {  	[smem:$0x3FAC] =	sst s4  }
0xd: {  	[smem:$0x3FAD] =	sst s5  }
0xe: {  	[smem:$0x3FAE] =	sst s6  }
0xf: {  	[smem:$0x3FAF] =	sst s7  }
0x10: {  	[smem:$0x3FB0] =	sst s8  }
0x11: {  	[smem:$0x3FB1] =	sst s9;
	s0 =	simm.s32 @!p0 $0x0  }
0x12: {  	s1 =	sld [smem:$0x3F97];
	s0 =	simm.s32 @p0 $0x1  }
0x13: {  	[smem:$0x3FB2] =	sst s0;
	s0 =	simm.s32 @!p1 $0x0  }
0x14: {  	s2 =	sld [smem:$0x3F96];
	s0 =	simm.s32 @p1 $0x1  }
0x15: {  	[smem:$0x3FB3] =	sst s0;
	s0 =	simm.s32 @!p2 $0x0  }
0x16: {  	s3 =	sld [smem:$0x3FDB];
	s0 =	simm.s32 @p2 $0x1  }
0x17: {  	s4 =	simm.s32 $0x1BF5;
	[smem:$0x3FB5] =	sst s0  }
0x18: {  	s0 =	sld [smem:$0x3F98];
	_ =	swait.ge [sflag:s4], $0x0  }
0x19: {  	s7 =	sld [smem:$0x3F99]  }
0x1a: {  	s8 =	sadd.s32 $0xFFFFE003, lr  }
0x1b: {  	s9 =	sadd.s32 $0xFFFFFEF7, lr;
	s5 =	simm.s32 $0xFFFFFFFF;
	p2 =	slt.u32 s8, $0xFFFFF086  }
0x1c: {  	p1 =	slt.u32 s9, $0xF7A;
	s5 =	simm.s32 @!p2 $0x0  }
0x1d: {  	s5 =	simm.s32 @p1 $0x1;
	p0 =	seq.s32 s7, s2  }
0x1e: {  	s7 =	smul.u32 @!p0 $0xF7A, s2;
	p2 =	seq.s32 @!p0 s5, $0x0  }
0x1f: {  	s9 =	smul.u32 $0xF7A, s1;
	s8 =	simm.s32 @!p0 $0x1BF5;
	p2 =	por !p2, p0  }
0x20: {  	[sflag:s8] =	ssyncset.s32 @!p0 $0xFFFFF086;
	s6 =	sadd.s32 @!p0 s3, s7;
	s7 =	simm.s32 @!p0 $0x108  }
0x21: {  	s3 =	sadd.s32 s3, s9;
	s6 =	sadd.s32 @!p0 $0x88, s6;
	s7 =	simm.s32 @p2 $0x1082  }
0x22: {  	[simem:s7], [sflag:s8] =	dma.local @!p0 [hbm:s6], $0xF7A  }
0x23: {  	s9 =	sor.u32 $0xD0000000, s2;
	s6 =	simm.s32 $0x108;
	_ =	swait.ge @!p0 [sflag:s8], $0x0  }
0x24: {  	s3 =	sadd.s32 $0x88, s3;
	s6 =	simm.s32 @!p1 $0x1082;
	[sflag:s4] =	ssyncset.s32 $0xFFFFF086  }
0x25: {  	[simem:s6], [sflag:s4] =	dma.local [hbm:s3], $0xF7A  }
0x26: {  	[smem:$0x3F99] =	sst s1;
	(tag) =	ssettag s2;
	_ =	strace s9  }
0x27: {  	s1 =	sld [smem:$0x3FA9]  }
0x28: {  	s2 =	sld [smem:$0x3FAA]  }
0x29: {  	s4 =	sld [smem:$0x3FAC]  }
0x2a: {  	p0 =	seq.s32 s5, $0x0;
	s5 =	sld [smem:$0x3FAD]  }
0x2b: {  	s6 =	sld [smem:$0x3FAE]  }
0x2c: {  	s7 =	sld [smem:$0x3FAF]  }
0x2d: {  	s3 =	simm.s32 $0x108;
	s8 =	sld [smem:$0x3FB0]  }
0x2e: {  	s3 =	simm.s32 @!p0 $0x1082;
	s9 =	sld [smem:$0x3FB1]  }
0x2f: {  	lr =	sadd.s32 s0, s3;
	s0 =	sld [smem:$0x3FA8]  }
0x30: {  	s3 =	sld [smem:$0x3FAB]  }
0x31: {  	[smem:$0x3FB4] =	sst s10  }
0x32: {  	s10 =	sld [smem:$0x3FB2];
	_ =	sdelay $0x3  }
0x33: {  	p0 =	seq.s32 s10, $0x1;
	s10 =	sld [smem:$0x3FB4];
	_ =	sdelay $0x3  }
0x34: {  	[smem:$0x3FB4] =	sst s10  }
0x35: {  	s10 =	sld [smem:$0x3FB3];
	_ =	sdelay $0x3  }
0x36: {  	p1 =	seq.s32 s10, $0x1;
	s10 =	sld [smem:$0x3FB4];
	_ =	sdelay $0x3  }
0x37: {  	[smem:$0x3FB4] =	sst s10  }
0x38: {  	s10 =	sld [smem:$0x3FB5]  }
0x39: {  	_ = 	snop;
	(pc) =	sbr.ind lr, $3  }
0x3a: {  	_ = 	snop  }
0x3b: {  	_ = 	snop  }
0x3c: {  	p2 =	seq.s32 s10, $0x1;
	s10 =	sld [smem:$0x3FB4]  }
0x3d: {  	_ =	shalt  }
0x3e: {  	_ =	shalt  }
0x3f: {  	_ =	shalt  }
0x40: {  	_ =	shalt  }
0x41: {  	_ =	shalt  }
0x42: {  	_ =	shalt  }
0x43: {  	_ =	shalt  }
0x44: {  	_ =	shalt  }
0x45: {  	_ =	shalt  }
0x46: {  	_ =	shalt  }
0x47: {  	_ =	shalt  }
0x48: {  	_ =	shalt  }
0x49: {  	_ =	shalt  }
0x4a: {  	_ =	shalt  }
0x4b: {  	_ =	shalt  }
0x4c: {  	_ =	shalt  }
0x4d: {  	_ =	shalt  }
0x4e: {  	_ =	shalt  }
0x4f: {  	_ =	shalt  }
0x50: {  	_ =	shalt  }
0x51: {  	_ =	shalt  }
0x52: {  	_ =	shalt  }
0x53: {  	_ =	shalt  }
0x54: {  	_ =	shalt  }
0x55: {  	_ =	shalt  }
0x56: {  	_ =	shalt  }
0x57: {  	_ =	shalt  }
0x58: {  	_ =	shalt  }
0x59: {  	_ =	shalt  }
0x5a: {  	_ =	shalt  }
0x5b: {  	_ =	shalt  }
0x5c: {  	_ =	shalt  }
0x5d: {  	_ =	shalt  }
0x5e: {  	_ =	shalt  }
0x5f: {  	_ =	shalt  }
0x60: {  	_ =	shalt  }
0x61: {  	_ =	shalt  }
0x62: {  	_ =	shalt  }
0x63: {  	_ =	shalt  }
0x64: {  	_ =	shalt  }
0x65: {  	_ =	shalt  }
0x66: {  	_ =	shalt  }
0x67: {  	_ =	shalt  }
0x68: {  	_ =	shalt  }
0x69: {  	_ =	shalt  }
0x6a: {  	_ =	shalt  }
0x6b: {  	_ =	shalt  }
0x6c: {  	_ =	shalt  }
0x6d: {  	_ =	shalt  }
0x6e: {  	_ =	shalt  }
0x6f: {  	_ =	shalt  }
0x70: {  	_ =	shalt  }
0x71: {  	_ =	shalt  }
0x72: {  	_ =	shalt  }
0x73: {  	_ =	shalt  }
0x74: {  	_ =	shalt  }
0x75: {  	_ =	shalt  }
0x76: {  	_ =	shalt  }
0x77: {  	_ =	shalt  }
0x78: {  	_ =	shalt  }
0x79: {  	_ =	shalt  }
0x7a: {  	_ =	shalt  }
0x7b: {  	_ =	shalt  }
0x7c: {  	_ =	shalt  }
0x7d: {  	_ =	shalt  }
0x7e: {  	_ =	shalt  }
0x7f: {  	_ =	shalt  }
0x80: {  	_ =	shalt  }
0x81: {  	_ =	shalt  }
0x82: {  	_ =	shalt  }
0x83: {  	_ =	shalt  }
0x84: {  	_ =	shalt  }
0x85: {  	_ =	shalt  }
0x86: {  	_ =	shalt  }
0x87: {  	_ =	shalt  }
.Lfunc_end0:
.L_simem_size_0:
called_computation.2_lowered:
.L_overlay_start_0:
0x88: {  	s2 =	sld [smem:$0x3FD9]  }
0x89: {  	s3 =	sld [smem:$0x3FFE];
	_ =	sdelay $0x1  }
0x8a: {  	s1 =	srdreg.scid  }
0x8b: {  	s0 =	sand.u32 $0x1, s1  }
0x8c: {  	s17 =	sshll.u32 s0, $0xA;
	s2 =	sadd.s32 s3, s2  }
0x8d: {  	s2 =	sadd.s32 s2, s17  }
0x8e: {  	[smem:$0x3FC0] =	sst s2  }
0x8f: {  	_ = 	snop  }
0x90: {  	s2 =	sld [smem:$0x3FD0];
	(tm) =	ssettm $0x1  }
0x91: {  	s18 =	sld [smem:$0x3FFB];
	_ =	sdelay $0x3  }
0x92: {  	_ =	strace s18  }
0x93: {  	s3 =	sld [smem:$0x3FFC];
	_ =	sdelay $0x3  }
0x94: {  	_ =	strace s3  }
0x95: {  	s3 =	sld [smem:$0x3FFD];
	_ =	sdelay $0x3  }
0x96: {  	_ =	strace s3  }
0x97: {  	_ =	strace $0x8FFFFFFF  }
0x98: {  	s19 =	sld [smem:$0x3FDB];
	_ =	sdelay $0x1  }
0x99: {  	s4 =	simm.s32 $_scs_section_size  }
0x9a: {  	s5 =	simm.s32 $_size__tile_overlayer_lowered;
	s6 =	simm.s32 $_tile_overlayer_lowered  }
0x9b: {  	s22 =	simm.s32 $0x1BFF;
	s21 =	sshll.u32 s6, $0x1;
	s3 =	sadd.s32 s4, s19  }
0x9c: {  	s7 =	simm.s32 $0x0;
	s20 =	sshll.u32 s5, $0x1;
	s5 =	sadd.s32 s21, s3  }
0x9d: {  	[timem:s7], [sflag:s22] =	dma.local [hbm:s5], s20  }
0x9e: {  	_ =	swait.ge [sflag:s22], s20  }
0x9f: {  	s4 =	ssub.s32 $0x0, s20;
	[sflag:s22] =	ssyncset.done $0x0  }
0xa0: {  	[sflag:s22] =	ssyncadd.s32 s4;
	_ =	sdelay $0x1  }
0xa1: {  	s23 =	simm.s32 $0x1B8B  }
0xa2: {  	_ =	swait.ge [sflag:s23], $0x1  }
0xa3: {  	[sflag:s23] =	ssyncset.done $0x0  }
0xa4: {  	s25 =	simm.s32 $0x1B8E;
	s24 =	sld [smem:$0x3FFE];
	[sflag:s23] =	ssyncadd.s32 $0xFFFFFFFF  }
0xa5: {  	s26 =	simm.s32 $execute0_lowered;
	[smem:$0x3FD2] =	sst s25  }
0xa6: {  	s5 =	sshll.u32 s26, $0x1;
	_ =	strace $0x8000004C;
	[dreg:$0x1] =	wrdreg $0xFFFFFFFF  }
0xa7: {  	s28 =	simm.s32 $_size_execute0_lowered;
	s3 =	sadd.s32 s3, s5;
	[dreg:$0x0] =	wrdreg $0x0  }
0xa8: {  	s5 =	sshll.u32 s28, $0x1;
	[dreg:$0x2] =	wrdreg s3  }
0xa9: {  	[dreg:$0x3] =	wrdreg s5  }
0xaa: {  	[dreg:$0x4] =	wrdreg $0xC0  }
0xab: {  	_ =	task [dreg:s7], $0x5FFFF  }
0xac: {  	[dreg:$0x1] =	wrdreg $0xFFFFFFFF  }
0xad: {  	[dreg:$0x0] =	wrdreg $0x60  }
0xae: {  	[dreg:$0x2] =	wrdreg s24  }
0xaf: {  	[dreg:$0x3] =	wrdreg s2  }
0xb0: {  	[dreg:$0x4] =	wrdreg $0xC0000  }
0xb1: {  	[dreg:$0x5] =	wrdreg $0x9  }
0xb2: {  	_ =	task.clear_ibuf [dreg:s7], $0x6FFFF;
	_ =	strace $0x9000004C  }
0xb3: {  	s29 =	simm.s32 $0x9;
	_ =	strace $0x8000004E  }
0xb4: {  	_ =	swait.ge [sflag:s29], $0x1  }
0xb5: {  	[sflag:s29] =	ssyncadd.s32 $0xFFFFFFFF  }
0xb6: {  	_ =	strace $0x9000004E  }
0xb7: {  	_ =	sfence  }
0xb8: {  	s30 =	sld [smem:$0x0];
	_ =	sdelay $0x2  }
0xb9: {  	s31 =	sshll.u32 s1, $0xD;
	s1 =	sshrl.u32 s1, $0x2  }
0xba: {  	s3 =	sand.u32 $0x4000, s31;
	s1 =	sadd.s32 s1, s30  }
0xbb: {  	s0 =	sor.u32 s3, s0;
	s1 =	sshll.u32 s1, $0x11  }
0xbc: {  	s0 =	sor.u32 s1, s0  }
0xbd: {  	s0 =	sadd.s32 $0x8F2B, s0  }
0xbe: {  	[sflag:s0] =	ssyncadd.remote.s32 $0x1  }
0xbf: {  	_ =	sfence.sel $0xFFFF  }
0xc0: {  	[dreg:$0x0] =	wrdreg $0xFFFFFFFF;
	(pc) =	sbr.abs _section_cstart, $3  }
0xc1: {  	[dreg:$0x1] =	wrdreg $0xFFFFFFFF  }
0xc2: {  	_ =	task.clear_ibuf [dreg:s7], $0x2FFFF;
	_ =	strace $0x9FFFFFFF  }
0xc3: {  	(tm) =	ssettm $0x7FFFFFFF  }
tec
execute0_lowered:
.L_overlay_start_1:
0x0: {  	(tag) =	ssettag $0x1  }
0x1: {  	s1 =	rddreg [dreg:$0x0]  }
0x2: {  	s0 =	rddreg [dreg:$0x1];
	s3 =	srdreg.scid  }
0x3: {  	s2 =	rddreg [dreg:$0x2];
	s5 =	sand.u32 $0x1, s3;
	s3 =	simm.s32 $0x0  }
0x4: {  	s8 =	simm.s32 $0x80;
	[smem:$0x7FF] =	sst s3  }
0x5: {  	s9 =	simm.s32 $0x100;
	_ =	strace $0x8000004D;
	[dreg:$0x6] =	wrdreg s8  }
0x6: {  	s11 =	simm.s32 $0x180;
	[dreg:$0x7] =	wrdreg s9  }
0x7: {  	s12 =	simm.s32 $0x1080;
	[dreg:$0x8] =	wrdreg s11  }
0x8: {  	s13 =	simm.s32 $0x200;
	[dreg:$0x9] =	wrdreg s12  }
0x9: {  	s14 =	simm.s32 $0x1100;
	[dreg:$0xa] =	wrdreg s13  }
0xa: {  	s15 =	simm.s32 $0x280;
	[dreg:$0xb] =	wrdreg s14  }
0xb: {  	s16 =	simm.s32 $0x1180;
	[dreg:$0xc] =	wrdreg s15  }
0xc: {  	s17 =	simm.s32 $0x300;
	[dreg:$0xd] =	wrdreg s16  }
0xd: {  	s18 =	simm.s32 $0x1200;
	[dreg:$0xe] =	wrdreg s17  }
0xe: {  	s19 =	simm.s32 $0x380;
	[dreg:$0xf] =	wrdreg s18  }
0xf: {  	s20 =	simm.s32 $0x1280;
	[dreg:$0x10] =	wrdreg s19  }
0x10: {  	s21 =	simm.s32 $0x400;
	[dreg:$0x11] =	wrdreg s20  }
0x11: {  	s22 =	simm.s32 $0x1300;
	[dreg:$0x12] =	wrdreg s21  }
0x12: {  	s23 =	simm.s32 $0x480;
	[dreg:$0x13] =	wrdreg s22  }
0x13: {  	s24 =	simm.s32 $0x1380;
	[dreg:$0x14] =	wrdreg s23  }
0x14: {  	s25 =	simm.s32 $0x500;
	[dreg:$0x15] =	wrdreg s24  }
0x15: {  	s26 =	simm.s32 $0x1400;
	[dreg:$0x16] =	wrdreg s25  }
0x16: {  	s7 =	simm.s32 $0x1480;
	[dreg:$0x17] =	wrdreg s26  }
0x17: {  	[dreg:$0x19] =	wrdreg s7;
	s8 =	simm.s32 $0x600  }
0x18: {  	s10 =	stileid.u32;
	s9 =	simm.s32 $0x1500;
	[dreg:$0x1a] =	wrdreg s8  }
0x19: {  	s28 =	simm.s32 $0x1D80;
	s12 =	simm.s32 $0x680;
	[dreg:$0x1b] =	wrdreg s9  }
0x1a: {  	s29 =	simm.s32 $0xF00;
	s13 =	simm.s32 $0x700;
	[dreg:$0x1c] =	wrdreg s12  }
0x1b: {  	s30 =	simm.s32 $0x1E00;
	s14 =	simm.s32 $0x1600;
	[dreg:$0x1e] =	wrdreg s13  }
0x1c: {  	s31 =	simm.s32 $0xF80;
	s15 =	simm.s32 $0x780;
	[dreg:$0x1f] =	wrdreg s14  }
0x1d: {  	s6 =	sshll.u32 s10, $0xB;
	s16 =	simm.s32 $0x1680;
	[smem:$0x7DE] =	sst s15  }
0x1e: {  	s4 =	sshll.u32 s5, $0xF;
	s18 =	simm.s32 $0x800;
	[smem:$0x7DF] =	sst s16  }
0x1f: {  	s4 =	sadd.s32 s4, s1;
	s19 =	simm.s32 $0x1700;
	[smem:$0x7E0] =	sst s18  }
0x20: {  	s11 =	smul.u32 $0x2700, s10;
	s20 =	simm.s32 $0x880;
	[smem:$0x7E1] =	sst s19  }
0x21: {  	s7 =	smul.u32 $0x27100, s5;
	s22 =	simm.s32 $0x1780;
	[smem:$0x7E2] =	sst s20  }
0x22: {  	s5 =	ssub.s32 $0x2, s5;
	s23 =	simm.s32 $0x900;
	[smem:$0x7E3] =	sst s22  }
0x23: {  	s24 =	simm.s32 $0x1800;
	s25 =	sshll.u32 s10, $0x6;
	[smem:$0x7E5] =	sst s23  }
0x24: {  	s26 =	simm.s32 $0x980;
	s4 =	sadd.s32 s6, s4;
	[smem:$0x7E6] =	sst s24  }
0x25: {  	s8 =	simm.s32 $0x1580;
	s17 =	sshrl.u32 s5, $0x1;
	[smem:$0x7E7] =	sst s26  }
0x26: {  	s9 =	smul.u32 $0x4E000, s10;
	s12 =	simm.s32 $0xA80;
	[dreg:$0x1d] =	wrdreg s8  }
0x27: {  	s13 =	simm.s32 $0x1980;
	s14 =	simm.s32 $0xB00;
	[smem:$0x7ED] =	sst s12  }
0x28: {  	s15 =	simm.s32 $0x1A00;
	s16 =	simm.s32 $0xB80;
	[smem:$0x7EE] =	sst s13  }
0x29: {  	s18 =	simm.s32 $0xC00;
	s19 =	simm.s32 $0x1B00;
	[smem:$0x7EF] =	sst s14  }
0x2a: {  	s20 =	simm.s32 $0xC80;
	s22 =	simm.s32 $0xD00;
	[smem:$0x7F0] =	sst s15  }
0x2b: {  	s23 =	simm.s32 $0x1C00;
	s24 =	simm.s32 $0xD80;
	[smem:$0x7F1] =	sst s16  }
0x2c: {  	s26 =	simm.s32 $0xE00;
	s6 =	sadd.s32 $0x2200, s4;
	[smem:$0x7F3] =	sst s18  }
0x2d: {  	s4 =	sadd.s32 $0x12200, s4;
	s7 =	sadd.s32 s11, s7;
	[smem:$0x7F4] =	sst s19  }
0x2e: {  	s5 =	ssub.s32 s5, s17;
	s0 =	sadd.s32 s0, s11;
	[smem:$0x7F5] =	sst s20  }
0x2f: {  	s11 =	simm.s32 $0x1900;
	s12 =	simm.s32 $0x50;
	[smem:$0x7F7] =	sst s22  }
0x30: {  	s13 =	simm.s32 $0x2000;
	s14 =	simm.s32 $0x4800;
	[smem:$0x7F8] =	sst s23  }
0x31: {  	s17 =	simm.s32 $0x1A80;
	s15 =	simm.s32 $0x7000;
	[smem:$0x7F9] =	sst s24  }
0x32: {  	s16 =	simm.s32 $0x1;
	s18 =	simm.s32 $0x2;
	[smem:$0x7FB] =	sst s26  }
0x33: {  	s19 =	simm.s32 $0x5;
	s20 =	simm.s32 $0x3;
	[dreg:$0x4] =	wrdreg s6  }
0x34: {  	s22 =	simm.s32 $0x4;
	s23 =	simm.s32 $0x7;
	[dreg:$0x5] =	wrdreg s4  }
0x35: {  	s24 =	simm.s32 $0x8;
	s26 =	simm.s32 $0xE80;
	[smem:$0x7E4] =	sst s0  }
0x36: {  	s6 =	simm.s32 $0x580;
	s4 =	sadd.s32 $0x22200, s1;
	[smem:$0x7EC] =	sst s11  }
0x37: {  	s1 =	sadd.s32 s7, s1;
	s21 =	sshrl.u32 s9, $0x2;
	[smem:$0x7F2] =	sst s17  }
0x38: {  	s7 =	sor.u32 $0x1C09, s25;
	s10 =	smax.u32 s5, $0x1;
	[dreg:$0x18] =	wrdreg s6  }
0x39: {  	s9 =	simm.s32 $0xA00;
	s11 =	simm.s32 $0x1000;
	[smem:$0x7EA] =	sst s10  }
0x3a: {  	s17 =	simm.s32 $0x9800;
	s25 =	simm.s32 $0x1C80;
	[smem:$0x7EB] =	sst s9  }
0x3b: {  	s0 =	simm.s32 $0x1E80;
	s5 =	simm.s32 $0x1F80;
	[smem:$0x7FA] =	sst s25  }
0x3c: {  	s8 =	sadd.s32 s21, s2;
	s1 =	sadd.s32 $0xBEC00, s1;
	[smem:$0x7FC] =	sst s7  }
0x3d: {  	s6 =	simm.s32 $0x1880;
	s10 =	simm.s32 $0x9;
	[smem:$0x7E8] =	sst s1  }
0x3e: {  	s21 =	simm.s32 $0x1B80;
	s25 =	simm.s32 $0x1D00;
	[smem:$0x7E9] =	sst s6  }
0x3f: {  	s9 =	simm.s32 $0x0;
	s8 =	sshrl.u32 s8, $0x3;
	[smem:$0x7F6] =	sst s21  }
0x40: {  	s21 =	simm.s32 $0x6;
	s1 =	simm.s32 $0x1F00;
	[smem:$0x7FD] =	sst s8  }
.LBB2_1:
0x41: {  	s6 =	sld [smem:$0x7E4];
	_ =	sdelay $0x1  }
0x42: {  	[smem:$0x7DD] =	sst s9  }
0x43: {  	[spmem:s8], [sflag:s7] =	dma.local [hbm:s6], $0x2800  }
0x44: {  	_ =	swait.ge [sflag:s10], $0x2800  }
0x45: {  	[sflag:s10] =	ssyncset.done $0x0  }
0x46: {  	[sflag:s10] =	ssyncadd.s32 $0xFFFFD800  }
0x47: {  	[bflag:$0x0] =	sbarrier.arrive $0xFFFF  }
0x48: {  	s9 =	rddreg [dreg:$0x5]  }
0x49: {  	s6 =	sadd.s32 $0x0, s9  }
0x4a: {  	[tilespmem:s3], [sflag:$0x9] =	stream.linear.gather [hbm4b:s6+s3], $0x1000, $0x38;
	[tilespmem:$0x1F900] =	vst v63  }
0x4b: {  	_ =	swait.ge [sflag:s10], $0x1000  }
0x4c: {  	s7 =	rddreg [dreg:$0x4];
	[sflag:s10] =	ssyncset.done $0x0  }
0x4d: {  	[sflag:s10] =	ssyncadd.s32 $0xFFFFF000;
	s6 =	sadd.s32 $0x0, s7  }
0x4e: {  	[tilespmem:s11], [sflag:$0x9] =	stream.linear.gather [hbm4b:s6+s3], $0x1000, $0x38;
	[tilespmem:$0x1F900] =	vst v63  }
0x4f: {  	_ =	swait.ge [sflag:s10], $0x1000  }
0x50: {  	[sflag:s10] =	ssyncset.done $0x0  }
0x51: {  	[sflag:s10] =	ssyncadd.s32 $0xFFFFF000  }
0x52: {  	[tilespmem:s13], [sflag:$0x1] =	stream.indirect.gather [hbm4b:s4+s12], $0x80, s3, s12, $0xb8;
	[tilespmem:$0x1F900] =	vst v63  }
0x53: {  	s8 =	rddreg [dreg:$0x6]  }
0x54: {  	[tilespmem:s14], [sflag:$0x2] =	stream.indirect.gather [hbm4b:s4+s12], $0x80, s8, s12, $0xb8;
	[tilespmem:$0x1F900] =	vst v63  }
0x55: {  	s9 =	rddreg [dreg:$0x7]  }
0x56: {  	[tilespmem:s15], [sflag:$0x3] =	stream.indirect.gather [hbm4b:s4+s12], $0x80, s9, s12, $0xb8;
	[tilespmem:$0x1F900] =	vst v63  }
0x57: {  	_ =	swait.ge [sflag:s16], $0x2800  }
0x58: {  	[sflag:s16] =	ssyncset.done $0x0  }
0x59: {  	[sflag:s16] =	ssyncadd.s32 $0xFFFFD800  }
0x5a: {  	[spmem:s2] =	stream.indirect.scatter.add.f32 [tilespmem:s13], [sflag:$0x5], $0x80, s11, s12, $0xb8;
	[tilespmem:$0x1F900] =	vst v63  }
0x5b: {  	s7 =	rddreg [dreg:$0x8]  }
0x5c: {  	[tilespmem:s17], [sflag:$0x4] =	stream.indirect.gather [hbm4b:s4+s12], $0x80, s7, s12, $0xb8;
	[tilespmem:$0x1F900] =	vst v63  }
0x5d: {  	_ =	swait.ge [sflag:s18], $0x2800  }
0x5e: {  	[sflag:s18] =	ssyncset.done $0x0  }
0x5f: {  	s8 =	rddreg [dreg:$0x9];
	[sflag:s18] =	ssyncadd.s32 $0xFFFFD800  }
0x60: {  	[spmem:s2] =	stream.indirect.scatter.add.f32 [tilespmem:s14], [sflag:$0x6], $0x80, s8, s12, $0xb8;
	[tilespmem:$0x1F900] =	vst v63  }
0x61: {  	_ =	swait.ge [sflag:s19], $0x2800  }
0x62: {  	[sflag:s19] =	ssyncset.done $0x0  }
0x63: {  	s9 =	rddreg [dreg:$0xa];
	[sflag:s19] =	ssyncadd.s32 $0xFFFFD800  }
0x64: {  	[tilespmem:s13], [sflag:$0x1] =	stream.indirect.gather [hbm4b:s4+s12], $0x80, s9, s12, $0xb8;
	[tilespmem:$0x1F900] =	vst v63  }
0x65: {  	_ =	swait.ge [sflag:s20], $0x2800  }
0x66: {  	[sflag:s20] =	ssyncset.done $0x0  }
0x67: {  	s7 =	rddreg [dreg:$0xb];
	[sflag:s20] =	ssyncadd.s32 $0xFFFFD800  }
0x68: {  	[spmem:s2] =	stream.indirect.scatter.add.f32 [tilespmem:s15], [sflag:$0x7], $0x80, s7, s12, $0xb8;
	[tilespmem:$0x1F900] =	vst v63  }
0x69: {  	_ =	swait.ge [sflag:s21], $0x2800  }
0x6a: {  	[sflag:s21] =	ssyncset.done $0x0  }
0x6b: {  	s8 =	rddreg [dreg:$0xc];
	[sflag:s21] =	ssyncadd.s32 $0xFFFFD800  }
0x6c: {  	[tilespmem:s14], [sflag:$0x2] =	stream.indirect.gather [hbm4b:s4+s12], $0x80, s8, s12, $0xb8;
	[tilespmem:$0x1F900] =	vst v63  }
0x6d: {  	_ =	swait.ge [sflag:s22], $0x2800  }
0x6e: {  	[sflag:s22] =	ssyncset.done $0x0  }
0x6f: {  	s9 =	rddreg [dreg:$0xd];
	[sflag:s22] =	ssyncadd.s32 $0xFFFFD800  }
0x70: {  	[spmem:s2] =	stream.indirect.scatter.add.f32 [tilespmem:s17], [sflag:$0x8], $0x80, s9, s12, $0xb8;
	[tilespmem:$0x1F900] =	vst v63  }
0x71: {  	_ =	swait.ge [sflag:s23], $0x2800  }
0x72: {  	[sflag:s23] =	ssyncset.done $0x0  }
0x73: {  	s7 =	rddreg [dreg:$0xe];
	[sflag:s23] =	ssyncadd.s32 $0xFFFFD800  }
0x74: {  	[tilespmem:s15], [sflag:$0x3] =	stream.indirect.gather [hbm4b:s4+s12], $0x80, s7, s12, $0xb8;
	[tilespmem:$0x1F900] =	vst v63  }
0x75: {  	_ =	swait.ge [sflag:s16], $0x2800  }
0x76: {  	[sflag:s16] =	ssyncset.done $0x0  }
0x77: {  	s8 =	rddreg [dreg:$0xf];
	[sflag:s16] =	ssyncadd.s32 $0xFFFFD800  }
0x78: {  	[spmem:s2] =	stream.indirect.scatter.add.f32 [tilespmem:s13], [sflag:$0x5], $0x80, s8, s12, $0xb8;
	[tilespmem:$0x1F900] =	vst v63  }
0x79: {  	_ =	swait.ge [sflag:s24], $0x2800  }
0x7a: {  	[sflag:s24] =	ssyncset.done $0x0  }
0x7b: {  	s9 =	rddreg [dreg:$0x10];
	[sflag:s24] =	ssyncadd.s32 $0xFFFFD800  }
0x7c: {  	[tilespmem:s17], [sflag:$0x4] =	stream.indirect.gather [hbm4b:s4+s12], $0x80, s9, s12, $0xb8;
	[tilespmem:$0x1F900] =	vst v63  }
0x7d: {  	_ =	swait.ge [sflag:s18], $0x2800  }
0x7e: {  	[sflag:s18] =	ssyncset.done $0x0  }
0x7f: {  	s7 =	rddreg [dreg:$0x11];
	[sflag:s18] =	ssyncadd.s32 $0xFFFFD800  }
0x80: {  	[spmem:s2] =	stream.indirect.scatter.add.f32 [tilespmem:s14], [sflag:$0x6], $0x80, s7, s12, $0xb8;
	[tilespmem:$0x1F900] =	vst v63  }
0x81: {  	_ =	swait.ge [sflag:s19], $0x2800  }
0x82: {  	[sflag:s19] =	ssyncset.done $0x0  }
0x83: {  	s8 =	rddreg [dreg:$0x12];
	[sflag:s19] =	ssyncadd.s32 $0xFFFFD800  }
0x84: {  	[tilespmem:s13], [sflag:$0x1] =	stream.indirect.gather [hbm4b:s4+s12], $0x80, s8, s12, $0xb8;
	[tilespmem:$0x1F900] =	vst v63  }
0x85: {  	_ =	swait.ge [sflag:s20], $0x2800  }
0x86: {  	[sflag:s20] =	ssyncset.done $0x0  }
0x87: {  	s9 =	rddreg [dreg:$0x13];
	[sflag:s20] =	ssyncadd.s32 $0xFFFFD800  }
0x88: {  	[spmem:s2] =	stream.indirect.scatter.add.f32 [tilespmem:s15], [sflag:$0x7], $0x80, s9, s12, $0xb8;
	[tilespmem:$0x1F900] =	vst v63  }
0x89: {  	_ =	swait.ge [sflag:s21], $0x2800  }
0x8a: {  	[sflag:s21] =	ssyncset.done $0x0  }
0x8b: {  	s7 =	rddreg [dreg:$0x14];
	[sflag:s21] =	ssyncadd.s32 $0xFFFFD800  }
0x8c: {  	[tilespmem:s14], [sflag:$0x2] =	stream.indirect.gather [hbm4b:s4+s12], $0x80, s7, s12, $0xb8;
	[tilespmem:$0x1F900] =	vst v63  }
0x8d: {  	_ =	swait.ge [sflag:s22], $0x2800  }
0x8e: {  	[sflag:s22] =	ssyncset.done $0x0  }
0x8f: {  	s8 =	rddreg [dreg:$0x15];
	[sflag:s22] =	ssyncadd.s32 $0xFFFFD800  }
0x90: {  	[spmem:s2] =	stream.indirect.scatter.add.f32 [tilespmem:s17], [sflag:$0x8], $0x80, s8, s12, $0xb8;
	[tilespmem:$0x1F900] =	vst v63  }
0x91: {  	_ =	swait.ge [sflag:s23], $0x2800  }
0x92: {  	[sflag:s23] =	ssyncset.done $0x0  }
0x93: {  	s9 =	rddreg [dreg:$0x16];
	[sflag:s23] =	ssyncadd.s32 $0xFFFFD800  }
0x94: {  	[tilespmem:s15], [sflag:$0x3] =	stream.indirect.gather [hbm4b:s4+s12], $0x80, s9, s12, $0xb8;
	[tilespmem:$0x1F900] =	vst v63  }
0x95: {  	_ =	swait.ge [sflag:s16], $0x2800  }
0x96: {  	[sflag:s16] =	ssyncset.done $0x0  }
0x97: {  	s7 =	rddreg [dreg:$0x17];
	[sflag:s16] =	ssyncadd.s32 $0xFFFFD800  }
0x98: {  	[spmem:s2] =	stream.indirect.scatter.add.f32 [tilespmem:s13], [sflag:$0x5], $0x80, s7, s12, $0xb8;
	[tilespmem:$0x1F900] =	vst v63  }
0x99: {  	_ =	swait.ge [sflag:s24], $0x2800  }
0x9a: {  	[sflag:s24] =	ssyncset.done $0x0  }
0x9b: {  	s8 =	rddreg [dreg:$0x18];
	[sflag:s24] =	ssyncadd.s32 $0xFFFFD800  }
0x9c: {  	[tilespmem:s17], [sflag:$0x4] =	stream.indirect.gather [hbm4b:s4+s12], $0x80, s8, s12, $0xb8;
	[tilespmem:$0x1F900] =	vst v63  }
0x9d: {  	_ =	swait.ge [sflag:s18], $0x2800  }
0x9e: {  	[sflag:s18] =	ssyncset.done $0x0  }
0x9f: {  	s9 =	rddreg [dreg:$0x19];
	[sflag:s18] =	ssyncadd.s32 $0xFFFFD800  }
0xa0: {  	[spmem:s2] =	stream.indirect.scatter.add.f32 [tilespmem:s14], [sflag:$0x6], $0x80, s9, s12, $0xb8;
	[tilespmem:$0x1F900] =	vst v63  }
0xa1: {  	_ =	swait.ge [sflag:s19], $0x2800  }
0xa2: {  	[sflag:s19] =	ssyncset.done $0x0  }
0xa3: {  	s7 =	rddreg [dreg:$0x1a];
	[sflag:s19] =	ssyncadd.s32 $0xFFFFD800  }
0xa4: {  	[tilespmem:s13], [sflag:$0x1] =	stream.indirect.gather [hbm4b:s4+s12], $0x80, s7, s12, $0xb8;
	[tilespmem:$0x1F900] =	vst v63  }
0xa5: {  	_ =	swait.ge [sflag:s20], $0x2800  }
0xa6: {  	[sflag:s20] =	ssyncset.done $0x0  }
0xa7: {  	s8 =	rddreg [dreg:$0x1b];
	[sflag:s20] =	ssyncadd.s32 $0xFFFFD800  }
0xa8: {  	[spmem:s2] =	stream.indirect.scatter.add.f32 [tilespmem:s15], [sflag:$0x7], $0x80, s8, s12, $0xb8;
	[tilespmem:$0x1F900] =	vst v63  }
0xa9: {  	_ =	swait.ge [sflag:s21], $0x2800  }
0xaa: {  	[sflag:s21] =	ssyncset.done $0x0  }
0xab: {  	s9 =	rddreg [dreg:$0x1c];
	[sflag:s21] =	ssyncadd.s32 $0xFFFFD800  }
0xac: {  	[tilespmem:s14], [sflag:$0x2] =	stream.indirect.gather [hbm4b:s4+s12], $0x80, s9, s12, $0xb8;
	[tilespmem:$0x1F900] =	vst v63  }
0xad: {  	_ =	swait.ge [sflag:s22], $0x2800  }
0xae: {  	[sflag:s22] =	ssyncset.done $0x0  }
0xaf: {  	s7 =	rddreg [dreg:$0x1d];
	[sflag:s22] =	ssyncadd.s32 $0xFFFFD800  }
0xb0: {  	[spmem:s2] =	stream.indirect.scatter.add.f32 [tilespmem:s17], [sflag:$0x8], $0x80, s7, s12, $0xb8;
	[tilespmem:$0x1F900] =	vst v63  }
0xb1: {  	_ =	swait.ge [sflag:s23], $0x2800  }
0xb2: {  	[sflag:s23] =	ssyncset.done $0x0  }
0xb3: {  	s8 =	rddreg [dreg:$0x1e];
	[sflag:s23] =	ssyncadd.s32 $0xFFFFD800  }
0xb4: {  	[tilespmem:s15], [sflag:$0x3] =	stream.indirect.gather [hbm4b:s4+s12], $0x80, s8, s12, $0xb8;
	[tilespmem:$0x1F900] =	vst v63  }
0xb5: {  	_ =	swait.ge [sflag:s16], $0x2800  }
0xb6: {  	[sflag:s16] =	ssyncset.done $0x0  }
0xb7: {  	s9 =	rddreg [dreg:$0x1f];
	[sflag:s16] =	ssyncadd.s32 $0xFFFFD800  }
0xb8: {  	[spmem:s2] =	stream.indirect.scatter.add.f32 [tilespmem:s13], [sflag:$0x5], $0x80, s9, s12, $0xb8;
	[tilespmem:$0x1F900] =	vst v63  }
0xb9: {  	_ =	swait.ge [sflag:s24], $0x2800  }
0xba: {  	s7 =	sld [smem:$0x7DE]  }
0xbb: {  	[sflag:s24] =	ssyncset.done $0x0  }
0xbc: {  	[sflag:s24] =	ssyncadd.s32 $0xFFFFD800  }
0xbd: {  	[tilespmem:s17], [sflag:$0x4] =	stream.indirect.gather [hbm4b:s4+s12], $0x80, s7, s12, $0xb8;
	[tilespmem:$0x1F900] =	vst v63  }
0xbe: {  	_ =	swait.ge [sflag:s18], $0x2800  }
0xbf: {  	s8 =	sld [smem:$0x7DF]  }
0xc0: {  	[sflag:s18] =	ssyncset.done $0x0  }
0xc1: {  	[sflag:s18] =	ssyncadd.s32 $0xFFFFD800  }
0xc2: {  	[spmem:s2] =	stream.indirect.scatter.add.f32 [tilespmem:s14], [sflag:$0x6], $0x80, s8, s12, $0xb8;
	[tilespmem:$0x1F900] =	vst v63  }
0xc3: {  	_ =	swait.ge [sflag:s19], $0x2800  }
0xc4: {  	s9 =	sld [smem:$0x7E0]  }
0xc5: {  	[sflag:s19] =	ssyncset.done $0x0  }
0xc6: {  	[sflag:s19] =	ssyncadd.s32 $0xFFFFD800  }
0xc7: {  	[tilespmem:s13], [sflag:$0x1] =	stream.indirect.gather [hbm4b:s4+s12], $0x80, s9, s12, $0xb8;
	[tilespmem:$0x1F900] =	vst v63  }
0xc8: {  	_ =	swait.ge [sflag:s20], $0x2800  }
0xc9: {  	s7 =	sld [smem:$0x7E1]  }
0xca: {  	[sflag:s20] =	ssyncset.done $0x0  }
0xcb: {  	[sflag:s20] =	ssyncadd.s32 $0xFFFFD800  }
0xcc: {  	[spmem:s2] =	stream.indirect.scatter.add.f32 [tilespmem:s15], [sflag:$0x7], $0x80, s7, s12, $0xb8;
	[tilespmem:$0x1F900] =	vst v63  }
0xcd: {  	_ =	swait.ge [sflag:s21], $0x2800  }
0xce: {  	s8 =	sld [smem:$0x7E2]  }
0xcf: {  	[sflag:s21] =	ssyncset.done $0x0  }
0xd0: {  	[sflag:s21] =	ssyncadd.s32 $0xFFFFD800  }
0xd1: {  	[tilespmem:s14], [sflag:$0x2] =	stream.indirect.gather [hbm4b:s4+s12], $0x80, s8, s12, $0xb8;
	[tilespmem:$0x1F900] =	vst v63  }
0xd2: {  	_ =	swait.ge [sflag:s22], $0x2800  }
0xd3: {  	s9 =	sld [smem:$0x7E3]  }
0xd4: {  	[sflag:s22] =	ssyncset.done $0x0  }
0xd5: {  	[sflag:s22] =	ssyncadd.s32 $0xFFFFD800  }
0xd6: {  	[spmem:s2] =	stream.indirect.scatter.add.f32 [tilespmem:s17], [sflag:$0x8], $0x80, s9, s12, $0xb8;
	[tilespmem:$0x1F900] =	vst v63  }
0xd7: {  	_ =	swait.ge [sflag:s23], $0x2800  }
0xd8: {  	s7 =	sld [smem:$0x7E5]  }
0xd9: {  	[sflag:s23] =	ssyncset.done $0x0  }
0xda: {  	[sflag:s23] =	ssyncadd.s32 $0xFFFFD800  }
0xdb: {  	[tilespmem:s15], [sflag:$0x3] =	stream.indirect.gather [hbm4b:s4+s12], $0x80, s7, s12, $0xb8;
	[tilespmem:$0x1F900] =	vst v63  }
0xdc: {  	_ =	swait.ge [sflag:s16], $0x2800  }
0xdd: {  	s8 =	sld [smem:$0x7E6]  }
0xde: {  	[sflag:s16] =	ssyncset.done $0x0  }
0xdf: {  	[sflag:s16] =	ssyncadd.s32 $0xFFFFD800  }
0xe0: {  	[spmem:s2] =	stream.indirect.scatter.add.f32 [tilespmem:s13], [sflag:$0x5], $0x80, s8, s12, $0xb8;
	[tilespmem:$0x1F900] =	vst v63  }
0xe1: {  	_ =	swait.ge [sflag:s24], $0x2800  }
0xe2: {  	s9 =	sld [smem:$0x7E7]  }
0xe3: {  	[sflag:s24] =	ssyncset.done $0x0  }
0xe4: {  	[sflag:s24] =	ssyncadd.s32 $0xFFFFD800  }
0xe5: {  	[tilespmem:s17], [sflag:$0x4] =	stream.indirect.gather [hbm4b:s4+s12], $0x80, s9, s12, $0xb8;
	[tilespmem:$0x1F900] =	vst v63  }
0xe6: {  	_ =	swait.ge [sflag:s18], $0x2800  }
0xe7: {  	s7 =	sld [smem:$0x7E9]  }
0xe8: {  	[sflag:s18] =	ssyncset.done $0x0  }
0xe9: {  	[sflag:s18] =	ssyncadd.s32 $0xFFFFD800  }
0xea: {  	[spmem:s2] =	stream.indirect.scatter.add.f32 [tilespmem:s14], [sflag:$0x6], $0x80, s7, s12, $0xb8;
	[tilespmem:$0x1F900] =	vst v63  }
0xeb: {  	_ =	swait.ge [sflag:s19], $0x2800  }
0xec: {  	s8 =	sld [smem:$0x7EB]  }
0xed: {  	[sflag:s19] =	ssyncset.done $0x0  }
0xee: {  	[sflag:s19] =	ssyncadd.s32 $0xFFFFD800  }
0xef: {  	[tilespmem:s13], [sflag:$0x1] =	stream.indirect.gather [hbm4b:s4+s12], $0x80, s8, s12, $0xb8;
	[tilespmem:$0x1F900] =	vst v63  }
0xf0: {  	_ =	swait.ge [sflag:s20], $0x2800  }
0xf1: {  	s9 =	sld [smem:$0x7EC]  }
0xf2: {  	[sflag:s20] =	ssyncset.done $0x0  }
0xf3: {  	[sflag:s20] =	ssyncadd.s32 $0xFFFFD800  }
0xf4: {  	[spmem:s2] =	stream.indirect.scatter.add.f32 [tilespmem:s15], [sflag:$0x7], $0x80, s9, s12, $0xb8;
	[tilespmem:$0x1F900] =	vst v63  }
0xf5: {  	_ =	swait.ge [sflag:s21], $0x2800  }
0xf6: {  	s7 =	sld [smem:$0x7ED]  }
0xf7: {  	[sflag:s21] =	ssyncset.done $0x0  }
0xf8: {  	[sflag:s21] =	ssyncadd.s32 $0xFFFFD800  }
0xf9: {  	[tilespmem:s14], [sflag:$0x2] =	stream.indirect.gather [hbm4b:s4+s12], $0x80, s7, s12, $0xb8;
	[tilespmem:$0x1F900] =	vst v63  }
0xfa: {  	_ =	swait.ge [sflag:s22], $0x2800  }
0xfb: {  	s8 =	sld [smem:$0x7EE]  }
0xfc: {  	[sflag:s22] =	ssyncset.done $0x0  }
0xfd: {  	[sflag:s22] =	ssyncadd.s32 $0xFFFFD800  }
0xfe: {  	[spmem:s2] =	stream.indirect.scatter.add.f32 [tilespmem:s17], [sflag:$0x8], $0x80, s8, s12, $0xb8;
	[tilespmem:$0x1F900] =	vst v63  }
0xff: {  	_ =	swait.ge [sflag:s23], $0x2800  }
0x100: {  	s9 =	sld [smem:$0x7EF]  }
0x101: {  	[sflag:s23] =	ssyncset.done $0x0  }
0x102: {  	[sflag:s23] =	ssyncadd.s32 $0xFFFFD800  }
0x103: {  	[tilespmem:s15], [sflag:$0x3] =	stream.indirect.gather [hbm4b:s4+s12], $0x80, s9, s12, $0xb8;
	[tilespmem:$0x1F900] =	vst v63  }
0x104: {  	_ =	swait.ge [sflag:s16], $0x2800  }
0x105: {  	s7 =	sld [smem:$0x7F0]  }
0x106: {  	[sflag:s16] =	ssyncset.done $0x0  }
0x107: {  	[sflag:s16] =	ssyncadd.s32 $0xFFFFD800  }
0x108: {  	[spmem:s2] =	stream.indirect.scatter.add.f32 [tilespmem:s13], [sflag:$0x5], $0x80, s7, s12, $0xb8;
	[tilespmem:$0x1F900] =	vst v63  }
0x109: {  	_ =	swait.ge [sflag:s24], $0x2800  }
0x10a: {  	s8 =	sld [smem:$0x7F1]  }
0x10b: {  	[sflag:s24] =	ssyncset.done $0x0  }
0x10c: {  	[sflag:s24] =	ssyncadd.s32 $0xFFFFD800  }
0x10d: {  	[tilespmem:s17], [sflag:$0x4] =	stream.indirect.gather [hbm4b:s4+s12], $0x80, s8, s12, $0xb8;
	[tilespmem:$0x1F900] =	vst v63  }
0x10e: {  	_ =	swait.ge [sflag:s18], $0x2800  }
0x10f: {  	s9 =	sld [smem:$0x7F2]  }
0x110: {  	[sflag:s18] =	ssyncset.done $0x0  }
0x111: {  	[sflag:s18] =	ssyncadd.s32 $0xFFFFD800  }
0x112: {  	[spmem:s2] =	stream.indirect.scatter.add.f32 [tilespmem:s14], [sflag:$0x6], $0x80, s9, s12, $0xb8;
	[tilespmem:$0x1F900] =	vst v63  }
0x113: {  	_ =	swait.ge [sflag:s19], $0x2800  }
0x114: {  	s7 =	sld [smem:$0x7F3]  }
0x115: {  	[sflag:s19] =	ssyncset.done $0x0  }
0x116: {  	[sflag:s19] =	ssyncadd.s32 $0xFFFFD800  }
0x117: {  	[tilespmem:s13], [sflag:$0x1] =	stream.indirect.gather [hbm4b:s4+s12], $0x80, s7, s12, $0xb8;
	[tilespmem:$0x1F900] =	vst v63  }
0x118: {  	_ =	swait.ge [sflag:s20], $0x2800  }
0x119: {  	s8 =	sld [smem:$0x7F4]  }
0x11a: {  	[sflag:s20] =	ssyncset.done $0x0  }
0x11b: {  	[sflag:s20] =	ssyncadd.s32 $0xFFFFD800  }
0x11c: {  	[spmem:s2] =	stream.indirect.scatter.add.f32 [tilespmem:s15], [sflag:$0x7], $0x80, s8, s12, $0xb8;
	[tilespmem:$0x1F900] =	vst v63  }
0x11d: {  	_ =	swait.ge [sflag:s21], $0x2800  }
0x11e: {  	s9 =	sld [smem:$0x7F5]  }
0x11f: {  	[sflag:s21] =	ssyncset.done $0x0  }
0x120: {  	[sflag:s21] =	ssyncadd.s32 $0xFFFFD800  }
0x121: {  	[tilespmem:s14], [sflag:$0x2] =	stream.indirect.gather [hbm4b:s4+s12], $0x80, s9, s12, $0xb8;
	[tilespmem:$0x1F900] =	vst v63  }
0x122: {  	_ =	swait.ge [sflag:s22], $0x2800  }
0x123: {  	s7 =	sld [smem:$0x7F6]  }
0x124: {  	[sflag:s22] =	ssyncset.done $0x0  }
0x125: {  	[sflag:s22] =	ssyncadd.s32 $0xFFFFD800  }
0x126: {  	[spmem:s2] =	stream.indirect.scatter.add.f32 [tilespmem:s17], [sflag:$0x8], $0x80, s7, s12, $0xb8;
	[tilespmem:$0x1F900] =	vst v63  }
0x127: {  	_ =	swait.ge [sflag:s23], $0x2800  }
0x128: {  	s8 =	sld [smem:$0x7F7]  }
0x129: {  	[sflag:s23] =	ssyncset.done $0x0  }
0x12a: {  	[sflag:s23] =	ssyncadd.s32 $0xFFFFD800  }
0x12b: {  	[tilespmem:s15], [sflag:$0x3] =	stream.indirect.gather [hbm4b:s4+s12], $0x80, s8, s12, $0xb8;
	[tilespmem:$0x1F900] =	vst v63  }
0x12c: {  	_ =	swait.ge [sflag:s16], $0x2800  }
0x12d: {  	s9 =	sld [smem:$0x7F8]  }
0x12e: {  	[sflag:s16] =	ssyncset.done $0x0  }
0x12f: {  	[sflag:s16] =	ssyncadd.s32 $0xFFFFD800  }
0x130: {  	[spmem:s2] =	stream.indirect.scatter.add.f32 [tilespmem:s13], [sflag:$0x5], $0x80, s9, s12, $0xb8;
	[tilespmem:$0x1F900] =	vst v63  }
0x131: {  	_ =	swait.ge [sflag:s24], $0x2800  }
0x132: {  	s7 =	sld [smem:$0x7F9]  }
0x133: {  	[sflag:s24] =	ssyncset.done $0x0  }
0x134: {  	[sflag:s24] =	ssyncadd.s32 $0xFFFFD800  }
0x135: {  	[tilespmem:s17], [sflag:$0x4] =	stream.indirect.gather [hbm4b:s4+s12], $0x80, s7, s12, $0xb8;
	[tilespmem:$0x1F900] =	vst v63  }
0x136: {  	_ =	swait.ge [sflag:s18], $0x2800  }
0x137: {  	s8 =	sld [smem:$0x7FA]  }
0x138: {  	[sflag:s18] =	ssyncset.done $0x0  }
0x139: {  	[sflag:s18] =	ssyncadd.s32 $0xFFFFD800  }
0x13a: {  	[spmem:s2] =	stream.indirect.scatter.add.f32 [tilespmem:s14], [sflag:$0x6], $0x80, s8, s12, $0xb8;
	[tilespmem:$0x1F900] =	vst v63  }
0x13b: {  	_ =	swait.ge [sflag:s19], $0x2800  }
0x13c: {  	s9 =	sld [smem:$0x7FB]  }
0x13d: {  	[sflag:s19] =	ssyncset.done $0x0  }
0x13e: {  	[sflag:s19] =	ssyncadd.s32 $0xFFFFD800  }
0x13f: {  	[tilespmem:s13], [sflag:$0x1] =	stream.indirect.gather [hbm4b:s4+s12], $0x80, s9, s12, $0xb8;
	[tilespmem:$0x1F900] =	vst v63  }
0x140: {  	_ =	swait.ge [sflag:s20], $0x2800  }
0x141: {  	[sflag:s20] =	ssyncset.done $0x0  }
0x142: {  	[sflag:s20] =	ssyncadd.s32 $0xFFFFD800  }
0x143: {  	[spmem:s2] =	stream.indirect.scatter.add.f32 [tilespmem:s15], [sflag:$0x7], $0x80, s25, s12, $0xb8;
	[tilespmem:$0x1F900] =	vst v63  }
0x144: {  	_ =	swait.ge [sflag:s21], $0x2800  }
0x145: {  	[sflag:s21] =	ssyncset.done $0x0  }
0x146: {  	[sflag:s21] =	ssyncadd.s32 $0xFFFFD800  }
0x147: {  	[tilespmem:s14], [sflag:$0x2] =	stream.indirect.gather [hbm4b:s4+s12], $0x80, s26, s12, $0xb8;
	[tilespmem:$0x1F900] =	vst v63  }
0x148: {  	_ =	swait.ge [sflag:s22], $0x2800  }
0x149: {  	[sflag:s22] =	ssyncset.done $0x0  }
0x14a: {  	[sflag:s22] =	ssyncadd.s32 $0xFFFFD800  }
0x14b: {  	[spmem:s2] =	stream.indirect.scatter.add.f32 [tilespmem:s17], [sflag:$0x8], $0x80, s28, s12, $0xb8;
	[tilespmem:$0x1F900] =	vst v63  }
0x14c: {  	_ =	swait.ge [sflag:s23], $0x2800  }
0x14d: {  	[sflag:s23] =	ssyncset.done $0x0  }
0x14e: {  	[sflag:s23] =	ssyncadd.s32 $0xFFFFD800  }
0x14f: {  	[tilespmem:s15], [sflag:$0x3] =	stream.indirect.gather [hbm4b:s4+s12], $0x80, s29, s12, $0xb8;
	[tilespmem:$0x1F900] =	vst v63  }
0x150: {  	_ =	swait.ge [sflag:s16], $0x2800  }
0x151: {  	[sflag:s16] =	ssyncset.done $0x0  }
0x152: {  	[sflag:s16] =	ssyncadd.s32 $0xFFFFD800  }
0x153: {  	[spmem:s2] =	stream.indirect.scatter.add.f32 [tilespmem:s13], [sflag:$0x5], $0x80, s30, s12, $0xb8;
	[tilespmem:$0x1F900] =	vst v63  }
0x154: {  	_ =	swait.ge [sflag:s24], $0x2800  }
0x155: {  	[sflag:s24] =	ssyncset.done $0x0  }
0x156: {  	[sflag:s24] =	ssyncadd.s32 $0xFFFFD800  }
0x157: {  	[tilespmem:s17], [sflag:$0x4] =	stream.indirect.gather [hbm4b:s4+s12], $0x80, s31, s12, $0xb8;
	[tilespmem:$0x1F900] =	vst v63  }
0x158: {  	_ =	swait.ge [sflag:s18], $0x2800  }
0x159: {  	[sflag:s18] =	ssyncset.done $0x0  }
0x15a: {  	[sflag:s18] =	ssyncadd.s32 $0xFFFFD800  }
0x15b: {  	[spmem:s2] =	stream.indirect.scatter.add.f32 [tilespmem:s14], [sflag:$0x6], $0x80, s0, s12, $0xb8;
	[tilespmem:$0x1F900] =	vst v63  }
0x15c: {  	_ =	swait.ge [sflag:s19], $0x2800  }
0x15d: {  	[sflag:s19] =	ssyncset.done $0x0  }
0x15e: {  	[sflag:s19] =	ssyncadd.s32 $0xFFFFD800  }
0x15f: {  	_ =	swait.ge [sflag:s20], $0x2800  }
0x160: {  	[sflag:s20] =	ssyncset.done $0x0  }
0x161: {  	[sflag:s20] =	ssyncadd.s32 $0xFFFFD800  }
0x162: {  	[spmem:s2] =	stream.indirect.scatter.add.f32 [tilespmem:s15], [sflag:$0x7], $0x80, s1, s12, $0xb8;
	[tilespmem:$0x1F900] =	vst v63  }
0x163: {  	_ =	swait.ge [sflag:s21], $0x2800  }
0x164: {  	[sflag:s21] =	ssyncset.done $0x0  }
0x165: {  	[sflag:s21] =	ssyncadd.s32 $0xFFFFD800  }
0x166: {  	_ =	swait.ge [sflag:s22], $0x2800  }
0x167: {  	[sflag:s22] =	ssyncset.done $0x0  }
0x168: {  	[sflag:s22] =	ssyncadd.s32 $0xFFFFD800  }
0x169: {  	[spmem:s2] =	stream.indirect.scatter.add.f32 [tilespmem:s17], [sflag:$0x8], $0x80, s5, s12, $0xb8;
	[tilespmem:$0x1F900] =	vst v63  }
0x16a: {  	_ =	swait.ge [sflag:s23], $0x2800  }
0x16b: {  	[sflag:s23] =	ssyncset.done $0x0  }
0x16c: {  	[sflag:s23] =	ssyncadd.s32 $0xFFFFD800  }
0x16d: {  	s6 =	simm.s32 $0x400;
	_ =	swait.ge [sflag:s24], $0x2800  }
0x16e: {  	s8 =	simm.s32 $0x200;
	s9 =	rddreg [dreg:$0x5];
	[sflag:s24] =	ssyncset.done $0x0  }
.LBB2_2:
0x16f: {  	[sflag:s24] =	ssyncadd.s32 $0xFFFFD800;
	s9 =	sadd.s32 s8, s9  }
0x170: {  	[tilespmem:s3], [sflag:$0x9] =	stream.linear.gather [hbm4b:s9+s3], $0x1000, $0x38;
	[tilespmem:$0x1F900] =	vst v63  }
0x171: {  	_ =	swait.ge [sflag:s10], $0x1000  }
0x172: {  	s9 =	rddreg [dreg:$0x4];
	[sflag:s10] =	ssyncset.done $0x0  }
0x173: {  	[sflag:s10] =	ssyncadd.s32 $0xFFFFF000;
	s9 =	sadd.s32 s8, s9  }
0x174: {  	[tilespmem:s11], [sflag:$0x9] =	stream.linear.gather [hbm4b:s9+s3], $0x1000, $0x38;
	[tilespmem:$0x1F900] =	vst v63  }
0x175: {  	_ =	swait.ge [sflag:s10], $0x1000  }
0x176: {  	[sflag:s10] =	ssyncset.done $0x0  }
0x177: {  	s7 =	smov.u32 s6;
	[sflag:s10] =	ssyncadd.s32 $0xFFFFF000  }
0x178: {  	[tilespmem:s13], [sflag:$0x1] =	stream.indirect.gather [hbm4b:s4+s12], $0x80, s3, s12, $0xb8;
	[tilespmem:$0x1F900] =	vst v63  }
0x179: {  	s8 =	smov.u32 s7;
	s7 =	rddreg [dreg:$0x6]  }
0x17a: {  	[tilespmem:s14], [sflag:$0x2] =	stream.indirect.gather [hbm4b:s4+s12], $0x80, s7, s12, $0xb8;
	[tilespmem:$0x1F900] =	vst v63  }
0x17b: {  	s9 =	rddreg [dreg:$0x7]  }
0x17c: {  	[tilespmem:s15], [sflag:$0x3] =	stream.indirect.gather [hbm4b:s4+s12], $0x80, s9, s12, $0xb8;
	[tilespmem:$0x1F900] =	vst v63  }
0x17d: {  	_ =	swait.ge [sflag:s16], $0x2800  }
0x17e: {  	[sflag:s16] =	ssyncset.done $0x0  }
0x17f: {  	[sflag:s16] =	ssyncadd.s32 $0xFFFFD800  }
0x180: {  	[spmem:s2] =	stream.indirect.scatter.add.f32 [tilespmem:s13], [sflag:$0x5], $0x80, s11, s12, $0xb8;
	[tilespmem:$0x1F900] =	vst v63  }
0x181: {  	s9 =	rddreg [dreg:$0x8]  }
0x182: {  	[tilespmem:s17], [sflag:$0x4] =	stream.indirect.gather [hbm4b:s4+s12], $0x80, s9, s12, $0xb8;
	[tilespmem:$0x1F900] =	vst v63  }
0x183: {  	_ =	swait.ge [sflag:s18], $0x2800  }
0x184: {  	[sflag:s18] =	ssyncset.done $0x0  }
0x185: {  	s9 =	rddreg [dreg:$0x9];
	[sflag:s18] =	ssyncadd.s32 $0xFFFFD800  }
0x186: {  	[spmem:s2] =	stream.indirect.scatter.add.f32 [tilespmem:s14], [sflag:$0x6], $0x80, s9, s12, $0xb8;
	[tilespmem:$0x1F900] =	vst v63  }
0x187: {  	_ =	swait.ge [sflag:s19], $0x2800  }
0x188: {  	[sflag:s19] =	ssyncset.done $0x0  }
0x189: {  	s9 =	rddreg [dreg:$0xa];
	[sflag:s19] =	ssyncadd.s32 $0xFFFFD800  }
0x18a: {  	[tilespmem:s13], [sflag:$0x1] =	stream.indirect.gather [hbm4b:s4+s12], $0x80, s9, s12, $0xb8;
	[tilespmem:$0x1F900] =	vst v63  }
0x18b: {  	_ =	swait.ge [sflag:s20], $0x2800  }
0x18c: {  	[sflag:s20] =	ssyncset.done $0x0  }
0x18d: {  	s9 =	rddreg [dreg:$0xb];
	[sflag:s20] =	ssyncadd.s32 $0xFFFFD800  }
0x18e: {  	[spmem:s2] =	stream.indirect.scatter.add.f32 [tilespmem:s15], [sflag:$0x7], $0x80, s9, s12, $0xb8;
	[tilespmem:$0x1F900] =	vst v63  }
0x18f: {  	_ =	swait.ge [sflag:s21], $0x2800  }
0x190: {  	[sflag:s21] =	ssyncset.done $0x0  }
0x191: {  	s9 =	rddreg [dreg:$0xc];
	[sflag:s21] =	ssyncadd.s32 $0xFFFFD800  }
0x192: {  	[tilespmem:s14], [sflag:$0x2] =	stream.indirect.gather [hbm4b:s4+s12], $0x80, s9, s12, $0xb8;
	[tilespmem:$0x1F900] =	vst v63  }
0x193: {  	_ =	swait.ge [sflag:s22], $0x2800  }
0x194: {  	[sflag:s22] =	ssyncset.done $0x0  }
0x195: {  	s9 =	rddreg [dreg:$0xd];
	[sflag:s22] =	ssyncadd.s32 $0xFFFFD800  }
0x196: {  	[spmem:s2] =	stream.indirect.scatter.add.f32 [tilespmem:s17], [sflag:$0x8], $0x80, s9, s12, $0xb8;
	[tilespmem:$0x1F900] =	vst v63  }
0x197: {  	_ =	swait.ge [sflag:s23], $0x2800  }
0x198: {  	[sflag:s23] =	ssyncset.done $0x0  }
0x199: {  	s9 =	rddreg [dreg:$0xe];
	[sflag:s23] =	ssyncadd.s32 $0xFFFFD800  }
0x19a: {  	[tilespmem:s15], [sflag:$0x3] =	stream.indirect.gather [hbm4b:s4+s12], $0x80, s9, s12, $0xb8;
	[tilespmem:$0x1F900] =	vst v63  }
0x19b: {  	_ =	swait.ge [sflag:s16], $0x2800  }
0x19c: {  	[sflag:s16] =	ssyncset.done $0x0  }
0x19d: {  	s9 =	rddreg [dreg:$0xf];
	[sflag:s16] =	ssyncadd.s32 $0xFFFFD800  }
0x19e: {  	[spmem:s2] =	stream.indirect.scatter.add.f32 [tilespmem:s13], [sflag:$0x5], $0x80, s9, s12, $0xb8;
	[tilespmem:$0x1F900] =	vst v63  }
0x19f: {  	_ =	swait.ge [sflag:s24], $0x2800  }
0x1a0: {  	[sflag:s24] =	ssyncset.done $0x0  }
0x1a1: {  	s9 =	rddreg [dreg:$0x10];
	[sflag:s24] =	ssyncadd.s32 $0xFFFFD800  }
0x1a2: {  	[tilespmem:s17], [sflag:$0x4] =	stream.indirect.gather [hbm4b:s4+s12], $0x80, s9, s12, $0xb8;
	[tilespmem:$0x1F900] =	vst v63  }
0x1a3: {  	_ =	swait.ge [sflag:s18], $0x2800  }
0x1a4: {  	[sflag:s18] =	ssyncset.done $0x0  }
0x1a5: {  	s9 =	rddreg [dreg:$0x11];
	[sflag:s18] =	ssyncadd.s32 $0xFFFFD800  }
0x1a6: {  	[spmem:s2] =	stream.indirect.scatter.add.f32 [tilespmem:s14], [sflag:$0x6], $0x80, s9, s12, $0xb8;
	[tilespmem:$0x1F900] =	vst v63  }
0x1a7: {  	_ =	swait.ge [sflag:s19], $0x2800  }
0x1a8: {  	[sflag:s19] =	ssyncset.done $0x0  }
0x1a9: {  	s9 =	rddreg [dreg:$0x12];
	[sflag:s19] =	ssyncadd.s32 $0xFFFFD800  }
0x1aa: {  	[tilespmem:s13], [sflag:$0x1] =	stream.indirect.gather [hbm4b:s4+s12], $0x80, s9, s12, $0xb8;
	[tilespmem:$0x1F900] =	vst v63  }
0x1ab: {  	_ =	swait.ge [sflag:s20], $0x2800  }
0x1ac: {  	[sflag:s20] =	ssyncset.done $0x0  }
0x1ad: {  	s9 =	rddreg [dreg:$0x13];
	[sflag:s20] =	ssyncadd.s32 $0xFFFFD800  }
0x1ae: {  	[spmem:s2] =	stream.indirect.scatter.add.f32 [tilespmem:s15], [sflag:$0x7], $0x80, s9, s12, $0xb8;
	[tilespmem:$0x1F900] =	vst v63  }
0x1af: {  	_ =	swait.ge [sflag:s21], $0x2800  }
0x1b0: {  	[sflag:s21] =	ssyncset.done $0x0  }
0x1b1: {  	s9 =	rddreg [dreg:$0x14];
	[sflag:s21] =	ssyncadd.s32 $0xFFFFD800  }
0x1b2: {  	[tilespmem:s14], [sflag:$0x2] =	stream.indirect.gather [hbm4b:s4+s12], $0x80, s9, s12, $0xb8;
	[tilespmem:$0x1F900] =	vst v63  }
0x1b3: {  	_ =	swait.ge [sflag:s22], $0x2800  }
0x1b4: {  	[sflag:s22] =	ssyncset.done $0x0  }
0x1b5: {  	s9 =	rddreg [dreg:$0x15];
	[sflag:s22] =	ssyncadd.s32 $0xFFFFD800  }
0x1b6: {  	[spmem:s2] =	stream.indirect.scatter.add.f32 [tilespmem:s17], [sflag:$0x8], $0x80, s9, s12, $0xb8;
	[tilespmem:$0x1F900] =	vst v63  }
0x1b7: {  	_ =	swait.ge [sflag:s23], $0x2800  }
0x1b8: {  	[sflag:s23] =	ssyncset.done $0x0  }
0x1b9: {  	s9 =	rddreg [dreg:$0x16];
	[sflag:s23] =	ssyncadd.s32 $0xFFFFD800  }
0x1ba: {  	[tilespmem:s15], [sflag:$0x3] =	stream.indirect.gather [hbm4b:s4+s12], $0x80, s9, s12, $0xb8;
	[tilespmem:$0x1F900] =	vst v63  }
0x1bb: {  	_ =	swait.ge [sflag:s16], $0x2800  }
0x1bc: {  	[sflag:s16] =	ssyncset.done $0x0  }
0x1bd: {  	s9 =	rddreg [dreg:$0x17];
	[sflag:s16] =	ssyncadd.s32 $0xFFFFD800  }
0x1be: {  	[spmem:s2] =	stream.indirect.scatter.add.f32 [tilespmem:s13], [sflag:$0x5], $0x80, s9, s12, $0xb8;
	[tilespmem:$0x1F900] =	vst v63  }
0x1bf: {  	_ =	swait.ge [sflag:s24], $0x2800  }
0x1c0: {  	[sflag:s24] =	ssyncset.done $0x0  }
0x1c1: {  	s9 =	rddreg [dreg:$0x18];
	[sflag:s24] =	ssyncadd.s32 $0xFFFFD800  }
0x1c2: {  	[tilespmem:s17], [sflag:$0x4] =	stream.indirect.gather [hbm4b:s4+s12], $0x80, s9, s12, $0xb8;
	[tilespmem:$0x1F900] =	vst v63  }
0x1c3: {  	_ =	swait.ge [sflag:s18], $0x2800  }
0x1c4: {  	[sflag:s18] =	ssyncset.done $0x0  }
0x1c5: {  	s9 =	rddreg [dreg:$0x19];
	[sflag:s18] =	ssyncadd.s32 $0xFFFFD800  }
0x1c6: {  	[spmem:s2] =	stream.indirect.scatter.add.f32 [tilespmem:s14], [sflag:$0x6], $0x80, s9, s12, $0xb8;
	[tilespmem:$0x1F900] =	vst v63  }
0x1c7: {  	_ =	swait.ge [sflag:s19], $0x2800  }
0x1c8: {  	[sflag:s19] =	ssyncset.done $0x0  }
0x1c9: {  	s9 =	rddreg [dreg:$0x1a];
	[sflag:s19] =	ssyncadd.s32 $0xFFFFD800  }
0x1ca: {  	[tilespmem:s13], [sflag:$0x1] =	stream.indirect.gather [hbm4b:s4+s12], $0x80, s9, s12, $0xb8;
	[tilespmem:$0x1F900] =	vst v63  }
0x1cb: {  	_ =	swait.ge [sflag:s20], $0x2800  }
0x1cc: {  	[sflag:s20] =	ssyncset.done $0x0  }
0x1cd: {  	s9 =	rddreg [dreg:$0x1b];
	[sflag:s20] =	ssyncadd.s32 $0xFFFFD800  }
0x1ce: {  	[spmem:s2] =	stream.indirect.scatter.add.f32 [tilespmem:s15], [sflag:$0x7], $0x80, s9, s12, $0xb8;
	[tilespmem:$0x1F900] =	vst v63  }
0x1cf: {  	_ =	swait.ge [sflag:s21], $0x2800  }
0x1d0: {  	[sflag:s21] =	ssyncset.done $0x0  }
0x1d1: {  	s9 =	rddreg [dreg:$0x1c];
	[sflag:s21] =	ssyncadd.s32 $0xFFFFD800  }
0x1d2: {  	[tilespmem:s14], [sflag:$0x2] =	stream.indirect.gather [hbm4b:s4+s12], $0x80, s9, s12, $0xb8;
	[tilespmem:$0x1F900] =	vst v63  }
0x1d3: {  	_ =	swait.ge [sflag:s22], $0x2800  }
0x1d4: {  	[sflag:s22] =	ssyncset.done $0x0  }
0x1d5: {  	s9 =	rddreg [dreg:$0x1d];
	[sflag:s22] =	ssyncadd.s32 $0xFFFFD800  }
0x1d6: {  	[spmem:s2] =	stream.indirect.scatter.add.f32 [tilespmem:s17], [sflag:$0x8], $0x80, s9, s12, $0xb8;
	[tilespmem:$0x1F900] =	vst v63  }
0x1d7: {  	_ =	swait.ge [sflag:s23], $0x2800  }
0x1d8: {  	[sflag:s23] =	ssyncset.done $0x0  }
0x1d9: {  	s9 =	rddreg [dreg:$0x1e];
	[sflag:s23] =	ssyncadd.s32 $0xFFFFD800  }
0x1da: {  	[tilespmem:s15], [sflag:$0x3] =	stream.indirect.gather [hbm4b:s4+s12], $0x80, s9, s12, $0xb8;
	[tilespmem:$0x1F900] =	vst v63  }
0x1db: {  	_ =	swait.ge [sflag:s16], $0x2800  }
0x1dc: {  	[sflag:s16] =	ssyncset.done $0x0  }
0x1dd: {  	s9 =	rddreg [dreg:$0x1f];
	[sflag:s16] =	ssyncadd.s32 $0xFFFFD800  }
0x1de: {  	[spmem:s2] =	stream.indirect.scatter.add.f32 [tilespmem:s13], [sflag:$0x5], $0x80, s9, s12, $0xb8;
	[tilespmem:$0x1F900] =	vst v63  }
0x1df: {  	_ =	swait.ge [sflag:s24], $0x2800  }
0x1e0: {  	s9 =	sld [smem:$0x7DE]  }
0x1e1: {  	[sflag:s24] =	ssyncset.done $0x0  }
0x1e2: {  	[sflag:s24] =	ssyncadd.s32 $0xFFFFD800  }
0x1e3: {  	[tilespmem:s17], [sflag:$0x4] =	stream.indirect.gather [hbm4b:s4+s12], $0x80, s9, s12, $0xb8;
	[tilespmem:$0x1F900] =	vst v63  }
0x1e4: {  	_ =	swait.ge [sflag:s18], $0x2800  }
0x1e5: {  	s9 =	sld [smem:$0x7DF]  }
0x1e6: {  	[sflag:s18] =	ssyncset.done $0x0  }
0x1e7: {  	[sflag:s18] =	ssyncadd.s32 $0xFFFFD800  }
0x1e8: {  	[spmem:s2] =	stream.indirect.scatter.add.f32 [tilespmem:s14], [sflag:$0x6], $0x80, s9, s12, $0xb8;
	[tilespmem:$0x1F900] =	vst v63  }
0x1e9: {  	_ =	swait.ge [sflag:s19], $0x2800  }
0x1ea: {  	s9 =	sld [smem:$0x7E0]  }
0x1eb: {  	[sflag:s19] =	ssyncset.done $0x0  }
0x1ec: {  	[sflag:s19] =	ssyncadd.s32 $0xFFFFD800  }
0x1ed: {  	[tilespmem:s13], [sflag:$0x1] =	stream.indirect.gather [hbm4b:s4+s12], $0x80, s9, s12, $0xb8;
	[tilespmem:$0x1F900] =	vst v63  }
0x1ee: {  	_ =	swait.ge [sflag:s20], $0x2800  }
0x1ef: {  	s9 =	sld [smem:$0x7E1]  }
0x1f0: {  	[sflag:s20] =	ssyncset.done $0x0  }
0x1f1: {  	[sflag:s20] =	ssyncadd.s32 $0xFFFFD800  }
0x1f2: {  	[spmem:s2] =	stream.indirect.scatter.add.f32 [tilespmem:s15], [sflag:$0x7], $0x80, s9, s12, $0xb8;
	[tilespmem:$0x1F900] =	vst v63  }
0x1f3: {  	_ =	swait.ge [sflag:s21], $0x2800  }
0x1f4: {  	s9 =	sld [smem:$0x7E2]  }
0x1f5: {  	[sflag:s21] =	ssyncset.done $0x0  }
0x1f6: {  	[sflag:s21] =	ssyncadd.s32 $0xFFFFD800  }
0x1f7: {  	[tilespmem:s14], [sflag:$0x2] =	stream.indirect.gather [hbm4b:s4+s12], $0x80, s9, s12, $0xb8;
	[tilespmem:$0x1F900] =	vst v63  }
0x1f8: {  	_ =	swait.ge [sflag:s22], $0x2800  }
0x1f9: {  	s9 =	sld [smem:$0x7E3]  }
0x1fa: {  	[sflag:s22] =	ssyncset.done $0x0  }
0x1fb: {  	[sflag:s22] =	ssyncadd.s32 $0xFFFFD800  }
0x1fc: {  	[spmem:s2] =	stream.indirect.scatter.add.f32 [tilespmem:s17], [sflag:$0x8], $0x80, s9, s12, $0xb8;
	[tilespmem:$0x1F900] =	vst v63  }
0x1fd: {  	_ =	swait.ge [sflag:s23], $0x2800  }
0x1fe: {  	s9 =	sld [smem:$0x7E5]  }
0x1ff: {  	[sflag:s23] =	ssyncset.done $0x0  }
0x200: {  	[sflag:s23] =	ssyncadd.s32 $0xFFFFD800  }
0x201: {  	[tilespmem:s15], [sflag:$0x3] =	stream.indirect.gather [hbm4b:s4+s12], $0x80, s9, s12, $0xb8;
	[tilespmem:$0x1F900] =	vst v63  }
0x202: {  	_ =	swait.ge [sflag:s16], $0x2800  }
0x203: {  	s9 =	sld [smem:$0x7E6]  }
0x204: {  	[sflag:s16] =	ssyncset.done $0x0  }
0x205: {  	[sflag:s16] =	ssyncadd.s32 $0xFFFFD800  }
0x206: {  	[spmem:s2] =	stream.indirect.scatter.add.f32 [tilespmem:s13], [sflag:$0x5], $0x80, s9, s12, $0xb8;
	[tilespmem:$0x1F900] =	vst v63  }
0x207: {  	_ =	swait.ge [sflag:s24], $0x2800  }
0x208: {  	s9 =	sld [smem:$0x7E7]  }
0x209: {  	[sflag:s24] =	ssyncset.done $0x0  }
0x20a: {  	[sflag:s24] =	ssyncadd.s32 $0xFFFFD800  }
0x20b: {  	[tilespmem:s17], [sflag:$0x4] =	stream.indirect.gather [hbm4b:s4+s12], $0x80, s9, s12, $0xb8;
	[tilespmem:$0x1F900] =	vst v63  }
0x20c: {  	_ =	swait.ge [sflag:s18], $0x2800  }
0x20d: {  	s9 =	sld [smem:$0x7E9]  }
0x20e: {  	[sflag:s18] =	ssyncset.done $0x0  }
0x20f: {  	[sflag:s18] =	ssyncadd.s32 $0xFFFFD800  }
0x210: {  	[spmem:s2] =	stream.indirect.scatter.add.f32 [tilespmem:s14], [sflag:$0x6], $0x80, s9, s12, $0xb8;
	[tilespmem:$0x1F900] =	vst v63  }
0x211: {  	_ =	swait.ge [sflag:s19], $0x2800  }
0x212: {  	s9 =	sld [smem:$0x7EB]  }
0x213: {  	[sflag:s19] =	ssyncset.done $0x0  }
0x214: {  	[sflag:s19] =	ssyncadd.s32 $0xFFFFD800  }
0x215: {  	[tilespmem:s13], [sflag:$0x1] =	stream.indirect.gather [hbm4b:s4+s12], $0x80, s9, s12, $0xb8;
	[tilespmem:$0x1F900] =	vst v63  }
0x216: {  	_ =	swait.ge [sflag:s20], $0x2800  }
0x217: {  	s9 =	sld [smem:$0x7EC]  }
0x218: {  	[sflag:s20] =	ssyncset.done $0x0  }
0x219: {  	[sflag:s20] =	ssyncadd.s32 $0xFFFFD800  }
0x21a: {  	[spmem:s2] =	stream.indirect.scatter.add.f32 [tilespmem:s15], [sflag:$0x7], $0x80, s9, s12, $0xb8;
	[tilespmem:$0x1F900] =	vst v63  }
0x21b: {  	_ =	swait.ge [sflag:s21], $0x2800  }
0x21c: {  	s9 =	sld [smem:$0x7ED]  }
0x21d: {  	[sflag:s21] =	ssyncset.done $0x0  }
0x21e: {  	[sflag:s21] =	ssyncadd.s32 $0xFFFFD800  }
0x21f: {  	[tilespmem:s14], [sflag:$0x2] =	stream.indirect.gather [hbm4b:s4+s12], $0x80, s9, s12, $0xb8;
	[tilespmem:$0x1F900] =	vst v63  }
0x220: {  	_ =	swait.ge [sflag:s22], $0x2800  }
0x221: {  	s9 =	sld [smem:$0x7EE]  }
0x222: {  	[sflag:s22] =	ssyncset.done $0x0  }
0x223: {  	[sflag:s22] =	ssyncadd.s32 $0xFFFFD800  }
0x224: {  	[spmem:s2] =	stream.indirect.scatter.add.f32 [tilespmem:s17], [sflag:$0x8], $0x80, s9, s12, $0xb8;
	[tilespmem:$0x1F900] =	vst v63  }
0x225: {  	_ =	swait.ge [sflag:s23], $0x2800  }
0x226: {  	s9 =	sld [smem:$0x7EF]  }
0x227: {  	[sflag:s23] =	ssyncset.done $0x0  }
0x228: {  	[sflag:s23] =	ssyncadd.s32 $0xFFFFD800  }
0x229: {  	[tilespmem:s15], [sflag:$0x3] =	stream.indirect.gather [hbm4b:s4+s12], $0x80, s9, s12, $0xb8;
	[tilespmem:$0x1F900] =	vst v63  }
0x22a: {  	_ =	swait.ge [sflag:s16], $0x2800  }
0x22b: {  	s9 =	sld [smem:$0x7F0]  }
0x22c: {  	[sflag:s16] =	ssyncset.done $0x0  }
0x22d: {  	[sflag:s16] =	ssyncadd.s32 $0xFFFFD800  }
0x22e: {  	[spmem:s2] =	stream.indirect.scatter.add.f32 [tilespmem:s13], [sflag:$0x5], $0x80, s9, s12, $0xb8;
	[tilespmem:$0x1F900] =	vst v63  }
0x22f: {  	_ =	swait.ge [sflag:s24], $0x2800  }
0x230: {  	s9 =	sld [smem:$0x7F1]  }
0x231: {  	[sflag:s24] =	ssyncset.done $0x0  }
0x232: {  	[sflag:s24] =	ssyncadd.s32 $0xFFFFD800  }
0x233: {  	[tilespmem:s17], [sflag:$0x4] =	stream.indirect.gather [hbm4b:s4+s12], $0x80, s9, s12, $0xb8;
	[tilespmem:$0x1F900] =	vst v63  }
0x234: {  	_ =	swait.ge [sflag:s18], $0x2800  }
0x235: {  	s9 =	sld [smem:$0x7F2]  }
0x236: {  	[sflag:s18] =	ssyncset.done $0x0  }
0x237: {  	[sflag:s18] =	ssyncadd.s32 $0xFFFFD800  }
0x238: {  	[spmem:s2] =	stream.indirect.scatter.add.f32 [tilespmem:s14], [sflag:$0x6], $0x80, s9, s12, $0xb8;
	[tilespmem:$0x1F900] =	vst v63  }
0x239: {  	_ =	swait.ge [sflag:s19], $0x2800  }
0x23a: {  	s9 =	sld [smem:$0x7F3]  }
0x23b: {  	[sflag:s19] =	ssyncset.done $0x0  }
0x23c: {  	[sflag:s19] =	ssyncadd.s32 $0xFFFFD800  }
0x23d: {  	[tilespmem:s13], [sflag:$0x1] =	stream.indirect.gather [hbm4b:s4+s12], $0x80, s9, s12, $0xb8;
	[tilespmem:$0x1F900] =	vst v63  }
0x23e: {  	_ =	swait.ge [sflag:s20], $0x2800  }
0x23f: {  	s9 =	sld [smem:$0x7F4]  }
0x240: {  	[sflag:s20] =	ssyncset.done $0x0  }
0x241: {  	[sflag:s20] =	ssyncadd.s32 $0xFFFFD800  }
0x242: {  	[spmem:s2] =	stream.indirect.scatter.add.f32 [tilespmem:s15], [sflag:$0x7], $0x80, s9, s12, $0xb8;
	[tilespmem:$0x1F900] =	vst v63  }
0x243: {  	_ =	swait.ge [sflag:s21], $0x2800  }
0x244: {  	s9 =	sld [smem:$0x7F5]  }
0x245: {  	[sflag:s21] =	ssyncset.done $0x0  }
0x246: {  	[sflag:s21] =	ssyncadd.s32 $0xFFFFD800  }
0x247: {  	[tilespmem:s14], [sflag:$0x2] =	stream.indirect.gather [hbm4b:s4+s12], $0x80, s9, s12, $0xb8;
	[tilespmem:$0x1F900] =	vst v63  }
0x248: {  	_ =	swait.ge [sflag:s22], $0x2800  }
0x249: {  	s9 =	sld [smem:$0x7F6]  }
0x24a: {  	[sflag:s22] =	ssyncset.done $0x0  }
0x24b: {  	[sflag:s22] =	ssyncadd.s32 $0xFFFFD800  }
0x24c: {  	[spmem:s2] =	stream.indirect.scatter.add.f32 [tilespmem:s17], [sflag:$0x8], $0x80, s9, s12, $0xb8;
	[tilespmem:$0x1F900] =	vst v63  }
0x24d: {  	_ =	swait.ge [sflag:s23], $0x2800  }
0x24e: {  	s9 =	sld [smem:$0x7F7]  }
0x24f: {  	[sflag:s23] =	ssyncset.done $0x0  }
0x250: {  	[sflag:s23] =	ssyncadd.s32 $0xFFFFD800  }
0x251: {  	[tilespmem:s15], [sflag:$0x3] =	stream.indirect.gather [hbm4b:s4+s12], $0x80, s9, s12, $0xb8;
	[tilespmem:$0x1F900] =	vst v63  }
0x252: {  	_ =	swait.ge [sflag:s16], $0x2800  }
0x253: {  	s9 =	sld [smem:$0x7F8]  }
0x254: {  	[sflag:s16] =	ssyncset.done $0x0  }
0x255: {  	[sflag:s16] =	ssyncadd.s32 $0xFFFFD800  }
0x256: {  	[spmem:s2] =	stream.indirect.scatter.add.f32 [tilespmem:s13], [sflag:$0x5], $0x80, s9, s12, $0xb8;
	[tilespmem:$0x1F900] =	vst v63  }
0x257: {  	_ =	swait.ge [sflag:s24], $0x2800  }
0x258: {  	s9 =	sld [smem:$0x7F9]  }
0x259: {  	[sflag:s24] =	ssyncset.done $0x0  }
0x25a: {  	[sflag:s24] =	ssyncadd.s32 $0xFFFFD800  }
0x25b: {  	[tilespmem:s17], [sflag:$0x4] =	stream.indirect.gather [hbm4b:s4+s12], $0x80, s9, s12, $0xb8;
	[tilespmem:$0x1F900] =	vst v63  }
0x25c: {  	_ =	swait.ge [sflag:s18], $0x2800  }
0x25d: {  	s9 =	sld [smem:$0x7FA]  }
0x25e: {  	[sflag:s18] =	ssyncset.done $0x0  }
0x25f: {  	[sflag:s18] =	ssyncadd.s32 $0xFFFFD800  }
0x260: {  	[spmem:s2] =	stream.indirect.scatter.add.f32 [tilespmem:s14], [sflag:$0x6], $0x80, s9, s12, $0xb8;
	[tilespmem:$0x1F900] =	vst v63  }
0x261: {  	_ =	swait.ge [sflag:s19], $0x2800  }
0x262: {  	s9 =	sld [smem:$0x7FB]  }
0x263: {  	[sflag:s19] =	ssyncset.done $0x0  }
0x264: {  	[sflag:s19] =	ssyncadd.s32 $0xFFFFD800  }
0x265: {  	[tilespmem:s13], [sflag:$0x1] =	stream.indirect.gather [hbm4b:s4+s12], $0x80, s9, s12, $0xb8;
	[tilespmem:$0x1F900] =	vst v63  }
0x266: {  	_ =	swait.ge [sflag:s20], $0x2800  }
0x267: {  	[sflag:s20] =	ssyncset.done $0x0  }
0x268: {  	[sflag:s20] =	ssyncadd.s32 $0xFFFFD800  }
0x269: {  	[spmem:s2] =	stream.indirect.scatter.add.f32 [tilespmem:s15], [sflag:$0x7], $0x80, s25, s12, $0xb8;
	[tilespmem:$0x1F900] =	vst v63  }
0x26a: {  	_ =	swait.ge [sflag:s21], $0x2800  }
0x26b: {  	[sflag:s21] =	ssyncset.done $0x0  }
0x26c: {  	[sflag:s21] =	ssyncadd.s32 $0xFFFFD800  }
0x26d: {  	[tilespmem:s14], [sflag:$0x2] =	stream.indirect.gather [hbm4b:s4+s12], $0x80, s26, s12, $0xb8;
	[tilespmem:$0x1F900] =	vst v63  }
0x26e: {  	_ =	swait.ge [sflag:s22], $0x2800  }
0x26f: {  	[sflag:s22] =	ssyncset.done $0x0  }
0x270: {  	[sflag:s22] =	ssyncadd.s32 $0xFFFFD800  }
0x271: {  	[spmem:s2] =	stream.indirect.scatter.add.f32 [tilespmem:s17], [sflag:$0x8], $0x80, s28, s12, $0xb8;
	[tilespmem:$0x1F900] =	vst v63  }
0x272: {  	_ =	swait.ge [sflag:s23], $0x2800  }
0x273: {  	[sflag:s23] =	ssyncset.done $0x0  }
0x274: {  	[sflag:s23] =	ssyncadd.s32 $0xFFFFD800  }
0x275: {  	[tilespmem:s15], [sflag:$0x3] =	stream.indirect.gather [hbm4b:s4+s12], $0x80, s29, s12, $0xb8;
	[tilespmem:$0x1F900] =	vst v63  }
0x276: {  	_ =	swait.ge [sflag:s16], $0x2800  }
0x277: {  	[sflag:s16] =	ssyncset.done $0x0  }
0x278: {  	[sflag:s16] =	ssyncadd.s32 $0xFFFFD800  }
0x279: {  	[spmem:s2] =	stream.indirect.scatter.add.f32 [tilespmem:s13], [sflag:$0x5], $0x80, s30, s12, $0xb8;
	[tilespmem:$0x1F900] =	vst v63  }
0x27a: {  	_ =	swait.ge [sflag:s24], $0x2800  }
0x27b: {  	[sflag:s24] =	ssyncset.done $0x0  }
0x27c: {  	[sflag:s24] =	ssyncadd.s32 $0xFFFFD800  }
0x27d: {  	[tilespmem:s17], [sflag:$0x4] =	stream.indirect.gather [hbm4b:s4+s12], $0x80, s31, s12, $0xb8;
	[tilespmem:$0x1F900] =	vst v63  }
0x27e: {  	_ =	swait.ge [sflag:s18], $0x2800  }
0x27f: {  	[sflag:s18] =	ssyncset.done $0x0  }
0x280: {  	[sflag:s18] =	ssyncadd.s32 $0xFFFFD800  }
0x281: {  	[spmem:s2] =	stream.indirect.scatter.add.f32 [tilespmem:s14], [sflag:$0x6], $0x80, s0, s12, $0xb8;
	[tilespmem:$0x1F900] =	vst v63  }
0x282: {  	_ =	swait.ge [sflag:s19], $0x2800  }
0x283: {  	[sflag:s19] =	ssyncset.done $0x0  }
0x284: {  	[sflag:s19] =	ssyncadd.s32 $0xFFFFD800  }
0x285: {  	_ =	swait.ge [sflag:s20], $0x2800  }
0x286: {  	[sflag:s20] =	ssyncset.done $0x0  }
0x287: {  	[sflag:s20] =	ssyncadd.s32 $0xFFFFD800  }
0x288: {  	[spmem:s2] =	stream.indirect.scatter.add.f32 [tilespmem:s15], [sflag:$0x7], $0x80, s1, s12, $0xb8;
	[tilespmem:$0x1F900] =	vst v63  }
0x289: {  	_ =	swait.ge [sflag:s21], $0x2800  }
0x28a: {  	[sflag:s21] =	ssyncset.done $0x0  }
0x28b: {  	[sflag:s21] =	ssyncadd.s32 $0xFFFFD800  }
0x28c: {  	_ =	swait.ge [sflag:s22], $0x2800  }
0x28d: {  	[sflag:s22] =	ssyncset.done $0x0  }
0x28e: {  	p0 =	sne.s32 s6, $0x600;
	[sflag:s22] =	ssyncadd.s32 $0xFFFFD800  }
0x28f: {  	[spmem:s2] =	stream.indirect.scatter.add.f32 [tilespmem:s17], [sflag:$0x8], $0x80, s5, s12, $0xb8;
	[tilespmem:$0x1F900] =	vst v63  }
.Ltmp0:
0x290: {  	_ =	swait.ge [sflag:s23], $0x2800;
	(pc) =	sbr.rel @p0 .LBB2_2-.Ltmp0, $4  }
0x291: {  	[sflag:s23] =	ssyncset.done $0x0  }
0x292: {  	[sflag:s23] =	ssyncadd.s32 $0xFFFFD800  }
0x293: {  	_ =	swait.ge [sflag:s24], $0x2800  }
0x294: {  	s6 =	sadd.s32 $0x200, s6;
	s9 =	rddreg [dreg:$0x5];
	[sflag:s24] =	ssyncset.done $0x0  }
0x295: {  	[sflag:s24] =	ssyncadd.s32 $0xFFFFD800;
	s6 =	sadd.s32 s8, s9  }
0x296: {  	[tilespmem:s3], [sflag:$0x9] =	stream.linear.gather [hbm4b:s6+s3], $0x1000, $0x38;
	[tilespmem:$0x1F900] =	vst v63  }
0x297: {  	_ =	swait.ge [sflag:s10], $0x1000  }
0x298: {  	s7 =	rddreg [dreg:$0x4];
	[sflag:s10] =	ssyncset.done $0x0  }
0x299: {  	[sflag:s10] =	ssyncadd.s32 $0xFFFFF000;
	s6 =	sadd.s32 s8, s7  }
0x29a: {  	[tilespmem:s11], [sflag:$0x9] =	stream.linear.gather [hbm4b:s6+s3], $0x1000, $0x38;
	[tilespmem:$0x1F900] =	vst v63  }
0x29b: {  	_ =	swait.ge [sflag:s10], $0x1000  }
0x29c: {  	[sflag:s10] =	ssyncset.done $0x0  }
0x29d: {  	[sflag:s10] =	ssyncadd.s32 $0xFFFFF000  }
0x29e: {  	[tilespmem:s13], [sflag:$0x1] =	stream.indirect.gather [hbm4b:s4+s12], $0x80, s3, s12, $0xb8;
	[tilespmem:$0x1F900] =	vst v63  }
0x29f: {  	s8 =	rddreg [dreg:$0x6]  }
0x2a0: {  	[tilespmem:s14], [sflag:$0x2] =	stream.indirect.gather [hbm4b:s4+s12], $0x80, s8, s12, $0xb8;
	[tilespmem:$0x1F900] =	vst v63  }
0x2a1: {  	s7 =	rddreg [dreg:$0x7]  }
0x2a2: {  	[tilespmem:s15], [sflag:$0x3] =	stream.indirect.gather [hbm4b:s4+s12], $0x80, s7, s12, $0xb8;
	[tilespmem:$0x1F900] =	vst v63  }
0x2a3: {  	_ =	swait.ge [sflag:s16], $0x2800  }
0x2a4: {  	[sflag:s16] =	ssyncset.done $0x0  }
0x2a5: {  	[sflag:s16] =	ssyncadd.s32 $0xFFFFD800  }
0x2a6: {  	[spmem:s2] =	stream.indirect.scatter.add.f32 [tilespmem:s13], [sflag:$0x5], $0x80, s11, s12, $0xb8;
	[tilespmem:$0x1F900] =	vst v63  }
0x2a7: {  	s9 =	rddreg [dreg:$0x8]  }
0x2a8: {  	[tilespmem:s17], [sflag:$0x4] =	stream.indirect.gather [hbm4b:s4+s12], $0x80, s9, s12, $0xb8;
	[tilespmem:$0x1F900] =	vst v63  }
0x2a9: {  	_ =	swait.ge [sflag:s18], $0x2800  }
0x2aa: {  	[sflag:s18] =	ssyncset.done $0x0  }
0x2ab: {  	s7 =	rddreg [dreg:$0x9];
	[sflag:s18] =	ssyncadd.s32 $0xFFFFD800  }
0x2ac: {  	[spmem:s2] =	stream.indirect.scatter.add.f32 [tilespmem:s14], [sflag:$0x6], $0x80, s7, s12, $0xb8;
	[tilespmem:$0x1F900] =	vst v63  }
0x2ad: {  	_ =	swait.ge [sflag:s19], $0x2800  }
0x2ae: {  	[sflag:s19] =	ssyncset.done $0x0  }
0x2af: {  	s8 =	rddreg [dreg:$0xa];
	[sflag:s19] =	ssyncadd.s32 $0xFFFFD800  }
0x2b0: {  	[tilespmem:s13], [sflag:$0x1] =	stream.indirect.gather [hbm4b:s4+s12], $0x80, s8, s12, $0xb8;
	[tilespmem:$0x1F900] =	vst v63  }
0x2b1: {  	_ =	swait.ge [sflag:s20], $0x2800  }
0x2b2: {  	[sflag:s20] =	ssyncset.done $0x0  }
0x2b3: {  	s9 =	rddreg [dreg:$0xb];
	[sflag:s20] =	ssyncadd.s32 $0xFFFFD800  }
0x2b4: {  	[spmem:s2] =	stream.indirect.scatter.add.f32 [tilespmem:s15], [sflag:$0x7], $0x80, s9, s12, $0xb8;
	[tilespmem:$0x1F900] =	vst v63  }
0x2b5: {  	_ =	swait.ge [sflag:s21], $0x2800  }
0x2b6: {  	[sflag:s21] =	ssyncset.done $0x0  }
0x2b7: {  	s7 =	rddreg [dreg:$0xc];
	[sflag:s21] =	ssyncadd.s32 $0xFFFFD800  }
0x2b8: {  	[tilespmem:s14], [sflag:$0x2] =	stream.indirect.gather [hbm4b:s4+s12], $0x80, s7, s12, $0xb8;
	[tilespmem:$0x1F900] =	vst v63  }
0x2b9: {  	_ =	swait.ge [sflag:s22], $0x2800  }
0x2ba: {  	[sflag:s22] =	ssyncset.done $0x0  }
0x2bb: {  	s8 =	rddreg [dreg:$0xd];
	[sflag:s22] =	ssyncadd.s32 $0xFFFFD800  }
0x2bc: {  	[spmem:s2] =	stream.indirect.scatter.add.f32 [tilespmem:s17], [sflag:$0x8], $0x80, s8, s12, $0xb8;
	[tilespmem:$0x1F900] =	vst v63  }
0x2bd: {  	_ =	swait.ge [sflag:s23], $0x2800  }
0x2be: {  	[sflag:s23] =	ssyncset.done $0x0  }
0x2bf: {  	s9 =	rddreg [dreg:$0xe];
	[sflag:s23] =	ssyncadd.s32 $0xFFFFD800  }
0x2c0: {  	[tilespmem:s15], [sflag:$0x3] =	stream.indirect.gather [hbm4b:s4+s12], $0x80, s9, s12, $0xb8;
	[tilespmem:$0x1F900] =	vst v63  }
0x2c1: {  	_ =	swait.ge [sflag:s16], $0x2800  }
0x2c2: {  	[sflag:s16] =	ssyncset.done $0x0  }
0x2c3: {  	s7 =	rddreg [dreg:$0xf];
	[sflag:s16] =	ssyncadd.s32 $0xFFFFD800  }
0x2c4: {  	[spmem:s2] =	stream.indirect.scatter.add.f32 [tilespmem:s13], [sflag:$0x5], $0x80, s7, s12, $0xb8;
	[tilespmem:$0x1F900] =	vst v63  }
0x2c5: {  	_ =	swait.ge [sflag:s24], $0x2800  }
0x2c6: {  	[sflag:s24] =	ssyncset.done $0x0  }
0x2c7: {  	s8 =	rddreg [dreg:$0x10];
	[sflag:s24] =	ssyncadd.s32 $0xFFFFD800  }
0x2c8: {  	[tilespmem:s17], [sflag:$0x4] =	stream.indirect.gather [hbm4b:s4+s12], $0x80, s8, s12, $0xb8;
	[tilespmem:$0x1F900] =	vst v63  }
0x2c9: {  	_ =	swait.ge [sflag:s18], $0x2800  }
0x2ca: {  	[sflag:s18] =	ssyncset.done $0x0  }
0x2cb: {  	s9 =	rddreg [dreg:$0x11];
	[sflag:s18] =	ssyncadd.s32 $0xFFFFD800  }
0x2cc: {  	[spmem:s2] =	stream.indirect.scatter.add.f32 [tilespmem:s14], [sflag:$0x6], $0x80, s9, s12, $0xb8;
	[tilespmem:$0x1F900] =	vst v63  }
0x2cd: {  	_ =	swait.ge [sflag:s19], $0x2800  }
0x2ce: {  	[sflag:s19] =	ssyncset.done $0x0  }
0x2cf: {  	s7 =	rddreg [dreg:$0x12];
	[sflag:s19] =	ssyncadd.s32 $0xFFFFD800  }
0x2d0: {  	[tilespmem:s13], [sflag:$0x1] =	stream.indirect.gather [hbm4b:s4+s12], $0x80, s7, s12, $0xb8;
	[tilespmem:$0x1F900] =	vst v63  }
0x2d1: {  	_ =	swait.ge [sflag:s20], $0x2800  }
0x2d2: {  	[sflag:s20] =	ssyncset.done $0x0  }
0x2d3: {  	s8 =	rddreg [dreg:$0x13];
	[sflag:s20] =	ssyncadd.s32 $0xFFFFD800  }
0x2d4: {  	[spmem:s2] =	stream.indirect.scatter.add.f32 [tilespmem:s15], [sflag:$0x7], $0x80, s8, s12, $0xb8;
	[tilespmem:$0x1F900] =	vst v63  }
0x2d5: {  	_ =	swait.ge [sflag:s21], $0x2800  }
0x2d6: {  	[sflag:s21] =	ssyncset.done $0x0  }
0x2d7: {  	s9 =	rddreg [dreg:$0x14];
	[sflag:s21] =	ssyncadd.s32 $0xFFFFD800  }
0x2d8: {  	[tilespmem:s14], [sflag:$0x2] =	stream.indirect.gather [hbm4b:s4+s12], $0x80, s9, s12, $0xb8;
	[tilespmem:$0x1F900] =	vst v63  }
0x2d9: {  	_ =	swait.ge [sflag:s22], $0x2800  }
0x2da: {  	[sflag:s22] =	ssyncset.done $0x0  }
0x2db: {  	s7 =	rddreg [dreg:$0x15];
	[sflag:s22] =	ssyncadd.s32 $0xFFFFD800  }
0x2dc: {  	[spmem:s2] =	stream.indirect.scatter.add.f32 [tilespmem:s17], [sflag:$0x8], $0x80, s7, s12, $0xb8;
	[tilespmem:$0x1F900] =	vst v63  }
0x2dd: {  	_ =	swait.ge [sflag:s23], $0x2800  }
0x2de: {  	[sflag:s23] =	ssyncset.done $0x0  }
0x2df: {  	s8 =	rddreg [dreg:$0x16];
	[sflag:s23] =	ssyncadd.s32 $0xFFFFD800  }
0x2e0: {  	[tilespmem:s15], [sflag:$0x3] =	stream.indirect.gather [hbm4b:s4+s12], $0x80, s8, s12, $0xb8;
	[tilespmem:$0x1F900] =	vst v63  }
0x2e1: {  	_ =	swait.ge [sflag:s16], $0x2800  }
0x2e2: {  	[sflag:s16] =	ssyncset.done $0x0  }
0x2e3: {  	s9 =	rddreg [dreg:$0x17];
	[sflag:s16] =	ssyncadd.s32 $0xFFFFD800  }
0x2e4: {  	[spmem:s2] =	stream.indirect.scatter.add.f32 [tilespmem:s13], [sflag:$0x5], $0x80, s9, s12, $0xb8;
	[tilespmem:$0x1F900] =	vst v63  }
0x2e5: {  	_ =	swait.ge [sflag:s24], $0x2800  }
0x2e6: {  	[sflag:s24] =	ssyncset.done $0x0  }
0x2e7: {  	s7 =	rddreg [dreg:$0x18];
	[sflag:s24] =	ssyncadd.s32 $0xFFFFD800  }
0x2e8: {  	[tilespmem:s17], [sflag:$0x4] =	stream.indirect.gather [hbm4b:s4+s12], $0x80, s7, s12, $0xb8;
	[tilespmem:$0x1F900] =	vst v63  }
0x2e9: {  	_ =	swait.ge [sflag:s18], $0x2800  }
0x2ea: {  	[sflag:s18] =	ssyncset.done $0x0  }
0x2eb: {  	s8 =	rddreg [dreg:$0x19];
	[sflag:s18] =	ssyncadd.s32 $0xFFFFD800  }
0x2ec: {  	[spmem:s2] =	stream.indirect.scatter.add.f32 [tilespmem:s14], [sflag:$0x6], $0x80, s8, s12, $0xb8;
	[tilespmem:$0x1F900] =	vst v63  }
0x2ed: {  	_ =	swait.ge [sflag:s19], $0x2800  }
0x2ee: {  	[sflag:s19] =	ssyncset.done $0x0  }
0x2ef: {  	s9 =	rddreg [dreg:$0x1a];
	[sflag:s19] =	ssyncadd.s32 $0xFFFFD800  }
0x2f0: {  	[tilespmem:s13], [sflag:$0x1] =	stream.indirect.gather [hbm4b:s4+s12], $0x80, s9, s12, $0xb8;
	[tilespmem:$0x1F900] =	vst v63  }
0x2f1: {  	_ =	swait.ge [sflag:s20], $0x2800  }
0x2f2: {  	[sflag:s20] =	ssyncset.done $0x0  }
0x2f3: {  	s7 =	rddreg [dreg:$0x1b];
	[sflag:s20] =	ssyncadd.s32 $0xFFFFD800  }
0x2f4: {  	[spmem:s2] =	stream.indirect.scatter.add.f32 [tilespmem:s15], [sflag:$0x7], $0x80, s7, s12, $0xb8;
	[tilespmem:$0x1F900] =	vst v63  }
0x2f5: {  	_ =	swait.ge [sflag:s21], $0x2800  }
0x2f6: {  	[sflag:s21] =	ssyncset.done $0x0  }
0x2f7: {  	s8 =	rddreg [dreg:$0x1c];
	[sflag:s21] =	ssyncadd.s32 $0xFFFFD800  }
0x2f8: {  	[tilespmem:s14], [sflag:$0x2] =	stream.indirect.gather [hbm4b:s4+s12], $0x80, s8, s12, $0xb8;
	[tilespmem:$0x1F900] =	vst v63  }
0x2f9: {  	_ =	swait.ge [sflag:s22], $0x2800  }
0x2fa: {  	[sflag:s22] =	ssyncset.done $0x0  }
0x2fb: {  	s9 =	rddreg [dreg:$0x1d];
	[sflag:s22] =	ssyncadd.s32 $0xFFFFD800  }
0x2fc: {  	[spmem:s2] =	stream.indirect.scatter.add.f32 [tilespmem:s17], [sflag:$0x8], $0x80, s9, s12, $0xb8;
	[tilespmem:$0x1F900] =	vst v63  }
0x2fd: {  	_ =	swait.ge [sflag:s23], $0x2800  }
0x2fe: {  	[sflag:s23] =	ssyncset.done $0x0  }
0x2ff: {  	s7 =	rddreg [dreg:$0x1e];
	[sflag:s23] =	ssyncadd.s32 $0xFFFFD800  }
0x300: {  	[tilespmem:s15], [sflag:$0x3] =	stream.indirect.gather [hbm4b:s4+s12], $0x80, s7, s12, $0xb8;
	[tilespmem:$0x1F900] =	vst v63  }
0x301: {  	_ =	swait.ge [sflag:s16], $0x2800  }
0x302: {  	[sflag:s16] =	ssyncset.done $0x0  }
0x303: {  	s8 =	rddreg [dreg:$0x1f];
	[sflag:s16] =	ssyncadd.s32 $0xFFFFD800  }
0x304: {  	[spmem:s2] =	stream.indirect.scatter.add.f32 [tilespmem:s13], [sflag:$0x5], $0x80, s8, s12, $0xb8;
	[tilespmem:$0x1F900] =	vst v63  }
0x305: {  	_ =	swait.ge [sflag:s24], $0x2800  }
0x306: {  	s9 =	sld [smem:$0x7DE]  }
0x307: {  	[sflag:s24] =	ssyncset.done $0x0  }
0x308: {  	[sflag:s24] =	ssyncadd.s32 $0xFFFFD800  }
0x309: {  	[tilespmem:s17], [sflag:$0x4] =	stream.indirect.gather [hbm4b:s4+s12], $0x80, s9, s12, $0xb8;
	[tilespmem:$0x1F900] =	vst v63  }
0x30a: {  	_ =	swait.ge [sflag:s18], $0x2800  }
0x30b: {  	s7 =	sld [smem:$0x7DF]  }
0x30c: {  	[sflag:s18] =	ssyncset.done $0x0  }
0x30d: {  	[sflag:s18] =	ssyncadd.s32 $0xFFFFD800  }
0x30e: {  	[spmem:s2] =	stream.indirect.scatter.add.f32 [tilespmem:s14], [sflag:$0x6], $0x80, s7, s12, $0xb8;
	[tilespmem:$0x1F900] =	vst v63  }
0x30f: {  	_ =	swait.ge [sflag:s19], $0x2800  }
0x310: {  	s8 =	sld [smem:$0x7E0]  }
0x311: {  	[sflag:s19] =	ssyncset.done $0x0  }
0x312: {  	[sflag:s19] =	ssyncadd.s32 $0xFFFFD800  }
0x313: {  	[tilespmem:s13], [sflag:$0x1] =	stream.indirect.gather [hbm4b:s4+s12], $0x80, s8, s12, $0xb8;
	[tilespmem:$0x1F900] =	vst v63  }
0x314: {  	_ =	swait.ge [sflag:s20], $0x2800  }
0x315: {  	s9 =	sld [smem:$0x7E1]  }
0x316: {  	[sflag:s20] =	ssyncset.done $0x0  }
0x317: {  	[sflag:s20] =	ssyncadd.s32 $0xFFFFD800  }
0x318: {  	[spmem:s2] =	stream.indirect.scatter.add.f32 [tilespmem:s15], [sflag:$0x7], $0x80, s9, s12, $0xb8;
	[tilespmem:$0x1F900] =	vst v63  }
0x319: {  	_ =	swait.ge [sflag:s21], $0x2800  }
0x31a: {  	s7 =	sld [smem:$0x7E2]  }
0x31b: {  	[sflag:s21] =	ssyncset.done $0x0  }
0x31c: {  	[sflag:s21] =	ssyncadd.s32 $0xFFFFD800  }
0x31d: {  	[tilespmem:s14], [sflag:$0x2] =	stream.indirect.gather [hbm4b:s4+s12], $0x80, s7, s12, $0xb8;
	[tilespmem:$0x1F900] =	vst v63  }
0x31e: {  	_ =	swait.ge [sflag:s22], $0x2800  }
0x31f: {  	s8 =	sld [smem:$0x7E3]  }
0x320: {  	[sflag:s22] =	ssyncset.done $0x0  }
0x321: {  	[sflag:s22] =	ssyncadd.s32 $0xFFFFD800  }
0x322: {  	[spmem:s2] =	stream.indirect.scatter.add.f32 [tilespmem:s17], [sflag:$0x8], $0x80, s8, s12, $0xb8;
	[tilespmem:$0x1F900] =	vst v63  }
0x323: {  	_ =	swait.ge [sflag:s23], $0x2800  }
0x324: {  	s9 =	sld [smem:$0x7E5]  }
0x325: {  	[sflag:s23] =	ssyncset.done $0x0  }
0x326: {  	[sflag:s23] =	ssyncadd.s32 $0xFFFFD800  }
0x327: {  	[tilespmem:s15], [sflag:$0x3] =	stream.indirect.gather [hbm4b:s4+s12], $0x80, s9, s12, $0xb8;
	[tilespmem:$0x1F900] =	vst v63  }
0x328: {  	_ =	swait.ge [sflag:s16], $0x2800  }
0x329: {  	s7 =	sld [smem:$0x7E6]  }
0x32a: {  	[sflag:s16] =	ssyncset.done $0x0  }
0x32b: {  	[sflag:s16] =	ssyncadd.s32 $0xFFFFD800  }
0x32c: {  	[spmem:s2] =	stream.indirect.scatter.add.f32 [tilespmem:s13], [sflag:$0x5], $0x80, s7, s12, $0xb8;
	[tilespmem:$0x1F900] =	vst v63  }
0x32d: {  	_ =	swait.ge [sflag:s24], $0x2800  }
0x32e: {  	s8 =	sld [smem:$0x7E7]  }
0x32f: {  	[sflag:s24] =	ssyncset.done $0x0  }
0x330: {  	[sflag:s24] =	ssyncadd.s32 $0xFFFFD800  }
0x331: {  	[tilespmem:s17], [sflag:$0x4] =	stream.indirect.gather [hbm4b:s4+s12], $0x80, s8, s12, $0xb8;
	[tilespmem:$0x1F900] =	vst v63  }
0x332: {  	_ =	swait.ge [sflag:s18], $0x2800  }
0x333: {  	s9 =	sld [smem:$0x7E9]  }
0x334: {  	[sflag:s18] =	ssyncset.done $0x0  }
0x335: {  	[sflag:s18] =	ssyncadd.s32 $0xFFFFD800  }
0x336: {  	[spmem:s2] =	stream.indirect.scatter.add.f32 [tilespmem:s14], [sflag:$0x6], $0x80, s9, s12, $0xb8;
	[tilespmem:$0x1F900] =	vst v63  }
0x337: {  	_ =	swait.ge [sflag:s19], $0x2800  }
0x338: {  	s7 =	sld [smem:$0x7EB]  }
0x339: {  	[sflag:s19] =	ssyncset.done $0x0  }
0x33a: {  	[sflag:s19] =	ssyncadd.s32 $0xFFFFD800  }
0x33b: {  	[tilespmem:s13], [sflag:$0x1] =	stream.indirect.gather [hbm4b:s4+s12], $0x80, s7, s12, $0xb8;
	[tilespmem:$0x1F900] =	vst v63  }
0x33c: {  	_ =	swait.ge [sflag:s20], $0x2800  }
0x33d: {  	s8 =	sld [smem:$0x7EC]  }
0x33e: {  	[sflag:s20] =	ssyncset.done $0x0  }
0x33f: {  	[sflag:s20] =	ssyncadd.s32 $0xFFFFD800  }
0x340: {  	[spmem:s2] =	stream.indirect.scatter.add.f32 [tilespmem:s15], [sflag:$0x7], $0x80, s8, s12, $0xb8;
	[tilespmem:$0x1F900] =	vst v63  }
0x341: {  	_ =	swait.ge [sflag:s21], $0x2800  }
0x342: {  	s9 =	sld [smem:$0x7ED]  }
0x343: {  	[sflag:s21] =	ssyncset.done $0x0  }
0x344: {  	[sflag:s21] =	ssyncadd.s32 $0xFFFFD800  }
0x345: {  	[tilespmem:s14], [sflag:$0x2] =	stream.indirect.gather [hbm4b:s4+s12], $0x80, s9, s12, $0xb8;
	[tilespmem:$0x1F900] =	vst v63  }
0x346: {  	_ =	swait.ge [sflag:s22], $0x2800  }
0x347: {  	s7 =	sld [smem:$0x7EE]  }
0x348: {  	[sflag:s22] =	ssyncset.done $0x0  }
0x349: {  	[sflag:s22] =	ssyncadd.s32 $0xFFFFD800  }
0x34a: {  	[spmem:s2] =	stream.indirect.scatter.add.f32 [tilespmem:s17], [sflag:$0x8], $0x80, s7, s12, $0xb8;
	[tilespmem:$0x1F900] =	vst v63  }
0x34b: {  	_ =	swait.ge [sflag:s23], $0x2800  }
0x34c: {  	s8 =	sld [smem:$0x7EF]  }
0x34d: {  	[sflag:s23] =	ssyncset.done $0x0  }
0x34e: {  	[sflag:s23] =	ssyncadd.s32 $0xFFFFD800  }
0x34f: {  	[tilespmem:s15], [sflag:$0x3] =	stream.indirect.gather [hbm4b:s4+s12], $0x80, s8, s12, $0xb8;
	[tilespmem:$0x1F900] =	vst v63  }
0x350: {  	_ =	swait.ge [sflag:s16], $0x2800  }
0x351: {  	s9 =	sld [smem:$0x7F0]  }
0x352: {  	[sflag:s16] =	ssyncset.done $0x0  }
0x353: {  	[sflag:s16] =	ssyncadd.s32 $0xFFFFD800  }
0x354: {  	[spmem:s2] =	stream.indirect.scatter.add.f32 [tilespmem:s13], [sflag:$0x5], $0x80, s9, s12, $0xb8;
	[tilespmem:$0x1F900] =	vst v63  }
0x355: {  	_ =	swait.ge [sflag:s24], $0x2800  }
0x356: {  	s7 =	sld [smem:$0x7F1]  }
0x357: {  	[sflag:s24] =	ssyncset.done $0x0  }
0x358: {  	[sflag:s24] =	ssyncadd.s32 $0xFFFFD800  }
0x359: {  	[tilespmem:s17], [sflag:$0x4] =	stream.indirect.gather [hbm4b:s4+s12], $0x80, s7, s12, $0xb8;
	[tilespmem:$0x1F900] =	vst v63  }
0x35a: {  	_ =	swait.ge [sflag:s18], $0x2800  }
0x35b: {  	s8 =	sld [smem:$0x7F2]  }
0x35c: {  	[sflag:s18] =	ssyncset.done $0x0  }
0x35d: {  	[sflag:s18] =	ssyncadd.s32 $0xFFFFD800  }
0x35e: {  	[spmem:s2] =	stream.indirect.scatter.add.f32 [tilespmem:s14], [sflag:$0x6], $0x80, s8, s12, $0xb8;
	[tilespmem:$0x1F900] =	vst v63  }
0x35f: {  	_ =	swait.ge [sflag:s19], $0x2800  }
0x360: {  	s9 =	sld [smem:$0x7F3]  }
0x361: {  	[sflag:s19] =	ssyncset.done $0x0  }
0x362: {  	[sflag:s19] =	ssyncadd.s32 $0xFFFFD800  }
0x363: {  	[tilespmem:s13], [sflag:$0x1] =	stream.indirect.gather [hbm4b:s4+s12], $0x80, s9, s12, $0xb8;
	[tilespmem:$0x1F900] =	vst v63  }
0x364: {  	_ =	swait.ge [sflag:s20], $0x2800  }
0x365: {  	s7 =	sld [smem:$0x7F4]  }
0x366: {  	[sflag:s20] =	ssyncset.done $0x0  }
0x367: {  	[sflag:s20] =	ssyncadd.s32 $0xFFFFD800  }
0x368: {  	[spmem:s2] =	stream.indirect.scatter.add.f32 [tilespmem:s15], [sflag:$0x7], $0x80, s7, s12, $0xb8;
	[tilespmem:$0x1F900] =	vst v63  }
0x369: {  	_ =	swait.ge [sflag:s21], $0x2800  }
0x36a: {  	s8 =	sld [smem:$0x7F5]  }
0x36b: {  	[sflag:s21] =	ssyncset.done $0x0  }
0x36c: {  	[sflag:s21] =	ssyncadd.s32 $0xFFFFD800  }
0x36d: {  	[tilespmem:s14], [sflag:$0x2] =	stream.indirect.gather [hbm4b:s4+s12], $0x80, s8, s12, $0xb8;
	[tilespmem:$0x1F900] =	vst v63  }
0x36e: {  	_ =	swait.ge [sflag:s22], $0x2800  }
0x36f: {  	s9 =	sld [smem:$0x7F6]  }
0x370: {  	[sflag:s22] =	ssyncset.done $0x0  }
0x371: {  	[sflag:s22] =	ssyncadd.s32 $0xFFFFD800  }
0x372: {  	[spmem:s2] =	stream.indirect.scatter.add.f32 [tilespmem:s17], [sflag:$0x8], $0x80, s9, s12, $0xb8;
	[tilespmem:$0x1F900] =	vst v63  }
0x373: {  	_ =	swait.ge [sflag:s23], $0x2800  }
0x374: {  	s7 =	sld [smem:$0x7F7]  }
0x375: {  	[sflag:s23] =	ssyncset.done $0x0  }
0x376: {  	[sflag:s23] =	ssyncadd.s32 $0xFFFFD800  }
0x377: {  	[tilespmem:s15], [sflag:$0x3] =	stream.indirect.gather [hbm4b:s4+s12], $0x80, s7, s12, $0xb8;
	[tilespmem:$0x1F900] =	vst v63  }
0x378: {  	_ =	swait.ge [sflag:s16], $0x2800  }
0x379: {  	s8 =	sld [smem:$0x7F8]  }
0x37a: {  	[sflag:s16] =	ssyncset.done $0x0  }
0x37b: {  	[sflag:s16] =	ssyncadd.s32 $0xFFFFD800  }
0x37c: {  	[spmem:s2] =	stream.indirect.scatter.add.f32 [tilespmem:s13], [sflag:$0x5], $0x80, s8, s12, $0xb8;
	[tilespmem:$0x1F900] =	vst v63  }
0x37d: {  	_ =	swait.ge [sflag:s24], $0x2800  }
0x37e: {  	s9 =	sld [smem:$0x7F9]  }
0x37f: {  	[sflag:s24] =	ssyncset.done $0x0  }
0x380: {  	[sflag:s24] =	ssyncadd.s32 $0xFFFFD800  }
0x381: {  	[tilespmem:s17], [sflag:$0x4] =	stream.indirect.gather [hbm4b:s4+s12], $0x80, s9, s12, $0xb8;
	[tilespmem:$0x1F900] =	vst v63  }
0x382: {  	_ =	swait.ge [sflag:s18], $0x2800  }
0x383: {  	s7 =	sld [smem:$0x7FA]  }
0x384: {  	[sflag:s18] =	ssyncset.done $0x0  }
0x385: {  	[sflag:s18] =	ssyncadd.s32 $0xFFFFD800  }
0x386: {  	[spmem:s2] =	stream.indirect.scatter.add.f32 [tilespmem:s14], [sflag:$0x6], $0x80, s7, s12, $0xb8;
	[tilespmem:$0x1F900] =	vst v63  }
0x387: {  	_ =	swait.ge [sflag:s19], $0x2800  }
0x388: {  	s8 =	sld [smem:$0x7FB]  }
0x389: {  	[sflag:s19] =	ssyncset.done $0x0  }
0x38a: {  	[sflag:s19] =	ssyncadd.s32 $0xFFFFD800  }
0x38b: {  	[tilespmem:s13], [sflag:$0x1] =	stream.indirect.gather [hbm4b:s4+s12], $0x80, s8, s12, $0xb8;
	[tilespmem:$0x1F900] =	vst v63  }
0x38c: {  	_ =	swait.ge [sflag:s20], $0x2800  }
0x38d: {  	[sflag:s20] =	ssyncset.done $0x0  }
0x38e: {  	[sflag:s20] =	ssyncadd.s32 $0xFFFFD800  }
0x38f: {  	[spmem:s2] =	stream.indirect.scatter.add.f32 [tilespmem:s15], [sflag:$0x7], $0x80, s25, s12, $0xb8;
	[tilespmem:$0x1F900] =	vst v63  }
0x390: {  	_ =	swait.ge [sflag:s21], $0x2800  }
0x391: {  	[sflag:s21] =	ssyncset.done $0x0  }
0x392: {  	[sflag:s21] =	ssyncadd.s32 $0xFFFFD800  }
0x393: {  	[tilespmem:s14], [sflag:$0x2] =	stream.indirect.gather [hbm4b:s4+s12], $0x80, s26, s12, $0xb8;
	[tilespmem:$0x1F900] =	vst v63  }
0x394: {  	_ =	swait.ge [sflag:s22], $0x2800  }
0x395: {  	[sflag:s22] =	ssyncset.done $0x0  }
0x396: {  	[sflag:s22] =	ssyncadd.s32 $0xFFFFD800  }
0x397: {  	[spmem:s2] =	stream.indirect.scatter.add.f32 [tilespmem:s17], [sflag:$0x8], $0x80, s28, s12, $0xb8;
	[tilespmem:$0x1F900] =	vst v63  }
0x398: {  	_ =	swait.ge [sflag:s23], $0x2800  }
0x399: {  	[sflag:s23] =	ssyncset.done $0x0  }
0x39a: {  	[sflag:s23] =	ssyncadd.s32 $0xFFFFD800  }
0x39b: {  	[tilespmem:s15], [sflag:$0x3] =	stream.indirect.gather [hbm4b:s4+s12], $0x80, s29, s12, $0xb8;
	[tilespmem:$0x1F900] =	vst v63  }
0x39c: {  	_ =	swait.ge [sflag:s16], $0x2800  }
0x39d: {  	[sflag:s16] =	ssyncset.done $0x0  }
0x39e: {  	[sflag:s16] =	ssyncadd.s32 $0xFFFFD800  }
0x39f: {  	[spmem:s2] =	stream.indirect.scatter.add.f32 [tilespmem:s13], [sflag:$0x5], $0x80, s30, s12, $0xb8;
	[tilespmem:$0x1F900] =	vst v63  }
0x3a0: {  	_ =	swait.ge [sflag:s24], $0x2800  }
0x3a1: {  	[sflag:s24] =	ssyncset.done $0x0  }
0x3a2: {  	[sflag:s24] =	ssyncadd.s32 $0xFFFFD800  }
0x3a3: {  	[tilespmem:s17], [sflag:$0x4] =	stream.indirect.gather [hbm4b:s4+s12], $0x80, s31, s12, $0xb8;
	[tilespmem:$0x1F900] =	vst v63  }
0x3a4: {  	_ =	swait.ge [sflag:s18], $0x2800  }
0x3a5: {  	[sflag:s18] =	ssyncset.done $0x0  }
0x3a6: {  	[sflag:s18] =	ssyncadd.s32 $0xFFFFD800  }
0x3a7: {  	[spmem:s2] =	stream.indirect.scatter.add.f32 [tilespmem:s14], [sflag:$0x6], $0x80, s0, s12, $0xb8;
	[tilespmem:$0x1F900] =	vst v63  }
0x3a8: {  	_ =	swait.ge [sflag:s19], $0x2800  }
0x3a9: {  	[sflag:s19] =	ssyncset.done $0x0  }
0x3aa: {  	[sflag:s19] =	ssyncadd.s32 $0xFFFFD800  }
0x3ab: {  	_ =	swait.ge [sflag:s20], $0x2800  }
0x3ac: {  	[sflag:s20] =	ssyncset.done $0x0  }
0x3ad: {  	[sflag:s20] =	ssyncadd.s32 $0xFFFFD800  }
0x3ae: {  	[spmem:s2] =	stream.indirect.scatter.add.f32 [tilespmem:s15], [sflag:$0x7], $0x80, s1, s12, $0xb8;
	[tilespmem:$0x1F900] =	vst v63  }
0x3af: {  	_ =	swait.ge [sflag:s21], $0x2800  }
0x3b0: {  	[sflag:s21] =	ssyncset.done $0x0  }
0x3b1: {  	[sflag:s21] =	ssyncadd.s32 $0xFFFFD800  }
0x3b2: {  	_ =	swait.ge [sflag:s22], $0x2800  }
0x3b3: {  	[sflag:s22] =	ssyncset.done $0x0  }
0x3b4: {  	[sflag:s22] =	ssyncadd.s32 $0xFFFFD800  }
0x3b5: {  	[spmem:s2] =	stream.indirect.scatter.add.f32 [tilespmem:s17], [sflag:$0x8], $0x80, s5, s12, $0xb8;
	[tilespmem:$0x1F900] =	vst v63  }
0x3b6: {  	_ =	swait.ge [sflag:s23], $0x2800  }
0x3b7: {  	[sflag:s23] =	ssyncset.done $0x0  }
0x3b8: {  	[sflag:s23] =	ssyncadd.s32 $0xFFFFD800  }
0x3b9: {  	_ =	swait.ge [sflag:s24], $0x2800  }
0x3ba: {  	[sflag:s24] =	ssyncset.done $0x0  }
0x3bb: {  	[sflag:s24] =	ssyncadd.s32 $0xFFFFD800  }
0x3bc: {  	[bflag:$0x0] =	sbarrier.arrive $0xFFFF  }
0x3bd: {  	s7 =	sld [smem:$0x7FC]  }
0x3be: {  	s9 =	sld [smem:$0x7E8]  }
0x3bf: {  	s8 =	sld [smem:$0x7FD];
	_ =	sdelay $0x2  }
0x3c0: {  	[hbm:s9], [sflag:s7] =	dma.local [spmem:s8], $0x2800  }
0x3c1: {  	_ =	swait.ge [sflag:s10], $0x2800  }
0x3c2: {  	s6 =	sld [smem:$0x7DD];
	_ =	sdelay $0x2  }
0x3c3: {  	s9 =	sadd.s32 $0x1, s6;
	s6 =	sld [smem:$0x7EA];
	_ =	sdelay $0x2  }
0x3c4: {  	p0 =	sne.s32 s9, s6  }
.Ltmp1:
0x3c5: {  	_ = 	snop;
	(pc) =	sbr.rel @p0 .LBB2_1-.Ltmp1, $3  }
0x3c6: {  	_ =	sdelay $0x1  }
0x3c7: {  	[sflag:s10] =	ssyncset.done $0x0  }
0x3c8: {  	[sflag:s10] =	ssyncadd.s32 $0xFFFFD800  }
0x3c9: {  	_ =	sfence.sel $0x180000  }
0x3ca: {  	[bflag:$0x0] =	sbarrier.arrive $0xFFFF  }
0x3cb: {  	_ =	strace $0x9000004D  }
0x3cc: {  	s0 =	stileid.u32;
	[bflag:$0x2] =	sbarrier.arrive $0xFFFF  }
0x3cd: {  	p0 =	sne.s32 s0, $0x0;
	s0 =	rddreg [dreg:$0x3]  }
0x3ce: {  	s0 =	sadd.s32 @!p0 $0x100000, s0  }
0x3cf: {  	[sflag:s0] =	ssyncadd.tile.s32 @!p0 $0x1;
	_ =	shalt  }
.Lfunc_end2:
_tile_overlayer_lowered:
.L_overlay_start_2:
0x3d0: {  	(tag) =	ssettag $0x2  }
0x3d1: {  	s0 =	rddreg [dreg:$0x0];
	s2 =	stileid.u32  }
0x3d2: {  	s1 =	rddreg [dreg:$0x1];
	p0 =	sne.s32 s2, $0x0  }
0x3d3: {  	s3 =	rddreg [dreg:$0x2];
	[bflag:$0x3] =	sbarrier.arrive $0xFFFF;
	s2 =	simm.s32 @!p0 $0x1C09  }
0x3d4: {  	[timem:s3], [sflag:s2] =	dma.local @!p0 [hbm:s0], s1  }
0x3d5: {  	s0 =	simm.s32 @!p0 $0x9  }
0x3d6: {  	_ =	swait.ge @!p0 [sflag:s0], s1  }
0x3d7: {  	s1 =	ssub.s32 @!p0 $0x0, s1;
	[sflag:s0] =	ssyncset.done @!p0 $0x0  }
0x3d8: {  	[sflag:s0] =	ssyncadd.s32 @!p0 s1  }
0x3d9: {  	[bflag:$0x3] =	sbarrier.arrive $0xFFFF  }
0x3da: {  	_ =	shalt  }

// kernel: kernel.7.cloned.1.call-start
scs
__scs_entry_jumppad:
0x0: {  	(pc) =	sbr.rel $0x88, $3  }
0x1: {  	(tag) =	ssettag $0x0;
	lr =	simm.s32 $0x1  }
0x2: {  	[smem:$0x3F99] =	sst lr;
	_ =	strace $0xD0000000  }
0x3: {  	_ = 	snop  }
0x4: {  	_ = 	snop  }
0x5: {  	_ = 	snop  }
0x6: {  	_ = 	snop  }
0x7: {  	_ = 	snop  }
__scs_overlays_trampoline_lowered:
0x8: {  	[smem:$0x3FA8] =	sst s0  }
0x9: {  	[smem:$0x3FA9] =	sst s1  }
0xa: {  	[smem:$0x3FAA] =	sst s2  }
0xb: {  	[smem:$0x3FAB] =	sst s3  }
0xc: {  	[smem:$0x3FAC] =	sst s4  }
0xd: {  	[smem:$0x3FAD] =	sst s5  }
0xe: {  	[smem:$0x3FAE] =	sst s6  }
0xf: {  	[smem:$0x3FAF] =	sst s7  }
0x10: {  	[smem:$0x3FB0] =	sst s8  }
0x11: {  	[smem:$0x3FB1] =	sst s9;
	s0 =	simm.s32 @!p0 $0x0  }
0x12: {  	s1 =	sld [smem:$0x3F97];
	s0 =	simm.s32 @p0 $0x1  }
0x13: {  	[smem:$0x3FB2] =	sst s0;
	s0 =	simm.s32 @!p1 $0x0  }
0x14: {  	s2 =	sld [smem:$0x3F96];
	s0 =	simm.s32 @p1 $0x1  }
0x15: {  	[smem:$0x3FB3] =	sst s0;
	s0 =	simm.s32 @!p2 $0x0  }
0x16: {  	s3 =	sld [smem:$0x3FDB];
	s0 =	simm.s32 @p2 $0x1  }
0x17: {  	s4 =	simm.s32 $0x1BF5;
	[smem:$0x3FB5] =	sst s0  }
0x18: {  	s0 =	sld [smem:$0x3F98];
	_ =	swait.ge [sflag:s4], $0x0  }
0x19: {  	s7 =	sld [smem:$0x3F99]  }
0x1a: {  	s8 =	sadd.s32 $0xFFFFE003, lr  }
0x1b: {  	s9 =	sadd.s32 $0xFFFFFEF7, lr;
	s5 =	simm.s32 $0xFFFFFFFF;
	p2 =	slt.u32 s8, $0xFFFFF086  }
0x1c: {  	p1 =	slt.u32 s9, $0xF7A;
	s5 =	simm.s32 @!p2 $0x0  }
0x1d: {  	s5 =	simm.s32 @p1 $0x1;
	p0 =	seq.s32 s7, s2  }
0x1e: {  	s7 =	smul.u32 @!p0 $0xF7A, s2;
	p2 =	seq.s32 @!p0 s5, $0x0  }
0x1f: {  	s9 =	smul.u32 $0xF7A, s1;
	s8 =	simm.s32 @!p0 $0x1BF5;
	p2 =	por !p2, p0  }
0x20: {  	[sflag:s8] =	ssyncset.s32 @!p0 $0xFFFFF086;
	s6 =	sadd.s32 @!p0 s3, s7;
	s7 =	simm.s32 @!p0 $0x108  }
0x21: {  	s3 =	sadd.s32 s3, s9;
	s6 =	sadd.s32 @!p0 $0x88, s6;
	s7 =	simm.s32 @p2 $0x1082  }
0x22: {  	[simem:s7], [sflag:s8] =	dma.local @!p0 [hbm:s6], $0xF7A  }
0x23: {  	s9 =	sor.u32 $0xD0000000, s2;
	s6 =	simm.s32 $0x108;
	_ =	swait.ge @!p0 [sflag:s8], $0x0  }
0x24: {  	s3 =	sadd.s32 $0x88, s3;
	s6 =	simm.s32 @!p1 $0x1082;
	[sflag:s4] =	ssyncset.s32 $0xFFFFF086  }
0x25: {  	[simem:s6], [sflag:s4] =	dma.local [hbm:s3], $0xF7A  }
0x26: {  	[smem:$0x3F99] =	sst s1;
	(tag) =	ssettag s2;
	_ =	strace s9  }
0x27: {  	s1 =	sld [smem:$0x3FA9]  }
0x28: {  	s2 =	sld [smem:$0x3FAA]  }
0x29: {  	s4 =	sld [smem:$0x3FAC]  }
0x2a: {  	p0 =	seq.s32 s5, $0x0;
	s5 =	sld [smem:$0x3FAD]  }
0x2b: {  	s6 =	sld [smem:$0x3FAE]  }
0x2c: {  	s7 =	sld [smem:$0x3FAF]  }
0x2d: {  	s3 =	simm.s32 $0x108;
	s8 =	sld [smem:$0x3FB0]  }
0x2e: {  	s3 =	simm.s32 @!p0 $0x1082;
	s9 =	sld [smem:$0x3FB1]  }
0x2f: {  	lr =	sadd.s32 s0, s3;
	s0 =	sld [smem:$0x3FA8]  }
0x30: {  	s3 =	sld [smem:$0x3FAB]  }
0x31: {  	[smem:$0x3FB4] =	sst s10  }
0x32: {  	s10 =	sld [smem:$0x3FB2];
	_ =	sdelay $0x3  }
0x33: {  	p0 =	seq.s32 s10, $0x1;
	s10 =	sld [smem:$0x3FB4];
	_ =	sdelay $0x3  }
0x34: {  	[smem:$0x3FB4] =	sst s10  }
0x35: {  	s10 =	sld [smem:$0x3FB3];
	_ =	sdelay $0x3  }
0x36: {  	p1 =	seq.s32 s10, $0x1;
	s10 =	sld [smem:$0x3FB4];
	_ =	sdelay $0x3  }
0x37: {  	[smem:$0x3FB4] =	sst s10  }
0x38: {  	s10 =	sld [smem:$0x3FB5]  }
0x39: {  	_ = 	snop;
	(pc) =	sbr.ind lr, $3  }
0x3a: {  	_ = 	snop  }
0x3b: {  	_ = 	snop  }
0x3c: {  	p2 =	seq.s32 s10, $0x1;
	s10 =	sld [smem:$0x3FB4]  }
0x3d: {  	_ =	shalt  }
0x3e: {  	_ =	shalt  }
0x3f: {  	_ =	shalt  }
0x40: {  	_ =	shalt  }
0x41: {  	_ =	shalt  }
0x42: {  	_ =	shalt  }
0x43: {  	_ =	shalt  }
0x44: {  	_ =	shalt  }
0x45: {  	_ =	shalt  }
0x46: {  	_ =	shalt  }
0x47: {  	_ =	shalt  }
0x48: {  	_ =	shalt  }
0x49: {  	_ =	shalt  }
0x4a: {  	_ =	shalt  }
0x4b: {  	_ =	shalt  }
0x4c: {  	_ =	shalt  }
0x4d: {  	_ =	shalt  }
0x4e: {  	_ =	shalt  }
0x4f: {  	_ =	shalt  }
0x50: {  	_ =	shalt  }
0x51: {  	_ =	shalt  }
0x52: {  	_ =	shalt  }
0x53: {  	_ =	shalt  }
0x54: {  	_ =	shalt  }
0x55: {  	_ =	shalt  }
0x56: {  	_ =	shalt  }
0x57: {  	_ =	shalt  }
0x58: {  	_ =	shalt  }
0x59: {  	_ =	shalt  }
0x5a: {  	_ =	shalt  }
0x5b: {  	_ =	shalt  }
0x5c: {  	_ =	shalt  }
0x5d: {  	_ =	shalt  }
0x5e: {  	_ =	shalt  }
0x5f: {  	_ =	shalt  }
0x60: {  	_ =	shalt  }
0x61: {  	_ =	shalt  }
0x62: {  	_ =	shalt  }
0x63: {  	_ =	shalt  }
0x64: {  	_ =	shalt  }
0x65: {  	_ =	shalt  }
0x66: {  	_ =	shalt  }
0x67: {  	_ =	shalt  }
0x68: {  	_ =	shalt  }
0x69: {  	_ =	shalt  }
0x6a: {  	_ =	shalt  }
0x6b: {  	_ =	shalt  }
0x6c: {  	_ =	shalt  }
0x6d: {  	_ =	shalt  }
0x6e: {  	_ =	shalt  }
0x6f: {  	_ =	shalt  }
0x70: {  	_ =	shalt  }
0x71: {  	_ =	shalt  }
0x72: {  	_ =	shalt  }
0x73: {  	_ =	shalt  }
0x74: {  	_ =	shalt  }
0x75: {  	_ =	shalt  }
0x76: {  	_ =	shalt  }
0x77: {  	_ =	shalt  }
0x78: {  	_ =	shalt  }
0x79: {  	_ =	shalt  }
0x7a: {  	_ =	shalt  }
0x7b: {  	_ =	shalt  }
0x7c: {  	_ =	shalt  }
0x7d: {  	_ =	shalt  }
0x7e: {  	_ =	shalt  }
0x7f: {  	_ =	shalt  }
0x80: {  	_ =	shalt  }
0x81: {  	_ =	shalt  }
0x82: {  	_ =	shalt  }
0x83: {  	_ =	shalt  }
0x84: {  	_ =	shalt  }
0x85: {  	_ =	shalt  }
0x86: {  	_ =	shalt  }
0x87: {  	_ =	shalt  }
.Lfunc_end0:
.L_simem_size_0:
called_computation_lowered:
.L_overlay_start_0:
0x88: {  	s2 =	sld [smem:$0x3FD9]  }
0x89: {  	s3 =	sld [smem:$0x3FFE];
	_ =	sdelay $0x1  }
0x8a: {  	s1 =	srdreg.scid  }
0x8b: {  	s0 =	sand.u32 $0x1, s1  }
0x8c: {  	s17 =	sshll.u32 s0, $0xA;
	s2 =	sadd.s32 s3, s2  }
0x8d: {  	s2 =	sadd.s32 s2, s17  }
0x8e: {  	[smem:$0x3FC0] =	sst s2  }
0x8f: {  	_ = 	snop  }
0x90: {  	s18 =	sld [smem:$0x3FD0];
	(tm) =	ssettm $0x1  }
0x91: {  	s19 =	sld [smem:$0x3FFB];
	_ =	sdelay $0x3  }
0x92: {  	_ =	strace s19  }
0x93: {  	s2 =	sld [smem:$0x3FFC];
	_ =	sdelay $0x3  }
0x94: {  	_ =	strace s2  }
0x95: {  	s2 =	sld [smem:$0x3FFD];
	_ =	sdelay $0x3  }
0x96: {  	_ =	strace s2  }
0x97: {  	_ =	strace $0x8FFFFFFF  }
0x98: {  	s20 =	sld [smem:$0x3FDB];
	_ =	sdelay $0x1  }
0x99: {  	s4 =	simm.s32 $_scs_section_size  }
0x9a: {  	s5 =	simm.s32 $_size__tile_overlayer_lowered;
	s6 =	simm.s32 $_tile_overlayer_lowered  }
0x9b: {  	s7 =	simm.s32 $0x1BFF;
	s21 =	sshll.u32 s6, $0x1;
	s4 =	sadd.s32 s4, s20  }
0x9c: {  	s22 =	simm.s32 $0x0;
	s5 =	sshll.u32 s5, $0x1;
	s6 =	sadd.s32 s21, s4  }
0x9d: {  	[timem:s22], [sflag:s7] =	dma.local [hbm:s6], s5  }
0x9e: {  	_ =	swait.ge [sflag:s7], s5  }
0x9f: {  	s5 =	ssub.s32 $0x0, s5;
	[sflag:s7] =	ssyncset.done $0x0  }
0xa0: {  	[sflag:s7] =	ssyncadd.s32 s5;
	_ =	sdelay $0x1  }
0xa1: {  	s23 =	simm.s32 $0x1B8B  }
0xa2: {  	_ =	swait.ge [sflag:s23], $0x1  }
0xa3: {  	[sflag:s23] =	ssyncset.done $0x0  }
0xa4: {  	[sflag:s23] =	ssyncadd.s32 $0xFFFFFFFF  }
0xa5: {  	s5 =	sld [smem:$0x0]  }
0xa6: {  	s6 =	sand.u32 $0xFFFFFFFE, s1  }
0xa7: {  	p0 =	sne.s32 s1, s6  }
0xa8: {  	s6 =	sshll.u32 @p0 s6, $0xE  }
0xa9: {  	s6 =	sadd.s32 @p0 $0x11B8D, s6;
	s7 =	sshll.u32 @p0 s5, $0x11  }
0xaa: {  	s6 =	sor.u32 @p0 s7, s6  }
0xab: {  	[sflag:s6] =	ssyncadd.remote.s32 @p0 $0x1;
	_ =	sdelay $0x1  }
0xac: {  	s6 =	simm.s32 @p0 $0x1B8D  }
0xad: {  	_ =	swait.eq @p0 [sflag:s6], $0x1  }
0xae: {  	[sflag:s6] =	ssyncadd.s32 @p0 $0xFFFFFFFF  }
0xaf: {  	s7 =	sshll.u32 @!p0 s1, $0xE  }
0xb0: {  	s7 =	sor.u32 @!p0 $0x4000, s7;
	s6 =	simm.s32 @!p0 $0x1B8D  }
0xb1: {  	s5 =	sshll.u32 @!p0 s5, $0x11;
	s7 =	sadd.s32 @!p0 $0x11B8D, s7;
	_ =	swait.eq @!p0 [sflag:s6], $0x1  }
0xb2: {  	s5 =	sor.u32 @!p0 s5, s7;
	[sflag:s6] =	ssyncadd.s32 @!p0 $0xFFFFFFFF  }
0xb3: {  	s25 =	simm.s32 $0x1B8E;
	s24 =	sld [smem:$0x3FFE];
	[sflag:s5] =	ssyncadd.remote.s32 @!p0 $0x1  }
0xb4: {  	s26 =	simm.s32 $execute0_lowered;
	[smem:$0x3FD2] =	sst s25  }
0xb5: {  	s6 =	sshll.u32 s26, $0x1;
	_ =	strace $0x80000049;
	[dreg:$0x1] =	wrdreg $0xFFFFFFFF  }
0xb6: {  	s28 =	simm.s32 $_size_execute0_lowered;
	s4 =	sadd.s32 s4, s6;
	[dreg:$0x0] =	wrdreg $0x0  }
0xb7: {  	s6 =	sshll.u32 s28, $0x1;
	[dreg:$0x2] =	wrdreg s4  }
0xb8: {  	[dreg:$0x3] =	wrdreg s6  }
0xb9: {  	[dreg:$0x4] =	wrdreg $0xC0  }
0xba: {  	_ =	task [dreg:s22], $0x5FFFF  }
0xbb: {  	[dreg:$0x1] =	wrdreg $0xFFFFFFFF  }
0xbc: {  	[dreg:$0x0] =	wrdreg $0x60  }
0xbd: {  	[dreg:$0x2] =	wrdreg s24  }
0xbe: {  	[dreg:$0x3] =	wrdreg s18  }
0xbf: {  	[dreg:$0x4] =	wrdreg $0x68000  }
0xc0: {  	[dreg:$0x5] =	wrdreg $0x9  }
0xc1: {  	_ =	task.clear_ibuf [dreg:s22], $0x6FFFF;
	_ =	strace $0x90000049  }
0xc2: {  	s29 =	simm.s32 $0x9;
	_ =	strace $0x8000004B  }
0xc3: {  	_ =	swait.ge [sflag:s29], $0x1  }
0xc4: {  	[sflag:s29] =	ssyncadd.s32 $0xFFFFFFFF  }
0xc5: {  	_ =	strace $0x9000004B  }
0xc6: {  	_ =	sfence  }
0xc7: {  	s30 =	sld [smem:$0x0];
	_ =	sdelay $0x2  }
0xc8: {  	s31 =	sshll.u32 s1, $0xD;
	s1 =	sshrl.u32 s1, $0x2  }
0xc9: {  	s4 =	sand.u32 $0x4000, s31;
	s1 =	sadd.s32 s1, s30  }
0xca: {  	s0 =	sor.u32 s4, s0;
	s1 =	sshll.u32 s1, $0x11  }
0xcb: {  	s0 =	sor.u32 s1, s0  }
0xcc: {  	s0 =	sadd.s32 $0x8F2B, s0  }
0xcd: {  	[sflag:s0] =	ssyncadd.remote.s32 $0x1  }
0xce: {  	_ =	sfence.sel $0xFFFF  }
0xcf: {  	[dreg:$0x0] =	wrdreg $0xFFFFFFFF;
	(pc) =	sbr.abs _section_cstart, $3  }
0xd0: {  	[dreg:$0x1] =	wrdreg $0xFFFFFFFF  }
0xd1: {  	_ =	task.clear_ibuf [dreg:s22], $0x2FFFF;
	_ =	strace $0x9FFFFFFF  }
0xd2: {  	(tm) =	ssettm $0x7FFFFFFF  }
0xd3: {  	_ =	shalt  }
tec
execute0_lowered:
.L_overlay_start_1:
0x0: {  	(tag) =	ssettag $0x1  }
0x1: {  	s5 =	rddreg [dreg:$0x0]  }
0x2: {  	s6 =	rddreg [dreg:$0x1]  }
0x3: {  	s2 =	rddreg [dreg:$0x2]  }
0x4: {  	s0 =	rddreg [dreg:$0x3]  }
0x5: {  	s3 =	simm.s32 $0x0;
	s1 =	stileid.u32;
	s4 =	srdreg.scid  }
0x6: {  	s14 =	simm.s32 $0x1;
	s15 =	simm.s32 $0x2;
	s16 =	simm.s32 $0x3  }
0x7: {  	s17 =	simm.s32 $0x4;
	s18 =	simm.s32 $0x0;
	[smem:$0x7FF] =	sst s3  }
0x8: {  	s7 =	sand.u32 $0x1, s4;
	s8 =	smul.u32 $0x2700, s1;
	s29 =	sshll.u32 s1, $0xB  }
0x9: {  	s12 =	smul.u32 $0x4E000, s1;
	s4 =	sadd.s32 $0x70400, s5;
	s31 =	sshll.u32 s1, $0x6  }
0xa: {  	_ =	strace $0x8000004A;
	s9 =	smul.u32 $0x27100, s7;
	s11 =	ssub.s32 $0x2, s7  }
0xb: {  	s10 =	sadd.s32 s29, s5;
	s7 =	sshll.u32 s7, $0xF;
	s13 =	sshrl.u32 s11, $0x1  }
0xc: {  	s30 =	sshrl.u32 s12, $0x2;
	s7 =	sadd.s32 s7, s10;
	s9 =	sadd.s32 s8, s9  }
0xd: {  	s11 =	ssub.s32 s11, s13;
	s12 =	sadd.s32 s30, s2;
	s7 =	sadd.s32 $0x2200, s7  }
0xe: {  	s13 =	simm.s32 $0x50;
	s9 =	sadd.s32 s9, s5;
	s5 =	sadd.s32 s6, s8  }
0xf: {  	s6 =	sor.u32 $0x1C05, s31;
	s10 =	sshrl.u32 s12, $0x3;
	s12 =	simm.s32 $0x4000  }
0x10: {  	s8 =	sadd.s32 $0x70A00, s9;
	s9 =	smax.u32 s11, $0x1;
	s11 =	simm.s32 $0x5  }
.LBB2_1:
0x11: {  	[spmem:s10], [sflag:s6] =	dma.local [hbm:s5], $0x2800  }
0x12: {  	_ =	swait.ge [sflag:s11], $0x2800  }
0x13: {  	[sflag:s11] =	ssyncset.done $0x0  }
0x14: {  	[sflag:s11] =	ssyncadd.s32 $0xFFFFD800  }
0x15: {  	[tilespmem:s12], [sflag:$0x5] =	stream.linear.gather [hbm4b:s4+s3], $0x2800, $0x38;
	[tilespmem:$0x1A100] =	vst v63  }
0x16: {  	_ =	swait.ge [sflag:s11], $0x2800  }
0x17: {  	[sflag:s11] =	ssyncset.done $0x0  }
0x18: {  	[sflag:s11] =	ssyncadd.s32 $0xFFFFD800  }
0x19: {  	[tilespmem:s3], [sflag:$0x5] =	stream.linear.gather [hbm4b:s7+s3], $0x4000, $0x38;
	[tilespmem:$0x1A100] =	vst v63  }
0x1a: {  	_ =	swait.ge [sflag:s11], $0x4000  }
0x1b: {  	[sflag:s11] =	ssyncset.done $0x0  }
0x1c: {  	[sflag:s11] =	ssyncadd.s32 $0xFFFFC000  }
0x1d: {  	s19 =	simm.s32 $0x0;
	[bflag:$0x0] =	sbarrier.arrive $0xFFFF  }
0x1e: {  	[spmem:s2] =	stream.indirect.scatter.add.f32 [tilespmem:s12], [sflag:$0x1], $0x80, s19, s13, $0xb8;
	[tilespmem:$0x1A100] =	vst v63  }
0x1f: {  	s29 =	simm.s32 $0x80  }
0x20: {  	[spmem:s2] =	stream.indirect.scatter.add.f32 [tilespmem:s12], [sflag:$0x2], $0x80, s29, s13, $0xb8;
	[tilespmem:$0x1A100] =	vst v63  }
0x21: {  	s30 =	simm.s32 $0x100  }
0x22: {  	[spmem:s2] =	stream.indirect.scatter.add.f32 [tilespmem:s12], [sflag:$0x3], $0x80, s30, s13, $0xb8;
	[tilespmem:$0x1A100] =	vst v63  }
0x23: {  	s31 =	simm.s32 $0x180  }
0x24: {  	[spmem:s2] =	stream.indirect.scatter.add.f32 [tilespmem:s12], [sflag:$0x4], $0x80, s31, s13, $0xb8;
	[tilespmem:$0x1A100] =	vst v63  }
0x25: {  	_ =	swait.ge [sflag:s14], $0x2800  }
0x26: {  	[sflag:s14] =	ssyncset.done $0x0  }
0x27: {  	[sflag:s14] =	ssyncadd.s32 $0xFFFFD800  }
0x28: {  	_ =	swait.ge [sflag:s15], $0x2800  }
0x29: {  	[sflag:s15] =	ssyncset.done $0x0  }
0x2a: {  	[sflag:s15] =	ssyncadd.s32 $0xFFFFD800  }
0x2b: {  	_ =	swait.ge [sflag:s16], $0x2800  }
0x2c: {  	[sflag:s16] =	ssyncset.done $0x0  }
0x2d: {  	[sflag:s16] =	ssyncadd.s32 $0xFFFFD800  }
0x2e: {  	_ =	swait.ge [sflag:s17], $0x2800  }
0x2f: {  	s20 =	simm.s32 $0x1000;
	s19 =	simm.s32 $0x800;
	[sflag:s17] =	ssyncset.done $0x0  }
.LBB2_2:
0x30: {  	s21 =	sshra.s32 s19, $0x2  }
0x31: {  	[sflag:s17] =	ssyncadd.s32 $0xFFFFD800;
	s19 =	smov.u32 s20;
	s22 =	sadd.s32 $0x800, s20  }
0x32: {  	[spmem:s2] =	stream.indirect.scatter.add.f32 [tilespmem:s12], [sflag:$0x1], $0x80, s21, s13, $0xb8;
	[tilespmem:$0x1A100] =	vst v63  }
0x33: {  	p0 =	sne.s32 s20, $0xF800;
	s20 =	sadd.s32 $0x80, s21  }
0x34: {  	[spmem:s2] =	stream.indirect.scatter.add.f32 [tilespmem:s12], [sflag:$0x2], $0x80, s20, s13, $0xb8;
	[tilespmem:$0x1A100] =	vst v63  }
0x35: {  	s20 =	sadd.s32 $0x100, s21  }
0x36: {  	[spmem:s2] =	stream.indirect.scatter.add.f32 [tilespmem:s12], [sflag:$0x3], $0x80, s20, s13, $0xb8;
	[tilespmem:$0x1A100] =	vst v63  }
0x37: {  	s20 =	sadd.s32 $0x180, s21  }
0x38: {  	[spmem:s2] =	stream.indirect.scatter.add.f32 [tilespmem:s12], [sflag:$0x4], $0x80, s20, s13, $0xb8;
	[tilespmem:$0x1A100] =	vst v63  }
0x39: {  	_ =	swait.ge [sflag:s14], $0x2800  }
0x3a: {  	[sflag:s14] =	ssyncset.done $0x0  }
0x3b: {  	[sflag:s14] =	ssyncadd.s32 $0xFFFFD800  }
0x3c: {  	_ =	swait.ge [sflag:s15], $0x2800  }
0x3d: {  	[sflag:s15] =	ssyncset.done $0x0  }
0x3e: {  	[sflag:s15] =	ssyncadd.s32 $0xFFFFD800  }
.Ltmp0:
0x3f: {  	_ =	swait.ge [sflag:s16], $0x2800;
	(pc) =	sbr.rel @p0 .LBB2_2-.Ltmp0, $4  }
0x40: {  	[sflag:s16] =	ssyncset.done $0x0  }
0x41: {  	[sflag:s16] =	ssyncadd.s32 $0xFFFFD800  }
0x42: {  	_ =	swait.ge [sflag:s17], $0x2800  }
0x43: {  	s20 =	smov.u32 s22;
	[sflag:s17] =	ssyncset.done $0x0  }
0x44: {  	s19 =	sshra.s32 s19, $0x2;
	[sflag:s17] =	ssyncadd.s32 $0xFFFFD800  }
0x45: {  	[spmem:s2] =	stream.indirect.scatter.add.f32 [tilespmem:s12], [sflag:$0x1], $0x80, s19, s13, $0xb8;
	[tilespmem:$0x1A100] =	vst v63  }
0x46: {  	s20 =	sadd.s32 $0x80, s19  }
0x47: {  	[spmem:s2] =	stream.indirect.scatter.add.f32 [tilespmem:s12], [sflag:$0x2], $0x80, s20, s13, $0xb8;
	[tilespmem:$0x1A100] =	vst v63  }
0x48: {  	s31 =	sadd.s32 $0x100, s19  }
0x49: {  	[spmem:s2] =	stream.indirect.scatter.add.f32 [tilespmem:s12], [sflag:$0x3], $0x80, s31, s13, $0xb8;
	[tilespmem:$0x1A100] =	vst v63  }
0x4a: {  	s19 =	sadd.s32 $0x180, s19  }
0x4b: {  	[spmem:s2] =	stream.indirect.scatter.add.f32 [tilespmem:s12], [sflag:$0x4], $0x80, s19, s13, $0xb8;
	[tilespmem:$0x1A100] =	vst v63  }
0x4c: {  	_ =	swait.ge [sflag:s14], $0x2800  }
0x4d: {  	[sflag:s14] =	ssyncset.done $0x0  }
0x4e: {  	[sflag:s14] =	ssyncadd.s32 $0xFFFFD800  }
0x4f: {  	_ =	swait.ge [sflag:s15], $0x2800  }
0x50: {  	[sflag:s15] =	ssyncset.done $0x0  }
0x51: {  	[sflag:s15] =	ssyncadd.s32 $0xFFFFD800  }
0x52: {  	_ =	swait.ge [sflag:s16], $0x2800  }
0x53: {  	[sflag:s16] =	ssyncset.done $0x0  }
0x54: {  	[sflag:s16] =	ssyncadd.s32 $0xFFFFD800  }
0x55: {  	_ =	swait.ge [sflag:s17], $0x2800  }
0x56: {  	s18 =	sadd.s32 $0x1, s18;
	[sflag:s17] =	ssyncset.done $0x0  }
0x57: {  	p0 =	sne.s32 s18, s9;
	[sflag:s17] =	ssyncadd.s32 $0xFFFFD800  }
.Ltmp1:
0x58: {  	[bflag:$0x0] =	sbarrier.arrive $0xFFFF;
	(pc) =	sbr.rel @p0 .LBB2_1-.Ltmp1, $4  }
0x59: {  	[hbm:s8], [sflag:s6] =	dma.local [spmem:s10], $0x2800  }
0x5a: {  	_ =	swait.ge [sflag:s11], $0x2800  }
0x5b: {  	[sflag:s11] =	ssyncset.done $0x0  }
0x5c: {  	[sflag:s11] =	ssyncadd.s32 $0xFFFFD800  }
0x5d: {  	_ =	sfence.sel $0x180000  }
0x5e: {  	[bflag:$0x0] =	sbarrier.arrive $0xFFFF  }
0x5f: {  	p0 =	sne.s32 s1, $0x0;
	_ =	strace $0x9000004A  }
0x60: {  	s0 =	sadd.s32 @!p0 $0x100000, s0;
	[bflag:$0x2] =	sbarrier.arrive $0xFFFF  }
0x61: {  	[sflag:s0] =	ssyncadd.tile.s32 @!p0 $0x1;
	_ =	shalt  }
.Lfunc_end2:
_tile_overlayer_lowered:
.L_overlay_start_2:
0x62: {  	(tag) =	ssettag $0x2  }
0x63: {  	s0 =	rddreg [dreg:$0x0];
	s2 =	stileid.u32  }
0x64: {  	s1 =	rddreg [dreg:$0x1];
	p0 =	sne.s32 s2, $0x0  }
0x65: {  	s3 =	rddreg [dreg:$0x2];
	[bflag:$0x3] =	sbarrier.arrive $0xFFFF;
	s2 =	simm.s32 @!p0 $0x1C05  }
0x66: {  	[timem:s3], [sflag:s2] =	dma.local @!p0 [hbm:s0], s1  }
0x67: {  	s0 =	simm.s32 @!p0 $0x5  }
0x68: {  	_ =	swait.ge @!p0 [sflag:s0], s1  }
0x69: {  	s1 =	ssub.s32 @!p0 $0x0, s1;
	[sflag:s0] =	ssyncset.done @!p0 $0x0  }
0x6a: {  	[sflag:s0] =	ssyncadd.s32 @!p0 s1  }
0x6b: {  	[bflag:$0x3] =	sbarrier.arrive $0xFFFF  }
0x6c: {  	_ =	shalt  }

</sc_bundles>
